<compile_context>
chip_gen: v7x
topology: tpu7x:2x2x1
jax: 0.10.2.dev20260603
libtpu: 0.0.44.dev20260713+nightly
codegen_flags: <defaults>
</compile_context>

<pallas_src>
import functools

import jax
import jax.numpy as jnp
from jax import lax
from jax.experimental import pallas as pl
from jax.experimental.pallas import tpu as pltpu
from jax.experimental.pallas import tpu_sc as plsc

N = 10000
E = 320000
D_IN = 128
H = 64
NC = 2
NS = 16
NW = NC * NS
EPW = E // NW
CH = 80
NCH = EPW // CH
NSB = 25
SB = NCH // NSB
NBUF = 8
NP = 10240
RPT = NP // NS
NRC = RPT // CH

_mesh = plsc.VectorSubcoreMesh(
    core_axis_name="c", subcore_axis_name="s", num_cores=NC, num_subcores=NS)
_sc_params = pltpu.CompilerParams(use_tc_tiling_on_sc=False)


def _fill_const(ref, nrows, width, val):
    v = jnp.full((16,), val, jnp.float32)

    def fill(i, c):
        for u in range(width // 16):
            ref[i, pl.ds(u * 16, 16)] = v
        return c
    lax.fori_loop(0, nrows, fill, 0)



W16 = 16

@functools.partial(
    pl.kernel,
    out_type=jax.ShapeDtypeStruct((NC, NP, W16), jnp.float32),
    mesh=_mesh,
    compiler_params=_sc_params,
    scratch_types=[
        pltpu.VMEM((NCH, CH), jnp.int32),
        pltpu.VMEM((CH, W16), jnp.float32),
        pltpu.SemaphoreType.DMA,
        pltpu.VMEM_SHARED((NP, W16), jnp.float32),
    ],
)
def _deg_kernel(dst_hbm, out_hbm, idx_d, buf, sem, deg_sh):
    cid = lax.axis_index("c")
    sid = lax.axis_index("s")
    wid = cid * NS + sid
    pltpu.sync_copy(dst_hbm.at[wid], idx_d)

    base = sid * RPT

    def zfill(i, c):
        buf[i, pl.ds(0, 16)] = jnp.zeros((16,), jnp.float32)
        return c
    lax.fori_loop(0, CH, zfill, 0)
    for t in range(NRC):
        pltpu.async_copy(buf, deg_sh.at[pl.ds(base + t * CH, CH)], sem)
    for t in range(NRC):
        pltpu.make_async_copy(buf, deg_sh.at[pl.ds(base, CH)], sem).wait()

    def ofill(i, c):
        buf[i, pl.ds(0, 16)] = jnp.full((16,), 1.0, jnp.float32)
        return c
    lax.fori_loop(0, CH, ofill, 0)
    plsc.subcore_barrier()

    def fire(j, c):
        pltpu.async_copy(buf, deg_sh.at[idx_d.at[j]], sem, add=True)
        return c
    lax.fori_loop(0, NCH, fire, 0)

    def drain(j, c):
        pltpu.make_async_copy(buf, deg_sh.at[idx_d.at[0]], sem).wait()
        return c
    lax.fori_loop(0, NCH, drain, 0)
    plsc.subcore_barrier()

    for t in range(NRC):
        sl = pl.ds(base + t * CH, CH)
        pltpu.async_copy(deg_sh.at[sl], out_hbm.at[cid, sl], sem)
    for t in range(NRC):
        pltpu.make_async_copy(deg_sh.at[pl.ds(base, CH)], out_hbm.at[cid, pl.ds(base, CH)], sem).wait()



@functools.partial(
    pl.kernel,
    out_type=jax.ShapeDtypeStruct((NC, NP, H), jnp.float32),
    mesh=_mesh,
    compiler_params=_sc_params,
    scratch_types=[
        pltpu.VMEM((3, SB, CH), jnp.int32),
        pltpu.VMEM((3, SB, CH), jnp.int32),
        pltpu.VMEM((NBUF, CH, H), jnp.float32),
        pltpu.SemaphoreType.DMA,
        pltpu.SemaphoreType.DMA,
        pltpu.SemaphoreType.DMA,
        pltpu.VMEM_SHARED((NP, H), jnp.float32),
    ],
)
def _agg_kernel(hs_hbm, src_hbm, dst_hbm, out_hbm, idx_s, idx_d, rows, gsem, ssem, isem, acc_sh):
    cid = lax.axis_index("c")
    sid = lax.axis_index("s")
    wid = cid * NS + sid
    pltpu.sync_copy(src_hbm.at[wid, 0], idx_s.at[0])
    pltpu.sync_copy(dst_hbm.at[wid, 0], idx_d.at[0])

    base = sid * RPT
    _fill_const(rows.at[0], CH, H, 0.0)
    for t in range(NRC):
        pltpu.async_copy(rows.at[0], acc_sh.at[pl.ds(base + t * CH, CH)], ssem)
    for t in range(NRC):
        pltpu.make_async_copy(rows.at[0], acc_sh.at[pl.ds(base, CH)], ssem).wait()
    plsc.subcore_barrier()

    def outer(b, c):
        rb = lax.rem(b, 3)
        nrb = lax.rem(b + 1, 3)
        prb = lax.rem(b + 2, 3)

        @pl.when(b + 1 < NSB)
        def _():
            pltpu.async_copy(src_hbm.at[wid, b + 1], idx_s.at[nrb], isem)
            pltpu.async_copy(dst_hbm.at[wid, b + 1], idx_d.at[nrb], isem)

        def inner(k, c2):
            j = b * SB + k
            buf = lax.rem(j, NBUF)
            pbuf = lax.rem(j + NBUF - 1, NBUF)

            @pl.when(j >= NBUF)
            def _():
                pltpu.make_async_copy(
                    rows.at[buf], acc_sh.at[idx_d.at[0, 0]], ssem).wait()

            pltpu.async_copy(hs_hbm.at[idx_s.at[rb, k]], rows.at[buf], gsem)

            @pl.when(j >= 1)
            def _():
                pltpu.make_async_copy(
                    hs_hbm.at[idx_s.at[0, 0]], rows.at[pbuf], gsem).wait()
                kk = lax.select(k == 0, SB - 1, k - 1)
                kb = lax.select(k == 0, prb, rb)
                pltpu.async_copy(
                    rows.at[pbuf], acc_sh.at[idx_d.at[kb, kk]], ssem, add=True)
            return c2
        lax.fori_loop(0, SB, inner, 0)

        @pl.when(b + 1 < NSB)
        def _():
            pltpu.make_async_copy(src_hbm.at[wid, 0], idx_s.at[nrb], isem).wait()
            pltpu.make_async_copy(dst_hbm.at[wid, 0], idx_d.at[nrb], isem).wait()
        return c
    lax.fori_loop(0, NSB, outer, 0)

    pltpu.make_async_copy(
        hs_hbm.at[idx_s.at[0, 0]], rows.at[(NCH - 1) % NBUF], gsem).wait()
    pltpu.async_copy(
        rows.at[(NCH - 1) % NBUF],
        acc_sh.at[idx_d.at[(NSB - 1) % 3, SB - 1]], ssem, add=True)
    for _ in range(NBUF):
        pltpu.make_async_copy(rows.at[0], acc_sh.at[idx_d.at[0, 0]], ssem).wait()
    plsc.subcore_barrier()

    for t in range(NRC):
        sl = pl.ds(base + t * CH, CH)
        pltpu.async_copy(acc_sh.at[sl], out_hbm.at[cid, sl], gsem)
    for t in range(NRC):
        pltpu.make_async_copy(acc_sh.at[pl.ds(base, CH)], out_hbm.at[cid, pl.ds(base, CH)], gsem).wait()



def _pre_body(x_ref, w_ref, d_ref, h_ref, hs_ref, dv_ref):
    deg = d_ref[0, :N, 0:1] + d_ref[1, :N, 0:1] + 1.0
    dinv = lax.rsqrt(deg)
    h = jnp.dot(x_ref[...], w_ref[...], preferred_element_type=jnp.float32)
    h_ref[...] = h
    hs_ref[...] = h * dinv
    dv_ref[...] = dinv


_pre_call = pl.pallas_call(
    _pre_body,
    out_shape=[
        jax.ShapeDtypeStruct((N, H), jnp.float32),
        jax.ShapeDtypeStruct((N, H), jnp.float32),
        jax.ShapeDtypeStruct((N, 1), jnp.float32),
    ],
)


def _layer_body(a_ref, hp_ref, dv_ref, b_ref, w_ref, h_ref, hs_ref):
    dv = dv_ref[...]
    agg = a_ref[0, :N, :] + a_ref[1, :N, :]
    x = dv * agg + dv * dv * hp_ref[...] + b_ref[...]
    x = jnp.maximum(x, 0.0)
    h = jnp.dot(x, w_ref[...], preferred_element_type=jnp.float32)
    h_ref[...] = h
    hs_ref[...] = h * dv


_layer_call = pl.pallas_call(
    _layer_body,
    out_shape=[
        jax.ShapeDtypeStruct((N, H), jnp.float32),
        jax.ShapeDtypeStruct((N, H), jnp.float32),
    ],
)


def _final_body(a_ref, hp_ref, dv_ref, b_ref, wp1_ref, wp2_ref, bp_ref, o_ref):
    dv = dv_ref[...]
    agg = a_ref[0, :N, :] + a_ref[1, :N, :]
    x = dv * agg + dv * dv * hp_ref[...] + b_ref[...]
    mean = jnp.sum(x, axis=0, keepdims=True) * (1.0 / N)
    mx = jnp.max(x, axis=0, keepdims=True)
    o_ref[...] = (jnp.dot(mean, wp1_ref[...], preferred_element_type=jnp.float32)
                  + jnp.dot(mx, wp2_ref[...], preferred_element_type=jnp.float32)
                  + bp_ref[...])


_final_call = pl.pallas_call(
    _final_body,
    out_shape=jax.ShapeDtypeStruct((1, H), jnp.float32),
)


def kernel(node_features, edge_index, W1, b1, W2, b2, W3, b3, Wp, bp):
    ei = edge_index.astype(jnp.int32)
    dst_r = ei[1].reshape(NW, NCH, CH)
    src4 = ei[0].reshape(NW, NSB, SB, CH)
    dst4 = ei[1].reshape(NW, NSB, SB, CH)

    deg2 = _deg_kernel(dst_r)
    h1, hs1, dinv = _pre_call(node_features, W1, deg2)

    acc = _agg_kernel(hs1, src4, dst4)
    h2, hs2 = _layer_call(acc, h1, dinv, b1.reshape(1, H), W2)
    acc = _agg_kernel(hs2, src4, dst4)
    h3, hs3 = _layer_call(acc, h2, dinv, b2.reshape(1, H), W3)
    acc = _agg_kernel(hs3, src4, dst4)

    return _final_call(acc, h3, dinv, b3.reshape(1, H),
                       Wp[:H], Wp[H:], bp.reshape(1, -1))

# --- scband reference (transcript-rebuilt; emitter-appended) ---
"""Pipeline reference for scband-graph-neural-network-84817014161810 (READ-ONLY COPY).

The authoritative reference and input builder live on the scoring server;
editing this copy changes nothing except your own understanding.
"""

import jax, jax.numpy as jnp
import numpy as np

N = 10000
E = 320000
D_IN = 128
H = 64
D_OUT = 64


def setup_inputs(seed: int = 0) -> dict:
    key = jax.random.key(seed)
    ks = jax.random.split(key, 12)
    node_features = jax.random.normal(ks[0], (N, D_IN), dtype=jnp.float32)
    edge_index = jax.random.randint(ks[1], (2, E), 0, N)
    W1 = jax.random.normal(ks[2], (D_IN, H), dtype=jnp.float32) * 0.05
    b1 = jnp.zeros((H,), dtype=jnp.float32)
    W2 = jax.random.normal(ks[3], (H, H), dtype=jnp.float32) * 0.05
    b2 = jnp.zeros((H,), dtype=jnp.float32)
    W3 = jax.random.normal(ks[4], (H, D_OUT), dtype=jnp.float32) * 0.05
    b3 = jnp.zeros((D_OUT,), dtype=jnp.float32)
    Wp = jax.random.normal(ks[5], (2 * D_OUT, D_OUT), dtype=jnp.float32) * 0.05
    bp = jnp.zeros((D_OUT,), dtype=jnp.float32)
    return {"node_features": node_features, "edge_index": edge_index,
            "W1": W1, "b1": b1, "W2": W2, "b2": b2, "W3": W3, "b3": b3,
            "Wp": Wp, "bp": bp}


def gcn_conv(x, edge_index, W, b):
    # PyG GCNConv: x' = D^{-1/2} (A + I) D^{-1/2} (x W) + b
    n = x.shape[0]
    loops = jnp.arange(n, dtype=edge_index.dtype)
    src = jnp.concatenate([edge_index[0], loops])
    dst = jnp.concatenate([edge_index[1], loops])
    h = x @ W
    deg = jnp.zeros((n,), dtype=h.dtype).at[dst].add(1.0)
    dinv = jnp.where(deg > 0, 1.0 / jnp.sqrt(deg), 0.0)
    norm = dinv[src] * dinv[dst]
    msg = h[src] * norm[:, None]
    out = jnp.zeros_like(h).at[dst].add(msg)
    return out + b


def reference(node_features, edge_index, W1, b1, W2, b2, W3, b3, Wp, bp):
    # batch is None -> global mean/max pool over all nodes; dropout is identity at eval
    x = gcn_conv(node_features, edge_index, W1, b1)
    x = jax.nn.relu(x)
    x = gcn_conv(x, edge_index, W2, b2)
    x = jax.nn.relu(x)
    x = gcn_conv(x, edge_index, W3, b3)
    mean_pool = jnp.mean(x, axis=0, keepdims=True)
    max_pool = jnp.max(x, axis=0, keepdims=True)
    g = jnp.concatenate([mean_pool, max_pool], axis=-1)
    graph_embedding = g @ Wp + bp
    return graph_embedding

if __name__ == "__main__":
    import jax
    _d = setup_inputs()
    print(jax.jit(kernel)(*tuple(_d.values())))

</pallas_src>

<mosaic_0001>
#map = affine_map<(d0, d1) -> (0, 0)>
#map1 = affine_map<(d0, d1) -> (0, 0, 0, 0)>
#map2 = affine_map<(d0, d1) -> (0, 0, 0)>
module attributes {stable_mosaic.version = 14 : i64} {
  func.func @_agg_kernel(%arg0: i32, %arg1: i32, %arg2: memref<10000x64xf32, #tpu.memory_space<hbm>>, %arg3: memref<32x25x5x80xi32, #tpu.memory_space<hbm>>, %arg4: memref<32x25x5x80xi32, #tpu.memory_space<hbm>>, %arg5: memref<2x10240x64xf32, #tpu.memory_space<hbm>>, %arg6: memref<3x5x80xi32, #tpu.memory_space<vmem>>, %arg7: memref<3x5x80xi32, #tpu.memory_space<vmem>>, %arg8: memref<8x80x64xf32, #tpu.memory_space<vmem>>, %arg9: memref<!tpu.dma_semaphore, #tpu.memory_space<semaphore_mem>>, %arg10: memref<!tpu.dma_semaphore, #tpu.memory_space<semaphore_mem>>, %arg11: memref<!tpu.dma_semaphore, #tpu.memory_space<semaphore_mem>>, %arg12: memref<10240x64xf32, #tpu.memory_space<vmem_shared>>) attributes {dimension_semantics = [#tpu.dimension_semantics<core_parallel>, #tpu.dimension_semantics<subcore_parallel>], iteration_bounds = array<i64: 2, 16>, scalar_prefetch = 0 : i64, scratch_operands = 7 : i64, tpu.core_type = #tpu.core_type<sc_vector_subcore>, window_params = [{transform_indices = #map}, {transform_indices = #map1}, {transform_indices = #map1}, {transform_indices = #map2}]} {
    %mul3A = arith.constant 16 : i32
    %mul3A_0 = arith.muli %arg0, %mul3A : i32
    %add3A = arith.addi %mul3A_0, %arg1 : i32
    %run_scoped3A = arith.constant 0 : i32
    %run_scoped3A_1 = arith.constant 0 : i32
    "tpu.region"() ({
      %run_scoped3A_468 = tpu.sem_alloc : memref<!tpu.dma_semaphore, #tpu.memory_space<semaphore_mem>>
      %dma_start3A_469 = arith.constant 0 : i32
      %dma_start3A_470 = arith.constant 0 : i32
      %dma_start3A_471 = tpu.memref_slice %arg6[%run_scoped3A_1, %dma_start3A_469, %dma_start3A_470] : memref<3x5x80xi32, #tpu.memory_space<vmem>> -> memref<1x5x80xi32, #tpu.memory_space<vmem>>
      %dma_start3A_472 = tpu.memref_squeeze %dma_start3A_471 : memref<1x5x80xi32, #tpu.memory_space<vmem>> -> memref<5x80xi32, #tpu.memory_space<vmem>>
      %dma_start3A_473 = arith.constant 0 : i32
      %dma_start3A_474 = arith.constant 0 : i32
      %dma_start3A_475 = tpu.memref_slice %arg3[%add3A, %run_scoped3A, %dma_start3A_473, %dma_start3A_474] : memref<32x25x5x80xi32, #tpu.memory_space<hbm>> -> memref<1x1x5x80xi32, #tpu.memory_space<hbm>>
      %dma_start3A_476 = tpu.memref_squeeze %dma_start3A_475 : memref<1x1x5x80xi32, #tpu.memory_space<hbm>> -> memref<5x80xi32, #tpu.memory_space<hbm>>
      %dma_start3A_477 = arith.constant 0 : i32
      %dma_start3A_478 = arith.constant 0 : i32
      %dma_start3A_479 = tpu.memref_slice %arg6[%run_scoped3A_1, %dma_start3A_477, %dma_start3A_478] : memref<3x5x80xi32, #tpu.memory_space<vmem>> -> memref<1x5x80xi32, #tpu.memory_space<vmem>>
      %dma_start3A_480 = tpu.memref_squeeze %dma_start3A_479 : memref<1x5x80xi32, #tpu.memory_space<vmem>> -> memref<5x80xi32, #tpu.memory_space<vmem>>
      %dma_start3A_481 = arith.constant 0 : i32
      %dma_start3A_482 = arith.constant 0 : i32
      %dma_start3A_483 = tpu.memref_slice %arg3[%add3A, %run_scoped3A, %dma_start3A_481, %dma_start3A_482] : memref<32x25x5x80xi32, #tpu.memory_space<hbm>> -> memref<1x1x5x80xi32, #tpu.memory_space<hbm>>
      %dma_start3A_484 = tpu.memref_squeeze %dma_start3A_483 : memref<1x1x5x80xi32, #tpu.memory_space<hbm>> -> memref<5x80xi32, #tpu.memory_space<hbm>>
      tpu.enqueue_dma source(%dma_start3A_484 : memref<5x80xi32, #tpu.memory_space<hbm>>) target(%dma_start3A_480 : memref<5x80xi32, #tpu.memory_space<vmem>>) target_semaphore(%run_scoped3A_468 : memref<!tpu.dma_semaphore, #tpu.memory_space<semaphore_mem>>)
      %dma_wait3A_485 = arith.constant 0 : i32
      %dma_wait3A_486 = arith.constant 0 : i32
      %dma_wait3A_487 = tpu.memref_slice %arg6[%run_scoped3A_1, %dma_wait3A_485, %dma_wait3A_486] : memref<3x5x80xi32, #tpu.memory_space<vmem>> -> memref<1x5x80xi32, #tpu.memory_space<vmem>>
      %dma_wait3A_488 = tpu.memref_squeeze %dma_wait3A_487 : memref<1x5x80xi32, #tpu.memory_space<vmem>> -> memref<5x80xi32, #tpu.memory_space<vmem>>
      %dma_wait3A_489 = arith.constant 0 : i32
      %dma_wait3A_490 = arith.constant 0 : i32
      %dma_wait3A_491 = tpu.memref_slice %arg3[%add3A, %run_scoped3A, %dma_wait3A_489, %dma_wait3A_490] : memref<32x25x5x80xi32, #tpu.memory_space<hbm>> -> memref<1x1x5x80xi32, #tpu.memory_space<hbm>>
      %dma_wait3A_492 = tpu.memref_squeeze %dma_wait3A_491 : memref<1x1x5x80xi32, #tpu.memory_space<hbm>> -> memref<5x80xi32, #tpu.memory_space<hbm>>
      %dma_wait3A_493 = arith.constant 0 : i32
      %dma_wait3A_494 = arith.constant 0 : i32
      %dma_wait3A_495 = tpu.memref_slice %arg6[%run_scoped3A_1, %dma_wait3A_493, %dma_wait3A_494] : memref<3x5x80xi32, #tpu.memory_space<vmem>> -> memref<1x5x80xi32, #tpu.memory_space<vmem>>
      %dma_wait3A_496 = tpu.memref_squeeze %dma_wait3A_495 : memref<1x5x80xi32, #tpu.memory_space<vmem>> -> memref<5x80xi32, #tpu.memory_space<vmem>>
      %dma_wait3A_497 = arith.constant 0 : i32
      %dma_wait3A_498 = arith.constant 0 : i32
      %dma_wait3A_499 = tpu.memref_slice %arg3[%add3A, %run_scoped3A, %dma_wait3A_497, %dma_wait3A_498] : memref<32x25x5x80xi32, #tpu.memory_space<hbm>> -> memref<1x1x5x80xi32, #tpu.memory_space<hbm>>
      %dma_wait3A_500 = tpu.memref_squeeze %dma_wait3A_499 : memref<1x1x5x80xi32, #tpu.memory_space<hbm>> -> memref<5x80xi32, #tpu.memory_space<hbm>>
      tpu.wait_dma2 semaphore(%run_scoped3A_468 : memref<!tpu.dma_semaphore, #tpu.memory_space<semaphore_mem>>) src(%dma_wait3A_500 : memref<5x80xi32, #tpu.memory_space<hbm>>) dst(%dma_wait3A_496 : memref<5x80xi32, #tpu.memory_space<vmem>>)
      tpu.yield
    }) : () -> ()
    %run_scoped3A_2 = arith.constant 0 : i32
    %run_scoped3A_3 = arith.constant 0 : i32
    "tpu.region"() ({
      %run_scoped3A_468 = tpu.sem_alloc : memref<!tpu.dma_semaphore, #tpu.memory_space<semaphore_mem>>
      %dma_start3A_469 = arith.constant 0 : i32
      %dma_start3A_470 = arith.constant 0 : i32
      %dma_start3A_471 = tpu.memref_slice %arg7[%run_scoped3A_3, %dma_start3A_469, %dma_start3A_470] : memref<3x5x80xi32, #tpu.memory_space<vmem>> -> memref<1x5x80xi32, #tpu.memory_space<vmem>>
      %dma_start3A_472 = tpu.memref_squeeze %dma_start3A_471 : memref<1x5x80xi32, #tpu.memory_space<vmem>> -> memref<5x80xi32, #tpu.memory_space<vmem>>
      %dma_start3A_473 = arith.constant 0 : i32
      %dma_start3A_474 = arith.constant 0 : i32
      %dma_start3A_475 = tpu.memref_slice %arg4[%add3A, %run_scoped3A_2, %dma_start3A_473, %dma_start3A_474] : memref<32x25x5x80xi32, #tpu.memory_space<hbm>> -> memref<1x1x5x80xi32, #tpu.memory_space<hbm>>
      %dma_start3A_476 = tpu.memref_squeeze %dma_start3A_475 : memref<1x1x5x80xi32, #tpu.memory_space<hbm>> -> memref<5x80xi32, #tpu.memory_space<hbm>>
      %dma_start3A_477 = arith.constant 0 : i32
      %dma_start3A_478 = arith.constant 0 : i32
      %dma_start3A_479 = tpu.memref_slice %arg7[%run_scoped3A_3, %dma_start3A_477, %dma_start3A_478] : memref<3x5x80xi32, #tpu.memory_space<vmem>> -> memref<1x5x80xi32, #tpu.memory_space<vmem>>
      %dma_start3A_480 = tpu.memref_squeeze %dma_start3A_479 : memref<1x5x80xi32, #tpu.memory_space<vmem>> -> memref<5x80xi32, #tpu.memory_space<vmem>>
      %dma_start3A_481 = arith.constant 0 : i32
      %dma_start3A_482 = arith.constant 0 : i32
      %dma_start3A_483 = tpu.memref_slice %arg4[%add3A, %run_scoped3A_2, %dma_start3A_481, %dma_start3A_482] : memref<32x25x5x80xi32, #tpu.memory_space<hbm>> -> memref<1x1x5x80xi32, #tpu.memory_space<hbm>>
      %dma_start3A_484 = tpu.memref_squeeze %dma_start3A_483 : memref<1x1x5x80xi32, #tpu.memory_space<hbm>> -> memref<5x80xi32, #tpu.memory_space<hbm>>
      tpu.enqueue_dma source(%dma_start3A_484 : memref<5x80xi32, #tpu.memory_space<hbm>>) target(%dma_start3A_480 : memref<5x80xi32, #tpu.memory_space<vmem>>) target_semaphore(%run_scoped3A_468 : memref<!tpu.dma_semaphore, #tpu.memory_space<semaphore_mem>>)
      %dma_wait3A_485 = arith.constant 0 : i32
      %dma_wait3A_486 = arith.constant 0 : i32
      %dma_wait3A_487 = tpu.memref_slice %arg7[%run_scoped3A_3, %dma_wait3A_485, %dma_wait3A_486] : memref<3x5x80xi32, #tpu.memory_space<vmem>> -> memref<1x5x80xi32, #tpu.memory_space<vmem>>
      %dma_wait3A_488 = tpu.memref_squeeze %dma_wait3A_487 : memref<1x5x80xi32, #tpu.memory_space<vmem>> -> memref<5x80xi32, #tpu.memory_space<vmem>>
      %dma_wait3A_489 = arith.constant 0 : i32
      %dma_wait3A_490 = arith.constant 0 : i32
      %dma_wait3A_491 = tpu.memref_slice %arg4[%add3A, %run_scoped3A_2, %dma_wait3A_489, %dma_wait3A_490] : memref<32x25x5x80xi32, #tpu.memory_space<hbm>> -> memref<1x1x5x80xi32, #tpu.memory_space<hbm>>
      %dma_wait3A_492 = tpu.memref_squeeze %dma_wait3A_491 : memref<1x1x5x80xi32, #tpu.memory_space<hbm>> -> memref<5x80xi32, #tpu.memory_space<hbm>>
      %dma_wait3A_493 = arith.constant 0 : i32
      %dma_wait3A_494 = arith.constant 0 : i32
      %dma_wait3A_495 = tpu.memref_slice %arg7[%run_scoped3A_3, %dma_wait3A_493, %dma_wait3A_494] : memref<3x5x80xi32, #tpu.memory_space<vmem>> -> memref<1x5x80xi32, #tpu.memory_space<vmem>>
      %dma_wait3A_496 = tpu.memref_squeeze %dma_wait3A_495 : memref<1x5x80xi32, #tpu.memory_space<vmem>> -> memref<5x80xi32, #tpu.memory_space<vmem>>
      %dma_wait3A_497 = arith.constant 0 : i32
      %dma_wait3A_498 = arith.constant 0 : i32
      %dma_wait3A_499 = tpu.memref_slice %arg4[%add3A, %run_scoped3A_2, %dma_wait3A_497, %dma_wait3A_498] : memref<32x25x5x80xi32, #tpu.memory_space<hbm>> -> memref<1x1x5x80xi32, #tpu.memory_space<hbm>>
      %dma_wait3A_500 = tpu.memref_squeeze %dma_wait3A_499 : memref<1x1x5x80xi32, #tpu.memory_space<hbm>> -> memref<5x80xi32, #tpu.memory_space<hbm>>
      tpu.wait_dma2 semaphore(%run_scoped3A_468 : memref<!tpu.dma_semaphore, #tpu.memory_space<semaphore_mem>>) src(%dma_wait3A_500 : memref<5x80xi32, #tpu.memory_space<hbm>>) dst(%dma_wait3A_496 : memref<5x80xi32, #tpu.memory_space<vmem>>)
      tpu.yield
    }) : () -> ()
    %mul3A_4 = arith.constant 640 : i32
    %mul3A_5 = arith.muli %arg1, %mul3A_4 : i32
    %broadcast_in_dim3A = arith.constant 0.000000e+00 : f32
    %broadcast_in_dim3A_6 = vector.broadcast %broadcast_in_dim3A : f32 to vector<16xf32>
    %scan3A = arith.constant 0 : i32
    %scan3A_7 = arith.constant 0 : i32
    %scan3A_8 = arith.constant 0 : i32
    %scan3A_9 = arith.constant 80 : i32
    %scan3A_10 = arith.addi %scan3A_8, %scan3A_9 : i32
    %scan3A_11 = arith.constant 1 : i32
    scf.for %scan3A_468 = %scan3A_8 to %scan3A_10 step %scan3A_11  : i32 {
      %swap3A = arith.constant 0 : i32
      %swap3A_469 = arith.constant 0 : i32
      %swap3A_470 = tpu.memref_slice %arg8[%scan3A_7, %swap3A, %swap3A_469] : memref<8x80x64xf32, #tpu.memory_space<vmem>> -> memref<1x80x64xf32, #tpu.memory_space<vmem>>
      %swap3A_471 = tpu.memref_squeeze %swap3A_470 : memref<1x80x64xf32, #tpu.memory_space<vmem>> -> memref<80x64xf32, #tpu.memory_space<vmem>>
      %swap3A_472 = arith.index_cast %scan3A_468 : i32 to index
      %swap3A_473 = arith.constant 0 : index
      %swap3A_474 = tpu.vector_load %swap3A_471[%swap3A_472, %swap3A_473] {strides = array<i32>} : memref<80x64xf32, #tpu.memory_space<vmem>>, vector<1x16xf32>,
      %swap3A_475 = vector.shape_cast %swap3A_474 : vector<1x16xf32> to vector<16xf32>
      %swap3A_476 = vector.shape_cast %broadcast_in_dim3A_6 : vector<16xf32> to vector<1x16xf32>
      tpu.vector_store %swap3A_471[%swap3A_472, %swap3A_473], %swap3A_476 {strides = array<i32>} : memref<80x64xf32, #tpu.memory_space<vmem>>, vector<1x16xf32>,
      %swap3A_477 = arith.constant 0 : i32
      %swap3A_478 = arith.constant 0 : i32
      %swap3A_479 = tpu.memref_slice %arg8[%scan3A_7, %swap3A_477, %swap3A_478] : memref<8x80x64xf32, #tpu.memory_space<vmem>> -> memref<1x80x64xf32, #tpu.memory_space<vmem>>
      %swap3A_480 = tpu.memref_squeeze %swap3A_479 : memref<1x80x64xf32, #tpu.memory_space<vmem>> -> memref<80x64xf32, #tpu.memory_space<vmem>>
      %swap3A_481 = arith.index_cast %scan3A_468 : i32 to index
      %swap3A_482 = arith.constant 16 : index
      %swap3A_483 = tpu.vector_load %swap3A_480[%swap3A_481, %swap3A_482] {strides = array<i32>} : memref<80x64xf32, #tpu.memory_space<vmem>>, vector<1x16xf32>,
      %swap3A_484 = vector.shape_cast %swap3A_483 : vector<1x16xf32> to vector<16xf32>
      %swap3A_485 = vector.shape_cast %broadcast_in_dim3A_6 : vector<16xf32> to vector<1x16xf32>
      tpu.vector_store %swap3A_480[%swap3A_481, %swap3A_482], %swap3A_485 {strides = array<i32>} : memref<80x64xf32, #tpu.memory_space<vmem>>, vector<1x16xf32>,
      %swap3A_486 = arith.constant 0 : i32
      %swap3A_487 = arith.constant 0 : i32
      %swap3A_488 = tpu.memref_slice %arg8[%scan3A_7, %swap3A_486, %swap3A_487] : memref<8x80x64xf32, #tpu.memory_space<vmem>> -> memref<1x80x64xf32, #tpu.memory_space<vmem>>
      %swap3A_489 = tpu.memref_squeeze %swap3A_488 : memref<1x80x64xf32, #tpu.memory_space<vmem>> -> memref<80x64xf32, #tpu.memory_space<vmem>>
      %swap3A_490 = arith.index_cast %scan3A_468 : i32 to index
      %swap3A_491 = arith.constant 32 : index
      %swap3A_492 = tpu.vector_load %swap3A_489[%swap3A_490, %swap3A_491] {strides = array<i32>} : memref<80x64xf32, #tpu.memory_space<vmem>>, vector<1x16xf32>,
      %swap3A_493 = vector.shape_cast %swap3A_492 : vector<1x16xf32> to vector<16xf32>
      %swap3A_494 = vector.shape_cast %broadcast_in_dim3A_6 : vector<16xf32> to vector<1x16xf32>
      tpu.vector_store %swap3A_489[%swap3A_490, %swap3A_491], %swap3A_494 {strides = array<i32>} : memref<80x64xf32, #tpu.memory_space<vmem>>, vector<1x16xf32>,
      %swap3A_495 = arith.constant 0 : i32
      %swap3A_496 = arith.constant 0 : i32
      %swap3A_497 = tpu.memref_slice %arg8[%scan3A_7, %swap3A_495, %swap3A_496] : memref<8x80x64xf32, #tpu.memory_space<vmem>> -> memref<1x80x64xf32, #tpu.memory_space<vmem>>
      %swap3A_498 = tpu.memref_squeeze %swap3A_497 : memref<1x80x64xf32, #tpu.memory_space<vmem>> -> memref<80x64xf32, #tpu.memory_space<vmem>>
      %swap3A_499 = arith.index_cast %scan3A_468 : i32 to index
      %swap3A_500 = arith.constant 48 : index
      %swap3A_501 = tpu.vector_load %swap3A_498[%swap3A_499, %swap3A_500] {strides = array<i32>} : memref<80x64xf32, #tpu.memory_space<vmem>>, vector<1x16xf32>,
      %swap3A_502 = vector.shape_cast %swap3A_501 : vector<1x16xf32> to vector<16xf32>
      %swap3A_503 = vector.shape_cast %broadcast_in_dim3A_6 : vector<16xf32> to vector<1x16xf32>
      tpu.vector_store %swap3A_498[%swap3A_499, %swap3A_500], %swap3A_503 {strides = array<i32>} : memref<80x64xf32, #tpu.memory_space<vmem>>, vector<1x16xf32>,
    }
    %scan3A_12 = arith.constant 80 : i32
    %add3A_13 = arith.constant 0 : i32
    %add3A_14 = arith.addi %mul3A_5, %add3A_13 : i32
    %dma_start3A = arith.constant 0 : i32
    %dma_start3A_15 = arith.constant 0 : i32
    %dma_start3A_16 = arith.constant 0 : i32
    %dma_start3A_17 = tpu.memref_slice %arg8[%dma_start3A, %dma_start3A_15, %dma_start3A_16] : memref<8x80x64xf32, #tpu.memory_space<vmem>> -> memref<1x80x64xf32, #tpu.memory_space<vmem>>
    %dma_start3A_18 = tpu.memref_squeeze %dma_start3A_17 : memref<1x80x64xf32, #tpu.memory_space<vmem>> -> memref<80x64xf32, #tpu.memory_space<vmem>>
    %dma_start3A_19 = arith.constant 0 : i32
    %dma_start3A_20 = tpu.memref_slice %arg12[%add3A_14, %dma_start3A_19] : memref<10240x64xf32, #tpu.memory_space<vmem_shared>> -> memref<80x64xf32, #tpu.memory_space<vmem_shared>>
    %dma_start3A_21 = arith.constant 0 : i32
    %dma_start3A_22 = tpu.memref_slice %arg12[%add3A_14, %dma_start3A_21] : memref<10240x64xf32, #tpu.memory_space<vmem_shared>> -> memref<80x64xf32, #tpu.memory_space<vmem_shared>>
    %dma_start3A_23 = arith.constant 0 : i32
    %dma_start3A_24 = arith.constant 0 : i32
    %dma_start3A_25 = tpu.memref_slice %arg8[%dma_start3A, %dma_start3A_23, %dma_start3A_24] : memref<8x80x64xf32, #tpu.memory_space<vmem>> -> memref<1x80x64xf32, #tpu.memory_space<vmem>>
    %dma_start3A_26 = tpu.memref_squeeze %dma_start3A_25 : memref<1x80x64xf32, #tpu.memory_space<vmem>> -> memref<80x64xf32, #tpu.memory_space<vmem>>
    tpu.enqueue_dma source(%dma_start3A_26 : memref<80x64xf32, #tpu.memory_space<vmem>>) target(%dma_start3A_22 : memref<80x64xf32, #tpu.memory_space<vmem_shared>>) target_semaphore(%arg10 : memref<!tpu.dma_semaphore, #tpu.memory_space<semaphore_mem>>)
    %add3A_27 = arith.constant 80 : i32
    %add3A_28 = arith.addi %mul3A_5, %add3A_27 : i32
    %dma_start3A_29 = arith.constant 0 : i32
    %dma_start3A_30 = arith.constant 0 : i32
    %dma_start3A_31 = arith.constant 0 : i32
    %dma_start3A_32 = tpu.memref_slice %arg8[%dma_start3A_29, %dma_start3A_30, %dma_start3A_31] : memref<8x80x64xf32, #tpu.memory_space<vmem>> -> memref<1x80x64xf32, #tpu.memory_space<vmem>>
    %dma_start3A_33 = tpu.memref_squeeze %dma_start3A_32 : memref<1x80x64xf32, #tpu.memory_space<vmem>> -> memref<80x64xf32, #tpu.memory_space<vmem>>
    %dma_start3A_34 = arith.constant 0 : i32
    %dma_start3A_35 = tpu.memref_slice %arg12[%add3A_28, %dma_start3A_34] : memref<10240x64xf32, #tpu.memory_space<vmem_shared>> -> memref<80x64xf32, #tpu.memory_space<vmem_shared>>
    %dma_start3A_36 = arith.constant 0 : i32
    %dma_start3A_37 = tpu.memref_slice %arg12[%add3A_28, %dma_start3A_36] : memref<10240x64xf32, #tpu.memory_space<vmem_shared>> -> memref<80x64xf32, #tpu.memory_space<vmem_shared>>
    %dma_start3A_38 = arith.constant 0 : i32
    %dma_start3A_39 = arith.constant 0 : i32
    %dma_start3A_40 = tpu.memref_slice %arg8[%dma_start3A_29, %dma_start3A_38, %dma_start3A_39] : memref<8x80x64xf32, #tpu.memory_space<vmem>> -> memref<1x80x64xf32, #tpu.memory_space<vmem>>
    %dma_start3A_41 = tpu.memref_squeeze %dma_start3A_40 : memref<1x80x64xf32, #tpu.memory_space<vmem>> -> memref<80x64xf32, #tpu.memory_space<vmem>>
    tpu.enqueue_dma source(%dma_start3A_41 : memref<80x64xf32, #tpu.memory_space<vmem>>) target(%dma_start3A_37 : memref<80x64xf32, #tpu.memory_space<vmem_shared>>) target_semaphore(%arg10 : memref<!tpu.dma_semaphore, #tpu.memory_space<semaphore_mem>>)
    %add3A_42 = arith.constant 160 : i32
    %add3A_43 = arith.addi %mul3A_5, %add3A_42 : i32
    %dma_start3A_44 = arith.constant 0 : i32
    %dma_start3A_45 = arith.constant 0 : i32
    %dma_start3A_46 = arith.constant 0 : i32
    %dma_start3A_47 = tpu.memref_slice %arg8[%dma_start3A_44, %dma_start3A_45, %dma_start3A_46] : memref<8x80x64xf32, #tpu.memory_space<vmem>> -> memref<1x80x64xf32, #tpu.memory_space<vmem>>
    %dma_start3A_48 = tpu.memref_squeeze %dma_start3A_47 : memref<1x80x64xf32, #tpu.memory_space<vmem>> -> memref<80x64xf32, #tpu.memory_space<vmem>>
    %dma_start3A_49 = arith.constant 0 : i32
    %dma_start3A_50 = tpu.memref_slice %arg12[%add3A_43, %dma_start3A_49] : memref<10240x64xf32, #tpu.memory_space<vmem_shared>> -> memref<80x64xf32, #tpu.memory_space<vmem_shared>>
    %dma_start3A_51 = arith.constant 0 : i32
    %dma_start3A_52 = tpu.memref_slice %arg12[%add3A_43, %dma_start3A_51] : memref<10240x64xf32, #tpu.memory_space<vmem_shared>> -> memref<80x64xf32, #tpu.memory_space<vmem_shared>>
    %dma_start3A_53 = arith.constant 0 : i32
    %dma_start3A_54 = arith.constant 0 : i32
    %dma_start3A_55 = tpu.memref_slice %arg8[%dma_start3A_44, %dma_start3A_53, %dma_start3A_54] : memref<8x80x64xf32, #tpu.memory_space<vmem>> -> memref<1x80x64xf32, #tpu.memory_space<vmem>>
    %dma_start3A_56 = tpu.memref_squeeze %dma_start3A_55 : memref<1x80x64xf32, #tpu.memory_space<vmem>> -> memref<80x64xf32, #tpu.memory_space<vmem>>
    tpu.enqueue_dma source(%dma_start3A_56 : memref<80x64xf32, #tpu.memory_space<vmem>>) target(%dma_start3A_52 : memref<80x64xf32, #tpu.memory_space<vmem_shared>>) target_semaphore(%arg10 : memref<!tpu.dma_semaphore, #tpu.memory_space<semaphore_mem>>)
    %add3A_57 = arith.constant 240 : i32
    %add3A_58 = arith.addi %mul3A_5, %add3A_57 : i32
    %dma_start3A_59 = arith.constant 0 : i32
    %dma_start3A_60 = arith.constant 0 : i32
    %dma_start3A_61 = arith.constant 0 : i32
    %dma_start3A_62 = tpu.memref_slice %arg8[%dma_start3A_59, %dma_start3A_60, %dma_start3A_61] : memref<8x80x64xf32, #tpu.memory_space<vmem>> -> memref<1x80x64xf32, #tpu.memory_space<vmem>>
    %dma_start3A_63 = tpu.memref_squeeze %dma_start3A_62 : memref<1x80x64xf32, #tpu.memory_space<vmem>> -> memref<80x64xf32, #tpu.memory_space<vmem>>
    %dma_start3A_64 = arith.constant 0 : i32
    %dma_start3A_65 = tpu.memref_slice %arg12[%add3A_58, %dma_start3A_64] : memref<10240x64xf32, #tpu.memory_space<vmem_shared>> -> memref<80x64xf32, #tpu.memory_space<vmem_shared>>
    %dma_start3A_66 = arith.constant 0 : i32
    %dma_start3A_67 = tpu.memref_slice %arg12[%add3A_58, %dma_start3A_66] : memref<10240x64xf32, #tpu.memory_space<vmem_shared>> -> memref<80x64xf32, #tpu.memory_space<vmem_shared>>
    %dma_start3A_68 = arith.constant 0 : i32
    %dma_start3A_69 = arith.constant 0 : i32
    %dma_start3A_70 = tpu.memref_slice %arg8[%dma_start3A_59, %dma_start3A_68, %dma_start3A_69] : memref<8x80x64xf32, #tpu.memory_space<vmem>> -> memref<1x80x64xf32, #tpu.memory_space<vmem>>
    %dma_start3A_71 = tpu.memref_squeeze %dma_start3A_70 : memref<1x80x64xf32, #tpu.memory_space<vmem>> -> memref<80x64xf32, #tpu.memory_space<vmem>>
    tpu.enqueue_dma source(%dma_start3A_71 : memref<80x64xf32, #tpu.memory_space<vmem>>) target(%dma_start3A_67 : memref<80x64xf32, #tpu.memory_space<vmem_shared>>) target_semaphore(%arg10 : memref<!tpu.dma_semaphore, #tpu.memory_space<semaphore_mem>>)
    %add3A_72 = arith.constant 320 : i32
    %add3A_73 = arith.addi %mul3A_5, %add3A_72 : i32
    %dma_start3A_74 = arith.constant 0 : i32
    %dma_start3A_75 = arith.constant 0 : i32
    %dma_start3A_76 = arith.constant 0 : i32
    %dma_start3A_77 = tpu.memref_slice %arg8[%dma_start3A_74, %dma_start3A_75, %dma_start3A_76] : memref<8x80x64xf32, #tpu.memory_space<vmem>> -> memref<1x80x64xf32, #tpu.memory_space<vmem>>
    %dma_start3A_78 = tpu.memref_squeeze %dma_start3A_77 : memref<1x80x64xf32, #tpu.memory_space<vmem>> -> memref<80x64xf32, #tpu.memory_space<vmem>>
    %dma_start3A_79 = arith.constant 0 : i32
    %dma_start3A_80 = tpu.memref_slice %arg12[%add3A_73, %dma_start3A_79] : memref<10240x64xf32, #tpu.memory_space<vmem_shared>> -> memref<80x64xf32, #tpu.memory_space<vmem_shared>>
    %dma_start3A_81 = arith.constant 0 : i32
    %dma_start3A_82 = tpu.memref_slice %arg12[%add3A_73, %dma_start3A_81] : memref<10240x64xf32, #tpu.memory_space<vmem_shared>> -> memref<80x64xf32, #tpu.memory_space<vmem_shared>>
    %dma_start3A_83 = arith.constant 0 : i32
    %dma_start3A_84 = arith.constant 0 : i32
    %dma_start3A_85 = tpu.memref_slice %arg8[%dma_start3A_74, %dma_start3A_83, %dma_start3A_84] : memref<8x80x64xf32, #tpu.memory_space<vmem>> -> memref<1x80x64xf32, #tpu.memory_space<vmem>>
    %dma_start3A_86 = tpu.memref_squeeze %dma_start3A_85 : memref<1x80x64xf32, #tpu.memory_space<vmem>> -> memref<80x64xf32, #tpu.memory_space<vmem>>
    tpu.enqueue_dma source(%dma_start3A_86 : memref<80x64xf32, #tpu.memory_space<vmem>>) target(%dma_start3A_82 : memref<80x64xf32, #tpu.memory_space<vmem_shared>>) target_semaphore(%arg10 : memref<!tpu.dma_semaphore, #tpu.memory_space<semaphore_mem>>)
    %add3A_87 = arith.constant 400 : i32
    %add3A_88 = arith.addi %mul3A_5, %add3A_87 : i32
    %dma_start3A_89 = arith.constant 0 : i32
    %dma_start3A_90 = arith.constant 0 : i32
    %dma_start3A_91 = arith.constant 0 : i32
    %dma_start3A_92 = tpu.memref_slice %arg8[%dma_start3A_89, %dma_start3A_90, %dma_start3A_91] : memref<8x80x64xf32, #tpu.memory_space<vmem>> -> memref<1x80x64xf32, #tpu.memory_space<vmem>>
    %dma_start3A_93 = tpu.memref_squeeze %dma_start3A_92 : memref<1x80x64xf32, #tpu.memory_space<vmem>> -> memref<80x64xf32, #tpu.memory_space<vmem>>
    %dma_start3A_94 = arith.constant 0 : i32
    %dma_start3A_95 = tpu.memref_slice %arg12[%add3A_88, %dma_start3A_94] : memref<10240x64xf32, #tpu.memory_space<vmem_shared>> -> memref<80x64xf32, #tpu.memory_space<vmem_shared>>
    %dma_start3A_96 = arith.constant 0 : i32
    %dma_start3A_97 = tpu.memref_slice %arg12[%add3A_88, %dma_start3A_96] : memref<10240x64xf32, #tpu.memory_space<vmem_shared>> -> memref<80x64xf32, #tpu.memory_space<vmem_shared>>
    %dma_start3A_98 = arith.constant 0 : i32
    %dma_start3A_99 = arith.constant 0 : i32
    %dma_start3A_100 = tpu.memref_slice %arg8[%dma_start3A_89, %dma_start3A_98, %dma_start3A_99] : memref<8x80x64xf32, #tpu.memory_space<vmem>> -> memref<1x80x64xf32, #tpu.memory_space<vmem>>
    %dma_start3A_101 = tpu.memref_squeeze %dma_start3A_100 : memref<1x80x64xf32, #tpu.memory_space<vmem>> -> memref<80x64xf32, #tpu.memory_space<vmem>>
    tpu.enqueue_dma source(%dma_start3A_101 : memref<80x64xf32, #tpu.memory_space<vmem>>) target(%dma_start3A_97 : memref<80x64xf32, #tpu.memory_space<vmem_shared>>) target_semaphore(%arg10 : memref<!tpu.dma_semaphore, #tpu.memory_space<semaphore_mem>>)
    %add3A_102 = arith.constant 480 : i32
    %add3A_103 = arith.addi %mul3A_5, %add3A_102 : i32
    %dma_start3A_104 = arith.constant 0 : i32
    %dma_start3A_105 = arith.constant 0 : i32
    %dma_start3A_106 = arith.constant 0 : i32
    %dma_start3A_107 = tpu.memref_slice %arg8[%dma_start3A_104, %dma_start3A_105, %dma_start3A_106] : memref<8x80x64xf32, #tpu.memory_space<vmem>> -> memref<1x80x64xf32, #tpu.memory_space<vmem>>
    %dma_start3A_108 = tpu.memref_squeeze %dma_start3A_107 : memref<1x80x64xf32, #tpu.memory_space<vmem>> -> memref<80x64xf32, #tpu.memory_space<vmem>>
    %dma_start3A_109 = arith.constant 0 : i32
    %dma_start3A_110 = tpu.memref_slice %arg12[%add3A_103, %dma_start3A_109] : memref<10240x64xf32, #tpu.memory_space<vmem_shared>> -> memref<80x64xf32, #tpu.memory_space<vmem_shared>>
    %dma_start3A_111 = arith.constant 0 : i32
    %dma_start3A_112 = tpu.memref_slice %arg12[%add3A_103, %dma_start3A_111] : memref<10240x64xf32, #tpu.memory_space<vmem_shared>> -> memref<80x64xf32, #tpu.memory_space<vmem_shared>>
    %dma_start3A_113 = arith.constant 0 : i32
    %dma_start3A_114 = arith.constant 0 : i32
    %dma_start3A_115 = tpu.memref_slice %arg8[%dma_start3A_104, %dma_start3A_113, %dma_start3A_114] : memref<8x80x64xf32, #tpu.memory_space<vmem>> -> memref<1x80x64xf32, #tpu.memory_space<vmem>>
    %dma_start3A_116 = tpu.memref_squeeze %dma_start3A_115 : memref<1x80x64xf32, #tpu.memory_space<vmem>> -> memref<80x64xf32, #tpu.memory_space<vmem>>
    tpu.enqueue_dma source(%dma_start3A_116 : memref<80x64xf32, #tpu.memory_space<vmem>>) target(%dma_start3A_112 : memref<80x64xf32, #tpu.memory_space<vmem_shared>>) target_semaphore(%arg10 : memref<!tpu.dma_semaphore, #tpu.memory_space<semaphore_mem>>)
    %add3A_117 = arith.constant 560 : i32
    %add3A_118 = arith.addi %mul3A_5, %add3A_117 : i32
    %dma_start3A_119 = arith.constant 0 : i32
    %dma_start3A_120 = arith.constant 0 : i32
    %dma_start3A_121 = arith.constant 0 : i32
    %dma_start3A_122 = tpu.memref_slice %arg8[%dma_start3A_119, %dma_start3A_120, %dma_start3A_121] : memref<8x80x64xf32, #tpu.memory_space<vmem>> -> memref<1x80x64xf32, #tpu.memory_space<vmem>>
    %dma_start3A_123 = tpu.memref_squeeze %dma_start3A_122 : memref<1x80x64xf32, #tpu.memory_space<vmem>> -> memref<80x64xf32, #tpu.memory_space<vmem>>
    %dma_start3A_124 = arith.constant 0 : i32
    %dma_start3A_125 = tpu.memref_slice %arg12[%add3A_118, %dma_start3A_124] : memref<10240x64xf32, #tpu.memory_space<vmem_shared>> -> memref<80x64xf32, #tpu.memory_space<vmem_shared>>
    %dma_start3A_126 = arith.constant 0 : i32
    %dma_start3A_127 = tpu.memref_slice %arg12[%add3A_118, %dma_start3A_126] : memref<10240x64xf32, #tpu.memory_space<vmem_shared>> -> memref<80x64xf32, #tpu.memory_space<vmem_shared>>
    %dma_start3A_128 = arith.constant 0 : i32
    %dma_start3A_129 = arith.constant 0 : i32
    %dma_start3A_130 = tpu.memref_slice %arg8[%dma_start3A_119, %dma_start3A_128, %dma_start3A_129] : memref<8x80x64xf32, #tpu.memory_space<vmem>> -> memref<1x80x64xf32, #tpu.memory_space<vmem>>
    %dma_start3A_131 = tpu.memref_squeeze %dma_start3A_130 : memref<1x80x64xf32, #tpu.memory_space<vmem>> -> memref<80x64xf32, #tpu.memory_space<vmem>>
    tpu.enqueue_dma source(%dma_start3A_131 : memref<80x64xf32, #tpu.memory_space<vmem>>) target(%dma_start3A_127 : memref<80x64xf32, #tpu.memory_space<vmem_shared>>) target_semaphore(%arg10 : memref<!tpu.dma_semaphore, #tpu.memory_space<semaphore_mem>>)
    %dma_wait3A = arith.constant 0 : i32
    %dma_wait3A_132 = arith.constant 0 : i32
    %dma_wait3A_133 = arith.constant 0 : i32
    %dma_wait3A_134 = tpu.memref_slice %arg8[%dma_wait3A, %dma_wait3A_132, %dma_wait3A_133] : memref<8x80x64xf32, #tpu.memory_space<vmem>> -> memref<1x80x64xf32, #tpu.memory_space<vmem>>
    %dma_wait3A_135 = tpu.memref_squeeze %dma_wait3A_134 : memref<1x80x64xf32, #tpu.memory_space<vmem>> -> memref<80x64xf32, #tpu.memory_space<vmem>>
    %dma_wait3A_136 = arith.constant 0 : i32
    %dma_wait3A_137 = tpu.memref_slice %arg12[%mul3A_5, %dma_wait3A_136] : memref<10240x64xf32, #tpu.memory_space<vmem_shared>> -> memref<80x64xf32, #tpu.memory_space<vmem_shared>>
    %dma_wait3A_138 = arith.constant 0 : i32
    %dma_wait3A_139 = tpu.memref_slice %arg12[%mul3A_5, %dma_wait3A_138] : memref<10240x64xf32, #tpu.memory_space<vmem_shared>> -> memref<80x64xf32, #tpu.memory_space<vmem_shared>>
    %dma_wait3A_140 = arith.constant 0 : i32
    %dma_wait3A_141 = arith.constant 0 : i32
    %dma_wait3A_142 = tpu.memref_slice %arg8[%dma_wait3A, %dma_wait3A_140, %dma_wait3A_141] : memref<8x80x64xf32, #tpu.memory_space<vmem>> -> memref<1x80x64xf32, #tpu.memory_space<vmem>>
    %dma_wait3A_143 = tpu.memref_squeeze %dma_wait3A_142 : memref<1x80x64xf32, #tpu.memory_space<vmem>> -> memref<80x64xf32, #tpu.memory_space<vmem>>
    tpu.wait_dma2 semaphore(%arg10 : memref<!tpu.dma_semaphore, #tpu.memory_space<semaphore_mem>>) src(%dma_wait3A_143 : memref<80x64xf32, #tpu.memory_space<vmem>>) dst(%dma_wait3A_139 : memref<80x64xf32, #tpu.memory_space<vmem_shared>>)
    %dma_wait3A_144 = arith.constant 0 : i32
    %dma_wait3A_145 = arith.constant 0 : i32
    %dma_wait3A_146 = arith.constant 0 : i32
    %dma_wait3A_147 = tpu.memref_slice %arg8[%dma_wait3A_144, %dma_wait3A_145, %dma_wait3A_146] : memref<8x80x64xf32, #tpu.memory_space<vmem>> -> memref<1x80x64xf32, #tpu.memory_space<vmem>>
    %dma_wait3A_148 = tpu.memref_squeeze %dma_wait3A_147 : memref<1x80x64xf32, #tpu.memory_space<vmem>> -> memref<80x64xf32, #tpu.memory_space<vmem>>
    %dma_wait3A_149 = arith.constant 0 : i32
    %dma_wait3A_150 = tpu.memref_slice %arg12[%mul3A_5, %dma_wait3A_149] : memref<10240x64xf32, #tpu.memory_space<vmem_shared>> -> memref<80x64xf32, #tpu.memory_space<vmem_shared>>
    %dma_wait3A_151 = arith.constant 0 : i32
    %dma_wait3A_152 = tpu.memref_slice %arg12[%mul3A_5, %dma_wait3A_151] : memref<10240x64xf32, #tpu.memory_space<vmem_shared>> -> memref<80x64xf32, #tpu.memory_space<vmem_shared>>
    %dma_wait3A_153 = arith.constant 0 : i32
    %dma_wait3A_154 = arith.constant 0 : i32
    %dma_wait3A_155 = tpu.memref_slice %arg8[%dma_wait3A_144, %dma_wait3A_153, %dma_wait3A_154] : memref<8x80x64xf32, #tpu.memory_space<vmem>> -> memref<1x80x64xf32, #tpu.memory_space<vmem>>
    %dma_wait3A_156 = tpu.memref_squeeze %dma_wait3A_155 : memref<1x80x64xf32, #tpu.memory_space<vmem>> -> memref<80x64xf32, #tpu.memory_space<vmem>>
    tpu.wait_dma2 semaphore(%arg10 : memref<!tpu.dma_semaphore, #tpu.memory_space<semaphore_mem>>) src(%dma_wait3A_156 : memref<80x64xf32, #tpu.memory_space<vmem>>) dst(%dma_wait3A_152 : memref<80x64xf32, #tpu.memory_space<vmem_shared>>)
    %dma_wait3A_157 = arith.constant 0 : i32
    %dma_wait3A_158 = arith.constant 0 : i32
    %dma_wait3A_159 = arith.constant 0 : i32
    %dma_wait3A_160 = tpu.memref_slice %arg8[%dma_wait3A_157, %dma_wait3A_158, %dma_wait3A_159] : memref<8x80x64xf32, #tpu.memory_space<vmem>> -> memref<1x80x64xf32, #tpu.memory_space<vmem>>
    %dma_wait3A_161 = tpu.memref_squeeze %dma_wait3A_160 : memref<1x80x64xf32, #tpu.memory_space<vmem>> -> memref<80x64xf32, #tpu.memory_space<vmem>>
    %dma_wait3A_162 = arith.constant 0 : i32
    %dma_wait3A_163 = tpu.memref_slice %arg12[%mul3A_5, %dma_wait3A_162] : memref<10240x64xf32, #tpu.memory_space<vmem_shared>> -> memref<80x64xf32, #tpu.memory_space<vmem_shared>>
    %dma_wait3A_164 = arith.constant 0 : i32
    %dma_wait3A_165 = tpu.memref_slice %arg12[%mul3A_5, %dma_wait3A_164] : memref<10240x64xf32, #tpu.memory_space<vmem_shared>> -> memref<80x64xf32, #tpu.memory_space<vmem_shared>>
    %dma_wait3A_166 = arith.constant 0 : i32
    %dma_wait3A_167 = arith.constant 0 : i32
    %dma_wait3A_168 = tpu.memref_slice %arg8[%dma_wait3A_157, %dma_wait3A_166, %dma_wait3A_167] : memref<8x80x64xf32, #tpu.memory_space<vmem>> -> memref<1x80x64xf32, #tpu.memory_space<vmem>>
    %dma_wait3A_169 = tpu.memref_squeeze %dma_wait3A_168 : memref<1x80x64xf32, #tpu.memory_space<vmem>> -> memref<80x64xf32, #tpu.memory_space<vmem>>
    tpu.wait_dma2 semaphore(%arg10 : memref<!tpu.dma_semaphore, #tpu.memory_space<semaphore_mem>>) src(%dma_wait3A_169 : memref<80x64xf32, #tpu.memory_space<vmem>>) dst(%dma_wait3A_165 : memref<80x64xf32, #tpu.memory_space<vmem_shared>>)
    %dma_wait3A_170 = arith.constant 0 : i32
    %dma_wait3A_171 = arith.constant 0 : i32
    %dma_wait3A_172 = arith.constant 0 : i32
    %dma_wait3A_173 = tpu.memref_slice %arg8[%dma_wait3A_170, %dma_wait3A_171, %dma_wait3A_172] : memref<8x80x64xf32, #tpu.memory_space<vmem>> -> memref<1x80x64xf32, #tpu.memory_space<vmem>>
    %dma_wait3A_174 = tpu.memref_squeeze %dma_wait3A_173 : memref<1x80x64xf32, #tpu.memory_space<vmem>> -> memref<80x64xf32, #tpu.memory_space<vmem>>
    %dma_wait3A_175 = arith.constant 0 : i32
    %dma_wait3A_176 = tpu.memref_slice %arg12[%mul3A_5, %dma_wait3A_175] : memref<10240x64xf32, #tpu.memory_space<vmem_shared>> -> memref<80x64xf32, #tpu.memory_space<vmem_shared>>
    %dma_wait3A_177 = arith.constant 0 : i32
    %dma_wait3A_178 = tpu.memref_slice %arg12[%mul3A_5, %dma_wait3A_177] : memref<10240x64xf32, #tpu.memory_space<vmem_shared>> -> memref<80x64xf32, #tpu.memory_space<vmem_shared>>
    %dma_wait3A_179 = arith.constant 0 : i32
    %dma_wait3A_180 = arith.constant 0 : i32
    %dma_wait3A_181 = tpu.memref_slice %arg8[%dma_wait3A_170, %dma_wait3A_179, %dma_wait3A_180] : memref<8x80x64xf32, #tpu.memory_space<vmem>> -> memref<1x80x64xf32, #tpu.memory_space<vmem>>
    %dma_wait3A_182 = tpu.memref_squeeze %dma_wait3A_181 : memref<1x80x64xf32, #tpu.memory_space<vmem>> -> memref<80x64xf32, #tpu.memory_space<vmem>>
    tpu.wait_dma2 semaphore(%arg10 : memref<!tpu.dma_semaphore, #tpu.memory_space<semaphore_mem>>) src(%dma_wait3A_182 : memref<80x64xf32, #tpu.memory_space<vmem>>) dst(%dma_wait3A_178 : memref<80x64xf32, #tpu.memory_space<vmem_shared>>)
    %dma_wait3A_183 = arith.constant 0 : i32
    %dma_wait3A_184 = arith.constant 0 : i32
    %dma_wait3A_185 = arith.constant 0 : i32
    %dma_wait3A_186 = tpu.memref_slice %arg8[%dma_wait3A_183, %dma_wait3A_184, %dma_wait3A_185] : memref<8x80x64xf32, #tpu.memory_space<vmem>> -> memref<1x80x64xf32, #tpu.memory_space<vmem>>
    %dma_wait3A_187 = tpu.memref_squeeze %dma_wait3A_186 : memref<1x80x64xf32, #tpu.memory_space<vmem>> -> memref<80x64xf32, #tpu.memory_space<vmem>>
    %dma_wait3A_188 = arith.constant 0 : i32
    %dma_wait3A_189 = tpu.memref_slice %arg12[%mul3A_5, %dma_wait3A_188] : memref<10240x64xf32, #tpu.memory_space<vmem_shared>> -> memref<80x64xf32, #tpu.memory_space<vmem_shared>>
    %dma_wait3A_190 = arith.constant 0 : i32
    %dma_wait3A_191 = tpu.memref_slice %arg12[%mul3A_5, %dma_wait3A_190] : memref<10240x64xf32, #tpu.memory_space<vmem_shared>> -> memref<80x64xf32, #tpu.memory_space<vmem_shared>>
    %dma_wait3A_192 = arith.constant 0 : i32
    %dma_wait3A_193 = arith.constant 0 : i32
    %dma_wait3A_194 = tpu.memref_slice %arg8[%dma_wait3A_183, %dma_wait3A_192, %dma_wait3A_193] : memref<8x80x64xf32, #tpu.memory_space<vmem>> -> memref<1x80x64xf32, #tpu.memory_space<vmem>>
    %dma_wait3A_195 = tpu.memref_squeeze %dma_wait3A_194 : memref<1x80x64xf32, #tpu.memory_space<vmem>> -> memref<80x64xf32, #tpu.memory_space<vmem>>
    tpu.wait_dma2 semaphore(%arg10 : memref<!tpu.dma_semaphore, #tpu.memory_space<semaphore_mem>>) src(%dma_wait3A_195 : memref<80x64xf32, #tpu.memory_space<vmem>>) dst(%dma_wait3A_191 : memref<80x64xf32, #tpu.memory_space<vmem_shared>>)
    %dma_wait3A_196 = arith.constant 0 : i32
    %dma_wait3A_197 = arith.constant 0 : i32
    %dma_wait3A_198 = arith.constant 0 : i32
    %dma_wait3A_199 = tpu.memref_slice %arg8[%dma_wait3A_196, %dma_wait3A_197, %dma_wait3A_198] : memref<8x80x64xf32, #tpu.memory_space<vmem>> -> memref<1x80x64xf32, #tpu.memory_space<vmem>>
    %dma_wait3A_200 = tpu.memref_squeeze %dma_wait3A_199 : memref<1x80x64xf32, #tpu.memory_space<vmem>> -> memref<80x64xf32, #tpu.memory_space<vmem>>
    %dma_wait3A_201 = arith.constant 0 : i32
    %dma_wait3A_202 = tpu.memref_slice %arg12[%mul3A_5, %dma_wait3A_201] : memref<10240x64xf32, #tpu.memory_space<vmem_shared>> -> memref<80x64xf32, #tpu.memory_space<vmem_shared>>
    %dma_wait3A_203 = arith.constant 0 : i32
    %dma_wait3A_204 = tpu.memref_slice %arg12[%mul3A_5, %dma_wait3A_203] : memref<10240x64xf32, #tpu.memory_space<vmem_shared>> -> memref<80x64xf32, #tpu.memory_space<vmem_shared>>
    %dma_wait3A_205 = arith.constant 0 : i32
    %dma_wait3A_206 = arith.constant 0 : i32
    %dma_wait3A_207 = tpu.memref_slice %arg8[%dma_wait3A_196, %dma_wait3A_205, %dma_wait3A_206] : memref<8x80x64xf32, #tpu.memory_space<vmem>> -> memref<1x80x64xf32, #tpu.memory_space<vmem>>
    %dma_wait3A_208 = tpu.memref_squeeze %dma_wait3A_207 : memref<1x80x64xf32, #tpu.memory_space<vmem>> -> memref<80x64xf32, #tpu.memory_space<vmem>>
    tpu.wait_dma2 semaphore(%arg10 : memref<!tpu.dma_semaphore, #tpu.memory_space<semaphore_mem>>) src(%dma_wait3A_208 : memref<80x64xf32, #tpu.memory_space<vmem>>) dst(%dma_wait3A_204 : memref<80x64xf32, #tpu.memory_space<vmem_shared>>)
    %dma_wait3A_209 = arith.constant 0 : i32
    %dma_wait3A_210 = arith.constant 0 : i32
    %dma_wait3A_211 = arith.constant 0 : i32
    %dma_wait3A_212 = tpu.memref_slice %arg8[%dma_wait3A_209, %dma_wait3A_210, %dma_wait3A_211] : memref<8x80x64xf32, #tpu.memory_space<vmem>> -> memref<1x80x64xf32, #tpu.memory_space<vmem>>
    %dma_wait3A_213 = tpu.memref_squeeze %dma_wait3A_212 : memref<1x80x64xf32, #tpu.memory_space<vmem>> -> memref<80x64xf32, #tpu.memory_space<vmem>>
    %dma_wait3A_214 = arith.constant 0 : i32
    %dma_wait3A_215 = tpu.memref_slice %arg12[%mul3A_5, %dma_wait3A_214] : memref<10240x64xf32, #tpu.memory_space<vmem_shared>> -> memref<80x64xf32, #tpu.memory_space<vmem_shared>>
    %dma_wait3A_216 = arith.constant 0 : i32
    %dma_wait3A_217 = tpu.memref_slice %arg12[%mul3A_5, %dma_wait3A_216] : memref<10240x64xf32, #tpu.memory_space<vmem_shared>> -> memref<80x64xf32, #tpu.memory_space<vmem_shared>>
    %dma_wait3A_218 = arith.constant 0 : i32
    %dma_wait3A_219 = arith.constant 0 : i32
    %dma_wait3A_220 = tpu.memref_slice %arg8[%dma_wait3A_209, %dma_wait3A_218, %dma_wait3A_219] : memref<8x80x64xf32, #tpu.memory_space<vmem>> -> memref<1x80x64xf32, #tpu.memory_space<vmem>>
    %dma_wait3A_221 = tpu.memref_squeeze %dma_wait3A_220 : memref<1x80x64xf32, #tpu.memory_space<vmem>> -> memref<80x64xf32, #tpu.memory_space<vmem>>
    tpu.wait_dma2 semaphore(%arg10 : memref<!tpu.dma_semaphore, #tpu.memory_space<semaphore_mem>>) src(%dma_wait3A_221 : memref<80x64xf32, #tpu.memory_space<vmem>>) dst(%dma_wait3A_217 : memref<80x64xf32, #tpu.memory_space<vmem_shared>>)
    %dma_wait3A_222 = arith.constant 0 : i32
    %dma_wait3A_223 = arith.constant 0 : i32
    %dma_wait3A_224 = arith.constant 0 : i32
    %dma_wait3A_225 = tpu.memref_slice %arg8[%dma_wait3A_222, %dma_wait3A_223, %dma_wait3A_224] : memref<8x80x64xf32, #tpu.memory_space<vmem>> -> memref<1x80x64xf32, #tpu.memory_space<vmem>>
    %dma_wait3A_226 = tpu.memref_squeeze %dma_wait3A_225 : memref<1x80x64xf32, #tpu.memory_space<vmem>> -> memref<80x64xf32, #tpu.memory_space<vmem>>
    %dma_wait3A_227 = arith.constant 0 : i32
    %dma_wait3A_228 = tpu.memref_slice %arg12[%mul3A_5, %dma_wait3A_227] : memref<10240x64xf32, #tpu.memory_space<vmem_shared>> -> memref<80x64xf32, #tpu.memory_space<vmem_shared>>
    %dma_wait3A_229 = arith.constant 0 : i32
    %dma_wait3A_230 = tpu.memref_slice %arg12[%mul3A_5, %dma_wait3A_229] : memref<10240x64xf32, #tpu.memory_space<vmem_shared>> -> memref<80x64xf32, #tpu.memory_space<vmem_shared>>
    %dma_wait3A_231 = arith.constant 0 : i32
    %dma_wait3A_232 = arith.constant 0 : i32
    %dma_wait3A_233 = tpu.memref_slice %arg8[%dma_wait3A_222, %dma_wait3A_231, %dma_wait3A_232] : memref<8x80x64xf32, #tpu.memory_space<vmem>> -> memref<1x80x64xf32, #tpu.memory_space<vmem>>
    %dma_wait3A_234 = tpu.memref_squeeze %dma_wait3A_233 : memref<1x80x64xf32, #tpu.memory_space<vmem>> -> memref<80x64xf32, #tpu.memory_space<vmem>>
    tpu.wait_dma2 semaphore(%arg10 : memref<!tpu.dma_semaphore, #tpu.memory_space<semaphore_mem>>) src(%dma_wait3A_234 : memref<80x64xf32, #tpu.memory_space<vmem>>) dst(%dma_wait3A_230 : memref<80x64xf32, #tpu.memory_space<vmem_shared>>)
    %barrier3A = arith.constant 0 : index
    tpu.barrier barrier_id(%barrier3A)
    %scan3A_235 = arith.constant 0 : i32
    %scan3A_236 = arith.constant 0 : i32
    %scan3A_237 = arith.constant 25 : i32
    %scan3A_238 = arith.addi %scan3A_236, %scan3A_237 : i32
    %scan3A_239 = arith.constant 1 : i32
    scf.for %scan3A_468 = %scan3A_236 to %scan3A_238 step %scan3A_239  : i32 {
      %rem3A = arith.constant 3 : i32
      %rem3A_469 = arith.remsi %scan3A_468, %rem3A : i32
      %add3A_470 = arith.constant 1 : i32
      %add3A_471 = arith.addi %scan3A_468, %add3A_470 : i32
      %rem3A_472 = arith.constant 3 : i32
      %rem3A_473 = arith.remsi %add3A_471, %rem3A_472 : i32
      %add3A_474 = arith.constant 2 : i32
      %add3A_475 = arith.addi %scan3A_468, %add3A_474 : i32
      %rem3A_476 = arith.constant 3 : i32
      %rem3A_477 = arith.remsi %add3A_475, %rem3A_476 : i32
      %add3A_478 = arith.constant 1 : i32
      %add3A_479 = arith.addi %scan3A_468, %add3A_478 : i32
      %lt3A = arith.constant 25 : i32
      %lt3A_480 = arith.cmpi slt, %add3A_479, %lt3A : i32
      %convert_element_type3A = arith.extui %lt3A_480 : i1 to i32
      %cond3A = arith.constant 0 : i32
      %cond3A_481 = arith.cmpi ne, %convert_element_type3A, %cond3A : i32
      scf.if %cond3A_481 {
        %add3A_495 = arith.constant 1 : i32
        %add3A_496 = arith.addi %scan3A_468, %add3A_495 : i32
        %dma_start3A_497 = arith.constant 0 : i32
        %dma_start3A_498 = arith.constant 0 : i32
        %dma_start3A_499 = tpu.memref_slice %arg6[%rem3A_473, %dma_start3A_497, %dma_start3A_498] : memref<3x5x80xi32, #tpu.memory_space<vmem>> -> memref<1x5x80xi32, #tpu.memory_space<vmem>>
        %dma_start3A_500 = tpu.memref_squeeze %dma_start3A_499 : memref<1x5x80xi32, #tpu.memory_space<vmem>> -> memref<5x80xi32, #tpu.memory_space<vmem>>
        %dma_start3A_501 = arith.constant 0 : i32
        %dma_start3A_502 = arith.constant 0 : i32
        %dma_start3A_503 = tpu.memref_slice %arg3[%add3A, %add3A_496, %dma_start3A_501, %dma_start3A_502] : memref<32x25x5x80xi32, #tpu.memory_space<hbm>> -> memref<1x1x5x80xi32, #tpu.memory_space<hbm>>
        %dma_start3A_504 = tpu.memref_squeeze %dma_start3A_503 : memref<1x1x5x80xi32, #tpu.memory_space<hbm>> -> memref<5x80xi32, #tpu.memory_space<hbm>>
        %dma_start3A_505 = arith.constant 0 : i32
        %dma_start3A_506 = arith.constant 0 : i32
        %dma_start3A_507 = tpu.memref_slice %arg6[%rem3A_473, %dma_start3A_505, %dma_start3A_506] : memref<3x5x80xi32, #tpu.memory_space<vmem>> -> memref<1x5x80xi32, #tpu.memory_space<vmem>>
        %dma_start3A_508 = tpu.memref_squeeze %dma_start3A_507 : memref<1x5x80xi32, #tpu.memory_space<vmem>> -> memref<5x80xi32, #tpu.memory_space<vmem>>
        %dma_start3A_509 = arith.constant 0 : i32
        %dma_start3A_510 = arith.constant 0 : i32
        %dma_start3A_511 = tpu.memref_slice %arg3[%add3A, %add3A_496, %dma_start3A_509, %dma_start3A_510] : memref<32x25x5x80xi32, #tpu.memory_space<hbm>> -> memref<1x1x5x80xi32, #tpu.memory_space<hbm>>
        %dma_start3A_512 = tpu.memref_squeeze %dma_start3A_511 : memref<1x1x5x80xi32, #tpu.memory_space<hbm>> -> memref<5x80xi32, #tpu.memory_space<hbm>>
        tpu.enqueue_dma source(%dma_start3A_512 : memref<5x80xi32, #tpu.memory_space<hbm>>) target(%dma_start3A_508 : memref<5x80xi32, #tpu.memory_space<vmem>>) target_semaphore(%arg11 : memref<!tpu.dma_semaphore, #tpu.memory_space<semaphore_mem>>)
        %add3A_513 = arith.constant 1 : i32
        %add3A_514 = arith.addi %scan3A_468, %add3A_513 : i32
        %dma_start3A_515 = arith.constant 0 : i32
        %dma_start3A_516 = arith.constant 0 : i32
        %dma_start3A_517 = tpu.memref_slice %arg7[%rem3A_473, %dma_start3A_515, %dma_start3A_516] : memref<3x5x80xi32, #tpu.memory_space<vmem>> -> memref<1x5x80xi32, #tpu.memory_space<vmem>>
        %dma_start3A_518 = tpu.memref_squeeze %dma_start3A_517 : memref<1x5x80xi32, #tpu.memory_space<vmem>> -> memref<5x80xi32, #tpu.memory_space<vmem>>
        %dma_start3A_519 = arith.constant 0 : i32
        %dma_start3A_520 = arith.constant 0 : i32
        %dma_start3A_521 = tpu.memref_slice %arg4[%add3A, %add3A_514, %dma_start3A_519, %dma_start3A_520] : memref<32x25x5x80xi32, #tpu.memory_space<hbm>> -> memref<1x1x5x80xi32, #tpu.memory_space<hbm>>
        %dma_start3A_522 = tpu.memref_squeeze %dma_start3A_521 : memref<1x1x5x80xi32, #tpu.memory_space<hbm>> -> memref<5x80xi32, #tpu.memory_space<hbm>>
        %dma_start3A_523 = arith.constant 0 : i32
        %dma_start3A_524 = arith.constant 0 : i32
        %dma_start3A_525 = tpu.memref_slice %arg7[%rem3A_473, %dma_start3A_523, %dma_start3A_524] : memref<3x5x80xi32, #tpu.memory_space<vmem>> -> memref<1x5x80xi32, #tpu.memory_space<vmem>>
        %dma_start3A_526 = tpu.memref_squeeze %dma_start3A_525 : memref<1x5x80xi32, #tpu.memory_space<vmem>> -> memref<5x80xi32, #tpu.memory_space<vmem>>
        %dma_start3A_527 = arith.constant 0 : i32
        %dma_start3A_528 = arith.constant 0 : i32
        %dma_start3A_529 = tpu.memref_slice %arg4[%add3A, %add3A_514, %dma_start3A_527, %dma_start3A_528] : memref<32x25x5x80xi32, #tpu.memory_space<hbm>> -> memref<1x1x5x80xi32, #tpu.memory_space<hbm>>
        %dma_start3A_530 = tpu.memref_squeeze %dma_start3A_529 : memref<1x1x5x80xi32, #tpu.memory_space<hbm>> -> memref<5x80xi32, #tpu.memory_space<hbm>>
        tpu.enqueue_dma source(%dma_start3A_530 : memref<5x80xi32, #tpu.memory_space<hbm>>) target(%dma_start3A_526 : memref<5x80xi32, #tpu.memory_space<vmem>>) target_semaphore(%arg11 : memref<!tpu.dma_semaphore, #tpu.memory_space<semaphore_mem>>)
      } else {
      }
      %scan3A_482 = arith.constant 0 : i32
      %scan3A_483 = arith.constant 0 : i32
      %scan3A_484 = arith.constant 5 : i32
      %scan3A_485 = arith.addi %scan3A_483, %scan3A_484 : i32
      %scan3A_486 = arith.constant 1 : i32
      scf.for %scan3A_495 = %scan3A_483 to %scan3A_485 step %scan3A_486  : i32 {
        %mul3A_496 = arith.constant 5 : i32
        %mul3A_497 = arith.muli %scan3A_468, %mul3A_496 : i32
        %add3A_498 = arith.addi %mul3A_497, %scan3A_495 : i32
        %rem3A_499 = arith.constant 8 : i32
        %rem3A_500 = arith.remsi %add3A_498, %rem3A_499 : i32
        %add3A_501 = arith.constant 8 : i32
        %add3A_502 = arith.addi %add3A_498, %add3A_501 : i32
        %sub3A = arith.constant 1 : i32
        %sub3A_503 = arith.subi %add3A_502, %sub3A : i32
        %rem3A_504 = arith.constant 8 : i32
        %rem3A_505 = arith.remsi %sub3A_503, %rem3A_504 : i32
        %ge3A = arith.constant 8 : i32
        %ge3A_506 = arith.cmpi sge, %add3A_498, %ge3A : i32
        %convert_element_type3A_507 = arith.extui %ge3A_506 : i1 to i32
        %cond3A_508 = arith.constant 0 : i32
        %cond3A_509 = arith.cmpi ne, %convert_element_type3A_507, %cond3A_508 : i32
        scf.if %cond3A_509 {
          %dma_wait3A_525 = arith.constant 0 : i32
          %dma_wait3A_526 = arith.constant 0 : i32
          %dma_wait3A_527 = arith.constant 0 : i32
          %dma_wait3A_528 = arith.constant 0 : i32
          %dma_wait3A_529 = tpu.memref_slice %arg8[%rem3A_500, %dma_wait3A_527, %dma_wait3A_528] : memref<8x80x64xf32, #tpu.memory_space<vmem>> -> memref<1x80x64xf32, #tpu.memory_space<vmem>>
          %dma_wait3A_530 = tpu.memref_squeeze %dma_wait3A_529 : memref<1x80x64xf32, #tpu.memory_space<vmem>> -> memref<80x64xf32, #tpu.memory_space<vmem>>
          %dma_wait3A_531 = arith.constant 0 : i32
          %dma_wait3A_532 = tpu.memref_slice %arg7[%dma_wait3A_525, %dma_wait3A_526, %dma_wait3A_531] : memref<3x5x80xi32, #tpu.memory_space<vmem>> -> memref<1x1x80xi32, #tpu.memory_space<vmem>>
          %dma_wait3A_533 = tpu.memref_squeeze %dma_wait3A_532 : memref<1x1x80xi32, #tpu.memory_space<vmem>> -> memref<80xi32, #tpu.memory_space<vmem>>
          %dma_wait3A_534 = arith.constant 0 : i32
          %dma_wait3A_535 = arith.constant 0 : i32
          %dma_wait3A_536 = tpu.memref_slice %arg12[%dma_wait3A_534, %dma_wait3A_535] : memref<10240x64xf32, #tpu.memory_space<vmem_shared>> -> memref<10240x64xf32, #tpu.memory_space<vmem_shared>>
          tpu.wait_indirect_dma semaphore(%arg10 : memref<!tpu.dma_semaphore, #tpu.memory_space<semaphore_mem>>) src(%dma_wait3A_530 : memref<80x64xf32, #tpu.memory_space<vmem>>) dst(%dma_wait3A_536 : memref<10240x64xf32, #tpu.memory_space<vmem_shared>>)
        } else {
        }
        %dma_start3A_510 = arith.constant 0 : i32
        %dma_start3A_511 = arith.constant 0 : i32
        %dma_start3A_512 = tpu.memref_slice %arg8[%rem3A_500, %dma_start3A_510, %dma_start3A_511] : memref<8x80x64xf32, #tpu.memory_space<vmem>> -> memref<1x80x64xf32, #tpu.memory_space<vmem>>
        %dma_start3A_513 = tpu.memref_squeeze %dma_start3A_512 : memref<1x80x64xf32, #tpu.memory_space<vmem>> -> memref<80x64xf32, #tpu.memory_space<vmem>>
        %dma_start3A_514 = arith.constant 0 : i32
        %dma_start3A_515 = tpu.memref_slice %arg6[%rem3A_469, %scan3A_495, %dma_start3A_514] : memref<3x5x80xi32, #tpu.memory_space<vmem>> -> memref<1x1x80xi32, #tpu.memory_space<vmem>>
        %dma_start3A_516 = tpu.memref_squeeze %dma_start3A_515 : memref<1x1x80xi32, #tpu.memory_space<vmem>> -> memref<80xi32, #tpu.memory_space<vmem>>
        %dma_start3A_517 = arith.constant 0 : i32
        %dma_start3A_518 = arith.constant 0 : i32
        %dma_start3A_519 = tpu.memref_slice %arg2[%dma_start3A_517, %dma_start3A_518] : memref<10000x64xf32, #tpu.memory_space<hbm>> -> memref<10000x64xf32, #tpu.memory_space<hbm>>
        tpu.enqueue_indirect_dma source(%dma_start3A_519 : memref<10000x64xf32, #tpu.memory_space<hbm>>) target(%dma_start3A_513 : memref<80x64xf32, #tpu.memory_space<vmem>>) offsets(%dma_start3A_516 : memref<80xi32, #tpu.memory_space<vmem>>) semaphore(%arg9 : memref<!tpu.dma_semaphore, #tpu.memory_space<semaphore_mem>>)
        %ge3A_520 = arith.constant 1 : i32
        %ge3A_521 = arith.cmpi sge, %add3A_498, %ge3A_520 : i32
        %convert_element_type3A_522 = arith.extui %ge3A_521 : i1 to i32
        %cond3A_523 = arith.constant 0 : i32
        %cond3A_524 = arith.cmpi ne, %convert_element_type3A_522, %cond3A_523 : i32
        scf.if %cond3A_524 {
          %dma_wait3A_525 = arith.constant 0 : i32
          %dma_wait3A_526 = arith.constant 0 : i32
          %dma_wait3A_527 = arith.constant 0 : i32
          %dma_wait3A_528 = arith.constant 0 : i32
          %dma_wait3A_529 = tpu.memref_slice %arg8[%rem3A_505, %dma_wait3A_527, %dma_wait3A_528] : memref<8x80x64xf32, #tpu.memory_space<vmem>> -> memref<1x80x64xf32, #tpu.memory_space<vmem>>
          %dma_wait3A_530 = tpu.memref_squeeze %dma_wait3A_529 : memref<1x80x64xf32, #tpu.memory_space<vmem>> -> memref<80x64xf32, #tpu.memory_space<vmem>>
          %dma_wait3A_531 = arith.constant 0 : i32
          %dma_wait3A_532 = tpu.memref_slice %arg6[%dma_wait3A_525, %dma_wait3A_526, %dma_wait3A_531] : memref<3x5x80xi32, #tpu.memory_space<vmem>> -> memref<1x1x80xi32, #tpu.memory_space<vmem>>
          %dma_wait3A_533 = tpu.memref_squeeze %dma_wait3A_532 : memref<1x1x80xi32, #tpu.memory_space<vmem>> -> memref<80xi32, #tpu.memory_space<vmem>>
          %dma_wait3A_534 = arith.constant 0 : i32
          %dma_wait3A_535 = arith.constant 0 : i32
          %dma_wait3A_536 = tpu.memref_slice %arg2[%dma_wait3A_534, %dma_wait3A_535] : memref<10000x64xf32, #tpu.memory_space<hbm>> -> memref<10000x64xf32, #tpu.memory_space<hbm>>
          tpu.wait_indirect_dma semaphore(%arg9 : memref<!tpu.dma_semaphore, #tpu.memory_space<semaphore_mem>>) src(%dma_wait3A_536 : memref<10000x64xf32, #tpu.memory_space<hbm>>) dst(%dma_wait3A_530 : memref<80x64xf32, #tpu.memory_space<vmem>>)
          %eq3A = arith.constant 0 : i32
          %eq3A_537 = arith.cmpi eq, %scan3A_495, %eq3A : i32
          %sub3A_538 = arith.constant 1 : i32
          %sub3A_539 = arith.subi %scan3A_495, %sub3A_538 : i32
          %select_n3A = arith.constant 4 : i32
          %select_n3A_540 = arith.select %eq3A_537, %select_n3A, %sub3A_539 : i32
          %eq3A_541 = arith.constant 0 : i32
          %eq3A_542 = arith.cmpi eq, %scan3A_495, %eq3A_541 : i32
          %select_n3A_543 = arith.select %eq3A_542, %rem3A_477, %rem3A_469 : i32
          %dma_start3A_544 = arith.constant 0 : i32
          %dma_start3A_545 = arith.constant 0 : i32
          %dma_start3A_546 = tpu.memref_slice %arg8[%rem3A_505, %dma_start3A_544, %dma_start3A_545] : memref<8x80x64xf32, #tpu.memory_space<vmem>> -> memref<1x80x64xf32, #tpu.memory_space<vmem>>
          %dma_start3A_547 = tpu.memref_squeeze %dma_start3A_546 : memref<1x80x64xf32, #tpu.memory_space<vmem>> -> memref<80x64xf32, #tpu.memory_space<vmem>>
          %dma_start3A_548 = arith.constant 0 : i32
          %dma_start3A_549 = tpu.memref_slice %arg7[%select_n3A_543, %select_n3A_540, %dma_start3A_548] : memref<3x5x80xi32, #tpu.memory_space<vmem>> -> memref<1x1x80xi32, #tpu.memory_space<vmem>>
          %dma_start3A_550 = tpu.memref_squeeze %dma_start3A_549 : memref<1x1x80xi32, #tpu.memory_space<vmem>> -> memref<80xi32, #tpu.memory_space<vmem>>
          %dma_start3A_551 = arith.constant 0 : i32
          %dma_start3A_552 = arith.constant 0 : i32
          %dma_start3A_553 = tpu.memref_slice %arg12[%dma_start3A_551, %dma_start3A_552] : memref<10240x64xf32, #tpu.memory_space<vmem_shared>> -> memref<10240x64xf32, #tpu.memory_space<vmem_shared>>
          tpu.enqueue_indirect_dma source(%dma_start3A_547 : memref<80x64xf32, #tpu.memory_space<vmem>>) target(%dma_start3A_553 : memref<10240x64xf32, #tpu.memory_space<vmem_shared>>) offsets(%dma_start3A_550 : memref<80xi32, #tpu.memory_space<vmem>>) semaphore(%arg10 : memref<!tpu.dma_semaphore, #tpu.memory_space<semaphore_mem>>) {add = true}
        } else {
        }
      }
      %scan3A_487 = arith.constant 5 : i32
      %add3A_488 = arith.constant 1 : i32
      %add3A_489 = arith.addi %scan3A_468, %add3A_488 : i32
      %lt3A_490 = arith.constant 25 : i32
      %lt3A_491 = arith.cmpi slt, %add3A_489, %lt3A_490 : i32
      %convert_element_type3A_492 = arith.extui %lt3A_491 : i1 to i32
      %cond3A_493 = arith.constant 0 : i32
      %cond3A_494 = arith.cmpi ne, %convert_element_type3A_492, %cond3A_493 : i32
      scf.if %cond3A_494 {
        %dma_wait3A_495 = arith.constant 0 : i32
        %dma_wait3A_496 = arith.constant 0 : i32
        %dma_wait3A_497 = arith.constant 0 : i32
        %dma_wait3A_498 = tpu.memref_slice %arg6[%rem3A_473, %dma_wait3A_496, %dma_wait3A_497] : memref<3x5x80xi32, #tpu.memory_space<vmem>> -> memref<1x5x80xi32, #tpu.memory_space<vmem>>
        %dma_wait3A_499 = tpu.memref_squeeze %dma_wait3A_498 : memref<1x5x80xi32, #tpu.memory_space<vmem>> -> memref<5x80xi32, #tpu.memory_space<vmem>>
        %dma_wait3A_500 = arith.constant 0 : i32
        %dma_wait3A_501 = arith.constant 0 : i32
        %dma_wait3A_502 = tpu.memref_slice %arg3[%add3A, %dma_wait3A_495, %dma_wait3A_500, %dma_wait3A_501] : memref<32x25x5x80xi32, #tpu.memory_space<hbm>> -> memref<1x1x5x80xi32, #tpu.memory_space<hbm>>
        %dma_wait3A_503 = tpu.memref_squeeze %dma_wait3A_502 : memref<1x1x5x80xi32, #tpu.memory_space<hbm>> -> memref<5x80xi32, #tpu.memory_space<hbm>>
        %dma_wait3A_504 = arith.constant 0 : i32
        %dma_wait3A_505 = arith.constant 0 : i32
        %dma_wait3A_506 = tpu.memref_slice %arg6[%rem3A_473, %dma_wait3A_504, %dma_wait3A_505] : memref<3x5x80xi32, #tpu.memory_space<vmem>> -> memref<1x5x80xi32, #tpu.memory_space<vmem>>
        %dma_wait3A_507 = tpu.memref_squeeze %dma_wait3A_506 : memref<1x5x80xi32, #tpu.memory_space<vmem>> -> memref<5x80xi32, #tpu.memory_space<vmem>>
        %dma_wait3A_508 = arith.constant 0 : i32
        %dma_wait3A_509 = arith.constant 0 : i32
        %dma_wait3A_510 = tpu.memref_slice %arg3[%add3A, %dma_wait3A_495, %dma_wait3A_508, %dma_wait3A_509] : memref<32x25x5x80xi32, #tpu.memory_space<hbm>> -> memref<1x1x5x80xi32, #tpu.memory_space<hbm>>
        %dma_wait3A_511 = tpu.memref_squeeze %dma_wait3A_510 : memref<1x1x5x80xi32, #tpu.memory_space<hbm>> -> memref<5x80xi32, #tpu.memory_space<hbm>>
        tpu.wait_dma2 semaphore(%arg11 : memref<!tpu.dma_semaphore, #tpu.memory_space<semaphore_mem>>) src(%dma_wait3A_511 : memref<5x80xi32, #tpu.memory_space<hbm>>) dst(%dma_wait3A_507 : memref<5x80xi32, #tpu.memory_space<vmem>>)
        %dma_wait3A_512 = arith.constant 0 : i32
        %dma_wait3A_513 = arith.constant 0 : i32
        %dma_wait3A_514 = arith.constant 0 : i32
        %dma_wait3A_515 = tpu.memref_slice %arg7[%rem3A_473, %dma_wait3A_513, %dma_wait3A_514] : memref<3x5x80xi32, #tpu.memory_space<vmem>> -> memref<1x5x80xi32, #tpu.memory_space<vmem>>
        %dma_wait3A_516 = tpu.memref_squeeze %dma_wait3A_515 : memref<1x5x80xi32, #tpu.memory_space<vmem>> -> memref<5x80xi32, #tpu.memory_space<vmem>>
        %dma_wait3A_517 = arith.constant 0 : i32
        %dma_wait3A_518 = arith.constant 0 : i32
        %dma_wait3A_519 = tpu.memref_slice %arg4[%add3A, %dma_wait3A_512, %dma_wait3A_517, %dma_wait3A_518] : memref<32x25x5x80xi32, #tpu.memory_space<hbm>> -> memref<1x1x5x80xi32, #tpu.memory_space<hbm>>
        %dma_wait3A_520 = tpu.memref_squeeze %dma_wait3A_519 : memref<1x1x5x80xi32, #tpu.memory_space<hbm>> -> memref<5x80xi32, #tpu.memory_space<hbm>>
        %dma_wait3A_521 = arith.constant 0 : i32
        %dma_wait3A_522 = arith.constant 0 : i32
        %dma_wait3A_523 = tpu.memref_slice %arg7[%rem3A_473, %dma_wait3A_521, %dma_wait3A_522] : memref<3x5x80xi32, #tpu.memory_space<vmem>> -> memref<1x5x80xi32, #tpu.memory_space<vmem>>
        %dma_wait3A_524 = tpu.memref_squeeze %dma_wait3A_523 : memref<1x5x80xi32, #tpu.memory_space<vmem>> -> memref<5x80xi32, #tpu.memory_space<vmem>>
        %dma_wait3A_525 = arith.constant 0 : i32
        %dma_wait3A_526 = arith.constant 0 : i32
        %dma_wait3A_527 = tpu.memref_slice %arg4[%add3A, %dma_wait3A_512, %dma_wait3A_525, %dma_wait3A_526] : memref<32x25x5x80xi32, #tpu.memory_space<hbm>> -> memref<1x1x5x80xi32, #tpu.memory_space<hbm>>
        %dma_wait3A_528 = tpu.memref_squeeze %dma_wait3A_527 : memref<1x1x5x80xi32, #tpu.memory_space<hbm>> -> memref<5x80xi32, #tpu.memory_space<hbm>>
        tpu.wait_dma2 semaphore(%arg11 : memref<!tpu.dma_semaphore, #tpu.memory_space<semaphore_mem>>) src(%dma_wait3A_528 : memref<5x80xi32, #tpu.memory_space<hbm>>) dst(%dma_wait3A_524 : memref<5x80xi32, #tpu.memory_space<vmem>>)
      } else {
      }
    }
    %scan3A_240 = arith.constant 25 : i32
    %dma_wait3A_241 = arith.constant 0 : i32
    %dma_wait3A_242 = arith.constant 0 : i32
    %dma_wait3A_243 = arith.constant 4 : i32
    %dma_wait3A_244 = arith.constant 0 : i32
    %dma_wait3A_245 = arith.constant 0 : i32
    %dma_wait3A_246 = tpu.memref_slice %arg8[%dma_wait3A_243, %dma_wait3A_244, %dma_wait3A_245] : memref<8x80x64xf32, #tpu.memory_space<vmem>> -> memref<1x80x64xf32, #tpu.memory_space<vmem>>
    %dma_wait3A_247 = tpu.memref_squeeze %dma_wait3A_246 : memref<1x80x64xf32, #tpu.memory_space<vmem>> -> memref<80x64xf32, #tpu.memory_space<vmem>>
    %dma_wait3A_248 = arith.constant 0 : i32
    %dma_wait3A_249 = tpu.memref_slice %arg6[%dma_wait3A_241, %dma_wait3A_242, %dma_wait3A_248] : memref<3x5x80xi32, #tpu.memory_space<vmem>> -> memref<1x1x80xi32, #tpu.memory_space<vmem>>
    %dma_wait3A_250 = tpu.memref_squeeze %dma_wait3A_249 : memref<1x1x80xi32, #tpu.memory_space<vmem>> -> memref<80xi32, #tpu.memory_space<vmem>>
    %dma_wait3A_251 = arith.constant 0 : i32
    %dma_wait3A_252 = arith.constant 0 : i32
    %dma_wait3A_253 = tpu.memref_slice %arg2[%dma_wait3A_251, %dma_wait3A_252] : memref<10000x64xf32, #tpu.memory_space<hbm>> -> memref<10000x64xf32, #tpu.memory_space<hbm>>
    tpu.wait_indirect_dma semaphore(%arg9 : memref<!tpu.dma_semaphore, #tpu.memory_space<semaphore_mem>>) src(%dma_wait3A_253 : memref<10000x64xf32, #tpu.memory_space<hbm>>) dst(%dma_wait3A_247 : memref<80x64xf32, #tpu.memory_space<vmem>>)
    %dma_start3A_254 = arith.constant 4 : i32
    %dma_start3A_255 = arith.constant 0 : i32
    %dma_start3A_256 = arith.constant 4 : i32
    %dma_start3A_257 = arith.constant 0 : i32
    %dma_start3A_258 = arith.constant 0 : i32
    %dma_start3A_259 = tpu.memref_slice %arg8[%dma_start3A_254, %dma_start3A_257, %dma_start3A_258] : memref<8x80x64xf32, #tpu.memory_space<vmem>> -> memref<1x80x64xf32, #tpu.memory_space<vmem>>
    %dma_start3A_260 = tpu.memref_squeeze %dma_start3A_259 : memref<1x80x64xf32, #tpu.memory_space<vmem>> -> memref<80x64xf32, #tpu.memory_space<vmem>>
    %dma_start3A_261 = arith.constant 0 : i32
    %dma_start3A_262 = tpu.memref_slice %arg7[%dma_start3A_255, %dma_start3A_256, %dma_start3A_261] : memref<3x5x80xi32, #tpu.memory_space<vmem>> -> memref<1x1x80xi32, #tpu.memory_space<vmem>>
    %dma_start3A_263 = tpu.memref_squeeze %dma_start3A_262 : memref<1x1x80xi32, #tpu.memory_space<vmem>> -> memref<80xi32, #tpu.memory_space<vmem>>
    %dma_start3A_264 = arith.constant 0 : i32
    %dma_start3A_265 = arith.constant 0 : i32
    %dma_start3A_266 = tpu.memref_slice %arg12[%dma_start3A_264, %dma_start3A_265] : memref<10240x64xf32, #tpu.memory_space<vmem_shared>> -> memref<10240x64xf32, #tpu.memory_space<vmem_shared>>
    tpu.enqueue_indirect_dma source(%dma_start3A_260 : memref<80x64xf32, #tpu.memory_space<vmem>>) target(%dma_start3A_266 : memref<10240x64xf32, #tpu.memory_space<vmem_shared>>) offsets(%dma_start3A_263 : memref<80xi32, #tpu.memory_space<vmem>>) semaphore(%arg10 : memref<!tpu.dma_semaphore, #tpu.memory_space<semaphore_mem>>) {add = true}
    %dma_wait3A_267 = arith.constant 0 : i32
    %dma_wait3A_268 = arith.constant 0 : i32
    %dma_wait3A_269 = arith.constant 0 : i32
    %dma_wait3A_270 = arith.constant 0 : i32
    %dma_wait3A_271 = arith.constant 0 : i32
    %dma_wait3A_272 = tpu.memref_slice %arg8[%dma_wait3A_267, %dma_wait3A_270, %dma_wait3A_271] : memref<8x80x64xf32, #tpu.memory_space<vmem>> -> memref<1x80x64xf32, #tpu.memory_space<vmem>>
    %dma_wait3A_273 = tpu.memref_squeeze %dma_wait3A_272 : memref<1x80x64xf32, #tpu.memory_space<vmem>> -> memref<80x64xf32, #tpu.memory_space<vmem>>
    %dma_wait3A_274 = arith.constant 0 : i32
    %dma_wait3A_275 = tpu.memref_slice %arg7[%dma_wait3A_268, %dma_wait3A_269, %dma_wait3A_274] : memref<3x5x80xi32, #tpu.memory_space<vmem>> -> memref<1x1x80xi32, #tpu.memory_space<vmem>>
    %dma_wait3A_276 = tpu.memref_squeeze %dma_wait3A_275 : memref<1x1x80xi32, #tpu.memory_space<vmem>> -> memref<80xi32, #tpu.memory_space<vmem>>
    %dma_wait3A_277 = arith.constant 0 : i32
    %dma_wait3A_278 = arith.constant 0 : i32
    %dma_wait3A_279 = tpu.memref_slice %arg12[%dma_wait3A_277, %dma_wait3A_278] : memref<10240x64xf32, #tpu.memory_space<vmem_shared>> -> memref<10240x64xf32, #tpu.memory_space<vmem_shared>>
    tpu.wait_indirect_dma semaphore(%arg10 : memref<!tpu.dma_semaphore, #tpu.memory_space<semaphore_mem>>) src(%dma_wait3A_273 : memref<80x64xf32, #tpu.memory_space<vmem>>) dst(%dma_wait3A_279 : memref<10240x64xf32, #tpu.memory_space<vmem_shared>>)
    %dma_wait3A_280 = arith.constant 0 : i32
    %dma_wait3A_281 = arith.constant 0 : i32
    %dma_wait3A_282 = arith.constant 0 : i32
    %dma_wait3A_283 = arith.constant 0 : i32
    %dma_wait3A_284 = arith.constant 0 : i32
    %dma_wait3A_285 = tpu.memref_slice %arg8[%dma_wait3A_280, %dma_wait3A_283, %dma_wait3A_284] : memref<8x80x64xf32, #tpu.memory_space<vmem>> -> memref<1x80x64xf32, #tpu.memory_space<vmem>>
    %dma_wait3A_286 = tpu.memref_squeeze %dma_wait3A_285 : memref<1x80x64xf32, #tpu.memory_space<vmem>> -> memref<80x64xf32, #tpu.memory_space<vmem>>
    %dma_wait3A_287 = arith.constant 0 : i32
    %dma_wait3A_288 = tpu.memref_slice %arg7[%dma_wait3A_281, %dma_wait3A_282, %dma_wait3A_287] : memref<3x5x80xi32, #tpu.memory_space<vmem>> -> memref<1x1x80xi32, #tpu.memory_space<vmem>>
    %dma_wait3A_289 = tpu.memref_squeeze %dma_wait3A_288 : memref<1x1x80xi32, #tpu.memory_space<vmem>> -> memref<80xi32, #tpu.memory_space<vmem>>
    %dma_wait3A_290 = arith.constant 0 : i32
    %dma_wait3A_291 = arith.constant 0 : i32
    %dma_wait3A_292 = tpu.memref_slice %arg12[%dma_wait3A_290, %dma_wait3A_291] : memref<10240x64xf32, #tpu.memory_space<vmem_shared>> -> memref<10240x64xf32, #tpu.memory_space<vmem_shared>>
    tpu.wait_indirect_dma semaphore(%arg10 : memref<!tpu.dma_semaphore, #tpu.memory_space<semaphore_mem>>) src(%dma_wait3A_286 : memref<80x64xf32, #tpu.memory_space<vmem>>) dst(%dma_wait3A_292 : memref<10240x64xf32, #tpu.memory_space<vmem_shared>>)
    %dma_wait3A_293 = arith.constant 0 : i32
    %dma_wait3A_294 = arith.constant 0 : i32
    %dma_wait3A_295 = arith.constant 0 : i32
    %dma_wait3A_296 = arith.constant 0 : i32
    %dma_wait3A_297 = arith.constant 0 : i32
    %dma_wait3A_298 = tpu.memref_slice %arg8[%dma_wait3A_293, %dma_wait3A_296, %dma_wait3A_297] : memref<8x80x64xf32, #tpu.memory_space<vmem>> -> memref<1x80x64xf32, #tpu.memory_space<vmem>>
    %dma_wait3A_299 = tpu.memref_squeeze %dma_wait3A_298 : memref<1x80x64xf32, #tpu.memory_space<vmem>> -> memref<80x64xf32, #tpu.memory_space<vmem>>
    %dma_wait3A_300 = arith.constant 0 : i32
    %dma_wait3A_301 = tpu.memref_slice %arg7[%dma_wait3A_294, %dma_wait3A_295, %dma_wait3A_300] : memref<3x5x80xi32, #tpu.memory_space<vmem>> -> memref<1x1x80xi32, #tpu.memory_space<vmem>>
    %dma_wait3A_302 = tpu.memref_squeeze %dma_wait3A_301 : memref<1x1x80xi32, #tpu.memory_space<vmem>> -> memref<80xi32, #tpu.memory_space<vmem>>
    %dma_wait3A_303 = arith.constant 0 : i32
    %dma_wait3A_304 = arith.constant 0 : i32
    %dma_wait3A_305 = tpu.memref_slice %arg12[%dma_wait3A_303, %dma_wait3A_304] : memref<10240x64xf32, #tpu.memory_space<vmem_shared>> -> memref<10240x64xf32, #tpu.memory_space<vmem_shared>>
    tpu.wait_indirect_dma semaphore(%arg10 : memref<!tpu.dma_semaphore, #tpu.memory_space<semaphore_mem>>) src(%dma_wait3A_299 : memref<80x64xf32, #tpu.memory_space<vmem>>) dst(%dma_wait3A_305 : memref<10240x64xf32, #tpu.memory_space<vmem_shared>>)
    %dma_wait3A_306 = arith.constant 0 : i32
    %dma_wait3A_307 = arith.constant 0 : i32
    %dma_wait3A_308 = arith.constant 0 : i32
    %dma_wait3A_309 = arith.constant 0 : i32
    %dma_wait3A_310 = arith.constant 0 : i32
    %dma_wait3A_311 = tpu.memref_slice %arg8[%dma_wait3A_306, %dma_wait3A_309, %dma_wait3A_310] : memref<8x80x64xf32, #tpu.memory_space<vmem>> -> memref<1x80x64xf32, #tpu.memory_space<vmem>>
    %dma_wait3A_312 = tpu.memref_squeeze %dma_wait3A_311 : memref<1x80x64xf32, #tpu.memory_space<vmem>> -> memref<80x64xf32, #tpu.memory_space<vmem>>
    %dma_wait3A_313 = arith.constant 0 : i32
    %dma_wait3A_314 = tpu.memref_slice %arg7[%dma_wait3A_307, %dma_wait3A_308, %dma_wait3A_313] : memref<3x5x80xi32, #tpu.memory_space<vmem>> -> memref<1x1x80xi32, #tpu.memory_space<vmem>>
    %dma_wait3A_315 = tpu.memref_squeeze %dma_wait3A_314 : memref<1x1x80xi32, #tpu.memory_space<vmem>> -> memref<80xi32, #tpu.memory_space<vmem>>
    %dma_wait3A_316 = arith.constant 0 : i32
    %dma_wait3A_317 = arith.constant 0 : i32
    %dma_wait3A_318 = tpu.memref_slice %arg12[%dma_wait3A_316, %dma_wait3A_317] : memref<10240x64xf32, #tpu.memory_space<vmem_shared>> -> memref<10240x64xf32, #tpu.memory_space<vmem_shared>>
    tpu.wait_indirect_dma semaphore(%arg10 : memref<!tpu.dma_semaphore, #tpu.memory_space<semaphore_mem>>) src(%dma_wait3A_312 : memref<80x64xf32, #tpu.memory_space<vmem>>) dst(%dma_wait3A_318 : memref<10240x64xf32, #tpu.memory_space<vmem_shared>>)
    %dma_wait3A_319 = arith.constant 0 : i32
    %dma_wait3A_320 = arith.constant 0 : i32
    %dma_wait3A_321 = arith.constant 0 : i32
    %dma_wait3A_322 = arith.constant 0 : i32
    %dma_wait3A_323 = arith.constant 0 : i32
    %dma_wait3A_324 = tpu.memref_slice %arg8[%dma_wait3A_319, %dma_wait3A_322, %dma_wait3A_323] : memref<8x80x64xf32, #tpu.memory_space<vmem>> -> memref<1x80x64xf32, #tpu.memory_space<vmem>>
    %dma_wait3A_325 = tpu.memref_squeeze %dma_wait3A_324 : memref<1x80x64xf32, #tpu.memory_space<vmem>> -> memref<80x64xf32, #tpu.memory_space<vmem>>
    %dma_wait3A_326 = arith.constant 0 : i32
    %dma_wait3A_327 = tpu.memref_slice %arg7[%dma_wait3A_320, %dma_wait3A_321, %dma_wait3A_326] : memref<3x5x80xi32, #tpu.memory_space<vmem>> -> memref<1x1x80xi32, #tpu.memory_space<vmem>>
    %dma_wait3A_328 = tpu.memref_squeeze %dma_wait3A_327 : memref<1x1x80xi32, #tpu.memory_space<vmem>> -> memref<80xi32, #tpu.memory_space<vmem>>
    %dma_wait3A_329 = arith.constant 0 : i32
    %dma_wait3A_330 = arith.constant 0 : i32
    %dma_wait3A_331 = tpu.memref_slice %arg12[%dma_wait3A_329, %dma_wait3A_330] : memref<10240x64xf32, #tpu.memory_space<vmem_shared>> -> memref<10240x64xf32, #tpu.memory_space<vmem_shared>>
    tpu.wait_indirect_dma semaphore(%arg10 : memref<!tpu.dma_semaphore, #tpu.memory_space<semaphore_mem>>) src(%dma_wait3A_325 : memref<80x64xf32, #tpu.memory_space<vmem>>) dst(%dma_wait3A_331 : memref<10240x64xf32, #tpu.memory_space<vmem_shared>>)
    %dma_wait3A_332 = arith.constant 0 : i32
    %dma_wait3A_333 = arith.constant 0 : i32
    %dma_wait3A_334 = arith.constant 0 : i32
    %dma_wait3A_335 = arith.constant 0 : i32
    %dma_wait3A_336 = arith.constant 0 : i32
    %dma_wait3A_337 = tpu.memref_slice %arg8[%dma_wait3A_332, %dma_wait3A_335, %dma_wait3A_336] : memref<8x80x64xf32, #tpu.memory_space<vmem>> -> memref<1x80x64xf32, #tpu.memory_space<vmem>>
    %dma_wait3A_338 = tpu.memref_squeeze %dma_wait3A_337 : memref<1x80x64xf32, #tpu.memory_space<vmem>> -> memref<80x64xf32, #tpu.memory_space<vmem>>
    %dma_wait3A_339 = arith.constant 0 : i32
    %dma_wait3A_340 = tpu.memref_slice %arg7[%dma_wait3A_333, %dma_wait3A_334, %dma_wait3A_339] : memref<3x5x80xi32, #tpu.memory_space<vmem>> -> memref<1x1x80xi32, #tpu.memory_space<vmem>>
    %dma_wait3A_341 = tpu.memref_squeeze %dma_wait3A_340 : memref<1x1x80xi32, #tpu.memory_space<vmem>> -> memref<80xi32, #tpu.memory_space<vmem>>
    %dma_wait3A_342 = arith.constant 0 : i32
    %dma_wait3A_343 = arith.constant 0 : i32
    %dma_wait3A_344 = tpu.memref_slice %arg12[%dma_wait3A_342, %dma_wait3A_343] : memref<10240x64xf32, #tpu.memory_space<vmem_shared>> -> memref<10240x64xf32, #tpu.memory_space<vmem_shared>>
    tpu.wait_indirect_dma semaphore(%arg10 : memref<!tpu.dma_semaphore, #tpu.memory_space<semaphore_mem>>) src(%dma_wait3A_338 : memref<80x64xf32, #tpu.memory_space<vmem>>) dst(%dma_wait3A_344 : memref<10240x64xf32, #tpu.memory_space<vmem_shared>>)
    %dma_wait3A_345 = arith.constant 0 : i32
    %dma_wait3A_346 = arith.constant 0 : i32
    %dma_wait3A_347 = arith.constant 0 : i32
    %dma_wait3A_348 = arith.constant 0 : i32
    %dma_wait3A_349 = arith.constant 0 : i32
    %dma_wait3A_350 = tpu.memref_slice %arg8[%dma_wait3A_345, %dma_wait3A_348, %dma_wait3A_349] : memref<8x80x64xf32, #tpu.memory_space<vmem>> -> memref<1x80x64xf32, #tpu.memory_space<vmem>>
    %dma_wait3A_351 = tpu.memref_squeeze %dma_wait3A_350 : memref<1x80x64xf32, #tpu.memory_space<vmem>> -> memref<80x64xf32, #tpu.memory_space<vmem>>
    %dma_wait3A_352 = arith.constant 0 : i32
    %dma_wait3A_353 = tpu.memref_slice %arg7[%dma_wait3A_346, %dma_wait3A_347, %dma_wait3A_352] : memref<3x5x80xi32, #tpu.memory_space<vmem>> -> memref<1x1x80xi32, #tpu.memory_space<vmem>>
    %dma_wait3A_354 = tpu.memref_squeeze %dma_wait3A_353 : memref<1x1x80xi32, #tpu.memory_space<vmem>> -> memref<80xi32, #tpu.memory_space<vmem>>
    %dma_wait3A_355 = arith.constant 0 : i32
    %dma_wait3A_356 = arith.constant 0 : i32
    %dma_wait3A_357 = tpu.memref_slice %arg12[%dma_wait3A_355, %dma_wait3A_356] : memref<10240x64xf32, #tpu.memory_space<vmem_shared>> -> memref<10240x64xf32, #tpu.memory_space<vmem_shared>>
    tpu.wait_indirect_dma semaphore(%arg10 : memref<!tpu.dma_semaphore, #tpu.memory_space<semaphore_mem>>) src(%dma_wait3A_351 : memref<80x64xf32, #tpu.memory_space<vmem>>) dst(%dma_wait3A_357 : memref<10240x64xf32, #tpu.memory_space<vmem_shared>>)
    %dma_wait3A_358 = arith.constant 0 : i32
    %dma_wait3A_359 = arith.constant 0 : i32
    %dma_wait3A_360 = arith.constant 0 : i32
    %dma_wait3A_361 = arith.constant 0 : i32
    %dma_wait3A_362 = arith.constant 0 : i32
    %dma_wait3A_363 = tpu.memref_slice %arg8[%dma_wait3A_358, %dma_wait3A_361, %dma_wait3A_362] : memref<8x80x64xf32, #tpu.memory_space<vmem>> -> memref<1x80x64xf32, #tpu.memory_space<vmem>>
    %dma_wait3A_364 = tpu.memref_squeeze %dma_wait3A_363 : memref<1x80x64xf32, #tpu.memory_space<vmem>> -> memref<80x64xf32, #tpu.memory_space<vmem>>
    %dma_wait3A_365 = arith.constant 0 : i32
    %dma_wait3A_366 = tpu.memref_slice %arg7[%dma_wait3A_359, %dma_wait3A_360, %dma_wait3A_365] : memref<3x5x80xi32, #tpu.memory_space<vmem>> -> memref<1x1x80xi32, #tpu.memory_space<vmem>>
    %dma_wait3A_367 = tpu.memref_squeeze %dma_wait3A_366 : memref<1x1x80xi32, #tpu.memory_space<vmem>> -> memref<80xi32, #tpu.memory_space<vmem>>
    %dma_wait3A_368 = arith.constant 0 : i32
    %dma_wait3A_369 = arith.constant 0 : i32
    %dma_wait3A_370 = tpu.memref_slice %arg12[%dma_wait3A_368, %dma_wait3A_369] : memref<10240x64xf32, #tpu.memory_space<vmem_shared>> -> memref<10240x64xf32, #tpu.memory_space<vmem_shared>>
    tpu.wait_indirect_dma semaphore(%arg10 : memref<!tpu.dma_semaphore, #tpu.memory_space<semaphore_mem>>) src(%dma_wait3A_364 : memref<80x64xf32, #tpu.memory_space<vmem>>) dst(%dma_wait3A_370 : memref<10240x64xf32, #tpu.memory_space<vmem_shared>>)
    %barrier3A_371 = arith.constant 0 : index
    tpu.barrier barrier_id(%barrier3A_371)
    %add3A_372 = arith.constant 0 : i32
    %add3A_373 = arith.addi %mul3A_5, %add3A_372 : i32
    %dma_start3A_374 = arith.constant 0 : i32
    %dma_start3A_375 = tpu.memref_slice %arg5[%arg0, %add3A_373, %dma_start3A_374] : memref<2x10240x64xf32, #tpu.memory_space<hbm>> -> memref<1x80x64xf32, #tpu.memory_space<hbm>>
    %dma_start3A_376 = tpu.memref_squeeze %dma_start3A_375 : memref<1x80x64xf32, #tpu.memory_space<hbm>> -> memref<80x64xf32, #tpu.memory_space<hbm>>
    %dma_start3A_377 = arith.constant 0 : i32
    %dma_start3A_378 = tpu.memref_slice %arg12[%add3A_373, %dma_start3A_377] : memref<10240x64xf32, #tpu.memory_space<vmem_shared>> -> memref<80x64xf32, #tpu.memory_space<vmem_shared>>
    tpu.enqueue_dma source(%dma_start3A_378 : memref<80x64xf32, #tpu.memory_space<vmem_shared>>) target(%dma_start3A_376 : memref<80x64xf32, #tpu.memory_space<hbm>>) target_semaphore(%arg9 : memref<!tpu.dma_semaphore, #tpu.memory_space<semaphore_mem>>)
    %add3A_379 = arith.constant 80 : i32
    %add3A_380 = arith.addi %mul3A_5, %add3A_379 : i32
    %dma_start3A_381 = arith.constant 0 : i32
    %dma_start3A_382 = tpu.memref_slice %arg5[%arg0, %add3A_380, %dma_start3A_381] : memref<2x10240x64xf32, #tpu.memory_space<hbm>> -> memref<1x80x64xf32, #tpu.memory_space<hbm>>
    %dma_start3A_383 = tpu.memref_squeeze %dma_start3A_382 : memref<1x80x64xf32, #tpu.memory_space<hbm>> -> memref<80x64xf32, #tpu.memory_space<hbm>>
    %dma_start3A_384 = arith.constant 0 : i32
    %dma_start3A_385 = tpu.memref_slice %arg12[%add3A_380, %dma_start3A_384] : memref<10240x64xf32, #tpu.memory_space<vmem_shared>> -> memref<80x64xf32, #tpu.memory_space<vmem_shared>>
    tpu.enqueue_dma source(%dma_start3A_385 : memref<80x64xf32, #tpu.memory_space<vmem_shared>>) target(%dma_start3A_383 : memref<80x64xf32, #tpu.memory_space<hbm>>) target_semaphore(%arg9 : memref<!tpu.dma_semaphore, #tpu.memory_space<semaphore_mem>>)
    %add3A_386 = arith.constant 160 : i32
    %add3A_387 = arith.addi %mul3A_5, %add3A_386 : i32
    %dma_start3A_388 = arith.constant 0 : i32
    %dma_start3A_389 = tpu.memref_slice %arg5[%arg0, %add3A_387, %dma_start3A_388] : memref<2x10240x64xf32, #tpu.memory_space<hbm>> -> memref<1x80x64xf32, #tpu.memory_space<hbm>>
    %dma_start3A_390 = tpu.memref_squeeze %dma_start3A_389 : memref<1x80x64xf32, #tpu.memory_space<hbm>> -> memref<80x64xf32, #tpu.memory_space<hbm>>
    %dma_start3A_391 = arith.constant 0 : i32
    %dma_start3A_392 = tpu.memref_slice %arg12[%add3A_387, %dma_start3A_391] : memref<10240x64xf32, #tpu.memory_space<vmem_shared>> -> memref<80x64xf32, #tpu.memory_space<vmem_shared>>
    tpu.enqueue_dma source(%dma_start3A_392 : memref<80x64xf32, #tpu.memory_space<vmem_shared>>) target(%dma_start3A_390 : memref<80x64xf32, #tpu.memory_space<hbm>>) target_semaphore(%arg9 : memref<!tpu.dma_semaphore, #tpu.memory_space<semaphore_mem>>)
    %add3A_393 = arith.constant 240 : i32
    %add3A_394 = arith.addi %mul3A_5, %add3A_393 : i32
    %dma_start3A_395 = arith.constant 0 : i32
    %dma_start3A_396 = tpu.memref_slice %arg5[%arg0, %add3A_394, %dma_start3A_395] : memref<2x10240x64xf32, #tpu.memory_space<hbm>> -> memref<1x80x64xf32, #tpu.memory_space<hbm>>
    %dma_start3A_397 = tpu.memref_squeeze %dma_start3A_396 : memref<1x80x64xf32, #tpu.memory_space<hbm>> -> memref<80x64xf32, #tpu.memory_space<hbm>>
    %dma_start3A_398 = arith.constant 0 : i32
    %dma_start3A_399 = tpu.memref_slice %arg12[%add3A_394, %dma_start3A_398] : memref<10240x64xf32, #tpu.memory_space<vmem_shared>> -> memref<80x64xf32, #tpu.memory_space<vmem_shared>>
    tpu.enqueue_dma source(%dma_start3A_399 : memref<80x64xf32, #tpu.memory_space<vmem_shared>>) target(%dma_start3A_397 : memref<80x64xf32, #tpu.memory_space<hbm>>) target_semaphore(%arg9 : memref<!tpu.dma_semaphore, #tpu.memory_space<semaphore_mem>>)
    %add3A_400 = arith.constant 320 : i32
    %add3A_401 = arith.addi %mul3A_5, %add3A_400 : i32
    %dma_start3A_402 = arith.constant 0 : i32
    %dma_start3A_403 = tpu.memref_slice %arg5[%arg0, %add3A_401, %dma_start3A_402] : memref<2x10240x64xf32, #tpu.memory_space<hbm>> -> memref<1x80x64xf32, #tpu.memory_space<hbm>>
    %dma_start3A_404 = tpu.memref_squeeze %dma_start3A_403 : memref<1x80x64xf32, #tpu.memory_space<hbm>> -> memref<80x64xf32, #tpu.memory_space<hbm>>
    %dma_start3A_405 = arith.constant 0 : i32
    %dma_start3A_406 = tpu.memref_slice %arg12[%add3A_401, %dma_start3A_405] : memref<10240x64xf32, #tpu.memory_space<vmem_shared>> -> memref<80x64xf32, #tpu.memory_space<vmem_shared>>
    tpu.enqueue_dma source(%dma_start3A_406 : memref<80x64xf32, #tpu.memory_space<vmem_shared>>) target(%dma_start3A_404 : memref<80x64xf32, #tpu.memory_space<hbm>>) target_semaphore(%arg9 : memref<!tpu.dma_semaphore, #tpu.memory_space<semaphore_mem>>)
    %add3A_407 = arith.constant 400 : i32
    %add3A_408 = arith.addi %mul3A_5, %add3A_407 : i32
    %dma_start3A_409 = arith.constant 0 : i32
    %dma_start3A_410 = tpu.memref_slice %arg5[%arg0, %add3A_408, %dma_start3A_409] : memref<2x10240x64xf32, #tpu.memory_space<hbm>> -> memref<1x80x64xf32, #tpu.memory_space<hbm>>
    %dma_start3A_411 = tpu.memref_squeeze %dma_start3A_410 : memref<1x80x64xf32, #tpu.memory_space<hbm>> -> memref<80x64xf32, #tpu.memory_space<hbm>>
    %dma_start3A_412 = arith.constant 0 : i32
    %dma_start3A_413 = tpu.memref_slice %arg12[%add3A_408, %dma_start3A_412] : memref<10240x64xf32, #tpu.memory_space<vmem_shared>> -> memref<80x64xf32, #tpu.memory_space<vmem_shared>>
    tpu.enqueue_dma source(%dma_start3A_413 : memref<80x64xf32, #tpu.memory_space<vmem_shared>>) target(%dma_start3A_411 : memref<80x64xf32, #tpu.memory_space<hbm>>) target_semaphore(%arg9 : memref<!tpu.dma_semaphore, #tpu.memory_space<semaphore_mem>>)
    %add3A_414 = arith.constant 480 : i32
    %add3A_415 = arith.addi %mul3A_5, %add3A_414 : i32
    %dma_start3A_416 = arith.constant 0 : i32
    %dma_start3A_417 = tpu.memref_slice %arg5[%arg0, %add3A_415, %dma_start3A_416] : memref<2x10240x64xf32, #tpu.memory_space<hbm>> -> memref<1x80x64xf32, #tpu.memory_space<hbm>>
    %dma_start3A_418 = tpu.memref_squeeze %dma_start3A_417 : memref<1x80x64xf32, #tpu.memory_space<hbm>> -> memref<80x64xf32, #tpu.memory_space<hbm>>
    %dma_start3A_419 = arith.constant 0 : i32
    %dma_start3A_420 = tpu.memref_slice %arg12[%add3A_415, %dma_start3A_419] : memref<10240x64xf32, #tpu.memory_space<vmem_shared>> -> memref<80x64xf32, #tpu.memory_space<vmem_shared>>
    tpu.enqueue_dma source(%dma_start3A_420 : memref<80x64xf32, #tpu.memory_space<vmem_shared>>) target(%dma_start3A_418 : memref<80x64xf32, #tpu.memory_space<hbm>>) target_semaphore(%arg9 : memref<!tpu.dma_semaphore, #tpu.memory_space<semaphore_mem>>)
    %add3A_421 = arith.constant 560 : i32
    %add3A_422 = arith.addi %mul3A_5, %add3A_421 : i32
    %dma_start3A_423 = arith.constant 0 : i32
    %dma_start3A_424 = tpu.memref_slice %arg5[%arg0, %add3A_422, %dma_start3A_423] : memref<2x10240x64xf32, #tpu.memory_space<hbm>> -> memref<1x80x64xf32, #tpu.memory_space<hbm>>
    %dma_start3A_425 = tpu.memref_squeeze %dma_start3A_424 : memref<1x80x64xf32, #tpu.memory_space<hbm>> -> memref<80x64xf32, #tpu.memory_space<hbm>>
    %dma_start3A_426 = arith.constant 0 : i32
    %dma_start3A_427 = tpu.memref_slice %arg12[%add3A_422, %dma_start3A_426] : memref<10240x64xf32, #tpu.memory_space<vmem_shared>> -> memref<80x64xf32, #tpu.memory_space<vmem_shared>>
    tpu.enqueue_dma source(%dma_start3A_427 : memref<80x64xf32, #tpu.memory_space<vmem_shared>>) target(%dma_start3A_425 : memref<80x64xf32, #tpu.memory_space<hbm>>) target_semaphore(%arg9 : memref<!tpu.dma_semaphore, #tpu.memory_space<semaphore_mem>>)
    %dma_wait3A_428 = arith.constant 0 : i32
    %dma_wait3A_429 = tpu.memref_slice %arg5[%arg0, %mul3A_5, %dma_wait3A_428] : memref<2x10240x64xf32, #tpu.memory_space<hbm>> -> memref<1x80x64xf32, #tpu.memory_space<hbm>>
    %dma_wait3A_430 = tpu.memref_squeeze %dma_wait3A_429 : memref<1x80x64xf32, #tpu.memory_space<hbm>> -> memref<80x64xf32, #tpu.memory_space<hbm>>
    %dma_wait3A_431 = arith.constant 0 : i32
    %dma_wait3A_432 = tpu.memref_slice %arg12[%mul3A_5, %dma_wait3A_431] : memref<10240x64xf32, #tpu.memory_space<vmem_shared>> -> memref<80x64xf32, #tpu.memory_space<vmem_shared>>
    tpu.wait_dma2 semaphore(%arg9 : memref<!tpu.dma_semaphore, #tpu.memory_space<semaphore_mem>>) src(%dma_wait3A_432 : memref<80x64xf32, #tpu.memory_space<vmem_shared>>) dst(%dma_wait3A_430 : memref<80x64xf32, #tpu.memory_space<hbm>>)
    %dma_wait3A_433 = arith.constant 0 : i32
    %dma_wait3A_434 = tpu.memref_slice %arg5[%arg0, %mul3A_5, %dma_wait3A_433] : memref<2x10240x64xf32, #tpu.memory_space<hbm>> -> memref<1x80x64xf32, #tpu.memory_space<hbm>>
    %dma_wait3A_435 = tpu.memref_squeeze %dma_wait3A_434 : memref<1x80x64xf32, #tpu.memory_space<hbm>> -> memref<80x64xf32, #tpu.memory_space<hbm>>
    %dma_wait3A_436 = arith.constant 0 : i32
    %dma_wait3A_437 = tpu.memref_slice %arg12[%mul3A_5, %dma_wait3A_436] : memref<10240x64xf32, #tpu.memory_space<vmem_shared>> -> memref<80x64xf32, #tpu.memory_space<vmem_shared>>
    tpu.wait_dma2 semaphore(%arg9 : memref<!tpu.dma_semaphore, #tpu.memory_space<semaphore_mem>>) src(%dma_wait3A_437 : memref<80x64xf32, #tpu.memory_space<vmem_shared>>) dst(%dma_wait3A_435 : memref<80x64xf32, #tpu.memory_space<hbm>>)
    %dma_wait3A_438 = arith.constant 0 : i32
    %dma_wait3A_439 = tpu.memref_slice %arg5[%arg0, %mul3A_5, %dma_wait3A_438] : memref<2x10240x64xf32, #tpu.memory_space<hbm>> -> memref<1x80x64xf32, #tpu.memory_space<hbm>>
    %dma_wait3A_440 = tpu.memref_squeeze %dma_wait3A_439 : memref<1x80x64xf32, #tpu.memory_space<hbm>> -> memref<80x64xf32, #tpu.memory_space<hbm>>
    %dma_wait3A_441 = arith.constant 0 : i32
    %dma_wait3A_442 = tpu.memref_slice %arg12[%mul3A_5, %dma_wait3A_441] : memref<10240x64xf32, #tpu.memory_space<vmem_shared>> -> memref<80x64xf32, #tpu.memory_space<vmem_shared>>
    tpu.wait_dma2 semaphore(%arg9 : memref<!tpu.dma_semaphore, #tpu.memory_space<semaphore_mem>>) src(%dma_wait3A_442 : memref<80x64xf32, #tpu.memory_space<vmem_shared>>) dst(%dma_wait3A_440 : memref<80x64xf32, #tpu.memory_space<hbm>>)
    %dma_wait3A_443 = arith.constant 0 : i32
    %dma_wait3A_444 = tpu.memref_slice %arg5[%arg0, %mul3A_5, %dma_wait3A_443] : memref<2x10240x64xf32, #tpu.memory_space<hbm>> -> memref<1x80x64xf32, #tpu.memory_space<hbm>>
    %dma_wait3A_445 = tpu.memref_squeeze %dma_wait3A_444 : memref<1x80x64xf32, #tpu.memory_space<hbm>> -> memref<80x64xf32, #tpu.memory_space<hbm>>
    %dma_wait3A_446 = arith.constant 0 : i32
    %dma_wait3A_447 = tpu.memref_slice %arg12[%mul3A_5, %dma_wait3A_446] : memref<10240x64xf32, #tpu.memory_space<vmem_shared>> -> memref<80x64xf32, #tpu.memory_space<vmem_shared>>
    tpu.wait_dma2 semaphore(%arg9 : memref<!tpu.dma_semaphore, #tpu.memory_space<semaphore_mem>>) src(%dma_wait3A_447 : memref<80x64xf32, #tpu.memory_space<vmem_shared>>) dst(%dma_wait3A_445 : memref<80x64xf32, #tpu.memory_space<hbm>>)
    %dma_wait3A_448 = arith.constant 0 : i32
    %dma_wait3A_449 = tpu.memref_slice %arg5[%arg0, %mul3A_5, %dma_wait3A_448] : memref<2x10240x64xf32, #tpu.memory_space<hbm>> -> memref<1x80x64xf32, #tpu.memory_space<hbm>>
    %dma_wait3A_450 = tpu.memref_squeeze %dma_wait3A_449 : memref<1x80x64xf32, #tpu.memory_space<hbm>> -> memref<80x64xf32, #tpu.memory_space<hbm>>
    %dma_wait3A_451 = arith.constant 0 : i32
    %dma_wait3A_452 = tpu.memref_slice %arg12[%mul3A_5, %dma_wait3A_451] : memref<10240x64xf32, #tpu.memory_space<vmem_shared>> -> memref<80x64xf32, #tpu.memory_space<vmem_shared>>
    tpu.wait_dma2 semaphore(%arg9 : memref<!tpu.dma_semaphore, #tpu.memory_space<semaphore_mem>>) src(%dma_wait3A_452 : memref<80x64xf32, #tpu.memory_space<vmem_shared>>) dst(%dma_wait3A_450 : memref<80x64xf32, #tpu.memory_space<hbm>>)
    %dma_wait3A_453 = arith.constant 0 : i32
    %dma_wait3A_454 = tpu.memref_slice %arg5[%arg0, %mul3A_5, %dma_wait3A_453] : memref<2x10240x64xf32, #tpu.memory_space<hbm>> -> memref<1x80x64xf32, #tpu.memory_space<hbm>>
    %dma_wait3A_455 = tpu.memref_squeeze %dma_wait3A_454 : memref<1x80x64xf32, #tpu.memory_space<hbm>> -> memref<80x64xf32, #tpu.memory_space<hbm>>
    %dma_wait3A_456 = arith.constant 0 : i32
    %dma_wait3A_457 = tpu.memref_slice %arg12[%mul3A_5, %dma_wait3A_456] : memref<10240x64xf32, #tpu.memory_space<vmem_shared>> -> memref<80x64xf32, #tpu.memory_space<vmem_shared>>
    tpu.wait_dma2 semaphore(%arg9 : memref<!tpu.dma_semaphore, #tpu.memory_space<semaphore_mem>>) src(%dma_wait3A_457 : memref<80x64xf32, #tpu.memory_space<vmem_shared>>) dst(%dma_wait3A_455 : memref<80x64xf32, #tpu.memory_space<hbm>>)
    %dma_wait3A_458 = arith.constant 0 : i32
    %dma_wait3A_459 = tpu.memref_slice %arg5[%arg0, %mul3A_5, %dma_wait3A_458] : memref<2x10240x64xf32, #tpu.memory_space<hbm>> -> memref<1x80x64xf32, #tpu.memory_space<hbm>>
    %dma_wait3A_460 = tpu.memref_squeeze %dma_wait3A_459 : memref<1x80x64xf32, #tpu.memory_space<hbm>> -> memref<80x64xf32, #tpu.memory_space<hbm>>
    %dma_wait3A_461 = arith.constant 0 : i32
    %dma_wait3A_462 = tpu.memref_slice %arg12[%mul3A_5, %dma_wait3A_461] : memref<10240x64xf32, #tpu.memory_space<vmem_shared>> -> memref<80x64xf32, #tpu.memory_space<vmem_shared>>
    tpu.wait_dma2 semaphore(%arg9 : memref<!tpu.dma_semaphore, #tpu.memory_space<semaphore_mem>>) src(%dma_wait3A_462 : memref<80x64xf32, #tpu.memory_space<vmem_shared>>) dst(%dma_wait3A_460 : memref<80x64xf32, #tpu.memory_space<hbm>>)
    %dma_wait3A_463 = arith.constant 0 : i32
    %dma_wait3A_464 = tpu.memref_slice %arg5[%arg0, %mul3A_5, %dma_wait3A_463] : memref<2x10240x64xf32, #tpu.memory_space<hbm>> -> memref<1x80x64xf32, #tpu.memory_space<hbm>>
    %dma_wait3A_465 = tpu.memref_squeeze %dma_wait3A_464 : memref<1x80x64xf32, #tpu.memory_space<hbm>> -> memref<80x64xf32, #tpu.memory_space<hbm>>
    %dma_wait3A_466 = arith.constant 0 : i32
    %dma_wait3A_467 = tpu.memref_slice %arg12[%mul3A_5, %dma_wait3A_466] : memref<10240x64xf32, #tpu.memory_space<vmem_shared>> -> memref<80x64xf32, #tpu.memory_space<vmem_shared>>
    tpu.wait_dma2 semaphore(%arg9 : memref<!tpu.dma_semaphore, #tpu.memory_space<semaphore_mem>>) src(%dma_wait3A_467 : memref<80x64xf32, #tpu.memory_space<vmem_shared>>) dst(%dma_wait3A_465 : memref<80x64xf32, #tpu.memory_space<hbm>>)
    return
  }
}

#map = affine_map<(d0, d1) -> (0, 0)>
#map1 = affine_map<(d0, d1) -> (0, 0, 0, 0)>
#map2 = affine_map<(d0, d1) -> (0, 0, 0)>
module attributes {stable_mosaic.version = 14 : i64} {
  func.func @_agg_kernel(%arg0: i32, %arg1: i32, %arg2: memref<10000x64xf32, #tpu.memory_space<hbm>>, %arg3: memref<32x25x5x80xi32, #tpu.memory_space<hbm>>, %arg4: memref<32x25x5x80xi32, #tpu.memory_space<hbm>>, %arg5: memref<2x10240x64xf32, #tpu.memory_space<hbm>>, %arg6: memref<3x5x80xi32, #tpu.memory_space<vmem>>, %arg7: memref<3x5x80xi32, #tpu.memory_space<vmem>>, %arg8: memref<8x80x64xf32, #tpu.memory_space<vmem>>, %arg9: memref<!tpu.dma_semaphore, #tpu.memory_space<semaphore_mem>>, %arg10: memref<!tpu.dma_semaphore, #tpu.memory_space<semaphore_mem>>, %arg11: memref<!tpu.dma_semaphore, #tpu.memory_space<semaphore_mem>>, %arg12: memref<10240x64xf32, #tpu.memory_space<vmem_shared>>) attributes {dimension_semantics = [#tpu.dimension_semantics<core_parallel>, #tpu.dimension_semantics<subcore_parallel>], iteration_bounds = array<i64: 2, 16>, scalar_prefetch = 0 : i64, scratch_operands = 7 : i64, tpu.core_type = #tpu.core_type<sc_vector_subcore>, window_params = [{transform_indices = #map}, {transform_indices = #map1}, {transform_indices = #map1}, {transform_indices = #map2}]} {
    %mul3A = arith.constant 16 : i32
    %mul3A_0 = arith.muli %arg0, %mul3A : i32
    %add3A = arith.addi %mul3A_0, %arg1 : i32
    %run_scoped3A = arith.constant 0 : i32
    %run_scoped3A_1 = arith.constant 0 : i32
    "tpu.region"() ({
      %run_scoped3A_468 = tpu.sem_alloc : memref<!tpu.dma_semaphore, #tpu.memory_space<semaphore_mem>>
      %dma_start3A_469 = arith.constant 0 : i32
      %dma_start3A_470 = arith.constant 0 : i32
      %dma_start3A_471 = tpu.memref_slice %arg6[%run_scoped3A_1, %dma_start3A_469, %dma_start3A_470] : memref<3x5x80xi32, #tpu.memory_space<vmem>> -> memref<1x5x80xi32, #tpu.memory_space<vmem>>
      %dma_start3A_472 = tpu.memref_squeeze %dma_start3A_471 : memref<1x5x80xi32, #tpu.memory_space<vmem>> -> memref<5x80xi32, #tpu.memory_space<vmem>>
      %dma_start3A_473 = arith.constant 0 : i32
      %dma_start3A_474 = arith.constant 0 : i32
      %dma_start3A_475 = tpu.memref_slice %arg3[%add3A, %run_scoped3A, %dma_start3A_473, %dma_start3A_474] : memref<32x25x5x80xi32, #tpu.memory_space<hbm>> -> memref<1x1x5x80xi32, #tpu.memory_space<hbm>>
      %dma_start3A_476 = tpu.memref_squeeze %dma_start3A_475 : memref<1x1x5x80xi32, #tpu.memory_space<hbm>> -> memref<5x80xi32, #tpu.memory_space<hbm>>
      %dma_start3A_477 = arith.constant 0 : i32
      %dma_start3A_478 = arith.constant 0 : i32
      %dma_start3A_479 = tpu.memref_slice %arg6[%run_scoped3A_1, %dma_start3A_477, %dma_start3A_478] : memref<3x5x80xi32, #tpu.memory_space<vmem>> -> memref<1x5x80xi32, #tpu.memory_space<vmem>>
      %dma_start3A_480 = tpu.memref_squeeze %dma_start3A_479 : memref<1x5x80xi32, #tpu.memory_space<vmem>> -> memref<5x80xi32, #tpu.memory_space<vmem>>
      %dma_start3A_481 = arith.constant 0 : i32
      %dma_start3A_482 = arith.constant 0 : i32
      %dma_start3A_483 = tpu.memref_slice %arg3[%add3A, %run_scoped3A, %dma_start3A_481, %dma_start3A_482] : memref<32x25x5x80xi32, #tpu.memory_space<hbm>> -> memref<1x1x5x80xi32, #tpu.memory_space<hbm>>
      %dma_start3A_484 = tpu.memref_squeeze %dma_start3A_483 : memref<1x1x5x80xi32, #tpu.memory_space<hbm>> -> memref<5x80xi32, #tpu.memory_space<hbm>>
      tpu.enqueue_dma source(%dma_start3A_484 : memref<5x80xi32, #tpu.memory_space<hbm>>) target(%dma_start3A_480 : memref<5x80xi32, #tpu.memory_space<vmem>>) target_semaphore(%run_scoped3A_468 : memref<!tpu.dma_semaphore, #tpu.memory_space<semaphore_mem>>)
      %dma_wait3A_485 = arith.constant 0 : i32
      %dma_wait3A_486 = arith.constant 0 : i32
      %dma_wait3A_487 = tpu.memref_slice %arg6[%run_scoped3A_1, %dma_wait3A_485, %dma_wait3A_486] : memref<3x5x80xi32, #tpu.memory_space<vmem>> -> memref<1x5x80xi32, #tpu.memory_space<vmem>>
      %dma_wait3A_488 = tpu.memref_squeeze %dma_wait3A_487 : memref<1x5x80xi32, #tpu.memory_space<vmem>> -> memref<5x80xi32, #tpu.memory_space<vmem>>
      %dma_wait3A_489 = arith.constant 0 : i32
      %dma_wait3A_490 = arith.constant 0 : i32
      %dma_wait3A_491 = tpu.memref_slice %arg3[%add3A, %run_scoped3A, %dma_wait3A_489, %dma_wait3A_490] : memref<32x25x5x80xi32, #tpu.memory_space<hbm>> -> memref<1x1x5x80xi32, #tpu.memory_space<hbm>>
      %dma_wait3A_492 = tpu.memref_squeeze %dma_wait3A_491 : memref<1x1x5x80xi32, #tpu.memory_space<hbm>> -> memref<5x80xi32, #tpu.memory_space<hbm>>
      %dma_wait3A_493 = arith.constant 0 : i32
      %dma_wait3A_494 = arith.constant 0 : i32
      %dma_wait3A_495 = tpu.memref_slice %arg6[%run_scoped3A_1, %dma_wait3A_493, %dma_wait3A_494] : memref<3x5x80xi32, #tpu.memory_space<vmem>> -> memref<1x5x80xi32, #tpu.memory_space<vmem>>
      %dma_wait3A_496 = tpu.memref_squeeze %dma_wait3A_495 : memref<1x5x80xi32, #tpu.memory_space<vmem>> -> memref<5x80xi32, #tpu.memory_space<vmem>>
      %dma_wait3A_497 = arith.constant 0 : i32
      %dma_wait3A_498 = arith.constant 0 : i32
      %dma_wait3A_499 = tpu.memref_slice %arg3[%add3A, %run_scoped3A, %dma_wait3A_497, %dma_wait3A_498] : memref<32x25x5x80xi32, #tpu.memory_space<hbm>> -> memref<1x1x5x80xi32, #tpu.memory_space<hbm>>
      %dma_wait3A_500 = tpu.memref_squeeze %dma_wait3A_499 : memref<1x1x5x80xi32, #tpu.memory_space<hbm>> -> memref<5x80xi32, #tpu.memory_space<hbm>>
      tpu.wait_dma2 semaphore(%run_scoped3A_468 : memref<!tpu.dma_semaphore, #tpu.memory_space<semaphore_mem>>) src(%dma_wait3A_500 : memref<5x80xi32, #tpu.memory_space<hbm>>) dst(%dma_wait3A_496 : memref<5x80xi32, #tpu.memory_space<vmem>>)
      tpu.yield
    }) : () -> ()
    %run_scoped3A_2 = arith.constant 0 : i32
    %run_scoped3A_3 = arith.constant 0 : i32
    "tpu.region"() ({
      %run_scoped3A_468 = tpu.sem_alloc : memref<!tpu.dma_semaphore, #tpu.memory_space<semaphore_mem>>
      %dma_start3A_469 = arith.constant 0 : i32
      %dma_start3A_470 = arith.constant 0 : i32
      %dma_start3A_471 = tpu.memref_slice %arg7[%run_scoped3A_3, %dma_start3A_469, %dma_start3A_470] : memref<3x5x80xi32, #tpu.memory_space<vmem>> -> memref<1x5x80xi32, #tpu.memory_space<vmem>>
      %dma_start3A_472 = tpu.memref_squeeze %dma_start3A_471 : memref<1x5x80xi32, #tpu.memory_space<vmem>> -> memref<5x80xi32, #tpu.memory_space<vmem>>
      %dma_start3A_473 = arith.constant 0 : i32
      %dma_start3A_474 = arith.constant 0 : i32
      %dma_start3A_475 = tpu.memref_slice %arg4[%add3A, %run_scoped3A_2, %dma_start3A_473, %dma_start3A_474] : memref<32x25x5x80xi32, #tpu.memory_space<hbm>> -> memref<1x1x5x80xi32, #tpu.memory_space<hbm>>
      %dma_start3A_476 = tpu.memref_squeeze %dma_start3A_475 : memref<1x1x5x80xi32, #tpu.memory_space<hbm>> -> memref<5x80xi32, #tpu.memory_space<hbm>>
      %dma_start3A_477 = arith.constant 0 : i32
      %dma_start3A_478 = arith.constant 0 : i32
      %dma_start3A_479 = tpu.memref_slice %arg7[%run_scoped3A_3, %dma_start3A_477, %dma_start3A_478] : memref<3x5x80xi32, #tpu.memory_space<vmem>> -> memref<1x5x80xi32, #tpu.memory_space<vmem>>
      %dma_start3A_480 = tpu.memref_squeeze %dma_start3A_479 : memref<1x5x80xi32, #tpu.memory_space<vmem>> -> memref<5x80xi32, #tpu.memory_space<vmem>>
      %dma_start3A_481 = arith.constant 0 : i32
      %dma_start3A_482 = arith.constant 0 : i32
      %dma_start3A_483 = tpu.memref_slice %arg4[%add3A, %run_scoped3A_2, %dma_start3A_481, %dma_start3A_482] : memref<32x25x5x80xi32, #tpu.memory_space<hbm>> -> memref<1x1x5x80xi32, #tpu.memory_space<hbm>>
      %dma_start3A_484 = tpu.memref_squeeze %dma_start3A_483 : memref<1x1x5x80xi32, #tpu.memory_space<hbm>> -> memref<5x80xi32, #tpu.memory_space<hbm>>
      tpu.enqueue_dma source(%dma_start3A_484 : memref<5x80xi32, #tpu.memory_space<hbm>>) target(%dma_start3A_480 : memref<5x80xi32, #tpu.memory_space<vmem>>) target_semaphore(%run_scoped3A_468 : memref<!tpu.dma_semaphore, #tpu.memory_space<semaphore_mem>>)
      %dma_wait3A_485 = arith.constant 0 : i32
      %dma_wait3A_486 = arith.constant 0 : i32
      %dma_wait3A_487 = tpu.memref_slice %arg7[%run_scoped3A_3, %dma_wait3A_485, %dma_wait3A_486] : memref<3x5x80xi32, #tpu.memory_space<vmem>> -> memref<1x5x80xi32, #tpu.memory_space<vmem>>
      %dma_wait3A_488 = tpu.memref_squeeze %dma_wait3A_487 : memref<1x5x80xi32, #tpu.memory_space<vmem>> -> memref<5x80xi32, #tpu.memory_space<vmem>>
      %dma_wait3A_489 = arith.constant 0 : i32
      %dma_wait3A_490 = arith.constant 0 : i32
      %dma_wait3A_491 = tpu.memref_slice %arg4[%add3A, %run_scoped3A_2, %dma_wait3A_489, %dma_wait3A_490] : memref<32x25x5x80xi32, #tpu.memory_space<hbm>> -> memref<1x1x5x80xi32, #tpu.memory_space<hbm>>
      %dma_wait3A_492 = tpu.memref_squeeze %dma_wait3A_491 : memref<1x1x5x80xi32, #tpu.memory_space<hbm>> -> memref<5x80xi32, #tpu.memory_space<hbm>>
      %dma_wait3A_493 = arith.constant 0 : i32
      %dma_wait3A_494 = arith.constant 0 : i32
      %dma_wait3A_495 = tpu.memref_slice %arg7[%run_scoped3A_3, %dma_wait3A_493, %dma_wait3A_494] : memref<3x5x80xi32, #tpu.memory_space<vmem>> -> memref<1x5x80xi32, #tpu.memory_space<vmem>>
      %dma_wait3A_496 = tpu.memref_squeeze %dma_wait3A_495 : memref<1x5x80xi32, #tpu.memory_space<vmem>> -> memref<5x80xi32, #tpu.memory_space<vmem>>
      %dma_wait3A_497 = arith.constant 0 : i32
      %dma_wait3A_498 = arith.constant 0 : i32
      %dma_wait3A_499 = tpu.memref_slice %arg4[%add3A, %run_scoped3A_2, %dma_wait3A_497, %dma_wait3A_498] : memref<32x25x5x80xi32, #tpu.memory_space<hbm>> -> memref<1x1x5x80xi32, #tpu.memory_space<hbm>>
      %dma_wait3A_500 = tpu.memref_squeeze %dma_wait3A_499 : memref<1x1x5x80xi32, #tpu.memory_space<hbm>> -> memref<5x80xi32, #tpu.memory_space<hbm>>
      tpu.wait_dma2 semaphore(%run_scoped3A_468 : memref<!tpu.dma_semaphore, #tpu.memory_space<semaphore_mem>>) src(%dma_wait3A_500 : memref<5x80xi32, #tpu.memory_space<hbm>>) dst(%dma_wait3A_496 : memref<5x80xi32, #tpu.memory_space<vmem>>)
      tpu.yield
    }) : () -> ()
    %mul3A_4 = arith.constant 640 : i32
    %mul3A_5 = arith.muli %arg1, %mul3A_4 : i32
    %broadcast_in_dim3A = arith.constant 0.000000e+00 : f32
    %broadcast_in_dim3A_6 = vector.broadcast %broadcast_in_dim3A : f32 to vector<16xf32>
    %scan3A = arith.constant 0 : i32
    %scan3A_7 = arith.constant 0 : i32
    %scan3A_8 = arith.constant 0 : i32
    %scan3A_9 = arith.constant 80 : i32
    %scan3A_10 = arith.addi %scan3A_8, %scan3A_9 : i32
    %scan3A_11 = arith.constant 1 : i32
    scf.for %scan3A_468 = %scan3A_8 to %scan3A_10 step %scan3A_11  : i32 {
      %swap3A = arith.constant 0 : i32
      %swap3A_469 = arith.constant 0 : i32
      %swap3A_470 = tpu.memref_slice %arg8[%scan3A_7, %swap3A, %swap3A_469] : memref<8x80x64xf32, #tpu.memory_space<vmem>> -> memref<1x80x64xf32, #tpu.memory_space<vmem>>
      %swap3A_471 = tpu.memref_squeeze %swap3A_470 : memref<1x80x64xf32, #tpu.memory_space<vmem>> -> memref<80x64xf32, #tpu.memory_space<vmem>>
      %swap3A_472 = arith.index_cast %scan3A_468 : i32 to index
      %swap3A_473 = arith.constant 0 : index
      %swap3A_474 = tpu.vector_load %swap3A_471[%swap3A_472, %swap3A_473] {strides = array<i32>} : memref<80x64xf32, #tpu.memory_space<vmem>>, vector<1x16xf32>,
      %swap3A_475 = vector.shape_cast %swap3A_474 : vector<1x16xf32> to vector<16xf32>
      %swap3A_476 = vector.shape_cast %broadcast_in_dim3A_6 : vector<16xf32> to vector<1x16xf32>
      tpu.vector_store %swap3A_471[%swap3A_472, %swap3A_473], %swap3A_476 {strides = array<i32>} : memref<80x64xf32, #tpu.memory_space<vmem>>, vector<1x16xf32>,
      %swap3A_477 = arith.constant 0 : i32
      %swap3A_478 = arith.constant 0 : i32
      %swap3A_479 = tpu.memref_slice %arg8[%scan3A_7, %swap3A_477, %swap3A_478] : memref<8x80x64xf32, #tpu.memory_space<vmem>> -> memref<1x80x64xf32, #tpu.memory_space<vmem>>
      %swap3A_480 = tpu.memref_squeeze %swap3A_479 : memref<1x80x64xf32, #tpu.memory_space<vmem>> -> memref<80x64xf32, #tpu.memory_space<vmem>>
      %swap3A_481 = arith.index_cast %scan3A_468 : i32 to index
      %swap3A_482 = arith.constant 16 : index
      %swap3A_483 = tpu.vector_load %swap3A_480[%swap3A_481, %swap3A_482] {strides = array<i32>} : memref<80x64xf32, #tpu.memory_space<vmem>>, vector<1x16xf32>,
      %swap3A_484 = vector.shape_cast %swap3A_483 : vector<1x16xf32> to vector<16xf32>
      %swap3A_485 = vector.shape_cast %broadcast_in_dim3A_6 : vector<16xf32> to vector<1x16xf32>
      tpu.vector_store %swap3A_480[%swap3A_481, %swap3A_482], %swap3A_485 {strides = array<i32>} : memref<80x64xf32, #tpu.memory_space<vmem>>, vector<1x16xf32>,
      %swap3A_486 = arith.constant 0 : i32
      %swap3A_487 = arith.constant 0 : i32
      %swap3A_488 = tpu.memref_slice %arg8[%scan3A_7, %swap3A_486, %swap3A_487] : memref<8x80x64xf32, #tpu.memory_space<vmem>> -> memref<1x80x64xf32, #tpu.memory_space<vmem>>
      %swap3A_489 = tpu.memref_squeeze %swap3A_488 : memref<1x80x64xf32, #tpu.memory_space<vmem>> -> memref<80x64xf32, #tpu.memory_space<vmem>>
      %swap3A_490 = arith.index_cast %scan3A_468 : i32 to index
      %swap3A_491 = arith.constant 32 : index
      %swap3A_492 = tpu.vector_load %swap3A_489[%swap3A_490, %swap3A_491] {strides = array<i32>} : memref<80x64xf32, #tpu.memory_space<vmem>>, vector<1x16xf32>,
      %swap3A_493 = vector.shape_cast %swap3A_492 : vector<1x16xf32> to vector<16xf32>
      %swap3A_494 = vector.shape_cast %broadcast_in_dim3A_6 : vector<16xf32> to vector<1x16xf32>
      tpu.vector_store %swap3A_489[%swap3A_490, %swap3A_491], %swap3A_494 {strides = array<i32>} : memref<80x64xf32, #tpu.memory_space<vmem>>, vector<1x16xf32>,
      %swap3A_495 = arith.constant 0 : i32
      %swap3A_496 = arith.constant 0 : i32
      %swap3A_497 = tpu.memref_slice %arg8[%scan3A_7, %swap3A_495, %swap3A_496] : memref<8x80x64xf32, #tpu.memory_space<vmem>> -> memref<1x80x64xf32, #tpu.memory_space<vmem>>
      %swap3A_498 = tpu.memref_squeeze %swap3A_497 : memref<1x80x64xf32, #tpu.memory_space<vmem>> -> memref<80x64xf32, #tpu.memory_space<vmem>>
      %swap3A_499 = arith.index_cast %scan3A_468 : i32 to index
      %swap3A_500 = arith.constant 48 : index
      %swap3A_501 = tpu.vector_load %swap3A_498[%swap3A_499, %swap3A_500] {strides = array<i32>} : memref<80x64xf32, #tpu.memory_space<vmem>>, vector<1x16xf32>,
      %swap3A_502 = vector.shape_cast %swap3A_501 : vector<1x16xf32> to vector<16xf32>
      %swap3A_503 = vector.shape_cast %broadcast_in_dim3A_6 : vector<16xf32> to vector<1x16xf32>
      tpu.vector_store %swap3A_498[%swap3A_499, %swap3A_500], %swap3A_503 {strides = array<i32>} : memref<80x64xf32, #tpu.memory_space<vmem>>, vector<1x16xf32>,
    }
    %scan3A_12 = arith.constant 80 : i32
    %add3A_13 = arith.constant 0 : i32
    %add3A_14 = arith.addi %mul3A_5, %add3A_13 : i32
    %dma_start3A = arith.constant 0 : i32
    %dma_start3A_15 = arith.constant 0 : i32
    %dma_start3A_16 = arith.constant 0 : i32
    %dma_start3A_17 = tpu.memref_slice %arg8[%dma_start3A, %dma_start3A_15, %dma_start3A_16] : memref<8x80x64xf32, #tpu.memory_space<vmem>> -> memref<1x80x64xf32, #tpu.memory_space<vmem>>
    %dma_start3A_18 = tpu.memref_squeeze %dma_start3A_17 : memref<1x80x64xf32, #tpu.memory_space<vmem>> -> memref<80x64xf32, #tpu.memory_space<vmem>>
    %dma_start3A_19 = arith.constant 0 : i32
    %dma_start3A_20 = tpu.memref_slice %arg12[%add3A_14, %dma_start3A_19] : memref<10240x64xf32, #tpu.memory_space<vmem_shared>> -> memref<80x64xf32, #tpu.memory_space<vmem_shared>>
    %dma_start3A_21 = arith.constant 0 : i32
    %dma_start3A_22 = tpu.memref_slice %arg12[%add3A_14, %dma_start3A_21] : memref<10240x64xf32, #tpu.memory_space<vmem_shared>> -> memref<80x64xf32, #tpu.memory_space<vmem_shared>>
    %dma_start3A_23 = arith.constant 0 : i32
    %dma_start3A_24 = arith.constant 0 : i32
    %dma_start3A_25 = tpu.memref_slice %arg8[%dma_start3A, %dma_start3A_23, %dma_start3A_24] : memref<8x80x64xf32, #tpu.memory_space<vmem>> -> memref<1x80x64xf32, #tpu.memory_space<vmem>>
    %dma_start3A_26 = tpu.memref_squeeze %dma_start3A_25 : memref<1x80x64xf32, #tpu.memory_space<vmem>> -> memref<80x64xf32, #tpu.memory_space<vmem>>
    tpu.enqueue_dma source(%dma_start3A_26 : memref<80x64xf32, #tpu.memory_space<vmem>>) target(%dma_start3A_22 : memref<80x64xf32, #tpu.memory_space<vmem_shared>>) target_semaphore(%arg10 : memref<!tpu.dma_semaphore, #tpu.memory_space<semaphore_mem>>)
    %add3A_27 = arith.constant 80 : i32
    %add3A_28 = arith.addi %mul3A_5, %add3A_27 : i32
    %dma_start3A_29 = arith.constant 0 : i32
    %dma_start3A_30 = arith.constant 0 : i32
    %dma_start3A_31 = arith.constant 0 : i32
    %dma_start3A_32 = tpu.memref_slice %arg8[%dma_start3A_29, %dma_start3A_30, %dma_start3A_31] : memref<8x80x64xf32, #tpu.memory_space<vmem>> -> memref<1x80x64xf32, #tpu.memory_space<vmem>>
    %dma_start3A_33 = tpu.memref_squeeze %dma_start3A_32 : memref<1x80x64xf32, #tpu.memory_space<vmem>> -> memref<80x64xf32, #tpu.memory_space<vmem>>
    %dma_start3A_34 = arith.constant 0 : i32
    %dma_start3A_35 = tpu.memref_slice %arg12[%add3A_28, %dma_start3A_34] : memref<10240x64xf32, #tpu.memory_space<vmem_shared>> -> memref<80x64xf32, #tpu.memory_space<vmem_shared>>
    %dma_start3A_36 = arith.constant 0 : i32
    %dma_start3A_37 = tpu.memref_slice %arg12[%add3A_28, %dma_start3A_36] : memref<10240x64xf32, #tpu.memory_space<vmem_shared>> -> memref<80x64xf32, #tpu.memory_space<vmem_shared>>
    %dma_start3A_38 = arith.constant 0 : i32
    %dma_start3A_39 = arith.constant 0 : i32
    %dma_start3A_40 = tpu.memref_slice %arg8[%dma_start3A_29, %dma_start3A_38, %dma_start3A_39] : memref<8x80x64xf32, #tpu.memory_space<vmem>> -> memref<1x80x64xf32, #tpu.memory_space<vmem>>
    %dma_start3A_41 = tpu.memref_squeeze %dma_start3A_40 : memref<1x80x64xf32, #tpu.memory_space<vmem>> -> memref<80x64xf32, #tpu.memory_space<vmem>>
    tpu.enqueue_dma source(%dma_start3A_41 : memref<80x64xf32, #tpu.memory_space<vmem>>) target(%dma_start3A_37 : memref<80x64xf32, #tpu.memory_space<vmem_shared>>) target_semaphore(%arg10 : memref<!tpu.dma_semaphore, #tpu.memory_space<semaphore_mem>>)
    %add3A_42 = arith.constant 160 : i32
    %add3A_43 = arith.addi %mul3A_5, %add3A_42 : i32
    %dma_start3A_44 = arith.constant 0 : i32
    %dma_start3A_45 = arith.constant 0 : i32
    %dma_start3A_46 = arith.constant 0 : i32
    %dma_start3A_47 = tpu.memref_slice %arg8[%dma_start3A_44, %dma_start3A_45, %dma_start3A_46] : memref<8x80x64xf32, #tpu.memory_space<vmem>> -> memref<1x80x64xf32, #tpu.memory_space<vmem>>
    %dma_start3A_48 = tpu.memref_squeeze %dma_start3A_47 : memref<1x80x64xf32, #tpu.memory_space<vmem>> -> memref<80x64xf32, #tpu.memory_space<vmem>>
    %dma_start3A_49 = arith.constant 0 : i32
    %dma_start3A_50 = tpu.memref_slice %arg12[%add3A_43, %dma_start3A_49] : memref<10240x64xf32, #tpu.memory_space<vmem_shared>> -> memref<80x64xf32, #tpu.memory_space<vmem_shared>>
    %dma_start3A_51 = arith.constant 0 : i32
    %dma_start3A_52 = tpu.memref_slice %arg12[%add3A_43, %dma_start3A_51] : memref<10240x64xf32, #tpu.memory_space<vmem_shared>> -> memref<80x64xf32, #tpu.memory_space<vmem_shared>>
    %dma_start3A_53 = arith.constant 0 : i32
    %dma_start3A_54 = arith.constant 0 : i32
    %dma_start3A_55 = tpu.memref_slice %arg8[%dma_start3A_44, %dma_start3A_53, %dma_start3A_54] : memref<8x80x64xf32, #tpu.memory_space<vmem>> -> memref<1x80x64xf32, #tpu.memory_space<vmem>>
    %dma_start3A_56 = tpu.memref_squeeze %dma_start3A_55 : memref<1x80x64xf32, #tpu.memory_space<vmem>> -> memref<80x64xf32, #tpu.memory_space<vmem>>
    tpu.enqueue_dma source(%dma_start3A_56 : memref<80x64xf32, #tpu.memory_space<vmem>>) target(%dma_start3A_52 : memref<80x64xf32, #tpu.memory_space<vmem_shared>>) target_semaphore(%arg10 : memref<!tpu.dma_semaphore, #tpu.memory_space<semaphore_mem>>)
    %add3A_57 = arith.constant 240 : i32
    %add3A_58 = arith.addi %mul3A_5, %add3A_57 : i32
    %dma_start3A_59 = arith.constant 0 : i32
    %dma_start3A_60 = arith.constant 0 : i32
    %dma_start3A_61 = arith.constant 0 : i32
    %dma_start3A_62 = tpu.memref_slice %arg8[%dma_start3A_59, %dma_start3A_60, %dma_start3A_61] : memref<8x80x64xf32, #tpu.memory_space<vmem>> -> memref<1x80x64xf32, #tpu.memory_space<vmem>>
    %dma_start3A_63 = tpu.memref_squeeze %dma_start3A_62 : memref<1x80x64xf32, #tpu.memory_space<vmem>> -> memref<80x64xf32, #tpu.memory_space<vmem>>
    %dma_start3A_64 = arith.constant 0 : i32
    %dma_start3A_65 = tpu.memref_slice %arg12[%add3A_58, %dma_start3A_64] : memref<10240x64xf32, #tpu.memory_space<vmem_shared>> -> memref<80x64xf32, #tpu.memory_space<vmem_shared>>
    %dma_start3A_66 = arith.constant 0 : i32
    %dma_start3A_67 = tpu.memref_slice %arg12[%add3A_58, %dma_start3A_66] : memref<10240x64xf32, #tpu.memory_space<vmem_shared>> -> memref<80x64xf32, #tpu.memory_space<vmem_shared>>
    %dma_start3A_68 = arith.constant 0 : i32
    %dma_start3A_69 = arith.constant 0 : i32
    %dma_start3A_70 = tpu.memref_slice %arg8[%dma_start3A_59, %dma_start3A_68, %dma_start3A_69] : memref<8x80x64xf32, #tpu.memory_space<vmem>> -> memref<1x80x64xf32, #tpu.memory_space<vmem>>
    %dma_start3A_71 = tpu.memref_squeeze %dma_start3A_70 : memref<1x80x64xf32, #tpu.memory_space<vmem>> -> memref<80x64xf32, #tpu.memory_space<vmem>>
    tpu.enqueue_dma source(%dma_start3A_71 : memref<80x64xf32, #tpu.memory_space<vmem>>) target(%dma_start3A_67 : memref<80x64xf32, #tpu.memory_space<vmem_shared>>) target_semaphore(%arg10 : memref<!tpu.dma_semaphore, #tpu.memory_space<semaphore_mem>>)
    %add3A_72 = arith.constant 320 : i32
    %add3A_73 = arith.addi %mul3A_5, %add3A_72 : i32
    %dma_start3A_74 = arith.constant 0 : i32
    %dma_start3A_75 = arith.constant 0 : i32
    %dma_start3A_76 = arith.constant 0 : i32
    %dma_start3A_77 = tpu.memref_slice %arg8[%dma_start3A_74, %dma_start3A_75, %dma_start3A_76] : memref<8x80x64xf32, #tpu.memory_space<vmem>> -> memref<1x80x64xf32, #tpu.memory_space<vmem>>
    %dma_start3A_78 = tpu.memref_squeeze %dma_start3A_77 : memref<1x80x64xf32, #tpu.memory_space<vmem>> -> memref<80x64xf32, #tpu.memory_space<vmem>>
    %dma_start3A_79 = arith.constant 0 : i32
    %dma_start3A_80 = tpu.memref_slice %arg12[%add3A_73, %dma_start3A_79] : memref<10240x64xf32, #tpu.memory_space<vmem_shared>> -> memref<80x64xf32, #tpu.memory_space<vmem_shared>>
    %dma_start3A_81 = arith.constant 0 : i32
    %dma_start3A_82 = tpu.memref_slice %arg12[%add3A_73, %dma_start3A_81] : memref<10240x64xf32, #tpu.memory_space<vmem_shared>> -> memref<80x64xf32, #tpu.memory_space<vmem_shared>>
    %dma_start3A_83 = arith.constant 0 : i32
    %dma_start3A_84 = arith.constant 0 : i32
    %dma_start3A_85 = tpu.memref_slice %arg8[%dma_start3A_74, %dma_start3A_83, %dma_start3A_84] : memref<8x80x64xf32, #tpu.memory_space<vmem>> -> memref<1x80x64xf32, #tpu.memory_space<vmem>>
    %dma_start3A_86 = tpu.memref_squeeze %dma_start3A_85 : memref<1x80x64xf32, #tpu.memory_space<vmem>> -> memref<80x64xf32, #tpu.memory_space<vmem>>
    tpu.enqueue_dma source(%dma_start3A_86 : memref<80x64xf32, #tpu.memory_space<vmem>>) target(%dma_start3A_82 : memref<80x64xf32, #tpu.memory_space<vmem_shared>>) target_semaphore(%arg10 : memref<!tpu.dma_semaphore, #tpu.memory_space<semaphore_mem>>)
    %add3A_87 = arith.constant 400 : i32
    %add3A_88 = arith.addi %mul3A_5, %add3A_87 : i32
    %dma_start3A_89 = arith.constant 0 : i32
    %dma_start3A_90 = arith.constant 0 : i32
    %dma_start3A_91 = arith.constant 0 : i32
    %dma_start3A_92 = tpu.memref_slice %arg8[%dma_start3A_89, %dma_start3A_90, %dma_start3A_91] : memref<8x80x64xf32, #tpu.memory_space<vmem>> -> memref<1x80x64xf32, #tpu.memory_space<vmem>>
    %dma_start3A_93 = tpu.memref_squeeze %dma_start3A_92 : memref<1x80x64xf32, #tpu.memory_space<vmem>> -> memref<80x64xf32, #tpu.memory_space<vmem>>
    %dma_start3A_94 = arith.constant 0 : i32
    %dma_start3A_95 = tpu.memref_slice %arg12[%add3A_88, %dma_start3A_94] : memref<10240x64xf32, #tpu.memory_space<vmem_shared>> -> memref<80x64xf32, #tpu.memory_space<vmem_shared>>
    %dma_start3A_96 = arith.constant 0 : i32
    %dma_start3A_97 = tpu.memref_slice %arg12[%add3A_88, %dma_start3A_96] : memref<10240x64xf32, #tpu.memory_space<vmem_shared>> -> memref<80x64xf32, #tpu.memory_space<vmem_shared>>
    %dma_start3A_98 = arith.constant 0 : i32
    %dma_start3A_99 = arith.constant 0 : i32
    %dma_start3A_100 = tpu.memref_slice %arg8[%dma_start3A_89, %dma_start3A_98, %dma_start3A_99] : memref<8x80x64xf32, #tpu.memory_space<vmem>> -> memref<1x80x64xf32, #tpu.memory_space<vmem>>
    %dma_start3A_101 = tpu.memref_squeeze %dma_start3A_100 : memref<1x80x64xf32, #tpu.memory_space<vmem>> -> memref<80x64xf32, #tpu.memory_space<vmem>>
    tpu.enqueue_dma source(%dma_start3A_101 : memref<80x64xf32, #tpu.memory_space<vmem>>) target(%dma_start3A_97 : memref<80x64xf32, #tpu.memory_space<vmem_shared>>) target_semaphore(%arg10 : memref<!tpu.dma_semaphore, #tpu.memory_space<semaphore_mem>>)
    %add3A_102 = arith.constant 480 : i32
    %add3A_103 = arith.addi %mul3A_5, %add3A_102 : i32
    %dma_start3A_104 = arith.constant 0 : i32
    %dma_start3A_105 = arith.constant 0 : i32
    %dma_start3A_106 = arith.constant 0 : i32
    %dma_start3A_107 = tpu.memref_slice %arg8[%dma_start3A_104, %dma_start3A_105, %dma_start3A_106] : memref<8x80x64xf32, #tpu.memory_space<vmem>> -> memref<1x80x64xf32, #tpu.memory_space<vmem>>
    %dma_start3A_108 = tpu.memref_squeeze %dma_start3A_107 : memref<1x80x64xf32, #tpu.memory_space<vmem>> -> memref<80x64xf32, #tpu.memory_space<vmem>>
    %dma_start3A_109 = arith.constant 0 : i32
    %dma_start3A_110 = tpu.memref_slice %arg12[%add3A_103, %dma_start3A_109] : memref<10240x64xf32, #tpu.memory_space<vmem_shared>> -> memref<80x64xf32, #tpu.memory_space<vmem_shared>>
    %dma_start3A_111 = arith.constant 0 : i32
    %dma_start3A_112 = tpu.memref_slice %arg12[%add3A_103, %dma_start3A_111] : memref<10240x64xf32, #tpu.memory_space<vmem_shared>> -> memref<80x64xf32, #tpu.memory_space<vmem_shared>>
    %dma_start3A_113 = arith.constant 0 : i32
    %dma_start3A_114 = arith.constant 0 : i32
    %dma_start3A_115 = tpu.memref_slice %arg8[%dma_start3A_104, %dma_start3A_113, %dma_start3A_114] : memref<8x80x64xf32, #tpu.memory_space<vmem>> -> memref<1x80x64xf32, #tpu.memory_space<vmem>>
    %dma_start3A_116 = tpu.memref_squeeze %dma_start3A_115 : memref<1x80x64xf32, #tpu.memory_space<vmem>> -> memref<80x64xf32, #tpu.memory_space<vmem>>
    tpu.enqueue_dma source(%dma_start3A_116 : memref<80x64xf32, #tpu.memory_space<vmem>>) target(%dma_start3A_112 : memref<80x64xf32, #tpu.memory_space<vmem_shared>>) target_semaphore(%arg10 : memref<!tpu.dma_semaphore, #tpu.memory_space<semaphore_mem>>)
    %add3A_117 = arith.constant 560 : i32
    %add3A_118 = arith.addi %mul3A_5, %add3A_117 : i32
    %dma_start3A_119 = arith.constant 0 : i32
    %dma_start3A_120 = arith.constant 0 : i32
    %dma_start3A_121 = arith.constant 0 : i32
    %dma_start3A_122 = tpu.memref_slice %arg8[%dma_start3A_119, %dma_start3A_120, %dma_start3A_121] : memref<8x80x64xf32, #tpu.memory_space<vmem>> -> memref<1x80x64xf32, #tpu.memory_space<vmem>>
    %dma_start3A_123 = tpu.memref_squeeze %dma_start3A_122 : memref<1x80x64xf32, #tpu.memory_space<vmem>> -> memref<80x64xf32, #tpu.memory_space<vmem>>
    %dma_start3A_124 = arith.constant 0 : i32
    %dma_start3A_125 = tpu.memref_slice %arg12[%add3A_118, %dma_start3A_124] : memref<10240x64xf32, #tpu.memory_space<vmem_shared>> -> memref<80x64xf32, #tpu.memory_space<vmem_shared>>
    %dma_start3A_126 = arith.constant 0 : i32
    %dma_start3A_127 = tpu.memref_slice %arg12[%add3A_118, %dma_start3A_126] : memref<10240x64xf32, #tpu.memory_space<vmem_shared>> -> memref<80x64xf32, #tpu.memory_space<vmem_shared>>
    %dma_start3A_128 = arith.constant 0 : i32
    %dma_start3A_129 = arith.constant 0 : i32
    %dma_start3A_130 = tpu.memref_slice %arg8[%dma_start3A_119, %dma_start3A_128, %dma_start3A_129] : memref<8x80x64xf32, #tpu.memory_space<vmem>> -> memref<1x80x64xf32, #tpu.memory_space<vmem>>
    %dma_start3A_131 = tpu.memref_squeeze %dma_start3A_130 : memref<1x80x64xf32, #tpu.memory_space<vmem>> -> memref<80x64xf32, #tpu.memory_space<vmem>>
    tpu.enqueue_dma source(%dma_start3A_131 : memref<80x64xf32, #tpu.memory_space<vmem>>) target(%dma_start3A_127 : memref<80x64xf32, #tpu.memory_space<vmem_shared>>) target_semaphore(%arg10 : memref<!tpu.dma_semaphore, #tpu.memory_space<semaphore_mem>>)
    %dma_wait3A = arith.constant 0 : i32
    %dma_wait3A_132 = arith.constant 0 : i32
    %dma_wait3A_133 = arith.constant 0 : i32
    %dma_wait3A_134 = tpu.memref_slice %arg8[%dma_wait3A, %dma_wait3A_132, %dma_wait3A_133] : memref<8x80x64xf32, #tpu.memory_space<vmem>> -> memref<1x80x64xf32, #tpu.memory_space<vmem>>
    %dma_wait3A_135 = tpu.memref_squeeze %dma_wait3A_134 : memref<1x80x64xf32, #tpu.memory_space<vmem>> -> memref<80x64xf32, #tpu.memory_space<vmem>>
    %dma_wait3A_136 = arith.constant 0 : i32
    %dma_wait3A_137 = tpu.memref_slice %arg12[%mul3A_5, %dma_wait3A_136] : memref<10240x64xf32, #tpu.memory_space<vmem_shared>> -> memref<80x64xf32, #tpu.memory_space<vmem_shared>>
    %dma_wait3A_138 = arith.constant 0 : i32
    %dma_wait3A_139 = tpu.memref_slice %arg12[%mul3A_5, %dma_wait3A_138] : memref<10240x64xf32, #tpu.memory_space<vmem_shared>> -> memref<80x64xf32, #tpu.memory_space<vmem_shared>>
    %dma_wait3A_140 = arith.constant 0 : i32
    %dma_wait3A_141 = arith.constant 0 : i32
    %dma_wait3A_142 = tpu.memref_slice %arg8[%dma_wait3A, %dma_wait3A_140, %dma_wait3A_141] : memref<8x80x64xf32, #tpu.memory_space<vmem>> -> memref<1x80x64xf32, #tpu.memory_space<vmem>>
    %dma_wait3A_143 = tpu.memref_squeeze %dma_wait3A_142 : memref<1x80x64xf32, #tpu.memory_space<vmem>> -> memref<80x64xf32, #tpu.memory_space<vmem>>
    tpu.wait_dma2 semaphore(%arg10 : memref<!tpu.dma_semaphore, #tpu.memory_space<semaphore_mem>>) src(%dma_wait3A_143 : memref<80x64xf32, #tpu.memory_space<vmem>>) dst(%dma_wait3A_139 : memref<80x64xf32, #tpu.memory_space<vmem_shared>>)
    %dma_wait3A_144 = arith.constant 0 : i32
    %dma_wait3A_145 = arith.constant 0 : i32
    %dma_wait3A_146 = arith.constant 0 : i32
    %dma_wait3A_147 = tpu.memref_slice %arg8[%dma_wait3A_144, %dma_wait3A_145, %dma_wait3A_146] : memref<8x80x64xf32, #tpu.memory_space<vmem>> -> memref<1x80x64xf32, #tpu.memory_space<vmem>>
    %dma_wait3A_148 = tpu.memref_squeeze %dma_wait3A_147 : memref<1x80x64xf32, #tpu.memory_space<vmem>> -> memref<80x64xf32, #tpu.memory_space<vmem>>
    %dma_wait3A_149 = arith.constant 0 : i32
    %dma_wait3A_150 = tpu.memref_slice %arg12[%mul3A_5, %dma_wait3A_149] : memref<10240x64xf32, #tpu.memory_space<vmem_shared>> -> memref<80x64xf32, #tpu.memory_space<vmem_shared>>
    %dma_wait3A_151 = arith.constant 0 : i32
    %dma_wait3A_152 = tpu.memref_slice %arg12[%mul3A_5, %dma_wait3A_151] : memref<10240x64xf32, #tpu.memory_space<vmem_shared>> -> memref<80x64xf32, #tpu.memory_space<vmem_shared>>
    %dma_wait3A_153 = arith.constant 0 : i32
    %dma_wait3A_154 = arith.constant 0 : i32
    %dma_wait3A_155 = tpu.memref_slice %arg8[%dma_wait3A_144, %dma_wait3A_153, %dma_wait3A_154] : memref<8x80x64xf32, #tpu.memory_space<vmem>> -> memref<1x80x64xf32, #tpu.memory_space<vmem>>
    %dma_wait3A_156 = tpu.memref_squeeze %dma_wait3A_155 : memref<1x80x64xf32, #tpu.memory_space<vmem>> -> memref<80x64xf32, #tpu.memory_space<vmem>>
    tpu.wait_dma2 semaphore(%arg10 : memref<!tpu.dma_semaphore, #tpu.memory_space<semaphore_mem>>) src(%dma_wait3A_156 : memref<80x64xf32, #tpu.memory_space<vmem>>) dst(%dma_wait3A_152 : memref<80x64xf32, #tpu.memory_space<vmem_shared>>)
    %dma_wait3A_157 = arith.constant 0 : i32
    %dma_wait3A_158 = arith.constant 0 : i32
    %dma_wait3A_159 = arith.constant 0 : i32
    %dma_wait3A_160 = tpu.memref_slice %arg8[%dma_wait3A_157, %dma_wait3A_158, %dma_wait3A_159] : memref<8x80x64xf32, #tpu.memory_space<vmem>> -> memref<1x80x64xf32, #tpu.memory_space<vmem>>
    %dma_wait3A_161 = tpu.memref_squeeze %dma_wait3A_160 : memref<1x80x64xf32, #tpu.memory_space<vmem>> -> memref<80x64xf32, #tpu.memory_space<vmem>>
    %dma_wait3A_162 = arith.constant 0 : i32
    %dma_wait3A_163 = tpu.memref_slice %arg12[%mul3A_5, %dma_wait3A_162] : memref<10240x64xf32, #tpu.memory_space<vmem_shared>> -> memref<80x64xf32, #tpu.memory_space<vmem_shared>>
    %dma_wait3A_164 = arith.constant 0 : i32
    %dma_wait3A_165 = tpu.memref_slice %arg12[%mul3A_5, %dma_wait3A_164] : memref<10240x64xf32, #tpu.memory_space<vmem_shared>> -> memref<80x64xf32, #tpu.memory_space<vmem_shared>>
    %dma_wait3A_166 = arith.constant 0 : i32
    %dma_wait3A_167 = arith.constant 0 : i32
    %dma_wait3A_168 = tpu.memref_slice %arg8[%dma_wait3A_157, %dma_wait3A_166, %dma_wait3A_167] : memref<8x80x64xf32, #tpu.memory_space<vmem>> -> memref<1x80x64xf32, #tpu.memory_space<vmem>>
    %dma_wait3A_169 = tpu.memref_squeeze %dma_wait3A_168 : memref<1x80x64xf32, #tpu.memory_space<vmem>> -> memref<80x64xf32, #tpu.memory_space<vmem>>
    tpu.wait_dma2 semaphore(%arg10 : memref<!tpu.dma_semaphore, #tpu.memory_space<semaphore_mem>>) src(%dma_wait3A_169 : memref<80x64xf32, #tpu.memory_space<vmem>>) dst(%dma_wait3A_165 : memref<80x64xf32, #tpu.memory_space<vmem_shared>>)
    %dma_wait3A_170 = arith.constant 0 : i32
    %dma_wait3A_171 = arith.constant 0 : i32
    %dma_wait3A_172 = arith.constant 0 : i32
    %dma_wait3A_173 = tpu.memref_slice %arg8[%dma_wait3A_170, %dma_wait3A_171, %dma_wait3A_172] : memref<8x80x64xf32, #tpu.memory_space<vmem>> -> memref<1x80x64xf32, #tpu.memory_space<vmem>>
    %dma_wait3A_174 = tpu.memref_squeeze %dma_wait3A_173 : memref<1x80x64xf32, #tpu.memory_space<vmem>> -> memref<80x64xf32, #tpu.memory_space<vmem>>
    %dma_wait3A_175 = arith.constant 0 : i32
    %dma_wait3A_176 = tpu.memref_slice %arg12[%mul3A_5, %dma_wait3A_175] : memref<10240x64xf32, #tpu.memory_space<vmem_shared>> -> memref<80x64xf32, #tpu.memory_space<vmem_shared>>
    %dma_wait3A_177 = arith.constant 0 : i32
    %dma_wait3A_178 = tpu.memref_slice %arg12[%mul3A_5, %dma_wait3A_177] : memref<10240x64xf32, #tpu.memory_space<vmem_shared>> -> memref<80x64xf32, #tpu.memory_space<vmem_shared>>
    %dma_wait3A_179 = arith.constant 0 : i32
    %dma_wait3A_180 = arith.constant 0 : i32
    %dma_wait3A_181 = tpu.memref_slice %arg8[%dma_wait3A_170, %dma_wait3A_179, %dma_wait3A_180] : memref<8x80x64xf32, #tpu.memory_space<vmem>> -> memref<1x80x64xf32, #tpu.memory_space<vmem>>
    %dma_wait3A_182 = tpu.memref_squeeze %dma_wait3A_181 : memref<1x80x64xf32, #tpu.memory_space<vmem>> -> memref<80x64xf32, #tpu.memory_space<vmem>>
    tpu.wait_dma2 semaphore(%arg10 : memref<!tpu.dma_semaphore, #tpu.memory_space<semaphore_mem>>) src(%dma_wait3A_182 : memref<80x64xf32, #tpu.memory_space<vmem>>) dst(%dma_wait3A_178 : memref<80x64xf32, #tpu.memory_space<vmem_shared>>)
    %dma_wait3A_183 = arith.constant 0 : i32
    %dma_wait3A_184 = arith.constant 0 : i32
    %dma_wait3A_185 = arith.constant 0 : i32
    %dma_wait3A_186 = tpu.memref_slice %arg8[%dma_wait3A_183, %dma_wait3A_184, %dma_wait3A_185] : memref<8x80x64xf32, #tpu.memory_space<vmem>> -> memref<1x80x64xf32, #tpu.memory_space<vmem>>
    %dma_wait3A_187 = tpu.memref_squeeze %dma_wait3A_186 : memref<1x80x64xf32, #tpu.memory_space<vmem>> -> memref<80x64xf32, #tpu.memory_space<vmem>>
    %dma_wait3A_188 = arith.constant 0 : i32
    %dma_wait3A_189 = tpu.memref_slice %arg12[%mul3A_5, %dma_wait3A_188] : memref<10240x64xf32, #tpu.memory_space<vmem_shared>> -> memref<80x64xf32, #tpu.memory_space<vmem_shared>>
    %dma_wait3A_190 = arith.constant 0 : i32
    %dma_wait3A_191 = tpu.memref_slice %arg12[%mul3A_5, %dma_wait3A_190] : memref<10240x64xf32, #tpu.memory_space<vmem_shared>> -> memref<80x64xf32, #tpu.memory_space<vmem_shared>>
    %dma_wait3A_192 = arith.constant 0 : i32
    %dma_wait3A_193 = arith.constant 0 : i32
    %dma_wait3A_194 = tpu.memref_slice %arg8[%dma_wait3A_183, %dma_wait3A_192, %dma_wait3A_193] : memref<8x80x64xf32, #tpu.memory_space<vmem>> -> memref<1x80x64xf32, #tpu.memory_space<vmem>>
    %dma_wait3A_195 = tpu.memref_squeeze %dma_wait3A_194 : memref<1x80x64xf32, #tpu.memory_space<vmem>> -> memref<80x64xf32, #tpu.memory_space<vmem>>
    tpu.wait_dma2 semaphore(%arg10 : memref<!tpu.dma_semaphore, #tpu.memory_space<semaphore_mem>>) src(%dma_wait3A_195 : memref<80x64xf32, #tpu.memory_space<vmem>>) dst(%dma_wait3A_191 : memref<80x64xf32, #tpu.memory_space<vmem_shared>>)
    %dma_wait3A_196 = arith.constant 0 : i32
    %dma_wait3A_197 = arith.constant 0 : i32
    %dma_wait3A_198 = arith.constant 0 : i32
    %dma_wait3A_199 = tpu.memref_slice %arg8[%dma_wait3A_196, %dma_wait3A_197, %dma_wait3A_198] : memref<8x80x64xf32, #tpu.memory_space<vmem>> -> memref<1x80x64xf32, #tpu.memory_space<vmem>>
    %dma_wait3A_200 = tpu.memref_squeeze %dma_wait3A_199 : memref<1x80x64xf32, #tpu.memory_space<vmem>> -> memref<80x64xf32, #tpu.memory_space<vmem>>
    %dma_wait3A_201 = arith.constant 0 : i32
    %dma_wait3A_202 = tpu.memref_slice %arg12[%mul3A_5, %dma_wait3A_201] : memref<10240x64xf32, #tpu.memory_space<vmem_shared>> -> memref<80x64xf32, #tpu.memory_space<vmem_shared>>
    %dma_wait3A_203 = arith.constant 0 : i32
    %dma_wait3A_204 = tpu.memref_slice %arg12[%mul3A_5, %dma_wait3A_203] : memref<10240x64xf32, #tpu.memory_space<vmem_shared>> -> memref<80x64xf32, #tpu.memory_space<vmem_shared>>
    %dma_wait3A_205 = arith.constant 0 : i32
    %dma_wait3A_206 = arith.constant 0 : i32
    %dma_wait3A_207 = tpu.memref_slice %arg8[%dma_wait3A_196, %dma_wait3A_205, %dma_wait3A_206] : memref<8x80x64xf32, #tpu.memory_space<vmem>> -> memref<1x80x64xf32, #tpu.memory_space<vmem>>
    %dma_wait3A_208 = tpu.memref_squeeze %dma_wait3A_207 : memref<1x80x64xf32, #tpu.memory_space<vmem>> -> memref<80x64xf32, #tpu.memory_space<vmem>>
    tpu.wait_dma2 semaphore(%arg10 : memref<!tpu.dma_semaphore, #tpu.memory_space<semaphore_mem>>) src(%dma_wait3A_208 : memref<80x64xf32, #tpu.memory_space<vmem>>) dst(%dma_wait3A_204 : memref<80x64xf32, #tpu.memory_space<vmem_shared>>)
    %dma_wait3A_209 = arith.constant 0 : i32
    %dma_wait3A_210 = arith.constant 0 : i32
    %dma_wait3A_211 = arith.constant 0 : i32
    %dma_wait3A_212 = tpu.memref_slice %arg8[%dma_wait3A_209, %dma_wait3A_210, %dma_wait3A_211] : memref<8x80x64xf32, #tpu.memory_space<vmem>> -> memref<1x80x64xf32, #tpu.memory_space<vmem>>
    %dma_wait3A_213 = tpu.memref_squeeze %dma_wait3A_212 : memref<1x80x64xf32, #tpu.memory_space<vmem>> -> memref<80x64xf32, #tpu.memory_space<vmem>>
    %dma_wait3A_214 = arith.constant 0 : i32
    %dma_wait3A_215 = tpu.memref_slice %arg12[%mul3A_5, %dma_wait3A_214] : memref<10240x64xf32, #tpu.memory_space<vmem_shared>> -> memref<80x64xf32, #tpu.memory_space<vmem_shared>>
    %dma_wait3A_216 = arith.constant 0 : i32
    %dma_wait3A_217 = tpu.memref_slice %arg12[%mul3A_5, %dma_wait3A_216] : memref<10240x64xf32, #tpu.memory_space<vmem_shared>> -> memref<80x64xf32, #tpu.memory_space<vmem_shared>>
    %dma_wait3A_218 = arith.constant 0 : i32
    %dma_wait3A_219 = arith.constant 0 : i32
    %dma_wait3A_220 = tpu.memref_slice %arg8[%dma_wait3A_209, %dma_wait3A_218, %dma_wait3A_219] : memref<8x80x64xf32, #tpu.memory_space<vmem>> -> memref<1x80x64xf32, #tpu.memory_space<vmem>>
    %dma_wait3A_221 = tpu.memref_squeeze %dma_wait3A_220 : memref<1x80x64xf32, #tpu.memory_space<vmem>> -> memref<80x64xf32, #tpu.memory_space<vmem>>
    tpu.wait_dma2 semaphore(%arg10 : memref<!tpu.dma_semaphore, #tpu.memory_space<semaphore_mem>>) src(%dma_wait3A_221 : memref<80x64xf32, #tpu.memory_space<vmem>>) dst(%dma_wait3A_217 : memref<80x64xf32, #tpu.memory_space<vmem_shared>>)
    %dma_wait3A_222 = arith.constant 0 : i32
    %dma_wait3A_223 = arith.constant 0 : i32
    %dma_wait3A_224 = arith.constant 0 : i32
    %dma_wait3A_225 = tpu.memref_slice %arg8[%dma_wait3A_222, %dma_wait3A_223, %dma_wait3A_224] : memref<8x80x64xf32, #tpu.memory_space<vmem>> -> memref<1x80x64xf32, #tpu.memory_space<vmem>>
    %dma_wait3A_226 = tpu.memref_squeeze %dma_wait3A_225 : memref<1x80x64xf32, #tpu.memory_space<vmem>> -> memref<80x64xf32, #tpu.memory_space<vmem>>
    %dma_wait3A_227 = arith.constant 0 : i32
    %dma_wait3A_228 = tpu.memref_slice %arg12[%mul3A_5, %dma_wait3A_227] : memref<10240x64xf32, #tpu.memory_space<vmem_shared>> -> memref<80x64xf32, #tpu.memory_space<vmem_shared>>
    %dma_wait3A_229 = arith.constant 0 : i32
    %dma_wait3A_230 = tpu.memref_slice %arg12[%mul3A_5, %dma_wait3A_229] : memref<10240x64xf32, #tpu.memory_space<vmem_shared>> -> memref<80x64xf32, #tpu.memory_space<vmem_shared>>
    %dma_wait3A_231 = arith.constant 0 : i32
    %dma_wait3A_232 = arith.constant 0 : i32
    %dma_wait3A_233 = tpu.memref_slice %arg8[%dma_wait3A_222, %dma_wait3A_231, %dma_wait3A_232] : memref<8x80x64xf32, #tpu.memory_space<vmem>> -> memref<1x80x64xf32, #tpu.memory_space<vmem>>
    %dma_wait3A_234 = tpu.memref_squeeze %dma_wait3A_233 : memref<1x80x64xf32, #tpu.memory_space<vmem>> -> memref<80x64xf32, #tpu.memory_space<vmem>>
    tpu.wait_dma2 semaphore(%arg10 : memref<!tpu.dma_semaphore, #tpu.memory_space<semaphore_mem>>) src(%dma_wait3A_234 : memref<80x64xf32, #tpu.memory_space<vmem>>) dst(%dma_wait3A_230 : memref<80x64xf32, #tpu.memory_space<vmem_shared>>)
    %barrier3A = arith.constant 0 : index
    tpu.barrier barrier_id(%barrier3A)
    %scan3A_235 = arith.constant 0 : i32
    %scan3A_236 = arith.constant 0 : i32
    %scan3A_237 = arith.constant 25 : i32
    %scan3A_238 = arith.addi %scan3A_236, %scan3A_237 : i32
    %scan3A_239 = arith.constant 1 : i32
    scf.for %scan3A_468 = %scan3A_236 to %scan3A_238 step %scan3A_239  : i32 {
      %rem3A = arith.constant 3 : i32
      %rem3A_469 = arith.remsi %scan3A_468, %rem3A : i32
      %add3A_470 = arith.constant 1 : i32
      %add3A_471 = arith.addi %scan3A_468, %add3A_470 : i32
      %rem3A_472 = arith.constant 3 : i32
      %rem3A_473 = arith.remsi %add3A_471, %rem3A_472 : i32
      %add3A_474 = arith.constant 2 : i32
      %add3A_475 = arith.addi %scan3A_468, %add3A_474 : i32
      %rem3A_476 = arith.constant 3 : i32
      %rem3A_477 = arith.remsi %add3A_475, %rem3A_476 : i32
      %add3A_478 = arith.constant 1 : i32
      %add3A_479 = arith.addi %scan3A_468, %add3A_478 : i32
      %lt3A = arith.constant 25 : i32
      %lt3A_480 = arith.cmpi slt, %add3A_479, %lt3A : i32
      %convert_element_type3A = arith.extui %lt3A_480 : i1 to i32
      %cond3A = arith.constant 0 : i32
      %cond3A_481 = arith.cmpi ne, %convert_element_type3A, %cond3A : i32
      scf.if %cond3A_481 {
        %add3A_495 = arith.constant 1 : i32
        %add3A_496 = arith.addi %scan3A_468, %add3A_495 : i32
        %dma_start3A_497 = arith.constant 0 : i32
        %dma_start3A_498 = arith.constant 0 : i32
        %dma_start3A_499 = tpu.memref_slice %arg6[%rem3A_473, %dma_start3A_497, %dma_start3A_498] : memref<3x5x80xi32, #tpu.memory_space<vmem>> -> memref<1x5x80xi32, #tpu.memory_space<vmem>>
        %dma_start3A_500 = tpu.memref_squeeze %dma_start3A_499 : memref<1x5x80xi32, #tpu.memory_space<vmem>> -> memref<5x80xi32, #tpu.memory_space<vmem>>
        %dma_start3A_501 = arith.constant 0 : i32
        %dma_start3A_502 = arith.constant 0 : i32
        %dma_start3A_503 = tpu.memref_slice %arg3[%add3A, %add3A_496, %dma_start3A_501, %dma_start3A_502] : memref<32x25x5x80xi32, #tpu.memory_space<hbm>> -> memref<1x1x5x80xi32, #tpu.memory_space<hbm>>
        %dma_start3A_504 = tpu.memref_squeeze %dma_start3A_503 : memref<1x1x5x80xi32, #tpu.memory_space<hbm>> -> memref<5x80xi32, #tpu.memory_space<hbm>>
        %dma_start3A_505 = arith.constant 0 : i32
        %dma_start3A_506 = arith.constant 0 : i32
        %dma_start3A_507 = tpu.memref_slice %arg6[%rem3A_473, %dma_start3A_505, %dma_start3A_506] : memref<3x5x80xi32, #tpu.memory_space<vmem>> -> memref<1x5x80xi32, #tpu.memory_space<vmem>>
        %dma_start3A_508 = tpu.memref_squeeze %dma_start3A_507 : memref<1x5x80xi32, #tpu.memory_space<vmem>> -> memref<5x80xi32, #tpu.memory_space<vmem>>
        %dma_start3A_509 = arith.constant 0 : i32
        %dma_start3A_510 = arith.constant 0 : i32
        %dma_start3A_511 = tpu.memref_slice %arg3[%add3A, %add3A_496, %dma_start3A_509, %dma_start3A_510] : memref<32x25x5x80xi32, #tpu.memory_space<hbm>> -> memref<1x1x5x80xi32, #tpu.memory_space<hbm>>
        %dma_start3A_512 = tpu.memref_squeeze %dma_start3A_511 : memref<1x1x5x80xi32, #tpu.memory_space<hbm>> -> memref<5x80xi32, #tpu.memory_space<hbm>>
        tpu.enqueue_dma source(%dma_start3A_512 : memref<5x80xi32, #tpu.memory_space<hbm>>) target(%dma_start3A_508 : memref<5x80xi32, #tpu.memory_space<vmem>>) target_semaphore(%arg11 : memref<!tpu.dma_semaphore, #tpu.memory_space<semaphore_mem>>)
        %add3A_513 = arith.constant 1 : i32
        %add3A_514 = arith.addi %scan3A_468, %add3A_513 : i32
        %dma_start3A_515 = arith.constant 0 : i32
        %dma_start3A_516 = arith.constant 0 : i32
        %dma_start3A_517 = tpu.memref_slice %arg7[%rem3A_473, %dma_start3A_515, %dma_start3A_516] : memref<3x5x80xi32, #tpu.memory_space<vmem>> -> memref<1x5x80xi32, #tpu.memory_space<vmem>>
        %dma_start3A_518 = tpu.memref_squeeze %dma_start3A_517 : memref<1x5x80xi32, #tpu.memory_space<vmem>> -> memref<5x80xi32, #tpu.memory_space<vmem>>
        %dma_start3A_519 = arith.constant 0 : i32
        %dma_start3A_520 = arith.constant 0 : i32
        %dma_start3A_521 = tpu.memref_slice %arg4[%add3A, %add3A_514, %dma_start3A_519, %dma_start3A_520] : memref<32x25x5x80xi32, #tpu.memory_space<hbm>> -> memref<1x1x5x80xi32, #tpu.memory_space<hbm>>
        %dma_start3A_522 = tpu.memref_squeeze %dma_start3A_521 : memref<1x1x5x80xi32, #tpu.memory_space<hbm>> -> memref<5x80xi32, #tpu.memory_space<hbm>>
        %dma_start3A_523 = arith.constant 0 : i32
        %dma_start3A_524 = arith.constant 0 : i32
        %dma_start3A_525 = tpu.memref_slice %arg7[%rem3A_473, %dma_start3A_523, %dma_start3A_524] : memref<3x5x80xi32, #tpu.memory_space<vmem>> -> memref<1x5x80xi32, #tpu.memory_space<vmem>>
        %dma_start3A_526 = tpu.memref_squeeze %dma_start3A_525 : memref<1x5x80xi32, #tpu.memory_space<vmem>> -> memref<5x80xi32, #tpu.memory_space<vmem>>
        %dma_start3A_527 = arith.constant 0 : i32
        %dma_start3A_528 = arith.constant 0 : i32
        %dma_start3A_529 = tpu.memref_slice %arg4[%add3A, %add3A_514, %dma_start3A_527, %dma_start3A_528] : memref<32x25x5x80xi32, #tpu.memory_space<hbm>> -> memref<1x1x5x80xi32, #tpu.memory_space<hbm>>
        %dma_start3A_530 = tpu.memref_squeeze %dma_start3A_529 : memref<1x1x5x80xi32, #tpu.memory_space<hbm>> -> memref<5x80xi32, #tpu.memory_space<hbm>>
        tpu.enqueue_dma source(%dma_start3A_530 : memref<5x80xi32, #tpu.memory_space<hbm>>) target(%dma_start3A_526 : memref<5x80xi32, #tpu.memory_space<vmem>>) target_semaphore(%arg11 : memref<!tpu.dma_semaphore, #tpu.memory_space<semaphore_mem>>)
      } else {
      }
      %scan3A_482 = arith.constant 0 : i32
      %scan3A_483 = arith.constant 0 : i32
      %scan3A_484 = arith.constant 5 : i32
      %scan3A_485 = arith.addi %scan3A_483, %scan3A_484 : i32
      %scan3A_486 = arith.constant 1 : i32
      scf.for %scan3A_495 = %scan3A_483 to %scan3A_485 step %scan3A_486  : i32 {
        %mul3A_496 = arith.constant 5 : i32
        %mul3A_497 = arith.muli %scan3A_468, %mul3A_496 : i32
        %add3A_498 = arith.addi %mul3A_497, %scan3A_495 : i32
        %rem3A_499 = arith.constant 8 : i32
        %rem3A_500 = arith.remsi %add3A_498, %rem3A_499 : i32
        %add3A_501 = arith.constant 8 : i32
        %add3A_502 = arith.addi %add3A_498, %add3A_501 : i32
        %sub3A = arith.constant 1 : i32
        %sub3A_503 = arith.subi %add3A_502, %sub3A : i32
        %rem3A_504 = arith.constant 8 : i32
        %rem3A_505 = arith.remsi %sub3A_503, %rem3A_504 : i32
        %ge3A = arith.constant 8 : i32
        %ge3A_506 = arith.cmpi sge, %add3A_498, %ge3A : i32
        %convert_element_type3A_507 = arith.extui %ge3A_506 : i1 to i32
        %cond3A_508 = arith.constant 0 : i32
        %cond3A_509 = arith.cmpi ne, %convert_element_type3A_507, %cond3A_508 : i32
        scf.if %cond3A_509 {
          %dma_wait3A_525 = arith.constant 0 : i32
          %dma_wait3A_526 = arith.constant 0 : i32
          %dma_wait3A_527 = arith.constant 0 : i32
          %dma_wait3A_528 = arith.constant 0 : i32
          %dma_wait3A_529 = tpu.memref_slice %arg8[%rem3A_500, %dma_wait3A_527, %dma_wait3A_528] : memref<8x80x64xf32, #tpu.memory_space<vmem>> -> memref<1x80x64xf32, #tpu.memory_space<vmem>>
          %dma_wait3A_530 = tpu.memref_squeeze %dma_wait3A_529 : memref<1x80x64xf32, #tpu.memory_space<vmem>> -> memref<80x64xf32, #tpu.memory_space<vmem>>
          %dma_wait3A_531 = arith.constant 0 : i32
          %dma_wait3A_532 = tpu.memref_slice %arg7[%dma_wait3A_525, %dma_wait3A_526, %dma_wait3A_531] : memref<3x5x80xi32, #tpu.memory_space<vmem>> -> memref<1x1x80xi32, #tpu.memory_space<vmem>>
          %dma_wait3A_533 = tpu.memref_squeeze %dma_wait3A_532 : memref<1x1x80xi32, #tpu.memory_space<vmem>> -> memref<80xi32, #tpu.memory_space<vmem>>
          %dma_wait3A_534 = arith.constant 0 : i32
          %dma_wait3A_535 = arith.constant 0 : i32
          %dma_wait3A_536 = tpu.memref_slice %arg12[%dma_wait3A_534, %dma_wait3A_535] : memref<10240x64xf32, #tpu.memory_space<vmem_shared>> -> memref<10240x64xf32, #tpu.memory_space<vmem_shared>>
          tpu.wait_indirect_dma semaphore(%arg10 : memref<!tpu.dma_semaphore, #tpu.memory_space<semaphore_mem>>) src(%dma_wait3A_530 : memref<80x64xf32, #tpu.memory_space<vmem>>) dst(%dma_wait3A_536 : memref<10240x64xf32, #tpu.memory_space<vmem_shared>>)
        } else {
        }
        %dma_start3A_510 = arith.constant 0 : i32
        %dma_start3A_511 = arith.constant 0 : i32
        %dma_start3A_512 = tpu.memref_slice %arg8[%rem3A_500, %dma_start3A_510, %dma_start3A_511] : memref<8x80x64xf32, #tpu.memory_space<vmem>> -> memref<1x80x64xf32, #tpu.memory_space<vmem>>
        %dma_start3A_513 = tpu.memref_squeeze %dma_start3A_512 : memref<1x80x64xf32, #tpu.memory_space<vmem>> -> memref<80x64xf32, #tpu.memory_space<vmem>>
        %dma_start3A_514 = arith.constant 0 : i32
        %dma_start3A_515 = tpu.memref_slice %arg6[%rem3A_469, %scan3A_495, %dma_start3A_514] : memref<3x5x80xi32, #tpu.memory_space<vmem>> -> memref<1x1x80xi32, #tpu.memory_space<vmem>>
        %dma_start3A_516 = tpu.memref_squeeze %dma_start3A_515 : memref<1x1x80xi32, #tpu.memory_space<vmem>> -> memref<80xi32, #tpu.memory_space<vmem>>
        %dma_start3A_517 = arith.constant 0 : i32
        %dma_start3A_518 = arith.constant 0 : i32
        %dma_start3A_519 = tpu.memref_slice %arg2[%dma_start3A_517, %dma_start3A_518] : memref<10000x64xf32, #tpu.memory_space<hbm>> -> memref<10000x64xf32, #tpu.memory_space<hbm>>
        tpu.enqueue_indirect_dma source(%dma_start3A_519 : memref<10000x64xf32, #tpu.memory_space<hbm>>) target(%dma_start3A_513 : memref<80x64xf32, #tpu.memory_space<vmem>>) offsets(%dma_start3A_516 : memref<80xi32, #tpu.memory_space<vmem>>) semaphore(%arg9 : memref<!tpu.dma_semaphore, #tpu.memory_space<semaphore_mem>>)
        %ge3A_520 = arith.constant 1 : i32
        %ge3A_521 = arith.cmpi sge, %add3A_498, %ge3A_520 : i32
        %convert_element_type3A_522 = arith.extui %ge3A_521 : i1 to i32
        %cond3A_523 = arith.constant 0 : i32
        %cond3A_524 = arith.cmpi ne, %convert_element_type3A_522, %cond3A_523 : i32
        scf.if %cond3A_524 {
          %dma_wait3A_525 = arith.constant 0 : i32
          %dma_wait3A_526 = arith.constant 0 : i32
          %dma_wait3A_527 = arith.constant 0 : i32
          %dma_wait3A_528 = arith.constant 0 : i32
          %dma_wait3A_529 = tpu.memref_slice %arg8[%rem3A_505, %dma_wait3A_527, %dma_wait3A_528] : memref<8x80x64xf32, #tpu.memory_space<vmem>> -> memref<1x80x64xf32, #tpu.memory_space<vmem>>
          %dma_wait3A_530 = tpu.memref_squeeze %dma_wait3A_529 : memref<1x80x64xf32, #tpu.memory_space<vmem>> -> memref<80x64xf32, #tpu.memory_space<vmem>>
          %dma_wait3A_531 = arith.constant 0 : i32
          %dma_wait3A_532 = tpu.memref_slice %arg6[%dma_wait3A_525, %dma_wait3A_526, %dma_wait3A_531] : memref<3x5x80xi32, #tpu.memory_space<vmem>> -> memref<1x1x80xi32, #tpu.memory_space<vmem>>
          %dma_wait3A_533 = tpu.memref_squeeze %dma_wait3A_532 : memref<1x1x80xi32, #tpu.memory_space<vmem>> -> memref<80xi32, #tpu.memory_space<vmem>>
          %dma_wait3A_534 = arith.constant 0 : i32
          %dma_wait3A_535 = arith.constant 0 : i32
          %dma_wait3A_536 = tpu.memref_slice %arg2[%dma_wait3A_534, %dma_wait3A_535] : memref<10000x64xf32, #tpu.memory_space<hbm>> -> memref<10000x64xf32, #tpu.memory_space<hbm>>
          tpu.wait_indirect_dma semaphore(%arg9 : memref<!tpu.dma_semaphore, #tpu.memory_space<semaphore_mem>>) src(%dma_wait3A_536 : memref<10000x64xf32, #tpu.memory_space<hbm>>) dst(%dma_wait3A_530 : memref<80x64xf32, #tpu.memory_space<vmem>>)
          %eq3A = arith.constant 0 : i32
          %eq3A_537 = arith.cmpi eq, %scan3A_495, %eq3A : i32
          %sub3A_538 = arith.constant 1 : i32
          %sub3A_539 = arith.subi %scan3A_495, %sub3A_538 : i32
          %select_n3A = arith.constant 4 : i32
          %select_n3A_540 = arith.select %eq3A_537, %select_n3A, %sub3A_539 : i32
          %eq3A_541 = arith.constant 0 : i32
          %eq3A_542 = arith.cmpi eq, %scan3A_495, %eq3A_541 : i32
          %select_n3A_543 = arith.select %eq3A_542, %rem3A_477, %rem3A_469 : i32
          %dma_start3A_544 = arith.constant 0 : i32
          %dma_start3A_545 = arith.constant 0 : i32
          %dma_start3A_546 = tpu.memref_slice %arg8[%rem3A_505, %dma_start3A_544, %dma_start3A_545] : memref<8x80x64xf32, #tpu.memory_space<vmem>> -> memref<1x80x64xf32, #tpu.memory_space<vmem>>
          %dma_start3A_547 = tpu.memref_squeeze %dma_start3A_546 : memref<1x80x64xf32, #tpu.memory_space<vmem>> -> memref<80x64xf32, #tpu.memory_space<vmem>>
          %dma_start3A_548 = arith.constant 0 : i32
          %dma_start3A_549 = tpu.memref_slice %arg7[%select_n3A_543, %select_n3A_540, %dma_start3A_548] : memref<3x5x80xi32, #tpu.memory_space<vmem>> -> memref<1x1x80xi32, #tpu.memory_space<vmem>>
          %dma_start3A_550 = tpu.memref_squeeze %dma_start3A_549 : memref<1x1x80xi32, #tpu.memory_space<vmem>> -> memref<80xi32, #tpu.memory_space<vmem>>
          %dma_start3A_551 = arith.constant 0 : i32
          %dma_start3A_552 = arith.constant 0 : i32
          %dma_start3A_553 = tpu.memref_slice %arg12[%dma_start3A_551, %dma_start3A_552] : memref<10240x64xf32, #tpu.memory_space<vmem_shared>> -> memref<10240x64xf32, #tpu.memory_space<vmem_shared>>
          tpu.enqueue_indirect_dma source(%dma_start3A_547 : memref<80x64xf32, #tpu.memory_space<vmem>>) target(%dma_start3A_553 : memref<10240x64xf32, #tpu.memory_space<vmem_shared>>) offsets(%dma_start3A_550 : memref<80xi32, #tpu.memory_space<vmem>>) semaphore(%arg10 : memref<!tpu.dma_semaphore, #tpu.memory_space<semaphore_mem>>) {add = true}
        } else {
        }
      }
      %scan3A_487 = arith.constant 5 : i32
      %add3A_488 = arith.constant 1 : i32
      %add3A_489 = arith.addi %scan3A_468, %add3A_488 : i32
      %lt3A_490 = arith.constant 25 : i32
      %lt3A_491 = arith.cmpi slt, %add3A_489, %lt3A_490 : i32
      %convert_element_type3A_492 = arith.extui %lt3A_491 : i1 to i32
      %cond3A_493 = arith.constant 0 : i32
      %cond3A_494 = arith.cmpi ne, %convert_element_type3A_492, %cond3A_493 : i32
      scf.if %cond3A_494 {
        %dma_wait3A_495 = arith.constant 0 : i32
        %dma_wait3A_496 = arith.constant 0 : i32
        %dma_wait3A_497 = arith.constant 0 : i32
        %dma_wait3A_498 = tpu.memref_slice %arg6[%rem3A_473, %dma_wait3A_496, %dma_wait3A_497] : memref<3x5x80xi32, #tpu.memory_space<vmem>> -> memref<1x5x80xi32, #tpu.memory_space<vmem>>
        %dma_wait3A_499 = tpu.memref_squeeze %dma_wait3A_498 : memref<1x5x80xi32, #tpu.memory_space<vmem>> -> memref<5x80xi32, #tpu.memory_space<vmem>>
        %dma_wait3A_500 = arith.constant 0 : i32
        %dma_wait3A_501 = arith.constant 0 : i32
        %dma_wait3A_502 = tpu.memref_slice %arg3[%add3A, %dma_wait3A_495, %dma_wait3A_500, %dma_wait3A_501] : memref<32x25x5x80xi32, #tpu.memory_space<hbm>> -> memref<1x1x5x80xi32, #tpu.memory_space<hbm>>
        %dma_wait3A_503 = tpu.memref_squeeze %dma_wait3A_502 : memref<1x1x5x80xi32, #tpu.memory_space<hbm>> -> memref<5x80xi32, #tpu.memory_space<hbm>>
        %dma_wait3A_504 = arith.constant 0 : i32
        %dma_wait3A_505 = arith.constant 0 : i32
        %dma_wait3A_506 = tpu.memref_slice %arg6[%rem3A_473, %dma_wait3A_504, %dma_wait3A_505] : memref<3x5x80xi32, #tpu.memory_space<vmem>> -> memref<1x5x80xi32, #tpu.memory_space<vmem>>
        %dma_wait3A_507 = tpu.memref_squeeze %dma_wait3A_506 : memref<1x5x80xi32, #tpu.memory_space<vmem>> -> memref<5x80xi32, #tpu.memory_space<vmem>>
        %dma_wait3A_508 = arith.constant 0 : i32
        %dma_wait3A_509 = arith.constant 0 : i32
        %dma_wait3A_510 = tpu.memref_slice %arg3[%add3A, %dma_wait3A_495, %dma_wait3A_508, %dma_wait3A_509] : memref<32x25x5x80xi32, #tpu.memory_space<hbm>> -> memref<1x1x5x80xi32, #tpu.memory_space<hbm>>
        %dma_wait3A_511 = tpu.memref_squeeze %dma_wait3A_510 : memref<1x1x5x80xi32, #tpu.memory_space<hbm>> -> memref<5x80xi32, #tpu.memory_space<hbm>>
        tpu.wait_dma2 semaphore(%arg11 : memref<!tpu.dma_semaphore, #tpu.memory_space<semaphore_mem>>) src(%dma_wait3A_511 : memref<5x80xi32, #tpu.memory_space<hbm>>) dst(%dma_wait3A_507 : memref<5x80xi32, #tpu.memory_space<vmem>>)
        %dma_wait3A_512 = arith.constant 0 : i32
        %dma_wait3A_513 = arith.constant 0 : i32
        %dma_wait3A_514 = arith.constant 0 : i32
        %dma_wait3A_515 = tpu.memref_slice %arg7[%rem3A_473, %dma_wait3A_513, %dma_wait3A_514] : memref<3x5x80xi32, #tpu.memory_space<vmem>> -> memref<1x5x80xi32, #tpu.memory_space<vmem>>
        %dma_wait3A_516 = tpu.memref_squeeze %dma_wait3A_515 : memref<1x5x80xi32, #tpu.memory_space<vmem>> -> memref<5x80xi32, #tpu.memory_space<vmem>>
        %dma_wait3A_517 = arith.constant 0 : i32
        %dma_wait3A_518 = arith.constant 0 : i32
        %dma_wait3A_519 = tpu.memref_slice %arg4[%add3A, %dma_wait3A_512, %dma_wait3A_517, %dma_wait3A_518] : memref<32x25x5x80xi32, #tpu.memory_space<hbm>> -> memref<1x1x5x80xi32, #tpu.memory_space<hbm>>
        %dma_wait3A_520 = tpu.memref_squeeze %dma_wait3A_519 : memref<1x1x5x80xi32, #tpu.memory_space<hbm>> -> memref<5x80xi32, #tpu.memory_space<hbm>>
        %dma_wait3A_521 = arith.constant 0 : i32
        %dma_wait3A_522 = arith.constant 0 : i32
        %dma_wait3A_523 = tpu.memref_slice %arg7[%rem3A_473, %dma_wait3A_521, %dma_wait3A_522] : memref<3x5x80xi32, #tpu.memory_space<vmem>> -> memref<1x5x80xi32, #tpu.memory_space<vmem>>
        %dma_wait3A_524 = tpu.memref_squeeze %dma_wait3A_523 : memref<1x5x80xi32, #tpu.memory_space<vmem>> -> memref<5x80xi32, #tpu.memory_space<vmem>>
        %dma_wait3A_525 = arith.constant 0 : i32
        %dma_wait3A_526 = arith.constant 0 : i32
        %dma_wait3A_527 = tpu.memref_slice %arg4[%add3A, %dma_wait3A_512, %dma_wait3A_525, %dma_wait3A_526] : memref<32x25x5x80xi32, #tpu.memory_space<hbm>> -> memref<1x1x5x80xi32, #tpu.memory_space<hbm>>
        %dma_wait3A_528 = tpu.memref_squeeze %dma_wait3A_527 : memref<1x1x5x80xi32, #tpu.memory_space<hbm>> -> memref<5x80xi32, #tpu.memory_space<hbm>>
        tpu.wait_dma2 semaphore(%arg11 : memref<!tpu.dma_semaphore, #tpu.memory_space<semaphore_mem>>) src(%dma_wait3A_528 : memref<5x80xi32, #tpu.memory_space<hbm>>) dst(%dma_wait3A_524 : memref<5x80xi32, #tpu.memory_space<vmem>>)
      } else {
      }
    }
    %scan3A_240 = arith.constant 25 : i32
    %dma_wait3A_241 = arith.constant 0 : i32
    %dma_wait3A_242 = arith.constant 0 : i32
    %dma_wait3A_243 = arith.constant 4 : i32
    %dma_wait3A_244 = arith.constant 0 : i32
    %dma_wait3A_245 = arith.constant 0 : i32
    %dma_wait3A_246 = tpu.memref_slice %arg8[%dma_wait3A_243, %dma_wait3A_244, %dma_wait3A_245] : memref<8x80x64xf32, #tpu.memory_space<vmem>> -> memref<1x80x64xf32, #tpu.memory_space<vmem>>
    %dma_wait3A_247 = tpu.memref_squeeze %dma_wait3A_246 : memref<1x80x64xf32, #tpu.memory_space<vmem>> -> memref<80x64xf32, #tpu.memory_space<vmem>>
    %dma_wait3A_248 = arith.constant 0 : i32
    %dma_wait3A_249 = tpu.memref_slice %arg6[%dma_wait3A_241, %dma_wait3A_242, %dma_wait3A_248] : memref<3x5x80xi32, #tpu.memory_space<vmem>> -> memref<1x1x80xi32, #tpu.memory_space<vmem>>
    %dma_wait3A_250 = tpu.memref_squeeze %dma_wait3A_249 : memref<1x1x80xi32, #tpu.memory_space<vmem>> -> memref<80xi32, #tpu.memory_space<vmem>>
    %dma_wait3A_251 = arith.constant 0 : i32
    %dma_wait3A_252 = arith.constant 0 : i32
    %dma_wait3A_253 = tpu.memref_slice %arg2[%dma_wait3A_251, %dma_wait3A_252] : memref<10000x64xf32, #tpu.memory_space<hbm>> -> memref<10000x64xf32, #tpu.memory_space<hbm>>
    tpu.wait_indirect_dma semaphore(%arg9 : memref<!tpu.dma_semaphore, #tpu.memory_space<semaphore_mem>>) src(%dma_wait3A_253 : memref<10000x64xf32, #tpu.memory_space<hbm>>) dst(%dma_wait3A_247 : memref<80x64xf32, #tpu.memory_space<vmem>>)
    %dma_start3A_254 = arith.constant 4 : i32
    %dma_start3A_255 = arith.constant 0 : i32
    %dma_start3A_256 = arith.constant 4 : i32
    %dma_start3A_257 = arith.constant 0 : i32
    %dma_start3A_258 = arith.constant 0 : i32
    %dma_start3A_259 = tpu.memref_slice %arg8[%dma_start3A_254, %dma_start3A_257, %dma_start3A_258] : memref<8x80x64xf32, #tpu.memory_space<vmem>> -> memref<1x80x64xf32, #tpu.memory_space<vmem>>
    %dma_start3A_260 = tpu.memref_squeeze %dma_start3A_259 : memref<1x80x64xf32, #tpu.memory_space<vmem>> -> memref<80x64xf32, #tpu.memory_space<vmem>>
    %dma_start3A_261 = arith.constant 0 : i32
    %dma_start3A_262 = tpu.memref_slice %arg7[%dma_start3A_255, %dma_start3A_256, %dma_start3A_261] : memref<3x5x80xi32, #tpu.memory_space<vmem>> -> memref<1x1x80xi32, #tpu.memory_space<vmem>>
    %dma_start3A_263 = tpu.memref_squeeze %dma_start3A_262 : memref<1x1x80xi32, #tpu.memory_space<vmem>> -> memref<80xi32, #tpu.memory_space<vmem>>
    %dma_start3A_264 = arith.constant 0 : i32
    %dma_start3A_265 = arith.constant 0 : i32
    %dma_start3A_266 = tpu.memref_slice %arg12[%dma_start3A_264, %dma_start3A_265] : memref<10240x64xf32, #tpu.memory_space<vmem_shared>> -> memref<10240x64xf32, #tpu.memory_space<vmem_shared>>
    tpu.enqueue_indirect_dma source(%dma_start3A_260 : memref<80x64xf32, #tpu.memory_space<vmem>>) target(%dma_start3A_266 : memref<10240x64xf32, #tpu.memory_space<vmem_shared>>) offsets(%dma_start3A_263 : memref<80xi32, #tpu.memory_space<vmem>>) semaphore(%arg10 : memref<!tpu.dma_semaphore, #tpu.memory_space<semaphore_mem>>) {add = true}
    %dma_wait3A_267 = arith.constant 0 : i32
    %dma_wait3A_268 = arith.constant 0 : i32
    %dma_wait3A_269 = arith.constant 0 : i32
    %dma_wait3A_270 = arith.constant 0 : i32
    %dma_wait3A_271 = arith.constant 0 : i32
    %dma_wait3A_272 = tpu.memref_slice %arg8[%dma_wait3A_267, %dma_wait3A_270, %dma_wait3A_271] : memref<8x80x64xf32, #tpu.memory_space<vmem>> -> memref<1x80x64xf32, #tpu.memory_space<vmem>>
    %dma_wait3A_273 = tpu.memref_squeeze %dma_wait3A_272 : memref<1x80x64xf32, #tpu.memory_space<vmem>> -> memref<80x64xf32, #tpu.memory_space<vmem>>
    %dma_wait3A_274 = arith.constant 0 : i32
    %dma_wait3A_275 = tpu.memref_slice %arg7[%dma_wait3A_268, %dma_wait3A_269, %dma_wait3A_274] : memref<3x5x80xi32, #tpu.memory_space<vmem>> -> memref<1x1x80xi32, #tpu.memory_space<vmem>>
    %dma_wait3A_276 = tpu.memref_squeeze %dma_wait3A_275 : memref<1x1x80xi32, #tpu.memory_space<vmem>> -> memref<80xi32, #tpu.memory_space<vmem>>
    %dma_wait3A_277 = arith.constant 0 : i32
    %dma_wait3A_278 = arith.constant 0 : i32
    %dma_wait3A_279 = tpu.memref_slice %arg12[%dma_wait3A_277, %dma_wait3A_278] : memref<10240x64xf32, #tpu.memory_space<vmem_shared>> -> memref<10240x64xf32, #tpu.memory_space<vmem_shared>>
    tpu.wait_indirect_dma semaphore(%arg10 : memref<!tpu.dma_semaphore, #tpu.memory_space<semaphore_mem>>) src(%dma_wait3A_273 : memref<80x64xf32, #tpu.memory_space<vmem>>) dst(%dma_wait3A_279 : memref<10240x64xf32, #tpu.memory_space<vmem_shared>>)
    %dma_wait3A_280 = arith.constant 0 : i32
    %dma_wait3A_281 = arith.constant 0 : i32
    %dma_wait3A_282 = arith.constant 0 : i32
    %dma_wait3A_283 = arith.constant 0 : i32
    %dma_wait3A_284 = arith.constant 0 : i32
    %dma_wait3A_285 = tpu.memref_slice %arg8[%dma_wait3A_280, %dma_wait3A_283, %dma_wait3A_284] : memref<8x80x64xf32, #tpu.memory_space<vmem>> -> memref<1x80x64xf32, #tpu.memory_space<vmem>>
    %dma_wait3A_286 = tpu.memref_squeeze %dma_wait3A_285 : memref<1x80x64xf32, #tpu.memory_space<vmem>> -> memref<80x64xf32, #tpu.memory_space<vmem>>
    %dma_wait3A_287 = arith.constant 0 : i32
    %dma_wait3A_288 = tpu.memref_slice %arg7[%dma_wait3A_281, %dma_wait3A_282, %dma_wait3A_287] : memref<3x5x80xi32, #tpu.memory_space<vmem>> -> memref<1x1x80xi32, #tpu.memory_space<vmem>>
    %dma_wait3A_289 = tpu.memref_squeeze %dma_wait3A_288 : memref<1x1x80xi32, #tpu.memory_space<vmem>> -> memref<80xi32, #tpu.memory_space<vmem>>
    %dma_wait3A_290 = arith.constant 0 : i32
    %dma_wait3A_291 = arith.constant 0 : i32
    %dma_wait3A_292 = tpu.memref_slice %arg12[%dma_wait3A_290, %dma_wait3A_291] : memref<10240x64xf32, #tpu.memory_space<vmem_shared>> -> memref<10240x64xf32, #tpu.memory_space<vmem_shared>>
    tpu.wait_indirect_dma semaphore(%arg10 : memref<!tpu.dma_semaphore, #tpu.memory_space<semaphore_mem>>) src(%dma_wait3A_286 : memref<80x64xf32, #tpu.memory_space<vmem>>) dst(%dma_wait3A_292 : memref<10240x64xf32, #tpu.memory_space<vmem_shared>>)
    %dma_wait3A_293 = arith.constant 0 : i32
    %dma_wait3A_294 = arith.constant 0 : i32
    %dma_wait3A_295 = arith.constant 0 : i32
    %dma_wait3A_296 = arith.constant 0 : i32
    %dma_wait3A_297 = arith.constant 0 : i32
    %dma_wait3A_298 = tpu.memref_slice %arg8[%dma_wait3A_293, %dma_wait3A_296, %dma_wait3A_297] : memref<8x80x64xf32, #tpu.memory_space<vmem>> -> memref<1x80x64xf32, #tpu.memory_space<vmem>>
    %dma_wait3A_299 = tpu.memref_squeeze %dma_wait3A_298 : memref<1x80x64xf32, #tpu.memory_space<vmem>> -> memref<80x64xf32, #tpu.memory_space<vmem>>
    %dma_wait3A_300 = arith.constant 0 : i32
    %dma_wait3A_301 = tpu.memref_slice %arg7[%dma_wait3A_294, %dma_wait3A_295, %dma_wait3A_300] : memref<3x5x80xi32, #tpu.memory_space<vmem>> -> memref<1x1x80xi32, #tpu.memory_space<vmem>>
    %dma_wait3A_302 = tpu.memref_squeeze %dma_wait3A_301 : memref<1x1x80xi32, #tpu.memory_space<vmem>> -> memref<80xi32, #tpu.memory_space<vmem>>
    %dma_wait3A_303 = arith.constant 0 : i32
    %dma_wait3A_304 = arith.constant 0 : i32
    %dma_wait3A_305 = tpu.memref_slice %arg12[%dma_wait3A_303, %dma_wait3A_304] : memref<10240x64xf32, #tpu.memory_space<vmem_shared>> -> memref<10240x64xf32, #tpu.memory_space<vmem_shared>>
    tpu.wait_indirect_dma semaphore(%arg10 : memref<!tpu.dma_semaphore, #tpu.memory_space<semaphore_mem>>) src(%dma_wait3A_299 : memref<80x64xf32, #tpu.memory_space<vmem>>) dst(%dma_wait3A_305 : memref<10240x64xf32, #tpu.memory_space<vmem_shared>>)
    %dma_wait3A_306 = arith.constant 0 : i32
    %dma_wait3A_307 = arith.constant 0 : i32
    %dma_wait3A_308 = arith.constant 0 : i32
    %dma_wait3A_309 = arith.constant 0 : i32
    %dma_wait3A_310 = arith.constant 0 : i32
    %dma_wait3A_311 = tpu.memref_slice %arg8[%dma_wait3A_306, %dma_wait3A_309, %dma_wait3A_310] : memref<8x80x64xf32, #tpu.memory_space<vmem>> -> memref<1x80x64xf32, #tpu.memory_space<vmem>>
    %dma_wait3A_312 = tpu.memref_squeeze %dma_wait3A_311 : memref<1x80x64xf32, #tpu.memory_space<vmem>> -> memref<80x64xf32, #tpu.memory_space<vmem>>
    %dma_wait3A_313 = arith.constant 0 : i32
    %dma_wait3A_314 = tpu.memref_slice %arg7[%dma_wait3A_307, %dma_wait3A_308, %dma_wait3A_313] : memref<3x5x80xi32, #tpu.memory_space<vmem>> -> memref<1x1x80xi32, #tpu.memory_space<vmem>>
    %dma_wait3A_315 = tpu.memref_squeeze %dma_wait3A_314 : memref<1x1x80xi32, #tpu.memory_space<vmem>> -> memref<80xi32, #tpu.memory_space<vmem>>
    %dma_wait3A_316 = arith.constant 0 : i32
    %dma_wait3A_317 = arith.constant 0 : i32
    %dma_wait3A_318 = tpu.memref_slice %arg12[%dma_wait3A_316, %dma_wait3A_317] : memref<10240x64xf32, #tpu.memory_space<vmem_shared>> -> memref<10240x64xf32, #tpu.memory_space<vmem_shared>>
    tpu.wait_indirect_dma semaphore(%arg10 : memref<!tpu.dma_semaphore, #tpu.memory_space<semaphore_mem>>) src(%dma_wait3A_312 : memref<80x64xf32, #tpu.memory_space<vmem>>) dst(%dma_wait3A_318 : memref<10240x64xf32, #tpu.memory_space<vmem_shared>>)
    %dma_wait3A_319 = arith.constant 0 : i32
    %dma_wait3A_320 = arith.constant 0 : i32
    %dma_wait3A_321 = arith.constant 0 : i32
    %dma_wait3A_322 = arith.constant 0 : i32
    %dma_wait3A_323 = arith.constant 0 : i32
    %dma_wait3A_324 = tpu.memref_slice %arg8[%dma_wait3A_319, %dma_wait3A_322, %dma_wait3A_323] : memref<8x80x64xf32, #tpu.memory_space<vmem>> -> memref<1x80x64xf32, #tpu.memory_space<vmem>>
    %dma_wait3A_325 = tpu.memref_squeeze %dma_wait3A_324 : memref<1x80x64xf32, #tpu.memory_space<vmem>> -> memref<80x64xf32, #tpu.memory_space<vmem>>
    %dma_wait3A_326 = arith.constant 0 : i32
    %dma_wait3A_327 = tpu.memref_slice %arg7[%dma_wait3A_320, %dma_wait3A_321, %dma_wait3A_326] : memref<3x5x80xi32, #tpu.memory_space<vmem>> -> memref<1x1x80xi32, #tpu.memory_space<vmem>>
    %dma_wait3A_328 = tpu.memref_squeeze %dma_wait3A_327 : memref<1x1x80xi32, #tpu.memory_space<vmem>> -> memref<80xi32, #tpu.memory_space<vmem>>
    %dma_wait3A_329 = arith.constant 0 : i32
    %dma_wait3A_330 = arith.constant 0 : i32
    %dma_wait3A_331 = tpu.memref_slice %arg12[%dma_wait3A_329, %dma_wait3A_330] : memref<10240x64xf32, #tpu.memory_space<vmem_shared>> -> memref<10240x64xf32, #tpu.memory_space<vmem_shared>>
    tpu.wait_indirect_dma semaphore(%arg10 : memref<!tpu.dma_semaphore, #tpu.memory_space<semaphore_mem>>) src(%dma_wait3A_325 : memref<80x64xf32, #tpu.memory_space<vmem>>) dst(%dma_wait3A_331 : memref<10240x64xf32, #tpu.memory_space<vmem_shared>>)
    %dma_wait3A_332 = arith.constant 0 : i32
    %dma_wait3A_333 = arith.constant 0 : i32
    %dma_wait3A_334 = arith.constant 0 : i32
    %dma_wait3A_335 = arith.constant 0 : i32
    %dma_wait3A_336 = arith.constant 0 : i32
    %dma_wait3A_337 = tpu.memref_slice %arg8[%dma_wait3A_332, %dma_wait3A_335, %dma_wait3A_336] : memref<8x80x64xf32, #tpu.memory_space<vmem>> -> memref<1x80x64xf32, #tpu.memory_space<vmem>>
    %dma_wait3A_338 = tpu.memref_squeeze %dma_wait3A_337 : memref<1x80x64xf32, #tpu.memory_space<vmem>> -> memref<80x64xf32, #tpu.memory_space<vmem>>
    %dma_wait3A_339 = arith.constant 0 : i32
    %dma_wait3A_340 = tpu.memref_slice %arg7[%dma_wait3A_333, %dma_wait3A_334, %dma_wait3A_339] : memref<3x5x80xi32, #tpu.memory_space<vmem>> -> memref<1x1x80xi32, #tpu.memory_space<vmem>>
    %dma_wait3A_341 = tpu.memref_squeeze %dma_wait3A_340 : memref<1x1x80xi32, #tpu.memory_space<vmem>> -> memref<80xi32, #tpu.memory_space<vmem>>
    %dma_wait3A_342 = arith.constant 0 : i32
    %dma_wait3A_343 = arith.constant 0 : i32
    %dma_wait3A_344 = tpu.memref_slice %arg12[%dma_wait3A_342, %dma_wait3A_343] : memref<10240x64xf32, #tpu.memory_space<vmem_shared>> -> memref<10240x64xf32, #tpu.memory_space<vmem_shared>>
    tpu.wait_indirect_dma semaphore(%arg10 : memref<!tpu.dma_semaphore, #tpu.memory_space<semaphore_mem>>) src(%dma_wait3A_338 : memref<80x64xf32, #tpu.memory_space<vmem>>) dst(%dma_wait3A_344 : memref<10240x64xf32, #tpu.memory_space<vmem_shared>>)
    %dma_wait3A_345 = arith.constant 0 : i32
    %dma_wait3A_346 = arith.constant 0 : i32
    %dma_wait3A_347 = arith.constant 0 : i32
    %dma_wait3A_348 = arith.constant 0 : i32
    %dma_wait3A_349 = arith.constant 0 : i32
    %dma_wait3A_350 = tpu.memref_slice %arg8[%dma_wait3A_345, %dma_wait3A_348, %dma_wait3A_349] : memref<8x80x64xf32, #tpu.memory_space<vmem>> -> memref<1x80x64xf32, #tpu.memory_space<vmem>>
    %dma_wait3A_351 = tpu.memref_squeeze %dma_wait3A_350 : memref<1x80x64xf32, #tpu.memory_space<vmem>> -> memref<80x64xf32, #tpu.memory_space<vmem>>
    %dma_wait3A_352 = arith.constant 0 : i32
    %dma_wait3A_353 = tpu.memref_slice %arg7[%dma_wait3A_346, %dma_wait3A_347, %dma_wait3A_352] : memref<3x5x80xi32, #tpu.memory_space<vmem>> -> memref<1x1x80xi32, #tpu.memory_space<vmem>>
    %dma_wait3A_354 = tpu.memref_squeeze %dma_wait3A_353 : memref<1x1x80xi32, #tpu.memory_space<vmem>> -> memref<80xi32, #tpu.memory_space<vmem>>
    %dma_wait3A_355 = arith.constant 0 : i32
    %dma_wait3A_356 = arith.constant 0 : i32
    %dma_wait3A_357 = tpu.memref_slice %arg12[%dma_wait3A_355, %dma_wait3A_356] : memref<10240x64xf32, #tpu.memory_space<vmem_shared>> -> memref<10240x64xf32, #tpu.memory_space<vmem_shared>>
    tpu.wait_indirect_dma semaphore(%arg10 : memref<!tpu.dma_semaphore, #tpu.memory_space<semaphore_mem>>) src(%dma_wait3A_351 : memref<80x64xf32, #tpu.memory_space<vmem>>) dst(%dma_wait3A_357 : memref<10240x64xf32, #tpu.memory_space<vmem_shared>>)
    %dma_wait3A_358 = arith.constant 0 : i32
    %dma_wait3A_359 = arith.constant 0 : i32
    %dma_wait3A_360 = arith.constant 0 : i32
    %dma_wait3A_361 = arith.constant 0 : i32
    %dma_wait3A_362 = arith.constant 0 : i32
    %dma_wait3A_363 = tpu.memref_slice %arg8[%dma_wait3A_358, %dma_wait3A_361, %dma_wait3A_362] : memref<8x80x64xf32, #tpu.memory_space<vmem>> -> memref<1x80x64xf32, #tpu.memory_space<vmem>>
    %dma_wait3A_364 = tpu.memref_squeeze %dma_wait3A_363 : memref<1x80x64xf32, #tpu.memory_space<vmem>> -> memref<80x64xf32, #tpu.memory_space<vmem>>
    %dma_wait3A_365 = arith.constant 0 : i32
    %dma_wait3A_366 = tpu.memref_slice %arg7[%dma_wait3A_359, %dma_wait3A_360, %dma_wait3A_365] : memref<3x5x80xi32, #tpu.memory_space<vmem>> -> memref<1x1x80xi32, #tpu.memory_space<vmem>>
    %dma_wait3A_367 = tpu.memref_squeeze %dma_wait3A_366 : memref<1x1x80xi32, #tpu.memory_space<vmem>> -> memref<80xi32, #tpu.memory_space<vmem>>
    %dma_wait3A_368 = arith.constant 0 : i32
    %dma_wait3A_369 = arith.constant 0 : i32
    %dma_wait3A_370 = tpu.memref_slice %arg12[%dma_wait3A_368, %dma_wait3A_369] : memref<10240x64xf32, #tpu.memory_space<vmem_shared>> -> memref<10240x64xf32, #tpu.memory_space<vmem_shared>>
    tpu.wait_indirect_dma semaphore(%arg10 : memref<!tpu.dma_semaphore, #tpu.memory_space<semaphore_mem>>) src(%dma_wait3A_364 : memref<80x64xf32, #tpu.memory_space<vmem>>) dst(%dma_wait3A_370 : memref<10240x64xf32, #tpu.memory_space<vmem_shared>>)
    %barrier3A_371 = arith.constant 0 : index
    tpu.barrier barrier_id(%barrier3A_371)
    %add3A_372 = arith.constant 0 : i32
    %add3A_373 = arith.addi %mul3A_5, %add3A_372 : i32
    %dma_start3A_374 = arith.constant 0 : i32
    %dma_start3A_375 = tpu.memref_slice %arg5[%arg0, %add3A_373, %dma_start3A_374] : memref<2x10240x64xf32, #tpu.memory_space<hbm>> -> memref<1x80x64xf32, #tpu.memory_space<hbm>>
    %dma_start3A_376 = tpu.memref_squeeze %dma_start3A_375 : memref<1x80x64xf32, #tpu.memory_space<hbm>> -> memref<80x64xf32, #tpu.memory_space<hbm>>
    %dma_start3A_377 = arith.constant 0 : i32
    %dma_start3A_378 = tpu.memref_slice %arg12[%add3A_373, %dma_start3A_377] : memref<10240x64xf32, #tpu.memory_space<vmem_shared>> -> memref<80x64xf32, #tpu.memory_space<vmem_shared>>
    tpu.enqueue_dma source(%dma_start3A_378 : memref<80x64xf32, #tpu.memory_space<vmem_shared>>) target(%dma_start3A_376 : memref<80x64xf32, #tpu.memory_space<hbm>>) target_semaphore(%arg9 : memref<!tpu.dma_semaphore, #tpu.memory_space<semaphore_mem>>)
    %add3A_379 = arith.constant 80 : i32
    %add3A_380 = arith.addi %mul3A_5, %add3A_379 : i32
    %dma_start3A_381 = arith.constant 0 : i32
    %dma_start3A_382 = tpu.memref_slice %arg5[%arg0, %add3A_380, %dma_start3A_381] : memref<2x10240x64xf32, #tpu.memory_space<hbm>> -> memref<1x80x64xf32, #tpu.memory_space<hbm>>
    %dma_start3A_383 = tpu.memref_squeeze %dma_start3A_382 : memref<1x80x64xf32, #tpu.memory_space<hbm>> -> memref<80x64xf32, #tpu.memory_space<hbm>>
    %dma_start3A_384 = arith.constant 0 : i32
    %dma_start3A_385 = tpu.memref_slice %arg12[%add3A_380, %dma_start3A_384] : memref<10240x64xf32, #tpu.memory_space<vmem_shared>> -> memref<80x64xf32, #tpu.memory_space<vmem_shared>>
    tpu.enqueue_dma source(%dma_start3A_385 : memref<80x64xf32, #tpu.memory_space<vmem_shared>>) target(%dma_start3A_383 : memref<80x64xf32, #tpu.memory_space<hbm>>) target_semaphore(%arg9 : memref<!tpu.dma_semaphore, #tpu.memory_space<semaphore_mem>>)
    %add3A_386 = arith.constant 160 : i32
    %add3A_387 = arith.addi %mul3A_5, %add3A_386 : i32
    %dma_start3A_388 = arith.constant 0 : i32
    %dma_start3A_389 = tpu.memref_slice %arg5[%arg0, %add3A_387, %dma_start3A_388] : memref<2x10240x64xf32, #tpu.memory_space<hbm>> -> memref<1x80x64xf32, #tpu.memory_space<hbm>>
    %dma_start3A_390 = tpu.memref_squeeze %dma_start3A_389 : memref<1x80x64xf32, #tpu.memory_space<hbm>> -> memref<80x64xf32, #tpu.memory_space<hbm>>
    %dma_start3A_391 = arith.constant 0 : i32
    %dma_start3A_392 = tpu.memref_slice %arg12[%add3A_387, %dma_start3A_391] : memref<10240x64xf32, #tpu.memory_space<vmem_shared>> -> memref<80x64xf32, #tpu.memory_space<vmem_shared>>
    tpu.enqueue_dma source(%dma_start3A_392 : memref<80x64xf32, #tpu.memory_space<vmem_shared>>) target(%dma_start3A_390 : memref<80x64xf32, #tpu.memory_space<hbm>>) target_semaphore(%arg9 : memref<!tpu.dma_semaphore, #tpu.memory_space<semaphore_mem>>)
    %add3A_393 = arith.constant 240 : i32
    %add3A_394 = arith.addi %mul3A_5, %add3A_393 : i32
    %dma_start3A_395 = arith.constant 0 : i32
    %dma_start3A_396 = tpu.memref_slice %arg5[%arg0, %add3A_394, %dma_start3A_395] : memref<2x10240x64xf32, #tpu.memory_space<hbm>> -> memref<1x80x64xf32, #tpu.memory_space<hbm>>
    %dma_start3A_397 = tpu.memref_squeeze %dma_start3A_396 : memref<1x80x64xf32, #tpu.memory_space<hbm>> -> memref<80x64xf32, #tpu.memory_space<hbm>>
    %dma_start3A_398 = arith.constant 0 : i32
    %dma_start3A_399 = tpu.memref_slice %arg12[%add3A_394, %dma_start3A_398] : memref<10240x64xf32, #tpu.memory_space<vmem_shared>> -> memref<80x64xf32, #tpu.memory_space<vmem_shared>>
    tpu.enqueue_dma source(%dma_start3A_399 : memref<80x64xf32, #tpu.memory_space<vmem_shared>>) target(%dma_start3A_397 : memref<80x64xf32, #tpu.memory_space<hbm>>) target_semaphore(%arg9 : memref<!tpu.dma_semaphore, #tpu.memory_space<semaphore_mem>>)
    %add3A_400 = arith.constant 320 : i32
    %add3A_401 = arith.addi %mul3A_5, %add3A_400 : i32
    %dma_start3A_402 = arith.constant 0 : i32
    %dma_start3A_403 = tpu.memref_slice %arg5[%arg0, %add3A_401, %dma_start3A_402] : memref<2x10240x64xf32, #tpu.memory_space<hbm>> -> memref<1x80x64xf32, #tpu.memory_space<hbm>>
    %dma_start3A_404 = tpu.memref_squeeze %dma_start3A_403 : memref<1x80x64xf32, #tpu.memory_space<hbm>> -> memref<80x64xf32, #tpu.memory_space<hbm>>
    %dma_start3A_405 = arith.constant 0 : i32
    %dma_start3A_406 = tpu.memref_slice %arg12[%add3A_401, %dma_start3A_405] : memref<10240x64xf32, #tpu.memory_space<vmem_shared>> -> memref<80x64xf32, #tpu.memory_space<vmem_shared>>
    tpu.enqueue_dma source(%dma_start3A_406 : memref<80x64xf32, #tpu.memory_space<vmem_shared>>) target(%dma_start3A_404 : memref<80x64xf32, #tpu.memory_space<hbm>>) target_semaphore(%arg9 : memref<!tpu.dma_semaphore, #tpu.memory_space<semaphore_mem>>)
    %add3A_407 = arith.constant 400 : i32
    %add3A_408 = arith.addi %mul3A_5, %add3A_407 : i32
    %dma_start3A_409 = arith.constant 0 : i32
    %dma_start3A_410 = tpu.memref_slice %arg5[%arg0, %add3A_408, %dma_start3A_409] : memref<2x10240x64xf32, #tpu.memory_space<hbm>> -> memref<1x80x64xf32, #tpu.memory_space<hbm>>
    %dma_start3A_411 = tpu.memref_squeeze %dma_start3A_410 : memref<1x80x64xf32, #tpu.memory_space<hbm>> -> memref<80x64xf32, #tpu.memory_space<hbm>>
    %dma_start3A_412 = arith.constant 0 : i32
    %dma_start3A_413 = tpu.memref_slice %arg12[%add3A_408, %dma_start3A_412] : memref<10240x64xf32, #tpu.memory_space<vmem_shared>> -> memref<80x64xf32, #tpu.memory_space<vmem_shared>>
    tpu.enqueue_dma source(%dma_start3A_413 : memref<80x64xf32, #tpu.memory_space<vmem_shared>>) target(%dma_start3A_411 : memref<80x64xf32, #tpu.memory_space<hbm>>) target_semaphore(%arg9 : memref<!tpu.dma_semaphore, #tpu.memory_space<semaphore_mem>>)
    %add3A_414 = arith.constant 480 : i32
    %add3A_415 = arith.addi %mul3A_5, %add3A_414 : i32
    %dma_start3A_416 = arith.constant 0 : i32
    %dma_start3A_417 = tpu.memref_slice %arg5[%arg0, %add3A_415, %dma_start3A_416] : memref<2x10240x64xf32, #tpu.memory_space<hbm>> -> memref<1x80x64xf32, #tpu.memory_space<hbm>>
    %dma_start3A_418 = tpu.memref_squeeze %dma_start3A_417 : memref<1x80x64xf32, #tpu.memory_space<hbm>> -> memref<80x64xf32, #tpu.memory_space<hbm>>
    %dma_start3A_419 = arith.constant 0 : i32
    %dma_start3A_420 = tpu.memref_slice %arg12[%add3A_415, %dma_start3A_419] : memref<10240x64xf32, #tpu.memory_space<vmem_shared>> -> memref<80x64xf32, #tpu.memory_space<vmem_shared>>
    tpu.enqueue_dma source(%dma_start3A_420 : memref<80x64xf32, #tpu.memory_space<vmem_shared>>) target(%dma_start3A_418 : memref<80x64xf32, #tpu.memory_space<hbm>>) target_semaphore(%arg9 : memref<!tpu.dma_semaphore, #tpu.memory_space<semaphore_mem>>)
    %add3A_421 = arith.constant 560 : i32
    %add3A_422 = arith.addi %mul3A_5, %add3A_421 : i32
    %dma_start3A_423 = arith.constant 0 : i32
    %dma_start3A_424 = tpu.memref_slice %arg5[%arg0, %add3A_422, %dma_start3A_423] : memref<2x10240x64xf32, #tpu.memory_space<hbm>> -> memref<1x80x64xf32, #tpu.memory_space<hbm>>
    %dma_start3A_425 = tpu.memref_squeeze %dma_start3A_424 : memref<1x80x64xf32, #tpu.memory_space<hbm>> -> memref<80x64xf32, #tpu.memory_space<hbm>>
    %dma_start3A_426 = arith.constant 0 : i32
    %dma_start3A_427 = tpu.memref_slice %arg12[%add3A_422, %dma_start3A_426] : memref<10240x64xf32, #tpu.memory_space<vmem_shared>> -> memref<80x64xf32, #tpu.memory_space<vmem_shared>>
    tpu.enqueue_dma source(%dma_start3A_427 : memref<80x64xf32, #tpu.memory_space<vmem_shared>>) target(%dma_start3A_425 : memref<80x64xf32, #tpu.memory_space<hbm>>) target_semaphore(%arg9 : memref<!tpu.dma_semaphore, #tpu.memory_space<semaphore_mem>>)
    %dma_wait3A_428 = arith.constant 0 : i32
    %dma_wait3A_429 = tpu.memref_slice %arg5[%arg0, %mul3A_5, %dma_wait3A_428] : memref<2x10240x64xf32, #tpu.memory_space<hbm>> -> memref<1x80x64xf32, #tpu.memory_space<hbm>>
    %dma_wait3A_430 = tpu.memref_squeeze %dma_wait3A_429 : memref<1x80x64xf32, #tpu.memory_space<hbm>> -> memref<80x64xf32, #tpu.memory_space<hbm>>
    %dma_wait3A_431 = arith.constant 0 : i32
    %dma_wait3A_432 = tpu.memref_slice %arg12[%mul3A_5, %dma_wait3A_431] : memref<10240x64xf32, #tpu.memory_space<vmem_shared>> -> memref<80x64xf32, #tpu.memory_space<vmem_shared>>
    tpu.wait_dma2 semaphore(%arg9 : memref<!tpu.dma_semaphore, #tpu.memory_space<semaphore_mem>>) src(%dma_wait3A_432 : memref<80x64xf32, #tpu.memory_space<vmem_shared>>) dst(%dma_wait3A_430 : memref<80x64xf32, #tpu.memory_space<hbm>>)
    %dma_wait3A_433 = arith.constant 0 : i32
    %dma_wait3A_434 = tpu.memref_slice %arg5[%arg0, %mul3A_5, %dma_wait3A_433] : memref<2x10240x64xf32, #tpu.memory_space<hbm>> -> memref<1x80x64xf32, #tpu.memory_space<hbm>>
    %dma_wait3A_435 = tpu.memref_squeeze %dma_wait3A_434 : memref<1x80x64xf32, #tpu.memory_space<hbm>> -> memref<80x64xf32, #tpu.memory_space<hbm>>
    %dma_wait3A_436 = arith.constant 0 : i32
    %dma_wait3A_437 = tpu.memref_slice %arg12[%mul3A_5, %dma_wait3A_436] : memref<10240x64xf32, #tpu.memory_space<vmem_shared>> -> memref<80x64xf32, #tpu.memory_space<vmem_shared>>
    tpu.wait_dma2 semaphore(%arg9 : memref<!tpu.dma_semaphore, #tpu.memory_space<semaphore_mem>>) src(%dma_wait3A_437 : memref<80x64xf32, #tpu.memory_space<vmem_shared>>) dst(%dma_wait3A_435 : memref<80x64xf32, #tpu.memory_space<hbm>>)
    %dma_wait3A_438 = arith.constant 0 : i32
    %dma_wait3A_439 = tpu.memref_slice %arg5[%arg0, %mul3A_5, %dma_wait3A_438] : memref<2x10240x64xf32, #tpu.memory_space<hbm>> -> memref<1x80x64xf32, #tpu.memory_space<hbm>>
    %dma_wait3A_440 = tpu.memref_squeeze %dma_wait3A_439 : memref<1x80x64xf32, #tpu.memory_space<hbm>> -> memref<80x64xf32, #tpu.memory_space<hbm>>
    %dma_wait3A_441 = arith.constant 0 : i32
    %dma_wait3A_442 = tpu.memref_slice %arg12[%mul3A_5, %dma_wait3A_441] : memref<10240x64xf32, #tpu.memory_space<vmem_shared>> -> memref<80x64xf32, #tpu.memory_space<vmem_shared>>
    tpu.wait_dma2 semaphore(%arg9 : memref<!tpu.dma_semaphore, #tpu.memory_space<semaphore_mem>>) src(%dma_wait3A_442 : memref<80x64xf32, #tpu.memory_space<vmem_shared>>) dst(%dma_wait3A_440 : memref<80x64xf32, #tpu.memory_space<hbm>>)
    %dma_wait3A_443 = arith.constant 0 : i32
    %dma_wait3A_444 = tpu.memref_slice %arg5[%arg0, %mul3A_5, %dma_wait3A_443] : memref<2x10240x64xf32, #tpu.memory_space<hbm>> -> memref<1x80x64xf32, #tpu.memory_space<hbm>>
    %dma_wait3A_445 = tpu.memref_squeeze %dma_wait3A_444 : memref<1x80x64xf32, #tpu.memory_space<hbm>> -> memref<80x64xf32, #tpu.memory_space<hbm>>
    %dma_wait3A_446 = arith.constant 0 : i32
    %dma_wait3A_447 = tpu.memref_slice %arg12[%mul3A_5, %dma_wait3A_446] : memref<10240x64xf32, #tpu.memory_space<vmem_shared>> -> memref<80x64xf32, #tpu.memory_space<vmem_shared>>
    tpu.wait_dma2 semaphore(%arg9 : memref<!tpu.dma_semaphore, #tpu.memory_space<semaphore_mem>>) src(%dma_wait3A_447 : memref<80x64xf32, #tpu.memory_space<vmem_shared>>) dst(%dma_wait3A_445 : memref<80x64xf32, #tpu.memory_space<hbm>>)
    %dma_wait3A_448 = arith.constant 0 : i32
    %dma_wait3A_449 = tpu.memref_slice %arg5[%arg0, %mul3A_5, %dma_wait3A_448] : memref<2x10240x64xf32, #tpu.memory_space<hbm>> -> memref<1x80x64xf32, #tpu.memory_space<hbm>>
    %dma_wait3A_450 = tpu.memref_squeeze %dma_wait3A_449 : memref<1x80x64xf32, #tpu.memory_space<hbm>> -> memref<80x64xf32, #tpu.memory_space<hbm>>
    %dma_wait3A_451 = arith.constant 0 : i32
    %dma_wait3A_452 = tpu.memref_slice %arg12[%mul3A_5, %dma_wait3A_451] : memref<10240x64xf32, #tpu.memory_space<vmem_shared>> -> memref<80x64xf32, #tpu.memory_space<vmem_shared>>
    tpu.wait_dma2 semaphore(%arg9 : memref<!tpu.dma_semaphore, #tpu.memory_space<semaphore_mem>>) src(%dma_wait3A_452 : memref<80x64xf32, #tpu.memory_space<vmem_shared>>) dst(%dma_wait3A_450 : memref<80x64xf32, #tpu.memory_space<hbm>>)
    %dma_wait3A_453 = arith.constant 0 : i32
    %dma_wait3A_454 = tpu.memref_slice %arg5[%arg0, %mul3A_5, %dma_wait3A_453] : memref<2x10240x64xf32, #tpu.memory_space<hbm>> -> memref<1x80x64xf32, #tpu.memory_space<hbm>>
    %dma_wait3A_455 = tpu.memref_squeeze %dma_wait3A_454 : memref<1x80x64xf32, #tpu.memory_space<hbm>> -> memref<80x64xf32, #tpu.memory_space<hbm>>
    %dma_wait3A_456 = arith.constant 0 : i32
    %dma_wait3A_457 = tpu.memref_slice %arg12[%mul3A_5, %dma_wait3A_456] : memref<10240x64xf32, #tpu.memory_space<vmem_shared>> -> memref<80x64xf32, #tpu.memory_space<vmem_shared>>
    tpu.wait_dma2 semaphore(%arg9 : memref<!tpu.dma_semaphore, #tpu.memory_space<semaphore_mem>>) src(%dma_wait3A_457 : memref<80x64xf32, #tpu.memory_space<vmem_shared>>) dst(%dma_wait3A_455 : memref<80x64xf32, #tpu.memory_space<hbm>>)
    %dma_wait3A_458 = arith.constant 0 : i32
    %dma_wait3A_459 = tpu.memref_slice %arg5[%arg0, %mul3A_5, %dma_wait3A_458] : memref<2x10240x64xf32, #tpu.memory_space<hbm>> -> memref<1x80x64xf32, #tpu.memory_space<hbm>>
    %dma_wait3A_460 = tpu.memref_squeeze %dma_wait3A_459 : memref<1x80x64xf32, #tpu.memory_space<hbm>> -> memref<80x64xf32, #tpu.memory_space<hbm>>
    %dma_wait3A_461 = arith.constant 0 : i32
    %dma_wait3A_462 = tpu.memref_slice %arg12[%mul3A_5, %dma_wait3A_461] : memref<10240x64xf32, #tpu.memory_space<vmem_shared>> -> memref<80x64xf32, #tpu.memory_space<vmem_shared>>
    tpu.wait_dma2 semaphore(%arg9 : memref<!tpu.dma_semaphore, #tpu.memory_space<semaphore_mem>>) src(%dma_wait3A_462 : memref<80x64xf32, #tpu.memory_space<vmem_shared>>) dst(%dma_wait3A_460 : memref<80x64xf32, #tpu.memory_space<hbm>>)
    %dma_wait3A_463 = arith.constant 0 : i32
    %dma_wait3A_464 = tpu.memref_slice %arg5[%arg0, %mul3A_5, %dma_wait3A_463] : memref<2x10240x64xf32, #tpu.memory_space<hbm>> -> memref<1x80x64xf32, #tpu.memory_space<hbm>>
    %dma_wait3A_465 = tpu.memref_squeeze %dma_wait3A_464 : memref<1x80x64xf32, #tpu.memory_space<hbm>> -> memref<80x64xf32, #tpu.memory_space<hbm>>
    %dma_wait3A_466 = arith.constant 0 : i32
    %dma_wait3A_467 = tpu.memref_slice %arg12[%mul3A_5, %dma_wait3A_466] : memref<10240x64xf32, #tpu.memory_space<vmem_shared>> -> memref<80x64xf32, #tpu.memory_space<vmem_shared>>
    tpu.wait_dma2 semaphore(%arg9 : memref<!tpu.dma_semaphore, #tpu.memory_space<semaphore_mem>>) src(%dma_wait3A_467 : memref<80x64xf32, #tpu.memory_space<vmem_shared>>) dst(%dma_wait3A_465 : memref<80x64xf32, #tpu.memory_space<hbm>>)
    return
  }
}

#map = affine_map<(d0, d1) -> (0, 0, 0)>
module attributes {stable_mosaic.version = 14 : i64} {
  func.func @_deg_kernel(%arg0: i32, %arg1: i32, %arg2: memref<32x125x80xi32, #tpu.memory_space<hbm>>, %arg3: memref<2x10240x16xf32, #tpu.memory_space<hbm>>, %arg4: memref<125x80xi32, #tpu.memory_space<vmem>>, %arg5: memref<80x16xf32, #tpu.memory_space<vmem>>, %arg6: memref<!tpu.dma_semaphore, #tpu.memory_space<semaphore_mem>>, %arg7: memref<10240x16xf32, #tpu.memory_space<vmem_shared>>) attributes {dimension_semantics = [#tpu.dimension_semantics<core_parallel>, #tpu.dimension_semantics<subcore_parallel>], iteration_bounds = array<i64: 2, 16>, scalar_prefetch = 0 : i64, scratch_operands = 4 : i64, tpu.core_type = #tpu.core_type<sc_vector_subcore>, window_params = [{transform_indices = #map}, {transform_indices = #map}]} {
    %mul3A = arith.constant 16 : i32
    %mul3A_0 = arith.muli %arg0, %mul3A : i32
    %add3A = arith.addi %mul3A_0, %arg1 : i32
    "tpu.region"() ({
      %run_scoped3A = tpu.sem_alloc : memref<!tpu.dma_semaphore, #tpu.memory_space<semaphore_mem>>
      %dma_start3A_201 = arith.constant 0 : i32
      %dma_start3A_202 = arith.constant 0 : i32
      %dma_start3A_203 = tpu.memref_slice %arg2[%add3A, %dma_start3A_201, %dma_start3A_202] : memref<32x125x80xi32, #tpu.memory_space<hbm>> -> memref<1x125x80xi32, #tpu.memory_space<hbm>>
      %dma_start3A_204 = tpu.memref_squeeze %dma_start3A_203 : memref<1x125x80xi32, #tpu.memory_space<hbm>> -> memref<125x80xi32, #tpu.memory_space<hbm>>
      %dma_start3A_205 = arith.constant 0 : i32
      %dma_start3A_206 = arith.constant 0 : i32
      %dma_start3A_207 = tpu.memref_slice %arg2[%add3A, %dma_start3A_205, %dma_start3A_206] : memref<32x125x80xi32, #tpu.memory_space<hbm>> -> memref<1x125x80xi32, #tpu.memory_space<hbm>>
      %dma_start3A_208 = tpu.memref_squeeze %dma_start3A_207 : memref<1x125x80xi32, #tpu.memory_space<hbm>> -> memref<125x80xi32, #tpu.memory_space<hbm>>
      tpu.enqueue_dma source(%dma_start3A_208 : memref<125x80xi32, #tpu.memory_space<hbm>>) target(%arg4 : memref<125x80xi32, #tpu.memory_space<vmem>>) target_semaphore(%run_scoped3A : memref<!tpu.dma_semaphore, #tpu.memory_space<semaphore_mem>>)
      %dma_wait3A_209 = arith.constant 0 : i32
      %dma_wait3A_210 = arith.constant 0 : i32
      %dma_wait3A_211 = tpu.memref_slice %arg2[%add3A, %dma_wait3A_209, %dma_wait3A_210] : memref<32x125x80xi32, #tpu.memory_space<hbm>> -> memref<1x125x80xi32, #tpu.memory_space<hbm>>
      %dma_wait3A_212 = tpu.memref_squeeze %dma_wait3A_211 : memref<1x125x80xi32, #tpu.memory_space<hbm>> -> memref<125x80xi32, #tpu.memory_space<hbm>>
      %dma_wait3A_213 = arith.constant 0 : i32
      %dma_wait3A_214 = arith.constant 0 : i32
      %dma_wait3A_215 = tpu.memref_slice %arg2[%add3A, %dma_wait3A_213, %dma_wait3A_214] : memref<32x125x80xi32, #tpu.memory_space<hbm>> -> memref<1x125x80xi32, #tpu.memory_space<hbm>>
      %dma_wait3A_216 = tpu.memref_squeeze %dma_wait3A_215 : memref<1x125x80xi32, #tpu.memory_space<hbm>> -> memref<125x80xi32, #tpu.memory_space<hbm>>
      tpu.wait_dma2 semaphore(%run_scoped3A : memref<!tpu.dma_semaphore, #tpu.memory_space<semaphore_mem>>) src(%dma_wait3A_216 : memref<125x80xi32, #tpu.memory_space<hbm>>) dst(%arg4 : memref<125x80xi32, #tpu.memory_space<vmem>>)
      tpu.yield
    }) : () -> ()
    %mul3A_1 = arith.constant 640 : i32
    %mul3A_2 = arith.muli %arg1, %mul3A_1 : i32
    %scan3A = arith.constant 0 : i32
    %scan3A_3 = arith.constant 0 : i32
    %scan3A_4 = arith.constant 80 : i32
    %scan3A_5 = arith.addi %scan3A_3, %scan3A_4 : i32
    %scan3A_6 = arith.constant 1 : i32
    scf.for %scan3A_201 = %scan3A_3 to %scan3A_5 step %scan3A_6  : i32 {
      %broadcast_in_dim3A = arith.constant 0.000000e+00 : f32
      %broadcast_in_dim3A_202 = vector.broadcast %broadcast_in_dim3A : f32 to vector<16xf32>
      %swap3A = arith.index_cast %scan3A_201 : i32 to index
      %swap3A_203 = arith.constant 0 : index
      %swap3A_204 = tpu.vector_load %arg5[%swap3A, %swap3A_203] {strides = array<i32>} : memref<80x16xf32, #tpu.memory_space<vmem>>, vector<1x16xf32>,
      %swap3A_205 = vector.shape_cast %swap3A_204 : vector<1x16xf32> to vector<16xf32>
      %swap3A_206 = vector.shape_cast %broadcast_in_dim3A_202 : vector<16xf32> to vector<1x16xf32>
      tpu.vector_store %arg5[%swap3A, %swap3A_203], %swap3A_206 {strides = array<i32>} : memref<80x16xf32, #tpu.memory_space<vmem>>, vector<1x16xf32>,
    }
    %scan3A_7 = arith.constant 80 : i32
    %add3A_8 = arith.constant 0 : i32
    %add3A_9 = arith.addi %mul3A_2, %add3A_8 : i32
    %dma_start3A = arith.constant 0 : i32
    %dma_start3A_10 = tpu.memref_slice %arg7[%add3A_9, %dma_start3A] : memref<10240x16xf32, #tpu.memory_space<vmem_shared>> -> memref<80x16xf32, #tpu.memory_space<vmem_shared>>
    %dma_start3A_11 = arith.constant 0 : i32
    %dma_start3A_12 = tpu.memref_slice %arg7[%add3A_9, %dma_start3A_11] : memref<10240x16xf32, #tpu.memory_space<vmem_shared>> -> memref<80x16xf32, #tpu.memory_space<vmem_shared>>
    tpu.enqueue_dma source(%arg5 : memref<80x16xf32, #tpu.memory_space<vmem>>) target(%dma_start3A_12 : memref<80x16xf32, #tpu.memory_space<vmem_shared>>) target_semaphore(%arg6 : memref<!tpu.dma_semaphore, #tpu.memory_space<semaphore_mem>>)
    %add3A_13 = arith.constant 80 : i32
    %add3A_14 = arith.addi %mul3A_2, %add3A_13 : i32
    %dma_start3A_15 = arith.constant 0 : i32
    %dma_start3A_16 = tpu.memref_slice %arg7[%add3A_14, %dma_start3A_15] : memref<10240x16xf32, #tpu.memory_space<vmem_shared>> -> memref<80x16xf32, #tpu.memory_space<vmem_shared>>
    %dma_start3A_17 = arith.constant 0 : i32
    %dma_start3A_18 = tpu.memref_slice %arg7[%add3A_14, %dma_start3A_17] : memref<10240x16xf32, #tpu.memory_space<vmem_shared>> -> memref<80x16xf32, #tpu.memory_space<vmem_shared>>
    tpu.enqueue_dma source(%arg5 : memref<80x16xf32, #tpu.memory_space<vmem>>) target(%dma_start3A_18 : memref<80x16xf32, #tpu.memory_space<vmem_shared>>) target_semaphore(%arg6 : memref<!tpu.dma_semaphore, #tpu.memory_space<semaphore_mem>>)
    %add3A_19 = arith.constant 160 : i32
    %add3A_20 = arith.addi %mul3A_2, %add3A_19 : i32
    %dma_start3A_21 = arith.constant 0 : i32
    %dma_start3A_22 = tpu.memref_slice %arg7[%add3A_20, %dma_start3A_21] : memref<10240x16xf32, #tpu.memory_space<vmem_shared>> -> memref<80x16xf32, #tpu.memory_space<vmem_shared>>
    %dma_start3A_23 = arith.constant 0 : i32
    %dma_start3A_24 = tpu.memref_slice %arg7[%add3A_20, %dma_start3A_23] : memref<10240x16xf32, #tpu.memory_space<vmem_shared>> -> memref<80x16xf32, #tpu.memory_space<vmem_shared>>
    tpu.enqueue_dma source(%arg5 : memref<80x16xf32, #tpu.memory_space<vmem>>) target(%dma_start3A_24 : memref<80x16xf32, #tpu.memory_space<vmem_shared>>) target_semaphore(%arg6 : memref<!tpu.dma_semaphore, #tpu.memory_space<semaphore_mem>>)
    %add3A_25 = arith.constant 240 : i32
    %add3A_26 = arith.addi %mul3A_2, %add3A_25 : i32
    %dma_start3A_27 = arith.constant 0 : i32
    %dma_start3A_28 = tpu.memref_slice %arg7[%add3A_26, %dma_start3A_27] : memref<10240x16xf32, #tpu.memory_space<vmem_shared>> -> memref<80x16xf32, #tpu.memory_space<vmem_shared>>
    %dma_start3A_29 = arith.constant 0 : i32
    %dma_start3A_30 = tpu.memref_slice %arg7[%add3A_26, %dma_start3A_29] : memref<10240x16xf32, #tpu.memory_space<vmem_shared>> -> memref<80x16xf32, #tpu.memory_space<vmem_shared>>
    tpu.enqueue_dma source(%arg5 : memref<80x16xf32, #tpu.memory_space<vmem>>) target(%dma_start3A_30 : memref<80x16xf32, #tpu.memory_space<vmem_shared>>) target_semaphore(%arg6 : memref<!tpu.dma_semaphore, #tpu.memory_space<semaphore_mem>>)
    %add3A_31 = arith.constant 320 : i32
    %add3A_32 = arith.addi %mul3A_2, %add3A_31 : i32
    %dma_start3A_33 = arith.constant 0 : i32
    %dma_start3A_34 = tpu.memref_slice %arg7[%add3A_32, %dma_start3A_33] : memref<10240x16xf32, #tpu.memory_space<vmem_shared>> -> memref<80x16xf32, #tpu.memory_space<vmem_shared>>
    %dma_start3A_35 = arith.constant 0 : i32
    %dma_start3A_36 = tpu.memref_slice %arg7[%add3A_32, %dma_start3A_35] : memref<10240x16xf32, #tpu.memory_space<vmem_shared>> -> memref<80x16xf32, #tpu.memory_space<vmem_shared>>
    tpu.enqueue_dma source(%arg5 : memref<80x16xf32, #tpu.memory_space<vmem>>) target(%dma_start3A_36 : memref<80x16xf32, #tpu.memory_space<vmem_shared>>) target_semaphore(%arg6 : memref<!tpu.dma_semaphore, #tpu.memory_space<semaphore_mem>>)
    %add3A_37 = arith.constant 400 : i32
    %add3A_38 = arith.addi %mul3A_2, %add3A_37 : i32
    %dma_start3A_39 = arith.constant 0 : i32
    %dma_start3A_40 = tpu.memref_slice %arg7[%add3A_38, %dma_start3A_39] : memref<10240x16xf32, #tpu.memory_space<vmem_shared>> -> memref<80x16xf32, #tpu.memory_space<vmem_shared>>
    %dma_start3A_41 = arith.constant 0 : i32
    %dma_start3A_42 = tpu.memref_slice %arg7[%add3A_38, %dma_start3A_41] : memref<10240x16xf32, #tpu.memory_space<vmem_shared>> -> memref<80x16xf32, #tpu.memory_space<vmem_shared>>
    tpu.enqueue_dma source(%arg5 : memref<80x16xf32, #tpu.memory_space<vmem>>) target(%dma_start3A_42 : memref<80x16xf32, #tpu.memory_space<vmem_shared>>) target_semaphore(%arg6 : memref<!tpu.dma_semaphore, #tpu.memory_space<semaphore_mem>>)
    %add3A_43 = arith.constant 480 : i32
    %add3A_44 = arith.addi %mul3A_2, %add3A_43 : i32
    %dma_start3A_45 = arith.constant 0 : i32
    %dma_start3A_46 = tpu.memref_slice %arg7[%add3A_44, %dma_start3A_45] : memref<10240x16xf32, #tpu.memory_space<vmem_shared>> -> memref<80x16xf32, #tpu.memory_space<vmem_shared>>
    %dma_start3A_47 = arith.constant 0 : i32
    %dma_start3A_48 = tpu.memref_slice %arg7[%add3A_44, %dma_start3A_47] : memref<10240x16xf32, #tpu.memory_space<vmem_shared>> -> memref<80x16xf32, #tpu.memory_space<vmem_shared>>
    tpu.enqueue_dma source(%arg5 : memref<80x16xf32, #tpu.memory_space<vmem>>) target(%dma_start3A_48 : memref<80x16xf32, #tpu.memory_space<vmem_shared>>) target_semaphore(%arg6 : memref<!tpu.dma_semaphore, #tpu.memory_space<semaphore_mem>>)
    %add3A_49 = arith.constant 560 : i32
    %add3A_50 = arith.addi %mul3A_2, %add3A_49 : i32
    %dma_start3A_51 = arith.constant 0 : i32
    %dma_start3A_52 = tpu.memref_slice %arg7[%add3A_50, %dma_start3A_51] : memref<10240x16xf32, #tpu.memory_space<vmem_shared>> -> memref<80x16xf32, #tpu.memory_space<vmem_shared>>
    %dma_start3A_53 = arith.constant 0 : i32
    %dma_start3A_54 = tpu.memref_slice %arg7[%add3A_50, %dma_start3A_53] : memref<10240x16xf32, #tpu.memory_space<vmem_shared>> -> memref<80x16xf32, #tpu.memory_space<vmem_shared>>
    tpu.enqueue_dma source(%arg5 : memref<80x16xf32, #tpu.memory_space<vmem>>) target(%dma_start3A_54 : memref<80x16xf32, #tpu.memory_space<vmem_shared>>) target_semaphore(%arg6 : memref<!tpu.dma_semaphore, #tpu.memory_space<semaphore_mem>>)
    %dma_wait3A = arith.constant 0 : i32
    %dma_wait3A_55 = tpu.memref_slice %arg7[%mul3A_2, %dma_wait3A] : memref<10240x16xf32, #tpu.memory_space<vmem_shared>> -> memref<80x16xf32, #tpu.memory_space<vmem_shared>>
    %dma_wait3A_56 = arith.constant 0 : i32
    %dma_wait3A_57 = tpu.memref_slice %arg7[%mul3A_2, %dma_wait3A_56] : memref<10240x16xf32, #tpu.memory_space<vmem_shared>> -> memref<80x16xf32, #tpu.memory_space<vmem_shared>>
    tpu.wait_dma2 semaphore(%arg6 : memref<!tpu.dma_semaphore, #tpu.memory_space<semaphore_mem>>) src(%arg5 : memref<80x16xf32, #tpu.memory_space<vmem>>) dst(%dma_wait3A_57 : memref<80x16xf32, #tpu.memory_space<vmem_shared>>)
    %dma_wait3A_58 = arith.constant 0 : i32
    %dma_wait3A_59 = tpu.memref_slice %arg7[%mul3A_2, %dma_wait3A_58] : memref<10240x16xf32, #tpu.memory_space<vmem_shared>> -> memref<80x16xf32, #tpu.memory_space<vmem_shared>>
    %dma_wait3A_60 = arith.constant 0 : i32
    %dma_wait3A_61 = tpu.memref_slice %arg7[%mul3A_2, %dma_wait3A_60] : memref<10240x16xf32, #tpu.memory_space<vmem_shared>> -> memref<80x16xf32, #tpu.memory_space<vmem_shared>>
    tpu.wait_dma2 semaphore(%arg6 : memref<!tpu.dma_semaphore, #tpu.memory_space<semaphore_mem>>) src(%arg5 : memref<80x16xf32, #tpu.memory_space<vmem>>) dst(%dma_wait3A_61 : memref<80x16xf32, #tpu.memory_space<vmem_shared>>)
    %dma_wait3A_62 = arith.constant 0 : i32
    %dma_wait3A_63 = tpu.memref_slice %arg7[%mul3A_2, %dma_wait3A_62] : memref<10240x16xf32, #tpu.memory_space<vmem_shared>> -> memref<80x16xf32, #tpu.memory_space<vmem_shared>>
    %dma_wait3A_64 = arith.constant 0 : i32
    %dma_wait3A_65 = tpu.memref_slice %arg7[%mul3A_2, %dma_wait3A_64] : memref<10240x16xf32, #tpu.memory_space<vmem_shared>> -> memref<80x16xf32, #tpu.memory_space<vmem_shared>>
    tpu.wait_dma2 semaphore(%arg6 : memref<!tpu.dma_semaphore, #tpu.memory_space<semaphore_mem>>) src(%arg5 : memref<80x16xf32, #tpu.memory_space<vmem>>) dst(%dma_wait3A_65 : memref<80x16xf32, #tpu.memory_space<vmem_shared>>)
    %dma_wait3A_66 = arith.constant 0 : i32
    %dma_wait3A_67 = tpu.memref_slice %arg7[%mul3A_2, %dma_wait3A_66] : memref<10240x16xf32, #tpu.memory_space<vmem_shared>> -> memref<80x16xf32, #tpu.memory_space<vmem_shared>>
    %dma_wait3A_68 = arith.constant 0 : i32
    %dma_wait3A_69 = tpu.memref_slice %arg7[%mul3A_2, %dma_wait3A_68] : memref<10240x16xf32, #tpu.memory_space<vmem_shared>> -> memref<80x16xf32, #tpu.memory_space<vmem_shared>>
    tpu.wait_dma2 semaphore(%arg6 : memref<!tpu.dma_semaphore, #tpu.memory_space<semaphore_mem>>) src(%arg5 : memref<80x16xf32, #tpu.memory_space<vmem>>) dst(%dma_wait3A_69 : memref<80x16xf32, #tpu.memory_space<vmem_shared>>)
    %dma_wait3A_70 = arith.constant 0 : i32
    %dma_wait3A_71 = tpu.memref_slice %arg7[%mul3A_2, %dma_wait3A_70] : memref<10240x16xf32, #tpu.memory_space<vmem_shared>> -> memref<80x16xf32, #tpu.memory_space<vmem_shared>>
    %dma_wait3A_72 = arith.constant 0 : i32
    %dma_wait3A_73 = tpu.memref_slice %arg7[%mul3A_2, %dma_wait3A_72] : memref<10240x16xf32, #tpu.memory_space<vmem_shared>> -> memref<80x16xf32, #tpu.memory_space<vmem_shared>>
    tpu.wait_dma2 semaphore(%arg6 : memref<!tpu.dma_semaphore, #tpu.memory_space<semaphore_mem>>) src(%arg5 : memref<80x16xf32, #tpu.memory_space<vmem>>) dst(%dma_wait3A_73 : memref<80x16xf32, #tpu.memory_space<vmem_shared>>)
    %dma_wait3A_74 = arith.constant 0 : i32
    %dma_wait3A_75 = tpu.memref_slice %arg7[%mul3A_2, %dma_wait3A_74] : memref<10240x16xf32, #tpu.memory_space<vmem_shared>> -> memref<80x16xf32, #tpu.memory_space<vmem_shared>>
    %dma_wait3A_76 = arith.constant 0 : i32
    %dma_wait3A_77 = tpu.memref_slice %arg7[%mul3A_2, %dma_wait3A_76] : memref<10240x16xf32, #tpu.memory_space<vmem_shared>> -> memref<80x16xf32, #tpu.memory_space<vmem_shared>>
    tpu.wait_dma2 semaphore(%arg6 : memref<!tpu.dma_semaphore, #tpu.memory_space<semaphore_mem>>) src(%arg5 : memref<80x16xf32, #tpu.memory_space<vmem>>) dst(%dma_wait3A_77 : memref<80x16xf32, #tpu.memory_space<vmem_shared>>)
    %dma_wait3A_78 = arith.constant 0 : i32
    %dma_wait3A_79 = tpu.memref_slice %arg7[%mul3A_2, %dma_wait3A_78] : memref<10240x16xf32, #tpu.memory_space<vmem_shared>> -> memref<80x16xf32, #tpu.memory_space<vmem_shared>>
    %dma_wait3A_80 = arith.constant 0 : i32
    %dma_wait3A_81 = tpu.memref_slice %arg7[%mul3A_2, %dma_wait3A_80] : memref<10240x16xf32, #tpu.memory_space<vmem_shared>> -> memref<80x16xf32, #tpu.memory_space<vmem_shared>>
    tpu.wait_dma2 semaphore(%arg6 : memref<!tpu.dma_semaphore, #tpu.memory_space<semaphore_mem>>) src(%arg5 : memref<80x16xf32, #tpu.memory_space<vmem>>) dst(%dma_wait3A_81 : memref<80x16xf32, #tpu.memory_space<vmem_shared>>)
    %dma_wait3A_82 = arith.constant 0 : i32
    %dma_wait3A_83 = tpu.memref_slice %arg7[%mul3A_2, %dma_wait3A_82] : memref<10240x16xf32, #tpu.memory_space<vmem_shared>> -> memref<80x16xf32, #tpu.memory_space<vmem_shared>>
    %dma_wait3A_84 = arith.constant 0 : i32
    %dma_wait3A_85 = tpu.memref_slice %arg7[%mul3A_2, %dma_wait3A_84] : memref<10240x16xf32, #tpu.memory_space<vmem_shared>> -> memref<80x16xf32, #tpu.memory_space<vmem_shared>>
    tpu.wait_dma2 semaphore(%arg6 : memref<!tpu.dma_semaphore, #tpu.memory_space<semaphore_mem>>) src(%arg5 : memref<80x16xf32, #tpu.memory_space<vmem>>) dst(%dma_wait3A_85 : memref<80x16xf32, #tpu.memory_space<vmem_shared>>)
    %scan3A_86 = arith.constant 0 : i32
    %scan3A_87 = arith.constant 0 : i32
    %scan3A_88 = arith.constant 80 : i32
    %scan3A_89 = arith.addi %scan3A_87, %scan3A_88 : i32
    %scan3A_90 = arith.constant 1 : i32
    scf.for %scan3A_201 = %scan3A_87 to %scan3A_89 step %scan3A_90  : i32 {
      %broadcast_in_dim3A = arith.constant 1.000000e+00 : f32
      %broadcast_in_dim3A_202 = vector.broadcast %broadcast_in_dim3A : f32 to vector<16xf32>
      %swap3A = arith.index_cast %scan3A_201 : i32 to index
      %swap3A_203 = arith.constant 0 : index
      %swap3A_204 = tpu.vector_load %arg5[%swap3A, %swap3A_203] {strides = array<i32>} : memref<80x16xf32, #tpu.memory_space<vmem>>, vector<1x16xf32>,
      %swap3A_205 = vector.shape_cast %swap3A_204 : vector<1x16xf32> to vector<16xf32>
      %swap3A_206 = vector.shape_cast %broadcast_in_dim3A_202 : vector<16xf32> to vector<1x16xf32>
      tpu.vector_store %arg5[%swap3A, %swap3A_203], %swap3A_206 {strides = array<i32>} : memref<80x16xf32, #tpu.memory_space<vmem>>, vector<1x16xf32>,
    }
    %scan3A_91 = arith.constant 80 : i32
    %barrier3A = arith.constant 0 : index
    tpu.barrier barrier_id(%barrier3A)
    %scan3A_92 = arith.constant 0 : i32
    %scan3A_93 = arith.constant 0 : i32
    %scan3A_94 = arith.constant 125 : i32
    %scan3A_95 = arith.addi %scan3A_93, %scan3A_94 : i32
    %scan3A_96 = arith.constant 1 : i32
    scf.for %scan3A_201 = %scan3A_93 to %scan3A_95 step %scan3A_96  : i32 {
      %dma_start3A_202 = arith.constant 0 : i32
      %dma_start3A_203 = tpu.memref_slice %arg4[%scan3A_201, %dma_start3A_202] : memref<125x80xi32, #tpu.memory_space<vmem>> -> memref<1x80xi32, #tpu.memory_space<vmem>>
      %dma_start3A_204 = tpu.memref_squeeze %dma_start3A_203 : memref<1x80xi32, #tpu.memory_space<vmem>> -> memref<80xi32, #tpu.memory_space<vmem>>
      %dma_start3A_205 = arith.constant 0 : i32
      %dma_start3A_206 = arith.constant 0 : i32
      %dma_start3A_207 = tpu.memref_slice %arg7[%dma_start3A_205, %dma_start3A_206] : memref<10240x16xf32, #tpu.memory_space<vmem_shared>> -> memref<10240x16xf32, #tpu.memory_space<vmem_shared>>
      tpu.enqueue_indirect_dma source(%arg5 : memref<80x16xf32, #tpu.memory_space<vmem>>) target(%dma_start3A_207 : memref<10240x16xf32, #tpu.memory_space<vmem_shared>>) offsets(%dma_start3A_204 : memref<80xi32, #tpu.memory_space<vmem>>) semaphore(%arg6 : memref<!tpu.dma_semaphore, #tpu.memory_space<semaphore_mem>>) {add = true}
    }
    %scan3A_97 = arith.constant 125 : i32
    %scan3A_98 = arith.constant 0 : i32
    %scan3A_99 = arith.constant 0 : i32
    %scan3A_100 = arith.constant 125 : i32
    %scan3A_101 = arith.addi %scan3A_99, %scan3A_100 : i32
    %scan3A_102 = arith.constant 1 : i32
    scf.for %scan3A_201 = %scan3A_99 to %scan3A_101 step %scan3A_102  : i32 {
      %dma_wait3A_202 = arith.constant 0 : i32
      %dma_wait3A_203 = arith.constant 0 : i32
      %dma_wait3A_204 = tpu.memref_slice %arg4[%dma_wait3A_202, %dma_wait3A_203] : memref<125x80xi32, #tpu.memory_space<vmem>> -> memref<1x80xi32, #tpu.memory_space<vmem>>
      %dma_wait3A_205 = tpu.memref_squeeze %dma_wait3A_204 : memref<1x80xi32, #tpu.memory_space<vmem>> -> memref<80xi32, #tpu.memory_space<vmem>>
      %dma_wait3A_206 = arith.constant 0 : i32
      %dma_wait3A_207 = arith.constant 0 : i32
      %dma_wait3A_208 = tpu.memref_slice %arg7[%dma_wait3A_206, %dma_wait3A_207] : memref<10240x16xf32, #tpu.memory_space<vmem_shared>> -> memref<10240x16xf32, #tpu.memory_space<vmem_shared>>
      tpu.wait_indirect_dma semaphore(%arg6 : memref<!tpu.dma_semaphore, #tpu.memory_space<semaphore_mem>>) src(%arg5 : memref<80x16xf32, #tpu.memory_space<vmem>>) dst(%dma_wait3A_208 : memref<10240x16xf32, #tpu.memory_space<vmem_shared>>)
    }
    %scan3A_103 = arith.constant 125 : i32
    %barrier3A_104 = arith.constant 0 : index
    tpu.barrier barrier_id(%barrier3A_104)
    %add3A_105 = arith.constant 0 : i32
    %add3A_106 = arith.addi %mul3A_2, %add3A_105 : i32
    %dma_start3A_107 = arith.constant 0 : i32
    %dma_start3A_108 = tpu.memref_slice %arg3[%arg0, %add3A_106, %dma_start3A_107] : memref<2x10240x16xf32, #tpu.memory_space<hbm>> -> memref<1x80x16xf32, #tpu.memory_space<hbm>>
    %dma_start3A_109 = tpu.memref_squeeze %dma_start3A_108 : memref<1x80x16xf32, #tpu.memory_space<hbm>> -> memref<80x16xf32, #tpu.memory_space<hbm>>
    %dma_start3A_110 = arith.constant 0 : i32
    %dma_start3A_111 = tpu.memref_slice %arg7[%add3A_106, %dma_start3A_110] : memref<10240x16xf32, #tpu.memory_space<vmem_shared>> -> memref<80x16xf32, #tpu.memory_space<vmem_shared>>
    tpu.enqueue_dma source(%dma_start3A_111 : memref<80x16xf32, #tpu.memory_space<vmem_shared>>) target(%dma_start3A_109 : memref<80x16xf32, #tpu.memory_space<hbm>>) target_semaphore(%arg6 : memref<!tpu.dma_semaphore, #tpu.memory_space<semaphore_mem>>)
    %add3A_112 = arith.constant 80 : i32
    %add3A_113 = arith.addi %mul3A_2, %add3A_112 : i32
    %dma_start3A_114 = arith.constant 0 : i32
    %dma_start3A_115 = tpu.memref_slice %arg3[%arg0, %add3A_113, %dma_start3A_114] : memref<2x10240x16xf32, #tpu.memory_space<hbm>> -> memref<1x80x16xf32, #tpu.memory_space<hbm>>
    %dma_start3A_116 = tpu.memref_squeeze %dma_start3A_115 : memref<1x80x16xf32, #tpu.memory_space<hbm>> -> memref<80x16xf32, #tpu.memory_space<hbm>>
    %dma_start3A_117 = arith.constant 0 : i32
    %dma_start3A_118 = tpu.memref_slice %arg7[%add3A_113, %dma_start3A_117] : memref<10240x16xf32, #tpu.memory_space<vmem_shared>> -> memref<80x16xf32, #tpu.memory_space<vmem_shared>>
    tpu.enqueue_dma source(%dma_start3A_118 : memref<80x16xf32, #tpu.memory_space<vmem_shared>>) target(%dma_start3A_116 : memref<80x16xf32, #tpu.memory_space<hbm>>) target_semaphore(%arg6 : memref<!tpu.dma_semaphore, #tpu.memory_space<semaphore_mem>>)
    %add3A_119 = arith.constant 160 : i32
    %add3A_120 = arith.addi %mul3A_2, %add3A_119 : i32
    %dma_start3A_121 = arith.constant 0 : i32
    %dma_start3A_122 = tpu.memref_slice %arg3[%arg0, %add3A_120, %dma_start3A_121] : memref<2x10240x16xf32, #tpu.memory_space<hbm>> -> memref<1x80x16xf32, #tpu.memory_space<hbm>>
    %dma_start3A_123 = tpu.memref_squeeze %dma_start3A_122 : memref<1x80x16xf32, #tpu.memory_space<hbm>> -> memref<80x16xf32, #tpu.memory_space<hbm>>
    %dma_start3A_124 = arith.constant 0 : i32
    %dma_start3A_125 = tpu.memref_slice %arg7[%add3A_120, %dma_start3A_124] : memref<10240x16xf32, #tpu.memory_space<vmem_shared>> -> memref<80x16xf32, #tpu.memory_space<vmem_shared>>
    tpu.enqueue_dma source(%dma_start3A_125 : memref<80x16xf32, #tpu.memory_space<vmem_shared>>) target(%dma_start3A_123 : memref<80x16xf32, #tpu.memory_space<hbm>>) target_semaphore(%arg6 : memref<!tpu.dma_semaphore, #tpu.memory_space<semaphore_mem>>)
    %add3A_126 = arith.constant 240 : i32
    %add3A_127 = arith.addi %mul3A_2, %add3A_126 : i32
    %dma_start3A_128 = arith.constant 0 : i32
    %dma_start3A_129 = tpu.memref_slice %arg3[%arg0, %add3A_127, %dma_start3A_128] : memref<2x10240x16xf32, #tpu.memory_space<hbm>> -> memref<1x80x16xf32, #tpu.memory_space<hbm>>
    %dma_start3A_130 = tpu.memref_squeeze %dma_start3A_129 : memref<1x80x16xf32, #tpu.memory_space<hbm>> -> memref<80x16xf32, #tpu.memory_space<hbm>>
    %dma_start3A_131 = arith.constant 0 : i32
    %dma_start3A_132 = tpu.memref_slice %arg7[%add3A_127, %dma_start3A_131] : memref<10240x16xf32, #tpu.memory_space<vmem_shared>> -> memref<80x16xf32, #tpu.memory_space<vmem_shared>>
    tpu.enqueue_dma source(%dma_start3A_132 : memref<80x16xf32, #tpu.memory_space<vmem_shared>>) target(%dma_start3A_130 : memref<80x16xf32, #tpu.memory_space<hbm>>) target_semaphore(%arg6 : memref<!tpu.dma_semaphore, #tpu.memory_space<semaphore_mem>>)
    %add3A_133 = arith.constant 320 : i32
    %add3A_134 = arith.addi %mul3A_2, %add3A_133 : i32
    %dma_start3A_135 = arith.constant 0 : i32
    %dma_start3A_136 = tpu.memref_slice %arg3[%arg0, %add3A_134, %dma_start3A_135] : memref<2x10240x16xf32, #tpu.memory_space<hbm>> -> memref<1x80x16xf32, #tpu.memory_space<hbm>>
    %dma_start3A_137 = tpu.memref_squeeze %dma_start3A_136 : memref<1x80x16xf32, #tpu.memory_space<hbm>> -> memref<80x16xf32, #tpu.memory_space<hbm>>
    %dma_start3A_138 = arith.constant 0 : i32
    %dma_start3A_139 = tpu.memref_slice %arg7[%add3A_134, %dma_start3A_138] : memref<10240x16xf32, #tpu.memory_space<vmem_shared>> -> memref<80x16xf32, #tpu.memory_space<vmem_shared>>
    tpu.enqueue_dma source(%dma_start3A_139 : memref<80x16xf32, #tpu.memory_space<vmem_shared>>) target(%dma_start3A_137 : memref<80x16xf32, #tpu.memory_space<hbm>>) target_semaphore(%arg6 : memref<!tpu.dma_semaphore, #tpu.memory_space<semaphore_mem>>)
    %add3A_140 = arith.constant 400 : i32
    %add3A_141 = arith.addi %mul3A_2, %add3A_140 : i32
    %dma_start3A_142 = arith.constant 0 : i32
    %dma_start3A_143 = tpu.memref_slice %arg3[%arg0, %add3A_141, %dma_start3A_142] : memref<2x10240x16xf32, #tpu.memory_space<hbm>> -> memref<1x80x16xf32, #tpu.memory_space<hbm>>
    %dma_start3A_144 = tpu.memref_squeeze %dma_start3A_143 : memref<1x80x16xf32, #tpu.memory_space<hbm>> -> memref<80x16xf32, #tpu.memory_space<hbm>>
    %dma_start3A_145 = arith.constant 0 : i32
    %dma_start3A_146 = tpu.memref_slice %arg7[%add3A_141, %dma_start3A_145] : memref<10240x16xf32, #tpu.memory_space<vmem_shared>> -> memref<80x16xf32, #tpu.memory_space<vmem_shared>>
    tpu.enqueue_dma source(%dma_start3A_146 : memref<80x16xf32, #tpu.memory_space<vmem_shared>>) target(%dma_start3A_144 : memref<80x16xf32, #tpu.memory_space<hbm>>) target_semaphore(%arg6 : memref<!tpu.dma_semaphore, #tpu.memory_space<semaphore_mem>>)
    %add3A_147 = arith.constant 480 : i32
    %add3A_148 = arith.addi %mul3A_2, %add3A_147 : i32
    %dma_start3A_149 = arith.constant 0 : i32
    %dma_start3A_150 = tpu.memref_slice %arg3[%arg0, %add3A_148, %dma_start3A_149] : memref<2x10240x16xf32, #tpu.memory_space<hbm>> -> memref<1x80x16xf32, #tpu.memory_space<hbm>>
    %dma_start3A_151 = tpu.memref_squeeze %dma_start3A_150 : memref<1x80x16xf32, #tpu.memory_space<hbm>> -> memref<80x16xf32, #tpu.memory_space<hbm>>
    %dma_start3A_152 = arith.constant 0 : i32
    %dma_start3A_153 = tpu.memref_slice %arg7[%add3A_148, %dma_start3A_152] : memref<10240x16xf32, #tpu.memory_space<vmem_shared>> -> memref<80x16xf32, #tpu.memory_space<vmem_shared>>
    tpu.enqueue_dma source(%dma_start3A_153 : memref<80x16xf32, #tpu.memory_space<vmem_shared>>) target(%dma_start3A_151 : memref<80x16xf32, #tpu.memory_space<hbm>>) target_semaphore(%arg6 : memref<!tpu.dma_semaphore, #tpu.memory_space<semaphore_mem>>)
    %add3A_154 = arith.constant 560 : i32
    %add3A_155 = arith.addi %mul3A_2, %add3A_154 : i32
    %dma_start3A_156 = arith.constant 0 : i32
    %dma_start3A_157 = tpu.memref_slice %arg3[%arg0, %add3A_155, %dma_start3A_156] : memref<2x10240x16xf32, #tpu.memory_space<hbm>> -> memref<1x80x16xf32, #tpu.memory_space<hbm>>
    %dma_start3A_158 = tpu.memref_squeeze %dma_start3A_157 : memref<1x80x16xf32, #tpu.memory_space<hbm>> -> memref<80x16xf32, #tpu.memory_space<hbm>>
    %dma_start3A_159 = arith.constant 0 : i32
    %dma_start3A_160 = tpu.memref_slice %arg7[%add3A_155, %dma_start3A_159] : memref<10240x16xf32, #tpu.memory_space<vmem_shared>> -> memref<80x16xf32, #tpu.memory_space<vmem_shared>>
    tpu.enqueue_dma source(%dma_start3A_160 : memref<80x16xf32, #tpu.memory_space<vmem_shared>>) target(%dma_start3A_158 : memref<80x16xf32, #tpu.memory_space<hbm>>) target_semaphore(%arg6 : memref<!tpu.dma_semaphore, #tpu.memory_space<semaphore_mem>>)
    %dma_wait3A_161 = arith.constant 0 : i32
    %dma_wait3A_162 = tpu.memref_slice %arg3[%arg0, %mul3A_2, %dma_wait3A_161] : memref<2x10240x16xf32, #tpu.memory_space<hbm>> -> memref<1x80x16xf32, #tpu.memory_space<hbm>>
    %dma_wait3A_163 = tpu.memref_squeeze %dma_wait3A_162 : memref<1x80x16xf32, #tpu.memory_space<hbm>> -> memref<80x16xf32, #tpu.memory_space<hbm>>
    %dma_wait3A_164 = arith.constant 0 : i32
    %dma_wait3A_165 = tpu.memref_slice %arg7[%mul3A_2, %dma_wait3A_164] : memref<10240x16xf32, #tpu.memory_space<vmem_shared>> -> memref<80x16xf32, #tpu.memory_space<vmem_shared>>
    tpu.wait_dma2 semaphore(%arg6 : memref<!tpu.dma_semaphore, #tpu.memory_space<semaphore_mem>>) src(%dma_wait3A_165 : memref<80x16xf32, #tpu.memory_space<vmem_shared>>) dst(%dma_wait3A_163 : memref<80x16xf32, #tpu.memory_space<hbm>>)
    %dma_wait3A_166 = arith.constant 0 : i32
    %dma_wait3A_167 = tpu.memref_slice %arg3[%arg0, %mul3A_2, %dma_wait3A_166] : memref<2x10240x16xf32, #tpu.memory_space<hbm>> -> memref<1x80x16xf32, #tpu.memory_space<hbm>>
    %dma_wait3A_168 = tpu.memref_squeeze %dma_wait3A_167 : memref<1x80x16xf32, #tpu.memory_space<hbm>> -> memref<80x16xf32, #tpu.memory_space<hbm>>
    %dma_wait3A_169 = arith.constant 0 : i32
    %dma_wait3A_170 = tpu.memref_slice %arg7[%mul3A_2, %dma_wait3A_169] : memref<10240x16xf32, #tpu.memory_space<vmem_shared>> -> memref<80x16xf32, #tpu.memory_space<vmem_shared>>
    tpu.wait_dma2 semaphore(%arg6 : memref<!tpu.dma_semaphore, #tpu.memory_space<semaphore_mem>>) src(%dma_wait3A_170 : memref<80x16xf32, #tpu.memory_space<vmem_shared>>) dst(%dma_wait3A_168 : memref<80x16xf32, #tpu.memory_space<hbm>>)
    %dma_wait3A_171 = arith.constant 0 : i32
    %dma_wait3A_172 = tpu.memref_slice %arg3[%arg0, %mul3A_2, %dma_wait3A_171] : memref<2x10240x16xf32, #tpu.memory_space<hbm>> -> memref<1x80x16xf32, #tpu.memory_space<hbm>>
    %dma_wait3A_173 = tpu.memref_squeeze %dma_wait3A_172 : memref<1x80x16xf32, #tpu.memory_space<hbm>> -> memref<80x16xf32, #tpu.memory_space<hbm>>
    %dma_wait3A_174 = arith.constant 0 : i32
    %dma_wait3A_175 = tpu.memref_slice %arg7[%mul3A_2, %dma_wait3A_174] : memref<10240x16xf32, #tpu.memory_space<vmem_shared>> -> memref<80x16xf32, #tpu.memory_space<vmem_shared>>
    tpu.wait_dma2 semaphore(%arg6 : memref<!tpu.dma_semaphore, #tpu.memory_space<semaphore_mem>>) src(%dma_wait3A_175 : memref<80x16xf32, #tpu.memory_space<vmem_shared>>) dst(%dma_wait3A_173 : memref<80x16xf32, #tpu.memory_space<hbm>>)
    %dma_wait3A_176 = arith.constant 0 : i32
    %dma_wait3A_177 = tpu.memref_slice %arg3[%arg0, %mul3A_2, %dma_wait3A_176] : memref<2x10240x16xf32, #tpu.memory_space<hbm>> -> memref<1x80x16xf32, #tpu.memory_space<hbm>>
    %dma_wait3A_178 = tpu.memref_squeeze %dma_wait3A_177 : memref<1x80x16xf32, #tpu.memory_space<hbm>> -> memref<80x16xf32, #tpu.memory_space<hbm>>
    %dma_wait3A_179 = arith.constant 0 : i32
    %dma_wait3A_180 = tpu.memref_slice %arg7[%mul3A_2, %dma_wait3A_179] : memref<10240x16xf32, #tpu.memory_space<vmem_shared>> -> memref<80x16xf32, #tpu.memory_space<vmem_shared>>
    tpu.wait_dma2 semaphore(%arg6 : memref<!tpu.dma_semaphore, #tpu.memory_space<semaphore_mem>>) src(%dma_wait3A_180 : memref<80x16xf32, #tpu.memory_space<vmem_shared>>) dst(%dma_wait3A_178 : memref<80x16xf32, #tpu.memory_space<hbm>>)
    %dma_wait3A_181 = arith.constant 0 : i32
    %dma_wait3A_182 = tpu.memref_slice %arg3[%arg0, %mul3A_2, %dma_wait3A_181] : memref<2x10240x16xf32, #tpu.memory_space<hbm>> -> memref<1x80x16xf32, #tpu.memory_space<hbm>>
    %dma_wait3A_183 = tpu.memref_squeeze %dma_wait3A_182 : memref<1x80x16xf32, #tpu.memory_space<hbm>> -> memref<80x16xf32, #tpu.memory_space<hbm>>
    %dma_wait3A_184 = arith.constant 0 : i32
    %dma_wait3A_185 = tpu.memref_slice %arg7[%mul3A_2, %dma_wait3A_184] : memref<10240x16xf32, #tpu.memory_space<vmem_shared>> -> memref<80x16xf32, #tpu.memory_space<vmem_shared>>
    tpu.wait_dma2 semaphore(%arg6 : memref<!tpu.dma_semaphore, #tpu.memory_space<semaphore_mem>>) src(%dma_wait3A_185 : memref<80x16xf32, #tpu.memory_space<vmem_shared>>) dst(%dma_wait3A_183 : memref<80x16xf32, #tpu.memory_space<hbm>>)
    %dma_wait3A_186 = arith.constant 0 : i32
    %dma_wait3A_187 = tpu.memref_slice %arg3[%arg0, %mul3A_2, %dma_wait3A_186] : memref<2x10240x16xf32, #tpu.memory_space<hbm>> -> memref<1x80x16xf32, #tpu.memory_space<hbm>>
    %dma_wait3A_188 = tpu.memref_squeeze %dma_wait3A_187 : memref<1x80x16xf32, #tpu.memory_space<hbm>> -> memref<80x16xf32, #tpu.memory_space<hbm>>
    %dma_wait3A_189 = arith.constant 0 : i32
    %dma_wait3A_190 = tpu.memref_slice %arg7[%mul3A_2, %dma_wait3A_189] : memref<10240x16xf32, #tpu.memory_space<vmem_shared>> -> memref<80x16xf32, #tpu.memory_space<vmem_shared>>
    tpu.wait_dma2 semaphore(%arg6 : memref<!tpu.dma_semaphore, #tpu.memory_space<semaphore_mem>>) src(%dma_wait3A_190 : memref<80x16xf32, #tpu.memory_space<vmem_shared>>) dst(%dma_wait3A_188 : memref<80x16xf32, #tpu.memory_space<hbm>>)
    %dma_wait3A_191 = arith.constant 0 : i32
    %dma_wait3A_192 = tpu.memref_slice %arg3[%arg0, %mul3A_2, %dma_wait3A_191] : memref<2x10240x16xf32, #tpu.memory_space<hbm>> -> memref<1x80x16xf32, #tpu.memory_space<hbm>>
    %dma_wait3A_193 = tpu.memref_squeeze %dma_wait3A_192 : memref<1x80x16xf32, #tpu.memory_space<hbm>> -> memref<80x16xf32, #tpu.memory_space<hbm>>
    %dma_wait3A_194 = arith.constant 0 : i32
    %dma_wait3A_195 = tpu.memref_slice %arg7[%mul3A_2, %dma_wait3A_194] : memref<10240x16xf32, #tpu.memory_space<vmem_shared>> -> memref<80x16xf32, #tpu.memory_space<vmem_shared>>
    tpu.wait_dma2 semaphore(%arg6 : memref<!tpu.dma_semaphore, #tpu.memory_space<semaphore_mem>>) src(%dma_wait3A_195 : memref<80x16xf32, #tpu.memory_space<vmem_shared>>) dst(%dma_wait3A_193 : memref<80x16xf32, #tpu.memory_space<hbm>>)
    %dma_wait3A_196 = arith.constant 0 : i32
    %dma_wait3A_197 = tpu.memref_slice %arg3[%arg0, %mul3A_2, %dma_wait3A_196] : memref<2x10240x16xf32, #tpu.memory_space<hbm>> -> memref<1x80x16xf32, #tpu.memory_space<hbm>>
    %dma_wait3A_198 = tpu.memref_squeeze %dma_wait3A_197 : memref<1x80x16xf32, #tpu.memory_space<hbm>> -> memref<80x16xf32, #tpu.memory_space<hbm>>
    %dma_wait3A_199 = arith.constant 0 : i32
    %dma_wait3A_200 = tpu.memref_slice %arg7[%mul3A_2, %dma_wait3A_199] : memref<10240x16xf32, #tpu.memory_space<vmem_shared>> -> memref<80x16xf32, #tpu.memory_space<vmem_shared>>
    tpu.wait_dma2 semaphore(%arg6 : memref<!tpu.dma_semaphore, #tpu.memory_space<semaphore_mem>>) src(%dma_wait3A_200 : memref<80x16xf32, #tpu.memory_space<vmem_shared>>) dst(%dma_wait3A_198 : memref<80x16xf32, #tpu.memory_space<hbm>>)
    return
  }
}

#map = affine_map<(d0, d1) -> (0, 0)>
#map1 = affine_map<(d0, d1) -> (0, 0, 0, 0)>
#map2 = affine_map<(d0, d1) -> (0, 0, 0)>
module attributes {stable_mosaic.version = 14 : i64} {
  func.func @_agg_kernel(%arg0: i32, %arg1: i32, %arg2: memref<10000x64xf32, #tpu.memory_space<hbm>>, %arg3: memref<32x25x5x80xi32, #tpu.memory_space<hbm>>, %arg4: memref<32x25x5x80xi32, #tpu.memory_space<hbm>>, %arg5: memref<2x10240x64xf32, #tpu.memory_space<hbm>>, %arg6: memref<3x5x80xi32, #tpu.memory_space<vmem>>, %arg7: memref<3x5x80xi32, #tpu.memory_space<vmem>>, %arg8: memref<8x80x64xf32, #tpu.memory_space<vmem>>, %arg9: memref<!tpu.dma_semaphore, #tpu.memory_space<semaphore_mem>>, %arg10: memref<!tpu.dma_semaphore, #tpu.memory_space<semaphore_mem>>, %arg11: memref<!tpu.dma_semaphore, #tpu.memory_space<semaphore_mem>>, %arg12: memref<10240x64xf32, #tpu.memory_space<vmem_shared>>) attributes {dimension_semantics = [#tpu.dimension_semantics<core_parallel>, #tpu.dimension_semantics<subcore_parallel>], iteration_bounds = array<i64: 2, 16>, scalar_prefetch = 0 : i64, scratch_operands = 7 : i64, tpu.core_type = #tpu.core_type<sc_vector_subcore>, window_params = [{transform_indices = #map}, {transform_indices = #map1}, {transform_indices = #map1}, {transform_indices = #map2}]} {
    %mul3A = arith.constant 16 : i32
    %mul3A_0 = arith.muli %arg0, %mul3A : i32
    %add3A = arith.addi %mul3A_0, %arg1 : i32
    %run_scoped3A = arith.constant 0 : i32
    %run_scoped3A_1 = arith.constant 0 : i32
    "tpu.region"() ({
      %run_scoped3A_468 = tpu.sem_alloc : memref<!tpu.dma_semaphore, #tpu.memory_space<semaphore_mem>>
      %dma_start3A_469 = arith.constant 0 : i32
      %dma_start3A_470 = arith.constant 0 : i32
      %dma_start3A_471 = tpu.memref_slice %arg6[%run_scoped3A_1, %dma_start3A_469, %dma_start3A_470] : memref<3x5x80xi32, #tpu.memory_space<vmem>> -> memref<1x5x80xi32, #tpu.memory_space<vmem>>
      %dma_start3A_472 = tpu.memref_squeeze %dma_start3A_471 : memref<1x5x80xi32, #tpu.memory_space<vmem>> -> memref<5x80xi32, #tpu.memory_space<vmem>>
      %dma_start3A_473 = arith.constant 0 : i32
      %dma_start3A_474 = arith.constant 0 : i32
      %dma_start3A_475 = tpu.memref_slice %arg3[%add3A, %run_scoped3A, %dma_start3A_473, %dma_start3A_474] : memref<32x25x5x80xi32, #tpu.memory_space<hbm>> -> memref<1x1x5x80xi32, #tpu.memory_space<hbm>>
      %dma_start3A_476 = tpu.memref_squeeze %dma_start3A_475 : memref<1x1x5x80xi32, #tpu.memory_space<hbm>> -> memref<5x80xi32, #tpu.memory_space<hbm>>
      %dma_start3A_477 = arith.constant 0 : i32
      %dma_start3A_478 = arith.constant 0 : i32
      %dma_start3A_479 = tpu.memref_slice %arg6[%run_scoped3A_1, %dma_start3A_477, %dma_start3A_478] : memref<3x5x80xi32, #tpu.memory_space<vmem>> -> memref<1x5x80xi32, #tpu.memory_space<vmem>>
      %dma_start3A_480 = tpu.memref_squeeze %dma_start3A_479 : memref<1x5x80xi32, #tpu.memory_space<vmem>> -> memref<5x80xi32, #tpu.memory_space<vmem>>
      %dma_start3A_481 = arith.constant 0 : i32
      %dma_start3A_482 = arith.constant 0 : i32
      %dma_start3A_483 = tpu.memref_slice %arg3[%add3A, %run_scoped3A, %dma_start3A_481, %dma_start3A_482] : memref<32x25x5x80xi32, #tpu.memory_space<hbm>> -> memref<1x1x5x80xi32, #tpu.memory_space<hbm>>
      %dma_start3A_484 = tpu.memref_squeeze %dma_start3A_483 : memref<1x1x5x80xi32, #tpu.memory_space<hbm>> -> memref<5x80xi32, #tpu.memory_space<hbm>>
      tpu.enqueue_dma source(%dma_start3A_484 : memref<5x80xi32, #tpu.memory_space<hbm>>) target(%dma_start3A_480 : memref<5x80xi32, #tpu.memory_space<vmem>>) target_semaphore(%run_scoped3A_468 : memref<!tpu.dma_semaphore, #tpu.memory_space<semaphore_mem>>)
      %dma_wait3A_485 = arith.constant 0 : i32
      %dma_wait3A_486 = arith.constant 0 : i32
      %dma_wait3A_487 = tpu.memref_slice %arg6[%run_scoped3A_1, %dma_wait3A_485, %dma_wait3A_486] : memref<3x5x80xi32, #tpu.memory_space<vmem>> -> memref<1x5x80xi32, #tpu.memory_space<vmem>>
      %dma_wait3A_488 = tpu.memref_squeeze %dma_wait3A_487 : memref<1x5x80xi32, #tpu.memory_space<vmem>> -> memref<5x80xi32, #tpu.memory_space<vmem>>
      %dma_wait3A_489 = arith.constant 0 : i32
      %dma_wait3A_490 = arith.constant 0 : i32
      %dma_wait3A_491 = tpu.memref_slice %arg3[%add3A, %run_scoped3A, %dma_wait3A_489, %dma_wait3A_490] : memref<32x25x5x80xi32, #tpu.memory_space<hbm>> -> memref<1x1x5x80xi32, #tpu.memory_space<hbm>>
      %dma_wait3A_492 = tpu.memref_squeeze %dma_wait3A_491 : memref<1x1x5x80xi32, #tpu.memory_space<hbm>> -> memref<5x80xi32, #tpu.memory_space<hbm>>
      %dma_wait3A_493 = arith.constant 0 : i32
      %dma_wait3A_494 = arith.constant 0 : i32
      %dma_wait3A_495 = tpu.memref_slice %arg6[%run_scoped3A_1, %dma_wait3A_493, %dma_wait3A_494] : memref<3x5x80xi32, #tpu.memory_space<vmem>> -> memref<1x5x80xi32, #tpu.memory_space<vmem>>
      %dma_wait3A_496 = tpu.memref_squeeze %dma_wait3A_495 : memref<1x5x80xi32, #tpu.memory_space<vmem>> -> memref<5x80xi32, #tpu.memory_space<vmem>>
      %dma_wait3A_497 = arith.constant 0 : i32
      %dma_wait3A_498 = arith.constant 0 : i32
      %dma_wait3A_499 = tpu.memref_slice %arg3[%add3A, %run_scoped3A, %dma_wait3A_497, %dma_wait3A_498] : memref<32x25x5x80xi32, #tpu.memory_space<hbm>> -> memref<1x1x5x80xi32, #tpu.memory_space<hbm>>
      %dma_wait3A_500 = tpu.memref_squeeze %dma_wait3A_499 : memref<1x1x5x80xi32, #tpu.memory_space<hbm>> -> memref<5x80xi32, #tpu.memory_space<hbm>>
      tpu.wait_dma2 semaphore(%run_scoped3A_468 : memref<!tpu.dma_semaphore, #tpu.memory_space<semaphore_mem>>) src(%dma_wait3A_500 : memref<5x80xi32, #tpu.memory_space<hbm>>) dst(%dma_wait3A_496 : memref<5x80xi32, #tpu.memory_space<vmem>>)
      tpu.yield
    }) : () -> ()
    %run_scoped3A_2 = arith.constant 0 : i32
    %run_scoped3A_3 = arith.constant 0 : i32
    "tpu.region"() ({
      %run_scoped3A_468 = tpu.sem_alloc : memref<!tpu.dma_semaphore, #tpu.memory_space<semaphore_mem>>
      %dma_start3A_469 = arith.constant 0 : i32
      %dma_start3A_470 = arith.constant 0 : i32
      %dma_start3A_471 = tpu.memref_slice %arg7[%run_scoped3A_3, %dma_start3A_469, %dma_start3A_470] : memref<3x5x80xi32, #tpu.memory_space<vmem>> -> memref<1x5x80xi32, #tpu.memory_space<vmem>>
      %dma_start3A_472 = tpu.memref_squeeze %dma_start3A_471 : memref<1x5x80xi32, #tpu.memory_space<vmem>> -> memref<5x80xi32, #tpu.memory_space<vmem>>
      %dma_start3A_473 = arith.constant 0 : i32
      %dma_start3A_474 = arith.constant 0 : i32
      %dma_start3A_475 = tpu.memref_slice %arg4[%add3A, %run_scoped3A_2, %dma_start3A_473, %dma_start3A_474] : memref<32x25x5x80xi32, #tpu.memory_space<hbm>> -> memref<1x1x5x80xi32, #tpu.memory_space<hbm>>
      %dma_start3A_476 = tpu.memref_squeeze %dma_start3A_475 : memref<1x1x5x80xi32, #tpu.memory_space<hbm>> -> memref<5x80xi32, #tpu.memory_space<hbm>>
      %dma_start3A_477 = arith.constant 0 : i32
      %dma_start3A_478 = arith.constant 0 : i32
      %dma_start3A_479 = tpu.memref_slice %arg7[%run_scoped3A_3, %dma_start3A_477, %dma_start3A_478] : memref<3x5x80xi32, #tpu.memory_space<vmem>> -> memref<1x5x80xi32, #tpu.memory_space<vmem>>
      %dma_start3A_480 = tpu.memref_squeeze %dma_start3A_479 : memref<1x5x80xi32, #tpu.memory_space<vmem>> -> memref<5x80xi32, #tpu.memory_space<vmem>>
      %dma_start3A_481 = arith.constant 0 : i32
      %dma_start3A_482 = arith.constant 0 : i32
      %dma_start3A_483 = tpu.memref_slice %arg4[%add3A, %run_scoped3A_2, %dma_start3A_481, %dma_start3A_482] : memref<32x25x5x80xi32, #tpu.memory_space<hbm>> -> memref<1x1x5x80xi32, #tpu.memory_space<hbm>>
      %dma_start3A_484 = tpu.memref_squeeze %dma_start3A_483 : memref<1x1x5x80xi32, #tpu.memory_space<hbm>> -> memref<5x80xi32, #tpu.memory_space<hbm>>
      tpu.enqueue_dma source(%dma_start3A_484 : memref<5x80xi32, #tpu.memory_space<hbm>>) target(%dma_start3A_480 : memref<5x80xi32, #tpu.memory_space<vmem>>) target_semaphore(%run_scoped3A_468 : memref<!tpu.dma_semaphore, #tpu.memory_space<semaphore_mem>>)
      %dma_wait3A_485 = arith.constant 0 : i32
      %dma_wait3A_486 = arith.constant 0 : i32
      %dma_wait3A_487 = tpu.memref_slice %arg7[%run_scoped3A_3, %dma_wait3A_485, %dma_wait3A_486] : memref<3x5x80xi32, #tpu.memory_space<vmem>> -> memref<1x5x80xi32, #tpu.memory_space<vmem>>
      %dma_wait3A_488 = tpu.memref_squeeze %dma_wait3A_487 : memref<1x5x80xi32, #tpu.memory_space<vmem>> -> memref<5x80xi32, #tpu.memory_space<vmem>>
      %dma_wait3A_489 = arith.constant 0 : i32
      %dma_wait3A_490 = arith.constant 0 : i32
      %dma_wait3A_491 = tpu.memref_slice %arg4[%add3A, %run_scoped3A_2, %dma_wait3A_489, %dma_wait3A_490] : memref<32x25x5x80xi32, #tpu.memory_space<hbm>> -> memref<1x1x5x80xi32, #tpu.memory_space<hbm>>
      %dma_wait3A_492 = tpu.memref_squeeze %dma_wait3A_491 : memref<1x1x5x80xi32, #tpu.memory_space<hbm>> -> memref<5x80xi32, #tpu.memory_space<hbm>>
      %dma_wait3A_493 = arith.constant 0 : i32
      %dma_wait3A_494 = arith.constant 0 : i32
      %dma_wait3A_495 = tpu.memref_slice %arg7[%run_scoped3A_3, %dma_wait3A_493, %dma_wait3A_494] : memref<3x5x80xi32, #tpu.memory_space<vmem>> -> memref<1x5x80xi32, #tpu.memory_space<vmem>>
      %dma_wait3A_496 = tpu.memref_squeeze %dma_wait3A_495 : memref<1x5x80xi32, #tpu.memory_space<vmem>> -> memref<5x80xi32, #tpu.memory_space<vmem>>
      %dma_wait3A_497 = arith.constant 0 : i32
      %dma_wait3A_498 = arith.constant 0 : i32
      %dma_wait3A_499 = tpu.memref_slice %arg4[%add3A, %run_scoped3A_2, %dma_wait3A_497, %dma_wait3A_498] : memref<32x25x5x80xi32, #tpu.memory_space<hbm>> -> memref<1x1x5x80xi32, #tpu.memory_space<hbm>>
      %dma_wait3A_500 = tpu.memref_squeeze %dma_wait3A_499 : memref<1x1x5x80xi32, #tpu.memory_space<hbm>> -> memref<5x80xi32, #tpu.memory_space<hbm>>
      tpu.wait_dma2 semaphore(%run_scoped3A_468 : memref<!tpu.dma_semaphore, #tpu.memory_space<semaphore_mem>>) src(%dma_wait3A_500 : memref<5x80xi32, #tpu.memory_space<hbm>>) dst(%dma_wait3A_496 : memref<5x80xi32, #tpu.memory_space<vmem>>)
      tpu.yield
    }) : () -> ()
    %mul3A_4 = arith.constant 640 : i32
    %mul3A_5 = arith.muli %arg1, %mul3A_4 : i32
    %broadcast_in_dim3A = arith.constant 0.000000e+00 : f32
    %broadcast_in_dim3A_6 = vector.broadcast %broadcast_in_dim3A : f32 to vector<16xf32>
    %scan3A = arith.constant 0 : i32
    %scan3A_7 = arith.constant 0 : i32
    %scan3A_8 = arith.constant 0 : i32
    %scan3A_9 = arith.constant 80 : i32
    %scan3A_10 = arith.addi %scan3A_8, %scan3A_9 : i32
    %scan3A_11 = arith.constant 1 : i32
    scf.for %scan3A_468 = %scan3A_8 to %scan3A_10 step %scan3A_11  : i32 {
      %swap3A = arith.constant 0 : i32
      %swap3A_469 = arith.constant 0 : i32
      %swap3A_470 = tpu.memref_slice %arg8[%scan3A_7, %swap3A, %swap3A_469] : memref<8x80x64xf32, #tpu.memory_space<vmem>> -> memref<1x80x64xf32, #tpu.memory_space<vmem>>
      %swap3A_471 = tpu.memref_squeeze %swap3A_470 : memref<1x80x64xf32, #tpu.memory_space<vmem>> -> memref<80x64xf32, #tpu.memory_space<vmem>>
      %swap3A_472 = arith.index_cast %scan3A_468 : i32 to index
      %swap3A_473 = arith.constant 0 : index
      %swap3A_474 = tpu.vector_load %swap3A_471[%swap3A_472, %swap3A_473] {strides = array<i32>} : memref<80x64xf32, #tpu.memory_space<vmem>>, vector<1x16xf32>,
      %swap3A_475 = vector.shape_cast %swap3A_474 : vector<1x16xf32> to vector<16xf32>
      %swap3A_476 = vector.shape_cast %broadcast_in_dim3A_6 : vector<16xf32> to vector<1x16xf32>
      tpu.vector_store %swap3A_471[%swap3A_472, %swap3A_473], %swap3A_476 {strides = array<i32>} : memref<80x64xf32, #tpu.memory_space<vmem>>, vector<1x16xf32>,
      %swap3A_477 = arith.constant 0 : i32
      %swap3A_478 = arith.constant 0 : i32
      %swap3A_479 = tpu.memref_slice %arg8[%scan3A_7, %swap3A_477, %swap3A_478] : memref<8x80x64xf32, #tpu.memory_space<vmem>> -> memref<1x80x64xf32, #tpu.memory_space<vmem>>
      %swap3A_480 = tpu.memref_squeeze %swap3A_479 : memref<1x80x64xf32, #tpu.memory_space<vmem>> -> memref<80x64xf32, #tpu.memory_space<vmem>>
      %swap3A_481 = arith.index_cast %scan3A_468 : i32 to index
      %swap3A_482 = arith.constant 16 : index
      %swap3A_483 = tpu.vector_load %swap3A_480[%swap3A_481, %swap3A_482] {strides = array<i32>} : memref<80x64xf32, #tpu.memory_space<vmem>>, vector<1x16xf32>,
      %swap3A_484 = vector.shape_cast %swap3A_483 : vector<1x16xf32> to vector<16xf32>
      %swap3A_485 = vector.shape_cast %broadcast_in_dim3A_6 : vector<16xf32> to vector<1x16xf32>
      tpu.vector_store %swap3A_480[%swap3A_481, %swap3A_482], %swap3A_485 {strides = array<i32>} : memref<80x64xf32, #tpu.memory_space<vmem>>, vector<1x16xf32>,
      %swap3A_486 = arith.constant 0 : i32
      %swap3A_487 = arith.constant 0 : i32
      %swap3A_488 = tpu.memref_slice %arg8[%scan3A_7, %swap3A_486, %swap3A_487] : memref<8x80x64xf32, #tpu.memory_space<vmem>> -> memref<1x80x64xf32, #tpu.memory_space<vmem>>
      %swap3A_489 = tpu.memref_squeeze %swap3A_488 : memref<1x80x64xf32, #tpu.memory_space<vmem>> -> memref<80x64xf32, #tpu.memory_space<vmem>>
      %swap3A_490 = arith.index_cast %scan3A_468 : i32 to index
      %swap3A_491 = arith.constant 32 : index
      %swap3A_492 = tpu.vector_load %swap3A_489[%swap3A_490, %swap3A_491] {strides = array<i32>} : memref<80x64xf32, #tpu.memory_space<vmem>>, vector<1x16xf32>,
      %swap3A_493 = vector.shape_cast %swap3A_492 : vector<1x16xf32> to vector<16xf32>
      %swap3A_494 = vector.shape_cast %broadcast_in_dim3A_6 : vector<16xf32> to vector<1x16xf32>
      tpu.vector_store %swap3A_489[%swap3A_490, %swap3A_491], %swap3A_494 {strides = array<i32>} : memref<80x64xf32, #tpu.memory_space<vmem>>, vector<1x16xf32>,
      %swap3A_495 = arith.constant 0 : i32
      %swap3A_496 = arith.constant 0 : i32
      %swap3A_497 = tpu.memref_slice %arg8[%scan3A_7, %swap3A_495, %swap3A_496] : memref<8x80x64xf32, #tpu.memory_space<vmem>> -> memref<1x80x64xf32, #tpu.memory_space<vmem>>
      %swap3A_498 = tpu.memref_squeeze %swap3A_497 : memref<1x80x64xf32, #tpu.memory_space<vmem>> -> memref<80x64xf32, #tpu.memory_space<vmem>>
      %swap3A_499 = arith.index_cast %scan3A_468 : i32 to index
      %swap3A_500 = arith.constant 48 : index
      %swap3A_501 = tpu.vector_load %swap3A_498[%swap3A_499, %swap3A_500] {strides = array<i32>} : memref<80x64xf32, #tpu.memory_space<vmem>>, vector<1x16xf32>,
      %swap3A_502 = vector.shape_cast %swap3A_501 : vector<1x16xf32> to vector<16xf32>
      %swap3A_503 = vector.shape_cast %broadcast_in_dim3A_6 : vector<16xf32> to vector<1x16xf32>
      tpu.vector_store %swap3A_498[%swap3A_499, %swap3A_500], %swap3A_503 {strides = array<i32>} : memref<80x64xf32, #tpu.memory_space<vmem>>, vector<1x16xf32>,
    }
    %scan3A_12 = arith.constant 80 : i32
    %add3A_13 = arith.constant 0 : i32
    %add3A_14 = arith.addi %mul3A_5, %add3A_13 : i32
    %dma_start3A = arith.constant 0 : i32
    %dma_start3A_15 = arith.constant 0 : i32
    %dma_start3A_16 = arith.constant 0 : i32
    %dma_start3A_17 = tpu.memref_slice %arg8[%dma_start3A, %dma_start3A_15, %dma_start3A_16] : memref<8x80x64xf32, #tpu.memory_space<vmem>> -> memref<1x80x64xf32, #tpu.memory_space<vmem>>
    %dma_start3A_18 = tpu.memref_squeeze %dma_start3A_17 : memref<1x80x64xf32, #tpu.memory_space<vmem>> -> memref<80x64xf32, #tpu.memory_space<vmem>>
    %dma_start3A_19 = arith.constant 0 : i32
    %dma_start3A_20 = tpu.memref_slice %arg12[%add3A_14, %dma_start3A_19] : memref<10240x64xf32, #tpu.memory_space<vmem_shared>> -> memref<80x64xf32, #tpu.memory_space<vmem_shared>>
    %dma_start3A_21 = arith.constant 0 : i32
    %dma_start3A_22 = tpu.memref_slice %arg12[%add3A_14, %dma_start3A_21] : memref<10240x64xf32, #tpu.memory_space<vmem_shared>> -> memref<80x64xf32, #tpu.memory_space<vmem_shared>>
    %dma_start3A_23 = arith.constant 0 : i32
    %dma_start3A_24 = arith.constant 0 : i32
    %dma_start3A_25 = tpu.memref_slice %arg8[%dma_start3A, %dma_start3A_23, %dma_start3A_24] : memref<8x80x64xf32, #tpu.memory_space<vmem>> -> memref<1x80x64xf32, #tpu.memory_space<vmem>>
    %dma_start3A_26 = tpu.memref_squeeze %dma_start3A_25 : memref<1x80x64xf32, #tpu.memory_space<vmem>> -> memref<80x64xf32, #tpu.memory_space<vmem>>
    tpu.enqueue_dma source(%dma_start3A_26 : memref<80x64xf32, #tpu.memory_space<vmem>>) target(%dma_start3A_22 : memref<80x64xf32, #tpu.memory_space<vmem_shared>>) target_semaphore(%arg10 : memref<!tpu.dma_semaphore, #tpu.memory_space<semaphore_mem>>)
    %add3A_27 = arith.constant 80 : i32
    %add3A_28 = arith.addi %mul3A_5, %add3A_27 : i32
    %dma_start3A_29 = arith.constant 0 : i32
    %dma_start3A_30 = arith.constant 0 : i32
    %dma_start3A_31 = arith.constant 0 : i32
    %dma_start3A_32 = tpu.memref_slice %arg8[%dma_start3A_29, %dma_start3A_30, %dma_start3A_31] : memref<8x80x64xf32, #tpu.memory_space<vmem>> -> memref<1x80x64xf32, #tpu.memory_space<vmem>>
    %dma_start3A_33 = tpu.memref_squeeze %dma_start3A_32 : memref<1x80x64xf32, #tpu.memory_space<vmem>> -> memref<80x64xf32, #tpu.memory_space<vmem>>
    %dma_start3A_34 = arith.constant 0 : i32
    %dma_start3A_35 = tpu.memref_slice %arg12[%add3A_28, %dma_start3A_34] : memref<10240x64xf32, #tpu.memory_space<vmem_shared>> -> memref<80x64xf32, #tpu.memory_space<vmem_shared>>
    %dma_start3A_36 = arith.constant 0 : i32
    %dma_start3A_37 = tpu.memref_slice %arg12[%add3A_28, %dma_start3A_36] : memref<10240x64xf32, #tpu.memory_space<vmem_shared>> -> memref<80x64xf32, #tpu.memory_space<vmem_shared>>
    %dma_start3A_38 = arith.constant 0 : i32
    %dma_start3A_39 = arith.constant 0 : i32
    %dma_start3A_40 = tpu.memref_slice %arg8[%dma_start3A_29, %dma_start3A_38, %dma_start3A_39] : memref<8x80x64xf32, #tpu.memory_space<vmem>> -> memref<1x80x64xf32, #tpu.memory_space<vmem>>
    %dma_start3A_41 = tpu.memref_squeeze %dma_start3A_40 : memref<1x80x64xf32, #tpu.memory_space<vmem>> -> memref<80x64xf32, #tpu.memory_space<vmem>>
    tpu.enqueue_dma source(%dma_start3A_41 : memref<80x64xf32, #tpu.memory_space<vmem>>) target(%dma_start3A_37 : memref<80x64xf32, #tpu.memory_space<vmem_shared>>) target_semaphore(%arg10 : memref<!tpu.dma_semaphore, #tpu.memory_space<semaphore_mem>>)
    %add3A_42 = arith.constant 160 : i32
    %add3A_43 = arith.addi %mul3A_5, %add3A_42 : i32
    %dma_start3A_44 = arith.constant 0 : i32
    %dma_start3A_45 = arith.constant 0 : i32
    %dma_start3A_46 = arith.constant 0 : i32
    %dma_start3A_47 = tpu.memref_slice %arg8[%dma_start3A_44, %dma_start3A_45, %dma_start3A_46] : memref<8x80x64xf32, #tpu.memory_space<vmem>> -> memref<1x80x64xf32, #tpu.memory_space<vmem>>
    %dma_start3A_48 = tpu.memref_squeeze %dma_start3A_47 : memref<1x80x64xf32, #tpu.memory_space<vmem>> -> memref<80x64xf32, #tpu.memory_space<vmem>>
    %dma_start3A_49 = arith.constant 0 : i32
    %dma_start3A_50 = tpu.memref_slice %arg12[%add3A_43, %dma_start3A_49] : memref<10240x64xf32, #tpu.memory_space<vmem_shared>> -> memref<80x64xf32, #tpu.memory_space<vmem_shared>>
    %dma_start3A_51 = arith.constant 0 : i32
    %dma_start3A_52 = tpu.memref_slice %arg12[%add3A_43, %dma_start3A_51] : memref<10240x64xf32, #tpu.memory_space<vmem_shared>> -> memref<80x64xf32, #tpu.memory_space<vmem_shared>>
    %dma_start3A_53 = arith.constant 0 : i32
    %dma_start3A_54 = arith.constant 0 : i32
    %dma_start3A_55 = tpu.memref_slice %arg8[%dma_start3A_44, %dma_start3A_53, %dma_start3A_54] : memref<8x80x64xf32, #tpu.memory_space<vmem>> -> memref<1x80x64xf32, #tpu.memory_space<vmem>>
    %dma_start3A_56 = tpu.memref_squeeze %dma_start3A_55 : memref<1x80x64xf32, #tpu.memory_space<vmem>> -> memref<80x64xf32, #tpu.memory_space<vmem>>
    tpu.enqueue_dma source(%dma_start3A_56 : memref<80x64xf32, #tpu.memory_space<vmem>>) target(%dma_start3A_52 : memref<80x64xf32, #tpu.memory_space<vmem_shared>>) target_semaphore(%arg10 : memref<!tpu.dma_semaphore, #tpu.memory_space<semaphore_mem>>)
    %add3A_57 = arith.constant 240 : i32
    %add3A_58 = arith.addi %mul3A_5, %add3A_57 : i32
    %dma_start3A_59 = arith.constant 0 : i32
    %dma_start3A_60 = arith.constant 0 : i32
    %dma_start3A_61 = arith.constant 0 : i32
    %dma_start3A_62 = tpu.memref_slice %arg8[%dma_start3A_59, %dma_start3A_60, %dma_start3A_61] : memref<8x80x64xf32, #tpu.memory_space<vmem>> -> memref<1x80x64xf32, #tpu.memory_space<vmem>>
    %dma_start3A_63 = tpu.memref_squeeze %dma_start3A_62 : memref<1x80x64xf32, #tpu.memory_space<vmem>> -> memref<80x64xf32, #tpu.memory_space<vmem>>
    %dma_start3A_64 = arith.constant 0 : i32
    %dma_start3A_65 = tpu.memref_slice %arg12[%add3A_58, %dma_start3A_64] : memref<10240x64xf32, #tpu.memory_space<vmem_shared>> -> memref<80x64xf32, #tpu.memory_space<vmem_shared>>
    %dma_start3A_66 = arith.constant 0 : i32
    %dma_start3A_67 = tpu.memref_slice %arg12[%add3A_58, %dma_start3A_66] : memref<10240x64xf32, #tpu.memory_space<vmem_shared>> -> memref<80x64xf32, #tpu.memory_space<vmem_shared>>
    %dma_start3A_68 = arith.constant 0 : i32
    %dma_start3A_69 = arith.constant 0 : i32
    %dma_start3A_70 = tpu.memref_slice %arg8[%dma_start3A_59, %dma_start3A_68, %dma_start3A_69] : memref<8x80x64xf32, #tpu.memory_space<vmem>> -> memref<1x80x64xf32, #tpu.memory_space<vmem>>
    %dma_start3A_71 = tpu.memref_squeeze %dma_start3A_70 : memref<1x80x64xf32, #tpu.memory_space<vmem>> -> memref<80x64xf32, #tpu.memory_space<vmem>>
    tpu.enqueue_dma source(%dma_start3A_71 : memref<80x64xf32, #tpu.memory_space<vmem>>) target(%dma_start3A_67 : memref<80x64xf32, #tpu.memory_space<vmem_shared>>) target_semaphore(%arg10 : memref<!tpu.dma_semaphore, #tpu.memory_space<semaphore_mem>>)
    %add3A_72 = arith.constant 320 : i32
    %add3A_73 = arith.addi %mul3A_5, %add3A_72 : i32
    %dma_start3A_74 = arith.constant 0 : i32
    %dma_start3A_75 = arith.constant 0 : i32
    %dma_start3A_76 = arith.constant 0 : i32
    %dma_start3A_77 = tpu.memref_slice %arg8[%dma_start3A_74, %dma_start3A_75, %dma_start3A_76] : memref<8x80x64xf32, #tpu.memory_space<vmem>> -> memref<1x80x64xf32, #tpu.memory_space<vmem>>
    %dma_start3A_78 = tpu.memref_squeeze %dma_start3A_77 : memref<1x80x64xf32, #tpu.memory_space<vmem>> -> memref<80x64xf32, #tpu.memory_space<vmem>>
    %dma_start3A_79 = arith.constant 0 : i32
    %dma_start3A_80 = tpu.memref_slice %arg12[%add3A_73, %dma_start3A_79] : memref<10240x64xf32, #tpu.memory_space<vmem_shared>> -> memref<80x64xf32, #tpu.memory_space<vmem_shared>>
    %dma_start3A_81 = arith.constant 0 : i32
    %dma_start3A_82 = tpu.memref_slice %arg12[%add3A_73, %dma_start3A_81] : memref<10240x64xf32, #tpu.memory_space<vmem_shared>> -> memref<80x64xf32, #tpu.memory_space<vmem_shared>>
    %dma_start3A_83 = arith.constant 0 : i32
    %dma_start3A_84 = arith.constant 0 : i32
    %dma_start3A_85 = tpu.memref_slice %arg8[%dma_start3A_74, %dma_start3A_83, %dma_start3A_84] : memref<8x80x64xf32, #tpu.memory_space<vmem>> -> memref<1x80x64xf32, #tpu.memory_space<vmem>>
    %dma_start3A_86 = tpu.memref_squeeze %dma_start3A_85 : memref<1x80x64xf32, #tpu.memory_space<vmem>> -> memref<80x64xf32, #tpu.memory_space<vmem>>
    tpu.enqueue_dma source(%dma_start3A_86 : memref<80x64xf32, #tpu.memory_space<vmem>>) target(%dma_start3A_82 : memref<80x64xf32, #tpu.memory_space<vmem_shared>>) target_semaphore(%arg10 : memref<!tpu.dma_semaphore, #tpu.memory_space<semaphore_mem>>)
    %add3A_87 = arith.constant 400 : i32
    %add3A_88 = arith.addi %mul3A_5, %add3A_87 : i32
    %dma_start3A_89 = arith.constant 0 : i32
    %dma_start3A_90 = arith.constant 0 : i32
    %dma_start3A_91 = arith.constant 0 : i32
    %dma_start3A_92 = tpu.memref_slice %arg8[%dma_start3A_89, %dma_start3A_90, %dma_start3A_91] : memref<8x80x64xf32, #tpu.memory_space<vmem>> -> memref<1x80x64xf32, #tpu.memory_space<vmem>>
    %dma_start3A_93 = tpu.memref_squeeze %dma_start3A_92 : memref<1x80x64xf32, #tpu.memory_space<vmem>> -> memref<80x64xf32, #tpu.memory_space<vmem>>
    %dma_start3A_94 = arith.constant 0 : i32
    %dma_start3A_95 = tpu.memref_slice %arg12[%add3A_88, %dma_start3A_94] : memref<10240x64xf32, #tpu.memory_space<vmem_shared>> -> memref<80x64xf32, #tpu.memory_space<vmem_shared>>
    %dma_start3A_96 = arith.constant 0 : i32
    %dma_start3A_97 = tpu.memref_slice %arg12[%add3A_88, %dma_start3A_96] : memref<10240x64xf32, #tpu.memory_space<vmem_shared>> -> memref<80x64xf32, #tpu.memory_space<vmem_shared>>
    %dma_start3A_98 = arith.constant 0 : i32
    %dma_start3A_99 = arith.constant 0 : i32
    %dma_start3A_100 = tpu.memref_slice %arg8[%dma_start3A_89, %dma_start3A_98, %dma_start3A_99] : memref<8x80x64xf32, #tpu.memory_space<vmem>> -> memref<1x80x64xf32, #tpu.memory_space<vmem>>
    %dma_start3A_101 = tpu.memref_squeeze %dma_start3A_100 : memref<1x80x64xf32, #tpu.memory_space<vmem>> -> memref<80x64xf32, #tpu.memory_space<vmem>>
    tpu.enqueue_dma source(%dma_start3A_101 : memref<80x64xf32, #tpu.memory_space<vmem>>) target(%dma_start3A_97 : memref<80x64xf32, #tpu.memory_space<vmem_shared>>) target_semaphore(%arg10 : memref<!tpu.dma_semaphore, #tpu.memory_space<semaphore_mem>>)
    %add3A_102 = arith.constant 480 : i32
    %add3A_103 = arith.addi %mul3A_5, %add3A_102 : i32
    %dma_start3A_104 = arith.constant 0 : i32
    %dma_start3A_105 = arith.constant 0 : i32
    %dma_start3A_106 = arith.constant 0 : i32
    %dma_start3A_107 = tpu.memref_slice %arg8[%dma_start3A_104, %dma_start3A_105, %dma_start3A_106] : memref<8x80x64xf32, #tpu.memory_space<vmem>> -> memref<1x80x64xf32, #tpu.memory_space<vmem>>
    %dma_start3A_108 = tpu.memref_squeeze %dma_start3A_107 : memref<1x80x64xf32, #tpu.memory_space<vmem>> -> memref<80x64xf32, #tpu.memory_space<vmem>>
    %dma_start3A_109 = arith.constant 0 : i32
    %dma_start3A_110 = tpu.memref_slice %arg12[%add3A_103, %dma_start3A_109] : memref<10240x64xf32, #tpu.memory_space<vmem_shared>> -> memref<80x64xf32, #tpu.memory_space<vmem_shared>>
    %dma_start3A_111 = arith.constant 0 : i32
    %dma_start3A_112 = tpu.memref_slice %arg12[%add3A_103, %dma_start3A_111] : memref<10240x64xf32, #tpu.memory_space<vmem_shared>> -> memref<80x64xf32, #tpu.memory_space<vmem_shared>>
    %dma_start3A_113 = arith.constant 0 : i32
    %dma_start3A_114 = arith.constant 0 : i32
    %dma_start3A_115 = tpu.memref_slice %arg8[%dma_start3A_104, %dma_start3A_113, %dma_start3A_114] : memref<8x80x64xf32, #tpu.memory_space<vmem>> -> memref<1x80x64xf32, #tpu.memory_space<vmem>>
    %dma_start3A_116 = tpu.memref_squeeze %dma_start3A_115 : memref<1x80x64xf32, #tpu.memory_space<vmem>> -> memref<80x64xf32, #tpu.memory_space<vmem>>
    tpu.enqueue_dma source(%dma_start3A_116 : memref<80x64xf32, #tpu.memory_space<vmem>>) target(%dma_start3A_112 : memref<80x64xf32, #tpu.memory_space<vmem_shared>>) target_semaphore(%arg10 : memref<!tpu.dma_semaphore, #tpu.memory_space<semaphore_mem>>)
    %add3A_117 = arith.constant 560 : i32
    %add3A_118 = arith.addi %mul3A_5, %add3A_117 : i32
    %dma_start3A_119 = arith.constant 0 : i32
    %dma_start3A_120 = arith.constant 0 : i32
    %dma_start3A_121 = arith.constant 0 : i32
    %dma_start3A_122 = tpu.memref_slice %arg8[%dma_start3A_119, %dma_start3A_120, %dma_start3A_121] : memref<8x80x64xf32, #tpu.memory_space<vmem>> -> memref<1x80x64xf32, #tpu.memory_space<vmem>>
    %dma_start3A_123 = tpu.memref_squeeze %dma_start3A_122 : memref<1x80x64xf32, #tpu.memory_space<vmem>> -> memref<80x64xf32, #tpu.memory_space<vmem>>
    %dma_start3A_124 = arith.constant 0 : i32
    %dma_start3A_125 = tpu.memref_slice %arg12[%add3A_118, %dma_start3A_124] : memref<10240x64xf32, #tpu.memory_space<vmem_shared>> -> memref<80x64xf32, #tpu.memory_space<vmem_shared>>
    %dma_start3A_126 = arith.constant 0 : i32
    %dma_start3A_127 = tpu.memref_slice %arg12[%add3A_118, %dma_start3A_126] : memref<10240x64xf32, #tpu.memory_space<vmem_shared>> -> memref<80x64xf32, #tpu.memory_space<vmem_shared>>
    %dma_start3A_128 = arith.constant 0 : i32
    %dma_start3A_129 = arith.constant 0 : i32
    %dma_start3A_130 = tpu.memref_slice %arg8[%dma_start3A_119, %dma_start3A_128, %dma_start3A_129] : memref<8x80x64xf32, #tpu.memory_space<vmem>> -> memref<1x80x64xf32, #tpu.memory_space<vmem>>
    %dma_start3A_131 = tpu.memref_squeeze %dma_start3A_130 : memref<1x80x64xf32, #tpu.memory_space<vmem>> -> memref<80x64xf32, #tpu.memory_space<vmem>>
    tpu.enqueue_dma source(%dma_start3A_131 : memref<80x64xf32, #tpu.memory_space<vmem>>) target(%dma_start3A_127 : memref<80x64xf32, #tpu.memory_space<vmem_shared>>) target_semaphore(%arg10 : memref<!tpu.dma_semaphore, #tpu.memory_space<semaphore_mem>>)
    %dma_wait3A = arith.constant 0 : i32
    %dma_wait3A_132 = arith.constant 0 : i32
    %dma_wait3A_133 = arith.constant 0 : i32
    %dma_wait3A_134 = tpu.memref_slice %arg8[%dma_wait3A, %dma_wait3A_132, %dma_wait3A_133] : memref<8x80x64xf32, #tpu.memory_space<vmem>> -> memref<1x80x64xf32, #tpu.memory_space<vmem>>
    %dma_wait3A_135 = tpu.memref_squeeze %dma_wait3A_134 : memref<1x80x64xf32, #tpu.memory_space<vmem>> -> memref<80x64xf32, #tpu.memory_space<vmem>>
    %dma_wait3A_136 = arith.constant 0 : i32
    %dma_wait3A_137 = tpu.memref_slice %arg12[%mul3A_5, %dma_wait3A_136] : memref<10240x64xf32, #tpu.memory_space<vmem_shared>> -> memref<80x64xf32, #tpu.memory_space<vmem_shared>>
    %dma_wait3A_138 = arith.constant 0 : i32
    %dma_wait3A_139 = tpu.memref_slice %arg12[%mul3A_5, %dma_wait3A_138] : memref<10240x64xf32, #tpu.memory_space<vmem_shared>> -> memref<80x64xf32, #tpu.memory_space<vmem_shared>>
    %dma_wait3A_140 = arith.constant 0 : i32
    %dma_wait3A_141 = arith.constant 0 : i32
    %dma_wait3A_142 = tpu.memref_slice %arg8[%dma_wait3A, %dma_wait3A_140, %dma_wait3A_141] : memref<8x80x64xf32, #tpu.memory_space<vmem>> -> memref<1x80x64xf32, #tpu.memory_space<vmem>>
    %dma_wait3A_143 = tpu.memref_squeeze %dma_wait3A_142 : memref<1x80x64xf32, #tpu.memory_space<vmem>> -> memref<80x64xf32, #tpu.memory_space<vmem>>
    tpu.wait_dma2 semaphore(%arg10 : memref<!tpu.dma_semaphore, #tpu.memory_space<semaphore_mem>>) src(%dma_wait3A_143 : memref<80x64xf32, #tpu.memory_space<vmem>>) dst(%dma_wait3A_139 : memref<80x64xf32, #tpu.memory_space<vmem_shared>>)
    %dma_wait3A_144 = arith.constant 0 : i32
    %dma_wait3A_145 = arith.constant 0 : i32
    %dma_wait3A_146 = arith.constant 0 : i32
    %dma_wait3A_147 = tpu.memref_slice %arg8[%dma_wait3A_144, %dma_wait3A_145, %dma_wait3A_146] : memref<8x80x64xf32, #tpu.memory_space<vmem>> -> memref<1x80x64xf32, #tpu.memory_space<vmem>>
    %dma_wait3A_148 = tpu.memref_squeeze %dma_wait3A_147 : memref<1x80x64xf32, #tpu.memory_space<vmem>> -> memref<80x64xf32, #tpu.memory_space<vmem>>
    %dma_wait3A_149 = arith.constant 0 : i32
    %dma_wait3A_150 = tpu.memref_slice %arg12[%mul3A_5, %dma_wait3A_149] : memref<10240x64xf32, #tpu.memory_space<vmem_shared>> -> memref<80x64xf32, #tpu.memory_space<vmem_shared>>
    %dma_wait3A_151 = arith.constant 0 : i32
    %dma_wait3A_152 = tpu.memref_slice %arg12[%mul3A_5, %dma_wait3A_151] : memref<10240x64xf32, #tpu.memory_space<vmem_shared>> -> memref<80x64xf32, #tpu.memory_space<vmem_shared>>
    %dma_wait3A_153 = arith.constant 0 : i32
    %dma_wait3A_154 = arith.constant 0 : i32
    %dma_wait3A_155 = tpu.memref_slice %arg8[%dma_wait3A_144, %dma_wait3A_153, %dma_wait3A_154] : memref<8x80x64xf32, #tpu.memory_space<vmem>> -> memref<1x80x64xf32, #tpu.memory_space<vmem>>
    %dma_wait3A_156 = tpu.memref_squeeze %dma_wait3A_155 : memref<1x80x64xf32, #tpu.memory_space<vmem>> -> memref<80x64xf32, #tpu.memory_space<vmem>>
    tpu.wait_dma2 semaphore(%arg10 : memref<!tpu.dma_semaphore, #tpu.memory_space<semaphore_mem>>) src(%dma_wait3A_156 : memref<80x64xf32, #tpu.memory_space<vmem>>) dst(%dma_wait3A_152 : memref<80x64xf32, #tpu.memory_space<vmem_shared>>)
    %dma_wait3A_157 = arith.constant 0 : i32
    %dma_wait3A_158 = arith.constant 0 : i32
    %dma_wait3A_159 = arith.constant 0 : i32
    %dma_wait3A_160 = tpu.memref_slice %arg8[%dma_wait3A_157, %dma_wait3A_158, %dma_wait3A_159] : memref<8x80x64xf32, #tpu.memory_space<vmem>> -> memref<1x80x64xf32, #tpu.memory_space<vmem>>
    %dma_wait3A_161 = tpu.memref_squeeze %dma_wait3A_160 : memref<1x80x64xf32, #tpu.memory_space<vmem>> -> memref<80x64xf32, #tpu.memory_space<vmem>>
    %dma_wait3A_162 = arith.constant 0 : i32
    %dma_wait3A_163 = tpu.memref_slice %arg12[%mul3A_5, %dma_wait3A_162] : memref<10240x64xf32, #tpu.memory_space<vmem_shared>> -> memref<80x64xf32, #tpu.memory_space<vmem_shared>>
    %dma_wait3A_164 = arith.constant 0 : i32
    %dma_wait3A_165 = tpu.memref_slice %arg12[%mul3A_5, %dma_wait3A_164] : memref<10240x64xf32, #tpu.memory_space<vmem_shared>> -> memref<80x64xf32, #tpu.memory_space<vmem_shared>>
    %dma_wait3A_166 = arith.constant 0 : i32
    %dma_wait3A_167 = arith.constant 0 : i32
    %dma_wait3A_168 = tpu.memref_slice %arg8[%dma_wait3A_157, %dma_wait3A_166, %dma_wait3A_167] : memref<8x80x64xf32, #tpu.memory_space<vmem>> -> memref<1x80x64xf32, #tpu.memory_space<vmem>>
    %dma_wait3A_169 = tpu.memref_squeeze %dma_wait3A_168 : memref<1x80x64xf32, #tpu.memory_space<vmem>> -> memref<80x64xf32, #tpu.memory_space<vmem>>
    tpu.wait_dma2 semaphore(%arg10 : memref<!tpu.dma_semaphore, #tpu.memory_space<semaphore_mem>>) src(%dma_wait3A_169 : memref<80x64xf32, #tpu.memory_space<vmem>>) dst(%dma_wait3A_165 : memref<80x64xf32, #tpu.memory_space<vmem_shared>>)
    %dma_wait3A_170 = arith.constant 0 : i32
    %dma_wait3A_171 = arith.constant 0 : i32
    %dma_wait3A_172 = arith.constant 0 : i32
    %dma_wait3A_173 = tpu.memref_slice %arg8[%dma_wait3A_170, %dma_wait3A_171, %dma_wait3A_172] : memref<8x80x64xf32, #tpu.memory_space<vmem>> -> memref<1x80x64xf32, #tpu.memory_space<vmem>>
    %dma_wait3A_174 = tpu.memref_squeeze %dma_wait3A_173 : memref<1x80x64xf32, #tpu.memory_space<vmem>> -> memref<80x64xf32, #tpu.memory_space<vmem>>
    %dma_wait3A_175 = arith.constant 0 : i32
    %dma_wait3A_176 = tpu.memref_slice %arg12[%mul3A_5, %dma_wait3A_175] : memref<10240x64xf32, #tpu.memory_space<vmem_shared>> -> memref<80x64xf32, #tpu.memory_space<vmem_shared>>
    %dma_wait3A_177 = arith.constant 0 : i32
    %dma_wait3A_178 = tpu.memref_slice %arg12[%mul3A_5, %dma_wait3A_177] : memref<10240x64xf32, #tpu.memory_space<vmem_shared>> -> memref<80x64xf32, #tpu.memory_space<vmem_shared>>
    %dma_wait3A_179 = arith.constant 0 : i32
    %dma_wait3A_180 = arith.constant 0 : i32
    %dma_wait3A_181 = tpu.memref_slice %arg8[%dma_wait3A_170, %dma_wait3A_179, %dma_wait3A_180] : memref<8x80x64xf32, #tpu.memory_space<vmem>> -> memref<1x80x64xf32, #tpu.memory_space<vmem>>
    %dma_wait3A_182 = tpu.memref_squeeze %dma_wait3A_181 : memref<1x80x64xf32, #tpu.memory_space<vmem>> -> memref<80x64xf32, #tpu.memory_space<vmem>>
    tpu.wait_dma2 semaphore(%arg10 : memref<!tpu.dma_semaphore, #tpu.memory_space<semaphore_mem>>) src(%dma_wait3A_182 : memref<80x64xf32, #tpu.memory_space<vmem>>) dst(%dma_wait3A_178 : memref<80x64xf32, #tpu.memory_space<vmem_shared>>)
    %dma_wait3A_183 = arith.constant 0 : i32
    %dma_wait3A_184 = arith.constant 0 : i32
    %dma_wait3A_185 = arith.constant 0 : i32
    %dma_wait3A_186 = tpu.memref_slice %arg8[%dma_wait3A_183, %dma_wait3A_184, %dma_wait3A_185] : memref<8x80x64xf32, #tpu.memory_space<vmem>> -> memref<1x80x64xf32, #tpu.memory_space<vmem>>
    %dma_wait3A_187 = tpu.memref_squeeze %dma_wait3A_186 : memref<1x80x64xf32, #tpu.memory_space<vmem>> -> memref<80x64xf32, #tpu.memory_space<vmem>>
    %dma_wait3A_188 = arith.constant 0 : i32
    %dma_wait3A_189 = tpu.memref_slice %arg12[%mul3A_5, %dma_wait3A_188] : memref<10240x64xf32, #tpu.memory_space<vmem_shared>> -> memref<80x64xf32, #tpu.memory_space<vmem_shared>>
    %dma_wait3A_190 = arith.constant 0 : i32
    %dma_wait3A_191 = tpu.memref_slice %arg12[%mul3A_5, %dma_wait3A_190] : memref<10240x64xf32, #tpu.memory_space<vmem_shared>> -> memref<80x64xf32, #tpu.memory_space<vmem_shared>>
    %dma_wait3A_192 = arith.constant 0 : i32
    %dma_wait3A_193 = arith.constant 0 : i32
    %dma_wait3A_194 = tpu.memref_slice %arg8[%dma_wait3A_183, %dma_wait3A_192, %dma_wait3A_193] : memref<8x80x64xf32, #tpu.memory_space<vmem>> -> memref<1x80x64xf32, #tpu.memory_space<vmem>>
    %dma_wait3A_195 = tpu.memref_squeeze %dma_wait3A_194 : memref<1x80x64xf32, #tpu.memory_space<vmem>> -> memref<80x64xf32, #tpu.memory_space<vmem>>
    tpu.wait_dma2 semaphore(%arg10 : memref<!tpu.dma_semaphore, #tpu.memory_space<semaphore_mem>>) src(%dma_wait3A_195 : memref<80x64xf32, #tpu.memory_space<vmem>>) dst(%dma_wait3A_191 : memref<80x64xf32, #tpu.memory_space<vmem_shared>>)
    %dma_wait3A_196 = arith.constant 0 : i32
    %dma_wait3A_197 = arith.constant 0 : i32
    %dma_wait3A_198 = arith.constant 0 : i32
    %dma_wait3A_199 = tpu.memref_slice %arg8[%dma_wait3A_196, %dma_wait3A_197, %dma_wait3A_198] : memref<8x80x64xf32, #tpu.memory_space<vmem>> -> memref<1x80x64xf32, #tpu.memory_space<vmem>>
    %dma_wait3A_200 = tpu.memref_squeeze %dma_wait3A_199 : memref<1x80x64xf32, #tpu.memory_space<vmem>> -> memref<80x64xf32, #tpu.memory_space<vmem>>
    %dma_wait3A_201 = arith.constant 0 : i32
    %dma_wait3A_202 = tpu.memref_slice %arg12[%mul3A_5, %dma_wait3A_201] : memref<10240x64xf32, #tpu.memory_space<vmem_shared>> -> memref<80x64xf32, #tpu.memory_space<vmem_shared>>
    %dma_wait3A_203 = arith.constant 0 : i32
    %dma_wait3A_204 = tpu.memref_slice %arg12[%mul3A_5, %dma_wait3A_203] : memref<10240x64xf32, #tpu.memory_space<vmem_shared>> -> memref<80x64xf32, #tpu.memory_space<vmem_shared>>
    %dma_wait3A_205 = arith.constant 0 : i32
    %dma_wait3A_206 = arith.constant 0 : i32
    %dma_wait3A_207 = tpu.memref_slice %arg8[%dma_wait3A_196, %dma_wait3A_205, %dma_wait3A_206] : memref<8x80x64xf32, #tpu.memory_space<vmem>> -> memref<1x80x64xf32, #tpu.memory_space<vmem>>
    %dma_wait3A_208 = tpu.memref_squeeze %dma_wait3A_207 : memref<1x80x64xf32, #tpu.memory_space<vmem>> -> memref<80x64xf32, #tpu.memory_space<vmem>>
    tpu.wait_dma2 semaphore(%arg10 : memref<!tpu.dma_semaphore, #tpu.memory_space<semaphore_mem>>) src(%dma_wait3A_208 : memref<80x64xf32, #tpu.memory_space<vmem>>) dst(%dma_wait3A_204 : memref<80x64xf32, #tpu.memory_space<vmem_shared>>)
    %dma_wait3A_209 = arith.constant 0 : i32
    %dma_wait3A_210 = arith.constant 0 : i32
    %dma_wait3A_211 = arith.constant 0 : i32
    %dma_wait3A_212 = tpu.memref_slice %arg8[%dma_wait3A_209, %dma_wait3A_210, %dma_wait3A_211] : memref<8x80x64xf32, #tpu.memory_space<vmem>> -> memref<1x80x64xf32, #tpu.memory_space<vmem>>
    %dma_wait3A_213 = tpu.memref_squeeze %dma_wait3A_212 : memref<1x80x64xf32, #tpu.memory_space<vmem>> -> memref<80x64xf32, #tpu.memory_space<vmem>>
    %dma_wait3A_214 = arith.constant 0 : i32
    %dma_wait3A_215 = tpu.memref_slice %arg12[%mul3A_5, %dma_wait3A_214] : memref<10240x64xf32, #tpu.memory_space<vmem_shared>> -> memref<80x64xf32, #tpu.memory_space<vmem_shared>>
    %dma_wait3A_216 = arith.constant 0 : i32
    %dma_wait3A_217 = tpu.memref_slice %arg12[%mul3A_5, %dma_wait3A_216] : memref<10240x64xf32, #tpu.memory_space<vmem_shared>> -> memref<80x64xf32, #tpu.memory_space<vmem_shared>>
    %dma_wait3A_218 = arith.constant 0 : i32
    %dma_wait3A_219 = arith.constant 0 : i32
    %dma_wait3A_220 = tpu.memref_slice %arg8[%dma_wait3A_209, %dma_wait3A_218, %dma_wait3A_219] : memref<8x80x64xf32, #tpu.memory_space<vmem>> -> memref<1x80x64xf32, #tpu.memory_space<vmem>>
    %dma_wait3A_221 = tpu.memref_squeeze %dma_wait3A_220 : memref<1x80x64xf32, #tpu.memory_space<vmem>> -> memref<80x64xf32, #tpu.memory_space<vmem>>
    tpu.wait_dma2 semaphore(%arg10 : memref<!tpu.dma_semaphore, #tpu.memory_space<semaphore_mem>>) src(%dma_wait3A_221 : memref<80x64xf32, #tpu.memory_space<vmem>>) dst(%dma_wait3A_217 : memref<80x64xf32, #tpu.memory_space<vmem_shared>>)
    %dma_wait3A_222 = arith.constant 0 : i32
    %dma_wait3A_223 = arith.constant 0 : i32
    %dma_wait3A_224 = arith.constant 0 : i32
    %dma_wait3A_225 = tpu.memref_slice %arg8[%dma_wait3A_222, %dma_wait3A_223, %dma_wait3A_224] : memref<8x80x64xf32, #tpu.memory_space<vmem>> -> memref<1x80x64xf32, #tpu.memory_space<vmem>>
    %dma_wait3A_226 = tpu.memref_squeeze %dma_wait3A_225 : memref<1x80x64xf32, #tpu.memory_space<vmem>> -> memref<80x64xf32, #tpu.memory_space<vmem>>
    %dma_wait3A_227 = arith.constant 0 : i32
    %dma_wait3A_228 = tpu.memref_slice %arg12[%mul3A_5, %dma_wait3A_227] : memref<10240x64xf32, #tpu.memory_space<vmem_shared>> -> memref<80x64xf32, #tpu.memory_space<vmem_shared>>
    %dma_wait3A_229 = arith.constant 0 : i32
    %dma_wait3A_230 = tpu.memref_slice %arg12[%mul3A_5, %dma_wait3A_229] : memref<10240x64xf32, #tpu.memory_space<vmem_shared>> -> memref<80x64xf32, #tpu.memory_space<vmem_shared>>
    %dma_wait3A_231 = arith.constant 0 : i32
    %dma_wait3A_232 = arith.constant 0 : i32
    %dma_wait3A_233 = tpu.memref_slice %arg8[%dma_wait3A_222, %dma_wait3A_231, %dma_wait3A_232] : memref<8x80x64xf32, #tpu.memory_space<vmem>> -> memref<1x80x64xf32, #tpu.memory_space<vmem>>
    %dma_wait3A_234 = tpu.memref_squeeze %dma_wait3A_233 : memref<1x80x64xf32, #tpu.memory_space<vmem>> -> memref<80x64xf32, #tpu.memory_space<vmem>>
    tpu.wait_dma2 semaphore(%arg10 : memref<!tpu.dma_semaphore, #tpu.memory_space<semaphore_mem>>) src(%dma_wait3A_234 : memref<80x64xf32, #tpu.memory_space<vmem>>) dst(%dma_wait3A_230 : memref<80x64xf32, #tpu.memory_space<vmem_shared>>)
    %barrier3A = arith.constant 0 : index
    tpu.barrier barrier_id(%barrier3A)
    %scan3A_235 = arith.constant 0 : i32
    %scan3A_236 = arith.constant 0 : i32
    %scan3A_237 = arith.constant 25 : i32
    %scan3A_238 = arith.addi %scan3A_236, %scan3A_237 : i32
    %scan3A_239 = arith.constant 1 : i32
    scf.for %scan3A_468 = %scan3A_236 to %scan3A_238 step %scan3A_239  : i32 {
      %rem3A = arith.constant 3 : i32
      %rem3A_469 = arith.remsi %scan3A_468, %rem3A : i32
      %add3A_470 = arith.constant 1 : i32
      %add3A_471 = arith.addi %scan3A_468, %add3A_470 : i32
      %rem3A_472 = arith.constant 3 : i32
      %rem3A_473 = arith.remsi %add3A_471, %rem3A_472 : i32
      %add3A_474 = arith.constant 2 : i32
      %add3A_475 = arith.addi %scan3A_468, %add3A_474 : i32
      %rem3A_476 = arith.constant 3 : i32
      %rem3A_477 = arith.remsi %add3A_475, %rem3A_476 : i32
      %add3A_478 = arith.constant 1 : i32
      %add3A_479 = arith.addi %scan3A_468, %add3A_478 : i32
      %lt3A = arith.constant 25 : i32
      %lt3A_480 = arith.cmpi slt, %add3A_479, %lt3A : i32
      %convert_element_type3A = arith.extui %lt3A_480 : i1 to i32
      %cond3A = arith.constant 0 : i32
      %cond3A_481 = arith.cmpi ne, %convert_element_type3A, %cond3A : i32
      scf.if %cond3A_481 {
        %add3A_495 = arith.constant 1 : i32
        %add3A_496 = arith.addi %scan3A_468, %add3A_495 : i32
        %dma_start3A_497 = arith.constant 0 : i32
        %dma_start3A_498 = arith.constant 0 : i32
        %dma_start3A_499 = tpu.memref_slice %arg6[%rem3A_473, %dma_start3A_497, %dma_start3A_498] : memref<3x5x80xi32, #tpu.memory_space<vmem>> -> memref<1x5x80xi32, #tpu.memory_space<vmem>>
        %dma_start3A_500 = tpu.memref_squeeze %dma_start3A_499 : memref<1x5x80xi32, #tpu.memory_space<vmem>> -> memref<5x80xi32, #tpu.memory_space<vmem>>
        %dma_start3A_501 = arith.constant 0 : i32
        %dma_start3A_502 = arith.constant 0 : i32
        %dma_start3A_503 = tpu.memref_slice %arg3[%add3A, %add3A_496, %dma_start3A_501, %dma_start3A_502] : memref<32x25x5x80xi32, #tpu.memory_space<hbm>> -> memref<1x1x5x80xi32, #tpu.memory_space<hbm>>
        %dma_start3A_504 = tpu.memref_squeeze %dma_start3A_503 : memref<1x1x5x80xi32, #tpu.memory_space<hbm>> -> memref<5x80xi32, #tpu.memory_space<hbm>>
        %dma_start3A_505 = arith.constant 0 : i32
        %dma_start3A_506 = arith.constant 0 : i32
        %dma_start3A_507 = tpu.memref_slice %arg6[%rem3A_473, %dma_start3A_505, %dma_start3A_506] : memref<3x5x80xi32, #tpu.memory_space<vmem>> -> memref<1x5x80xi32, #tpu.memory_space<vmem>>
        %dma_start3A_508 = tpu.memref_squeeze %dma_start3A_507 : memref<1x5x80xi32, #tpu.memory_space<vmem>> -> memref<5x80xi32, #tpu.memory_space<vmem>>
        %dma_start3A_509 = arith.constant 0 : i32
        %dma_start3A_510 = arith.constant 0 : i32
        %dma_start3A_511 = tpu.memref_slice %arg3[%add3A, %add3A_496, %dma_start3A_509, %dma_start3A_510] : memref<32x25x5x80xi32, #tpu.memory_space<hbm>> -> memref<1x1x5x80xi32, #tpu.memory_space<hbm>>
        %dma_start3A_512 = tpu.memref_squeeze %dma_start3A_511 : memref<1x1x5x80xi32, #tpu.memory_space<hbm>> -> memref<5x80xi32, #tpu.memory_space<hbm>>
        tpu.enqueue_dma source(%dma_start3A_512 : memref<5x80xi32, #tpu.memory_space<hbm>>) target(%dma_start3A_508 : memref<5x80xi32, #tpu.memory_space<vmem>>) target_semaphore(%arg11 : memref<!tpu.dma_semaphore, #tpu.memory_space<semaphore_mem>>)
        %add3A_513 = arith.constant 1 : i32
        %add3A_514 = arith.addi %scan3A_468, %add3A_513 : i32
        %dma_start3A_515 = arith.constant 0 : i32
        %dma_start3A_516 = arith.constant 0 : i32
        %dma_start3A_517 = tpu.memref_slice %arg7[%rem3A_473, %dma_start3A_515, %dma_start3A_516] : memref<3x5x80xi32, #tpu.memory_space<vmem>> -> memref<1x5x80xi32, #tpu.memory_space<vmem>>
        %dma_start3A_518 = tpu.memref_squeeze %dma_start3A_517 : memref<1x5x80xi32, #tpu.memory_space<vmem>> -> memref<5x80xi32, #tpu.memory_space<vmem>>
        %dma_start3A_519 = arith.constant 0 : i32
        %dma_start3A_520 = arith.constant 0 : i32
        %dma_start3A_521 = tpu.memref_slice %arg4[%add3A, %add3A_514, %dma_start3A_519, %dma_start3A_520] : memref<32x25x5x80xi32, #tpu.memory_space<hbm>> -> memref<1x1x5x80xi32, #tpu.memory_space<hbm>>
        %dma_start3A_522 = tpu.memref_squeeze %dma_start3A_521 : memref<1x1x5x80xi32, #tpu.memory_space<hbm>> -> memref<5x80xi32, #tpu.memory_space<hbm>>
        %dma_start3A_523 = arith.constant 0 : i32
        %dma_start3A_524 = arith.constant 0 : i32
        %dma_start3A_525 = tpu.memref_slice %arg7[%rem3A_473, %dma_start3A_523, %dma_start3A_524] : memref<3x5x80xi32, #tpu.memory_space<vmem>> -> memref<1x5x80xi32, #tpu.memory_space<vmem>>
        %dma_start3A_526 = tpu.memref_squeeze %dma_start3A_525 : memref<1x5x80xi32, #tpu.memory_space<vmem>> -> memref<5x80xi32, #tpu.memory_space<vmem>>
        %dma_start3A_527 = arith.constant 0 : i32
        %dma_start3A_528 = arith.constant 0 : i32
        %dma_start3A_529 = tpu.memref_slice %arg4[%add3A, %add3A_514, %dma_start3A_527, %dma_start3A_528] : memref<32x25x5x80xi32, #tpu.memory_space<hbm>> -> memref<1x1x5x80xi32, #tpu.memory_space<hbm>>
        %dma_start3A_530 = tpu.memref_squeeze %dma_start3A_529 : memref<1x1x5x80xi32, #tpu.memory_space<hbm>> -> memref<5x80xi32, #tpu.memory_space<hbm>>
        tpu.enqueue_dma source(%dma_start3A_530 : memref<5x80xi32, #tpu.memory_space<hbm>>) target(%dma_start3A_526 : memref<5x80xi32, #tpu.memory_space<vmem>>) target_semaphore(%arg11 : memref<!tpu.dma_semaphore, #tpu.memory_space<semaphore_mem>>)
      } else {
      }
      %scan3A_482 = arith.constant 0 : i32
      %scan3A_483 = arith.constant 0 : i32
      %scan3A_484 = arith.constant 5 : i32
      %scan3A_485 = arith.addi %scan3A_483, %scan3A_484 : i32
      %scan3A_486 = arith.constant 1 : i32
      scf.for %scan3A_495 = %scan3A_483 to %scan3A_485 step %scan3A_486  : i32 {
        %mul3A_496 = arith.constant 5 : i32
        %mul3A_497 = arith.muli %scan3A_468, %mul3A_496 : i32
        %add3A_498 = arith.addi %mul3A_497, %scan3A_495 : i32
        %rem3A_499 = arith.constant 8 : i32
        %rem3A_500 = arith.remsi %add3A_498, %rem3A_499 : i32
        %add3A_501 = arith.constant 8 : i32
        %add3A_502 = arith.addi %add3A_498, %add3A_501 : i32
        %sub3A = arith.constant 1 : i32
        %sub3A_503 = arith.subi %add3A_502, %sub3A : i32
        %rem3A_504 = arith.constant 8 : i32
        %rem3A_505 = arith.remsi %sub3A_503, %rem3A_504 : i32
        %ge3A = arith.constant 8 : i32
        %ge3A_506 = arith.cmpi sge, %add3A_498, %ge3A : i32
        %convert_element_type3A_507 = arith.extui %ge3A_506 : i1 to i32
        %cond3A_508 = arith.constant 0 : i32
        %cond3A_509 = arith.cmpi ne, %convert_element_type3A_507, %cond3A_508 : i32
        scf.if %cond3A_509 {
          %dma_wait3A_525 = arith.constant 0 : i32
          %dma_wait3A_526 = arith.constant 0 : i32
          %dma_wait3A_527 = arith.constant 0 : i32
          %dma_wait3A_528 = arith.constant 0 : i32
          %dma_wait3A_529 = tpu.memref_slice %arg8[%rem3A_500, %dma_wait3A_527, %dma_wait3A_528] : memref<8x80x64xf32, #tpu.memory_space<vmem>> -> memref<1x80x64xf32, #tpu.memory_space<vmem>>
          %dma_wait3A_530 = tpu.memref_squeeze %dma_wait3A_529 : memref<1x80x64xf32, #tpu.memory_space<vmem>> -> memref<80x64xf32, #tpu.memory_space<vmem>>
          %dma_wait3A_531 = arith.constant 0 : i32
          %dma_wait3A_532 = tpu.memref_slice %arg7[%dma_wait3A_525, %dma_wait3A_526, %dma_wait3A_531] : memref<3x5x80xi32, #tpu.memory_space<vmem>> -> memref<1x1x80xi32, #tpu.memory_space<vmem>>
          %dma_wait3A_533 = tpu.memref_squeeze %dma_wait3A_532 : memref<1x1x80xi32, #tpu.memory_space<vmem>> -> memref<80xi32, #tpu.memory_space<vmem>>
          %dma_wait3A_534 = arith.constant 0 : i32
          %dma_wait3A_535 = arith.constant 0 : i32
          %dma_wait3A_536 = tpu.memref_slice %arg12[%dma_wait3A_534, %dma_wait3A_535] : memref<10240x64xf32, #tpu.memory_space<vmem_shared>> -> memref<10240x64xf32, #tpu.memory_space<vmem_shared>>
          tpu.wait_indirect_dma semaphore(%arg10 : memref<!tpu.dma_semaphore, #tpu.memory_space<semaphore_mem>>) src(%dma_wait3A_530 : memref<80x64xf32, #tpu.memory_space<vmem>>) dst(%dma_wait3A_536 : memref<10240x64xf32, #tpu.memory_space<vmem_shared>>)
        } else {
        }
        %dma_start3A_510 = arith.constant 0 : i32
        %dma_start3A_511 = arith.constant 0 : i32
        %dma_start3A_512 = tpu.memref_slice %arg8[%rem3A_500, %dma_start3A_510, %dma_start3A_511] : memref<8x80x64xf32, #tpu.memory_space<vmem>> -> memref<1x80x64xf32, #tpu.memory_space<vmem>>
        %dma_start3A_513 = tpu.memref_squeeze %dma_start3A_512 : memref<1x80x64xf32, #tpu.memory_space<vmem>> -> memref<80x64xf32, #tpu.memory_space<vmem>>
        %dma_start3A_514 = arith.constant 0 : i32
        %dma_start3A_515 = tpu.memref_slice %arg6[%rem3A_469, %scan3A_495, %dma_start3A_514] : memref<3x5x80xi32, #tpu.memory_space<vmem>> -> memref<1x1x80xi32, #tpu.memory_space<vmem>>
        %dma_start3A_516 = tpu.memref_squeeze %dma_start3A_515 : memref<1x1x80xi32, #tpu.memory_space<vmem>> -> memref<80xi32, #tpu.memory_space<vmem>>
        %dma_start3A_517 = arith.constant 0 : i32
        %dma_start3A_518 = arith.constant 0 : i32
        %dma_start3A_519 = tpu.memref_slice %arg2[%dma_start3A_517, %dma_start3A_518] : memref<10000x64xf32, #tpu.memory_space<hbm>> -> memref<10000x64xf32, #tpu.memory_space<hbm>>
        tpu.enqueue_indirect_dma source(%dma_start3A_519 : memref<10000x64xf32, #tpu.memory_space<hbm>>) target(%dma_start3A_513 : memref<80x64xf32, #tpu.memory_space<vmem>>) offsets(%dma_start3A_516 : memref<80xi32, #tpu.memory_space<vmem>>) semaphore(%arg9 : memref<!tpu.dma_semaphore, #tpu.memory_space<semaphore_mem>>)
        %ge3A_520 = arith.constant 1 : i32
        %ge3A_521 = arith.cmpi sge, %add3A_498, %ge3A_520 : i32
        %convert_element_type3A_522 = arith.extui %ge3A_521 : i1 to i32
        %cond3A_523 = arith.constant 0 : i32
        %cond3A_524 = arith.cmpi ne, %convert_element_type3A_522, %cond3A_523 : i32
        scf.if %cond3A_524 {
          %dma_wait3A_525 = arith.constant 0 : i32
          %dma_wait3A_526 = arith.constant 0 : i32
          %dma_wait3A_527 = arith.constant 0 : i32
          %dma_wait3A_528 = arith.constant 0 : i32
          %dma_wait3A_529 = tpu.memref_slice %arg8[%rem3A_505, %dma_wait3A_527, %dma_wait3A_528] : memref<8x80x64xf32, #tpu.memory_space<vmem>> -> memref<1x80x64xf32, #tpu.memory_space<vmem>>
          %dma_wait3A_530 = tpu.memref_squeeze %dma_wait3A_529 : memref<1x80x64xf32, #tpu.memory_space<vmem>> -> memref<80x64xf32, #tpu.memory_space<vmem>>
          %dma_wait3A_531 = arith.constant 0 : i32
          %dma_wait3A_532 = tpu.memref_slice %arg6[%dma_wait3A_525, %dma_wait3A_526, %dma_wait3A_531] : memref<3x5x80xi32, #tpu.memory_space<vmem>> -> memref<1x1x80xi32, #tpu.memory_space<vmem>>
          %dma_wait3A_533 = tpu.memref_squeeze %dma_wait3A_532 : memref<1x1x80xi32, #tpu.memory_space<vmem>> -> memref<80xi32, #tpu.memory_space<vmem>>
          %dma_wait3A_534 = arith.constant 0 : i32
          %dma_wait3A_535 = arith.constant 0 : i32
          %dma_wait3A_536 = tpu.memref_slice %arg2[%dma_wait3A_534, %dma_wait3A_535] : memref<10000x64xf32, #tpu.memory_space<hbm>> -> memref<10000x64xf32, #tpu.memory_space<hbm>>
          tpu.wait_indirect_dma semaphore(%arg9 : memref<!tpu.dma_semaphore, #tpu.memory_space<semaphore_mem>>) src(%dma_wait3A_536 : memref<10000x64xf32, #tpu.memory_space<hbm>>) dst(%dma_wait3A_530 : memref<80x64xf32, #tpu.memory_space<vmem>>)
          %eq3A = arith.constant 0 : i32
          %eq3A_537 = arith.cmpi eq, %scan3A_495, %eq3A : i32
          %sub3A_538 = arith.constant 1 : i32
          %sub3A_539 = arith.subi %scan3A_495, %sub3A_538 : i32
          %select_n3A = arith.constant 4 : i32
          %select_n3A_540 = arith.select %eq3A_537, %select_n3A, %sub3A_539 : i32
          %eq3A_541 = arith.constant 0 : i32
          %eq3A_542 = arith.cmpi eq, %scan3A_495, %eq3A_541 : i32
          %select_n3A_543 = arith.select %eq3A_542, %rem3A_477, %rem3A_469 : i32
          %dma_start3A_544 = arith.constant 0 : i32
          %dma_start3A_545 = arith.constant 0 : i32
          %dma_start3A_546 = tpu.memref_slice %arg8[%rem3A_505, %dma_start3A_544, %dma_start3A_545] : memref<8x80x64xf32, #tpu.memory_space<vmem>> -> memref<1x80x64xf32, #tpu.memory_space<vmem>>
          %dma_start3A_547 = tpu.memref_squeeze %dma_start3A_546 : memref<1x80x64xf32, #tpu.memory_space<vmem>> -> memref<80x64xf32, #tpu.memory_space<vmem>>
          %dma_start3A_548 = arith.constant 0 : i32
          %dma_start3A_549 = tpu.memref_slice %arg7[%select_n3A_543, %select_n3A_540, %dma_start3A_548] : memref<3x5x80xi32, #tpu.memory_space<vmem>> -> memref<1x1x80xi32, #tpu.memory_space<vmem>>
          %dma_start3A_550 = tpu.memref_squeeze %dma_start3A_549 : memref<1x1x80xi32, #tpu.memory_space<vmem>> -> memref<80xi32, #tpu.memory_space<vmem>>
          %dma_start3A_551 = arith.constant 0 : i32
          %dma_start3A_552 = arith.constant 0 : i32
          %dma_start3A_553 = tpu.memref_slice %arg12[%dma_start3A_551, %dma_start3A_552] : memref<10240x64xf32, #tpu.memory_space<vmem_shared>> -> memref<10240x64xf32, #tpu.memory_space<vmem_shared>>
          tpu.enqueue_indirect_dma source(%dma_start3A_547 : memref<80x64xf32, #tpu.memory_space<vmem>>) target(%dma_start3A_553 : memref<10240x64xf32, #tpu.memory_space<vmem_shared>>) offsets(%dma_start3A_550 : memref<80xi32, #tpu.memory_space<vmem>>) semaphore(%arg10 : memref<!tpu.dma_semaphore, #tpu.memory_space<semaphore_mem>>) {add = true}
        } else {
        }
      }
      %scan3A_487 = arith.constant 5 : i32
      %add3A_488 = arith.constant 1 : i32
      %add3A_489 = arith.addi %scan3A_468, %add3A_488 : i32
      %lt3A_490 = arith.constant 25 : i32
      %lt3A_491 = arith.cmpi slt, %add3A_489, %lt3A_490 : i32
      %convert_element_type3A_492 = arith.extui %lt3A_491 : i1 to i32
      %cond3A_493 = arith.constant 0 : i32
      %cond3A_494 = arith.cmpi ne, %convert_element_type3A_492, %cond3A_493 : i32
      scf.if %cond3A_494 {
        %dma_wait3A_495 = arith.constant 0 : i32
        %dma_wait3A_496 = arith.constant 0 : i32
        %dma_wait3A_497 = arith.constant 0 : i32
        %dma_wait3A_498 = tpu.memref_slice %arg6[%rem3A_473, %dma_wait3A_496, %dma_wait3A_497] : memref<3x5x80xi32, #tpu.memory_space<vmem>> -> memref<1x5x80xi32, #tpu.memory_space<vmem>>
        %dma_wait3A_499 = tpu.memref_squeeze %dma_wait3A_498 : memref<1x5x80xi32, #tpu.memory_space<vmem>> -> memref<5x80xi32, #tpu.memory_space<vmem>>
        %dma_wait3A_500 = arith.constant 0 : i32
        %dma_wait3A_501 = arith.constant 0 : i32
        %dma_wait3A_502 = tpu.memref_slice %arg3[%add3A, %dma_wait3A_495, %dma_wait3A_500, %dma_wait3A_501] : memref<32x25x5x80xi32, #tpu.memory_space<hbm>> -> memref<1x1x5x80xi32, #tpu.memory_space<hbm>>
        %dma_wait3A_503 = tpu.memref_squeeze %dma_wait3A_502 : memref<1x1x5x80xi32, #tpu.memory_space<hbm>> -> memref<5x80xi32, #tpu.memory_space<hbm>>
        %dma_wait3A_504 = arith.constant 0 : i32
        %dma_wait3A_505 = arith.constant 0 : i32
        %dma_wait3A_506 = tpu.memref_slice %arg6[%rem3A_473, %dma_wait3A_504, %dma_wait3A_505] : memref<3x5x80xi32, #tpu.memory_space<vmem>> -> memref<1x5x80xi32, #tpu.memory_space<vmem>>
        %dma_wait3A_507 = tpu.memref_squeeze %dma_wait3A_506 : memref<1x5x80xi32, #tpu.memory_space<vmem>> -> memref<5x80xi32, #tpu.memory_space<vmem>>
        %dma_wait3A_508 = arith.constant 0 : i32
        %dma_wait3A_509 = arith.constant 0 : i32
        %dma_wait3A_510 = tpu.memref_slice %arg3[%add3A, %dma_wait3A_495, %dma_wait3A_508, %dma_wait3A_509] : memref<32x25x5x80xi32, #tpu.memory_space<hbm>> -> memref<1x1x5x80xi32, #tpu.memory_space<hbm>>
        %dma_wait3A_511 = tpu.memref_squeeze %dma_wait3A_510 : memref<1x1x5x80xi32, #tpu.memory_space<hbm>> -> memref<5x80xi32, #tpu.memory_space<hbm>>
        tpu.wait_dma2 semaphore(%arg11 : memref<!tpu.dma_semaphore, #tpu.memory_space<semaphore_mem>>) src(%dma_wait3A_511 : memref<5x80xi32, #tpu.memory_space<hbm>>) dst(%dma_wait3A_507 : memref<5x80xi32, #tpu.memory_space<vmem>>)
        %dma_wait3A_512 = arith.constant 0 : i32
        %dma_wait3A_513 = arith.constant 0 : i32
        %dma_wait3A_514 = arith.constant 0 : i32
        %dma_wait3A_515 = tpu.memref_slice %arg7[%rem3A_473, %dma_wait3A_513, %dma_wait3A_514] : memref<3x5x80xi32, #tpu.memory_space<vmem>> -> memref<1x5x80xi32, #tpu.memory_space<vmem>>
        %dma_wait3A_516 = tpu.memref_squeeze %dma_wait3A_515 : memref<1x5x80xi32, #tpu.memory_space<vmem>> -> memref<5x80xi32, #tpu.memory_space<vmem>>
        %dma_wait3A_517 = arith.constant 0 : i32
        %dma_wait3A_518 = arith.constant 0 : i32
        %dma_wait3A_519 = tpu.memref_slice %arg4[%add3A, %dma_wait3A_512, %dma_wait3A_517, %dma_wait3A_518] : memref<32x25x5x80xi32, #tpu.memory_space<hbm>> -> memref<1x1x5x80xi32, #tpu.memory_space<hbm>>
        %dma_wait3A_520 = tpu.memref_squeeze %dma_wait3A_519 : memref<1x1x5x80xi32, #tpu.memory_space<hbm>> -> memref<5x80xi32, #tpu.memory_space<hbm>>
        %dma_wait3A_521 = arith.constant 0 : i32
        %dma_wait3A_522 = arith.constant 0 : i32
        %dma_wait3A_523 = tpu.memref_slice %arg7[%rem3A_473, %dma_wait3A_521, %dma_wait3A_522] : memref<3x5x80xi32, #tpu.memory_space<vmem>> -> memref<1x5x80xi32, #tpu.memory_space<vmem>>
        %dma_wait3A_524 = tpu.memref_squeeze %dma_wait3A_523 : memref<1x5x80xi32, #tpu.memory_space<vmem>> -> memref<5x80xi32, #tpu.memory_space<vmem>>
        %dma_wait3A_525 = arith.constant 0 : i32
        %dma_wait3A_526 = arith.constant 0 : i32
        %dma_wait3A_527 = tpu.memref_slice %arg4[%add3A, %dma_wait3A_512, %dma_wait3A_525, %dma_wait3A_526] : memref<32x25x5x80xi32, #tpu.memory_space<hbm>> -> memref<1x1x5x80xi32, #tpu.memory_space<hbm>>
        %dma_wait3A_528 = tpu.memref_squeeze %dma_wait3A_527 : memref<1x1x5x80xi32, #tpu.memory_space<hbm>> -> memref<5x80xi32, #tpu.memory_space<hbm>>
        tpu.wait_dma2 semaphore(%arg11 : memref<!tpu.dma_semaphore, #tpu.memory_space<semaphore_mem>>) src(%dma_wait3A_528 : memref<5x80xi32, #tpu.memory_space<hbm>>) dst(%dma_wait3A_524 : memref<5x80xi32, #tpu.memory_space<vmem>>)
      } else {
      }
    }
    %scan3A_240 = arith.constant 25 : i32
    %dma_wait3A_241 = arith.constant 0 : i32
    %dma_wait3A_242 = arith.constant 0 : i32
    %dma_wait3A_243 = arith.constant 4 : i32
    %dma_wait3A_244 = arith.constant 0 : i32
    %dma_wait3A_245 = arith.constant 0 : i32
    %dma_wait3A_246 = tpu.memref_slice %arg8[%dma_wait3A_243, %dma_wait3A_244, %dma_wait3A_245] : memref<8x80x64xf32, #tpu.memory_space<vmem>> -> memref<1x80x64xf32, #tpu.memory_space<vmem>>
    %dma_wait3A_247 = tpu.memref_squeeze %dma_wait3A_246 : memref<1x80x64xf32, #tpu.memory_space<vmem>> -> memref<80x64xf32, #tpu.memory_space<vmem>>
    %dma_wait3A_248 = arith.constant 0 : i32
    %dma_wait3A_249 = tpu.memref_slice %arg6[%dma_wait3A_241, %dma_wait3A_242, %dma_wait3A_248] : memref<3x5x80xi32, #tpu.memory_space<vmem>> -> memref<1x1x80xi32, #tpu.memory_space<vmem>>
    %dma_wait3A_250 = tpu.memref_squeeze %dma_wait3A_249 : memref<1x1x80xi32, #tpu.memory_space<vmem>> -> memref<80xi32, #tpu.memory_space<vmem>>
    %dma_wait3A_251 = arith.constant 0 : i32
    %dma_wait3A_252 = arith.constant 0 : i32
    %dma_wait3A_253 = tpu.memref_slice %arg2[%dma_wait3A_251, %dma_wait3A_252] : memref<10000x64xf32, #tpu.memory_space<hbm>> -> memref<10000x64xf32, #tpu.memory_space<hbm>>
    tpu.wait_indirect_dma semaphore(%arg9 : memref<!tpu.dma_semaphore, #tpu.memory_space<semaphore_mem>>) src(%dma_wait3A_253 : memref<10000x64xf32, #tpu.memory_space<hbm>>) dst(%dma_wait3A_247 : memref<80x64xf32, #tpu.memory_space<vmem>>)
    %dma_start3A_254 = arith.constant 4 : i32
    %dma_start3A_255 = arith.constant 0 : i32
    %dma_start3A_256 = arith.constant 4 : i32
    %dma_start3A_257 = arith.constant 0 : i32
    %dma_start3A_258 = arith.constant 0 : i32
    %dma_start3A_259 = tpu.memref_slice %arg8[%dma_start3A_254, %dma_start3A_257, %dma_start3A_258] : memref<8x80x64xf32, #tpu.memory_space<vmem>> -> memref<1x80x64xf32, #tpu.memory_space<vmem>>
    %dma_start3A_260 = tpu.memref_squeeze %dma_start3A_259 : memref<1x80x64xf32, #tpu.memory_space<vmem>> -> memref<80x64xf32, #tpu.memory_space<vmem>>
    %dma_start3A_261 = arith.constant 0 : i32
    %dma_start3A_262 = tpu.memref_slice %arg7[%dma_start3A_255, %dma_start3A_256, %dma_start3A_261] : memref<3x5x80xi32, #tpu.memory_space<vmem>> -> memref<1x1x80xi32, #tpu.memory_space<vmem>>
    %dma_start3A_263 = tpu.memref_squeeze %dma_start3A_262 : memref<1x1x80xi32, #tpu.memory_space<vmem>> -> memref<80xi32, #tpu.memory_space<vmem>>
    %dma_start3A_264 = arith.constant 0 : i32
    %dma_start3A_265 = arith.constant 0 : i32
    %dma_start3A_266 = tpu.memref_slice %arg12[%dma_start3A_264, %dma_start3A_265] : memref<10240x64xf32, #tpu.memory_space<vmem_shared>> -> memref<10240x64xf32, #tpu.memory_space<vmem_shared>>
    tpu.enqueue_indirect_dma source(%dma_start3A_260 : memref<80x64xf32, #tpu.memory_space<vmem>>) target(%dma_start3A_266 : memref<10240x64xf32, #tpu.memory_space<vmem_shared>>) offsets(%dma_start3A_263 : memref<80xi32, #tpu.memory_space<vmem>>) semaphore(%arg10 : memref<!tpu.dma_semaphore, #tpu.memory_space<semaphore_mem>>) {add = true}
    %dma_wait3A_267 = arith.constant 0 : i32
    %dma_wait3A_268 = arith.constant 0 : i32
    %dma_wait3A_269 = arith.constant 0 : i32
    %dma_wait3A_270 = arith.constant 0 : i32
    %dma_wait3A_271 = arith.constant 0 : i32
    %dma_wait3A_272 = tpu.memref_slice %arg8[%dma_wait3A_267, %dma_wait3A_270, %dma_wait3A_271] : memref<8x80x64xf32, #tpu.memory_space<vmem>> -> memref<1x80x64xf32, #tpu.memory_space<vmem>>
    %dma_wait3A_273 = tpu.memref_squeeze %dma_wait3A_272 : memref<1x80x64xf32, #tpu.memory_space<vmem>> -> memref<80x64xf32, #tpu.memory_space<vmem>>
    %dma_wait3A_274 = arith.constant 0 : i32
    %dma_wait3A_275 = tpu.memref_slice %arg7[%dma_wait3A_268, %dma_wait3A_269, %dma_wait3A_274] : memref<3x5x80xi32, #tpu.memory_space<vmem>> -> memref<1x1x80xi32, #tpu.memory_space<vmem>>
    %dma_wait3A_276 = tpu.memref_squeeze %dma_wait3A_275 : memref<1x1x80xi32, #tpu.memory_space<vmem>> -> memref<80xi32, #tpu.memory_space<vmem>>
    %dma_wait3A_277 = arith.constant 0 : i32
    %dma_wait3A_278 = arith.constant 0 : i32
    %dma_wait3A_279 = tpu.memref_slice %arg12[%dma_wait3A_277, %dma_wait3A_278] : memref<10240x64xf32, #tpu.memory_space<vmem_shared>> -> memref<10240x64xf32, #tpu.memory_space<vmem_shared>>
    tpu.wait_indirect_dma semaphore(%arg10 : memref<!tpu.dma_semaphore, #tpu.memory_space<semaphore_mem>>) src(%dma_wait3A_273 : memref<80x64xf32, #tpu.memory_space<vmem>>) dst(%dma_wait3A_279 : memref<10240x64xf32, #tpu.memory_space<vmem_shared>>)
    %dma_wait3A_280 = arith.constant 0 : i32
    %dma_wait3A_281 = arith.constant 0 : i32
    %dma_wait3A_282 = arith.constant 0 : i32
    %dma_wait3A_283 = arith.constant 0 : i32
    %dma_wait3A_284 = arith.constant 0 : i32
    %dma_wait3A_285 = tpu.memref_slice %arg8[%dma_wait3A_280, %dma_wait3A_283, %dma_wait3A_284] : memref<8x80x64xf32, #tpu.memory_space<vmem>> -> memref<1x80x64xf32, #tpu.memory_space<vmem>>
    %dma_wait3A_286 = tpu.memref_squeeze %dma_wait3A_285 : memref<1x80x64xf32, #tpu.memory_space<vmem>> -> memref<80x64xf32, #tpu.memory_space<vmem>>
    %dma_wait3A_287 = arith.constant 0 : i32
    %dma_wait3A_288 = tpu.memref_slice %arg7[%dma_wait3A_281, %dma_wait3A_282, %dma_wait3A_287] : memref<3x5x80xi32, #tpu.memory_space<vmem>> -> memref<1x1x80xi32, #tpu.memory_space<vmem>>
    %dma_wait3A_289 = tpu.memref_squeeze %dma_wait3A_288 : memref<1x1x80xi32, #tpu.memory_space<vmem>> -> memref<80xi32, #tpu.memory_space<vmem>>
    %dma_wait3A_290 = arith.constant 0 : i32
    %dma_wait3A_291 = arith.constant 0 : i32
    %dma_wait3A_292 = tpu.memref_slice %arg12[%dma_wait3A_290, %dma_wait3A_291] : memref<10240x64xf32, #tpu.memory_space<vmem_shared>> -> memref<10240x64xf32, #tpu.memory_space<vmem_shared>>
    tpu.wait_indirect_dma semaphore(%arg10 : memref<!tpu.dma_semaphore, #tpu.memory_space<semaphore_mem>>) src(%dma_wait3A_286 : memref<80x64xf32, #tpu.memory_space<vmem>>) dst(%dma_wait3A_292 : memref<10240x64xf32, #tpu.memory_space<vmem_shared>>)
    %dma_wait3A_293 = arith.constant 0 : i32
    %dma_wait3A_294 = arith.constant 0 : i32
    %dma_wait3A_295 = arith.constant 0 : i32
    %dma_wait3A_296 = arith.constant 0 : i32
    %dma_wait3A_297 = arith.constant 0 : i32
    %dma_wait3A_298 = tpu.memref_slice %arg8[%dma_wait3A_293, %dma_wait3A_296, %dma_wait3A_297] : memref<8x80x64xf32, #tpu.memory_space<vmem>> -> memref<1x80x64xf32, #tpu.memory_space<vmem>>
    %dma_wait3A_299 = tpu.memref_squeeze %dma_wait3A_298 : memref<1x80x64xf32, #tpu.memory_space<vmem>> -> memref<80x64xf32, #tpu.memory_space<vmem>>
    %dma_wait3A_300 = arith.constant 0 : i32
    %dma_wait3A_301 = tpu.memref_slice %arg7[%dma_wait3A_294, %dma_wait3A_295, %dma_wait3A_300] : memref<3x5x80xi32, #tpu.memory_space<vmem>> -> memref<1x1x80xi32, #tpu.memory_space<vmem>>
    %dma_wait3A_302 = tpu.memref_squeeze %dma_wait3A_301 : memref<1x1x80xi32, #tpu.memory_space<vmem>> -> memref<80xi32, #tpu.memory_space<vmem>>
    %dma_wait3A_303 = arith.constant 0 : i32
    %dma_wait3A_304 = arith.constant 0 : i32
    %dma_wait3A_305 = tpu.memref_slice %arg12[%dma_wait3A_303, %dma_wait3A_304] : memref<10240x64xf32, #tpu.memory_space<vmem_shared>> -> memref<10240x64xf32, #tpu.memory_space<vmem_shared>>
    tpu.wait_indirect_dma semaphore(%arg10 : memref<!tpu.dma_semaphore, #tpu.memory_space<semaphore_mem>>) src(%dma_wait3A_299 : memref<80x64xf32, #tpu.memory_space<vmem>>) dst(%dma_wait3A_305 : memref<10240x64xf32, #tpu.memory_space<vmem_shared>>)
    %dma_wait3A_306 = arith.constant 0 : i32
    %dma_wait3A_307 = arith.constant 0 : i32
    %dma_wait3A_308 = arith.constant 0 : i32
    %dma_wait3A_309 = arith.constant 0 : i32
    %dma_wait3A_310 = arith.constant 0 : i32
    %dma_wait3A_311 = tpu.memref_slice %arg8[%dma_wait3A_306, %dma_wait3A_309, %dma_wait3A_310] : memref<8x80x64xf32, #tpu.memory_space<vmem>> -> memref<1x80x64xf32, #tpu.memory_space<vmem>>
    %dma_wait3A_312 = tpu.memref_squeeze %dma_wait3A_311 : memref<1x80x64xf32, #tpu.memory_space<vmem>> -> memref<80x64xf32, #tpu.memory_space<vmem>>
    %dma_wait3A_313 = arith.constant 0 : i32
    %dma_wait3A_314 = tpu.memref_slice %arg7[%dma_wait3A_307, %dma_wait3A_308, %dma_wait3A_313] : memref<3x5x80xi32, #tpu.memory_space<vmem>> -> memref<1x1x80xi32, #tpu.memory_space<vmem>>
    %dma_wait3A_315 = tpu.memref_squeeze %dma_wait3A_314 : memref<1x1x80xi32, #tpu.memory_space<vmem>> -> memref<80xi32, #tpu.memory_space<vmem>>
    %dma_wait3A_316 = arith.constant 0 : i32
    %dma_wait3A_317 = arith.constant 0 : i32
    %dma_wait3A_318 = tpu.memref_slice %arg12[%dma_wait3A_316, %dma_wait3A_317] : memref<10240x64xf32, #tpu.memory_space<vmem_shared>> -> memref<10240x64xf32, #tpu.memory_space<vmem_shared>>
    tpu.wait_indirect_dma semaphore(%arg10 : memref<!tpu.dma_semaphore, #tpu.memory_space<semaphore_mem>>) src(%dma_wait3A_312 : memref<80x64xf32, #tpu.memory_space<vmem>>) dst(%dma_wait3A_318 : memref<10240x64xf32, #tpu.memory_space<vmem_shared>>)
    %dma_wait3A_319 = arith.constant 0 : i32
    %dma_wait3A_320 = arith.constant 0 : i32
    %dma_wait3A_321 = arith.constant 0 : i32
    %dma_wait3A_322 = arith.constant 0 : i32
    %dma_wait3A_323 = arith.constant 0 : i32
    %dma_wait3A_324 = tpu.memref_slice %arg8[%dma_wait3A_319, %dma_wait3A_322, %dma_wait3A_323] : memref<8x80x64xf32, #tpu.memory_space<vmem>> -> memref<1x80x64xf32, #tpu.memory_space<vmem>>
    %dma_wait3A_325 = tpu.memref_squeeze %dma_wait3A_324 : memref<1x80x64xf32, #tpu.memory_space<vmem>> -> memref<80x64xf32, #tpu.memory_space<vmem>>
    %dma_wait3A_326 = arith.constant 0 : i32
    %dma_wait3A_327 = tpu.memref_slice %arg7[%dma_wait3A_320, %dma_wait3A_321, %dma_wait3A_326] : memref<3x5x80xi32, #tpu.memory_space<vmem>> -> memref<1x1x80xi32, #tpu.memory_space<vmem>>
    %dma_wait3A_328 = tpu.memref_squeeze %dma_wait3A_327 : memref<1x1x80xi32, #tpu.memory_space<vmem>> -> memref<80xi32, #tpu.memory_space<vmem>>
    %dma_wait3A_329 = arith.constant 0 : i32
    %dma_wait3A_330 = arith.constant 0 : i32
    %dma_wait3A_331 = tpu.memref_slice %arg12[%dma_wait3A_329, %dma_wait3A_330] : memref<10240x64xf32, #tpu.memory_space<vmem_shared>> -> memref<10240x64xf32, #tpu.memory_space<vmem_shared>>
    tpu.wait_indirect_dma semaphore(%arg10 : memref<!tpu.dma_semaphore, #tpu.memory_space<semaphore_mem>>) src(%dma_wait3A_325 : memref<80x64xf32, #tpu.memory_space<vmem>>) dst(%dma_wait3A_331 : memref<10240x64xf32, #tpu.memory_space<vmem_shared>>)
    %dma_wait3A_332 = arith.constant 0 : i32
    %dma_wait3A_333 = arith.constant 0 : i32
    %dma_wait3A_334 = arith.constant 0 : i32
    %dma_wait3A_335 = arith.constant 0 : i32
    %dma_wait3A_336 = arith.constant 0 : i32
    %dma_wait3A_337 = tpu.memref_slice %arg8[%dma_wait3A_332, %dma_wait3A_335, %dma_wait3A_336] : memref<8x80x64xf32, #tpu.memory_space<vmem>> -> memref<1x80x64xf32, #tpu.memory_space<vmem>>
    %dma_wait3A_338 = tpu.memref_squeeze %dma_wait3A_337 : memref<1x80x64xf32, #tpu.memory_space<vmem>> -> memref<80x64xf32, #tpu.memory_space<vmem>>
    %dma_wait3A_339 = arith.constant 0 : i32
    %dma_wait3A_340 = tpu.memref_slice %arg7[%dma_wait3A_333, %dma_wait3A_334, %dma_wait3A_339] : memref<3x5x80xi32, #tpu.memory_space<vmem>> -> memref<1x1x80xi32, #tpu.memory_space<vmem>>
    %dma_wait3A_341 = tpu.memref_squeeze %dma_wait3A_340 : memref<1x1x80xi32, #tpu.memory_space<vmem>> -> memref<80xi32, #tpu.memory_space<vmem>>
    %dma_wait3A_342 = arith.constant 0 : i32
    %dma_wait3A_343 = arith.constant 0 : i32
    %dma_wait3A_344 = tpu.memref_slice %arg12[%dma_wait3A_342, %dma_wait3A_343] : memref<10240x64xf32, #tpu.memory_space<vmem_shared>> -> memref<10240x64xf32, #tpu.memory_space<vmem_shared>>
    tpu.wait_indirect_dma semaphore(%arg10 : memref<!tpu.dma_semaphore, #tpu.memory_space<semaphore_mem>>) src(%dma_wait3A_338 : memref<80x64xf32, #tpu.memory_space<vmem>>) dst(%dma_wait3A_344 : memref<10240x64xf32, #tpu.memory_space<vmem_shared>>)
    %dma_wait3A_345 = arith.constant 0 : i32
    %dma_wait3A_346 = arith.constant 0 : i32
    %dma_wait3A_347 = arith.constant 0 : i32
    %dma_wait3A_348 = arith.constant 0 : i32
    %dma_wait3A_349 = arith.constant 0 : i32
    %dma_wait3A_350 = tpu.memref_slice %arg8[%dma_wait3A_345, %dma_wait3A_348, %dma_wait3A_349] : memref<8x80x64xf32, #tpu.memory_space<vmem>> -> memref<1x80x64xf32, #tpu.memory_space<vmem>>
    %dma_wait3A_351 = tpu.memref_squeeze %dma_wait3A_350 : memref<1x80x64xf32, #tpu.memory_space<vmem>> -> memref<80x64xf32, #tpu.memory_space<vmem>>
    %dma_wait3A_352 = arith.constant 0 : i32
    %dma_wait3A_353 = tpu.memref_slice %arg7[%dma_wait3A_346, %dma_wait3A_347, %dma_wait3A_352] : memref<3x5x80xi32, #tpu.memory_space<vmem>> -> memref<1x1x80xi32, #tpu.memory_space<vmem>>
    %dma_wait3A_354 = tpu.memref_squeeze %dma_wait3A_353 : memref<1x1x80xi32, #tpu.memory_space<vmem>> -> memref<80xi32, #tpu.memory_space<vmem>>
    %dma_wait3A_355 = arith.constant 0 : i32
    %dma_wait3A_356 = arith.constant 0 : i32
    %dma_wait3A_357 = tpu.memref_slice %arg12[%dma_wait3A_355, %dma_wait3A_356] : memref<10240x64xf32, #tpu.memory_space<vmem_shared>> -> memref<10240x64xf32, #tpu.memory_space<vmem_shared>>
    tpu.wait_indirect_dma semaphore(%arg10 : memref<!tpu.dma_semaphore, #tpu.memory_space<semaphore_mem>>) src(%dma_wait3A_351 : memref<80x64xf32, #tpu.memory_space<vmem>>) dst(%dma_wait3A_357 : memref<10240x64xf32, #tpu.memory_space<vmem_shared>>)
    %dma_wait3A_358 = arith.constant 0 : i32
    %dma_wait3A_359 = arith.constant 0 : i32
    %dma_wait3A_360 = arith.constant 0 : i32
    %dma_wait3A_361 = arith.constant 0 : i32
    %dma_wait3A_362 = arith.constant 0 : i32
    %dma_wait3A_363 = tpu.memref_slice %arg8[%dma_wait3A_358, %dma_wait3A_361, %dma_wait3A_362] : memref<8x80x64xf32, #tpu.memory_space<vmem>> -> memref<1x80x64xf32, #tpu.memory_space<vmem>>
    %dma_wait3A_364 = tpu.memref_squeeze %dma_wait3A_363 : memref<1x80x64xf32, #tpu.memory_space<vmem>> -> memref<80x64xf32, #tpu.memory_space<vmem>>
    %dma_wait3A_365 = arith.constant 0 : i32
    %dma_wait3A_366 = tpu.memref_slice %arg7[%dma_wait3A_359, %dma_wait3A_360, %dma_wait3A_365] : memref<3x5x80xi32, #tpu.memory_space<vmem>> -> memref<1x1x80xi32, #tpu.memory_space<vmem>>
    %dma_wait3A_367 = tpu.memref_squeeze %dma_wait3A_366 : memref<1x1x80xi32, #tpu.memory_space<vmem>> -> memref<80xi32, #tpu.memory_space<vmem>>
    %dma_wait3A_368 = arith.constant 0 : i32
    %dma_wait3A_369 = arith.constant 0 : i32
    %dma_wait3A_370 = tpu.memref_slice %arg12[%dma_wait3A_368, %dma_wait3A_369] : memref<10240x64xf32, #tpu.memory_space<vmem_shared>> -> memref<10240x64xf32, #tpu.memory_space<vmem_shared>>
    tpu.wait_indirect_dma semaphore(%arg10 : memref<!tpu.dma_semaphore, #tpu.memory_space<semaphore_mem>>) src(%dma_wait3A_364 : memref<80x64xf32, #tpu.memory_space<vmem>>) dst(%dma_wait3A_370 : memref<10240x64xf32, #tpu.memory_space<vmem_shared>>)
    %barrier3A_371 = arith.constant 0 : index
    tpu.barrier barrier_id(%barrier3A_371)
    %add3A_372 = arith.constant 0 : i32
    %add3A_373 = arith.addi %mul3A_5, %add3A_372 : i32
    %dma_start3A_374 = arith.constant 0 : i32
    %dma_start3A_375 = tpu.memref_slice %arg5[%arg0, %add3A_373, %dma_start3A_374] : memref<2x10240x64xf32, #tpu.memory_space<hbm>> -> memref<1x80x64xf32, #tpu.memory_space<hbm>>
    %dma_start3A_376 = tpu.memref_squeeze %dma_start3A_375 : memref<1x80x64xf32, #tpu.memory_space<hbm>> -> memref<80x64xf32, #tpu.memory_space<hbm>>
    %dma_start3A_377 = arith.constant 0 : i32
    %dma_start3A_378 = tpu.memref_slice %arg12[%add3A_373, %dma_start3A_377] : memref<10240x64xf32, #tpu.memory_space<vmem_shared>> -> memref<80x64xf32, #tpu.memory_space<vmem_shared>>
    tpu.enqueue_dma source(%dma_start3A_378 : memref<80x64xf32, #tpu.memory_space<vmem_shared>>) target(%dma_start3A_376 : memref<80x64xf32, #tpu.memory_space<hbm>>) target_semaphore(%arg9 : memref<!tpu.dma_semaphore, #tpu.memory_space<semaphore_mem>>)
    %add3A_379 = arith.constant 80 : i32
    %add3A_380 = arith.addi %mul3A_5, %add3A_379 : i32
    %dma_start3A_381 = arith.constant 0 : i32
    %dma_start3A_382 = tpu.memref_slice %arg5[%arg0, %add3A_380, %dma_start3A_381] : memref<2x10240x64xf32, #tpu.memory_space<hbm>> -> memref<1x80x64xf32, #tpu.memory_space<hbm>>
    %dma_start3A_383 = tpu.memref_squeeze %dma_start3A_382 : memref<1x80x64xf32, #tpu.memory_space<hbm>> -> memref<80x64xf32, #tpu.memory_space<hbm>>
    %dma_start3A_384 = arith.constant 0 : i32
    %dma_start3A_385 = tpu.memref_slice %arg12[%add3A_380, %dma_start3A_384] : memref<10240x64xf32, #tpu.memory_space<vmem_shared>> -> memref<80x64xf32, #tpu.memory_space<vmem_shared>>
    tpu.enqueue_dma source(%dma_start3A_385 : memref<80x64xf32, #tpu.memory_space<vmem_shared>>) target(%dma_start3A_383 : memref<80x64xf32, #tpu.memory_space<hbm>>) target_semaphore(%arg9 : memref<!tpu.dma_semaphore, #tpu.memory_space<semaphore_mem>>)
    %add3A_386 = arith.constant 160 : i32
    %add3A_387 = arith.addi %mul3A_5, %add3A_386 : i32
    %dma_start3A_388 = arith.constant 0 : i32
    %dma_start3A_389 = tpu.memref_slice %arg5[%arg0, %add3A_387, %dma_start3A_388] : memref<2x10240x64xf32, #tpu.memory_space<hbm>> -> memref<1x80x64xf32, #tpu.memory_space<hbm>>
    %dma_start3A_390 = tpu.memref_squeeze %dma_start3A_389 : memref<1x80x64xf32, #tpu.memory_space<hbm>> -> memref<80x64xf32, #tpu.memory_space<hbm>>
    %dma_start3A_391 = arith.constant 0 : i32
    %dma_start3A_392 = tpu.memref_slice %arg12[%add3A_387, %dma_start3A_391] : memref<10240x64xf32, #tpu.memory_space<vmem_shared>> -> memref<80x64xf32, #tpu.memory_space<vmem_shared>>
    tpu.enqueue_dma source(%dma_start3A_392 : memref<80x64xf32, #tpu.memory_space<vmem_shared>>) target(%dma_start3A_390 : memref<80x64xf32, #tpu.memory_space<hbm>>) target_semaphore(%arg9 : memref<!tpu.dma_semaphore, #tpu.memory_space<semaphore_mem>>)
    %add3A_393 = arith.constant 240 : i32
    %add3A_394 = arith.addi %mul3A_5, %add3A_393 : i32
    %dma_start3A_395 = arith.constant 0 : i32
    %dma_start3A_396 = tpu.memref_slice %arg5[%arg0, %add3A_394, %dma_start3A_395] : memref<2x10240x64xf32, #tpu.memory_space<hbm>> -> memref<1x80x64xf32, #tpu.memory_space<hbm>>
    %dma_start3A_397 = tpu.memref_squeeze %dma_start3A_396 : memref<1x80x64xf32, #tpu.memory_space<hbm>> -> memref<80x64xf32, #tpu.memory_space<hbm>>
    %dma_start3A_398 = arith.constant 0 : i32
    %dma_start3A_399 = tpu.memref_slice %arg12[%add3A_394, %dma_start3A_398] : memref<10240x64xf32, #tpu.memory_space<vmem_shared>> -> memref<80x64xf32, #tpu.memory_space<vmem_shared>>
    tpu.enqueue_dma source(%dma_start3A_399 : memref<80x64xf32, #tpu.memory_space<vmem_shared>>) target(%dma_start3A_397 : memref<80x64xf32, #tpu.memory_space<hbm>>) target_semaphore(%arg9 : memref<!tpu.dma_semaphore, #tpu.memory_space<semaphore_mem>>)
    %add3A_400 = arith.constant 320 : i32
    %add3A_401 = arith.addi %mul3A_5, %add3A_400 : i32
    %dma_start3A_402 = arith.constant 0 : i32
    %dma_start3A_403 = tpu.memref_slice %arg5[%arg0, %add3A_401, %dma_start3A_402] : memref<2x10240x64xf32, #tpu.memory_space<hbm>> -> memref<1x80x64xf32, #tpu.memory_space<hbm>>
    %dma_start3A_404 = tpu.memref_squeeze %dma_start3A_403 : memref<1x80x64xf32, #tpu.memory_space<hbm>> -> memref<80x64xf32, #tpu.memory_space<hbm>>
    %dma_start3A_405 = arith.constant 0 : i32
    %dma_start3A_406 = tpu.memref_slice %arg12[%add3A_401, %dma_start3A_405] : memref<10240x64xf32, #tpu.memory_space<vmem_shared>> -> memref<80x64xf32, #tpu.memory_space<vmem_shared>>
    tpu.enqueue_dma source(%dma_start3A_406 : memref<80x64xf32, #tpu.memory_space<vmem_shared>>) target(%dma_start3A_404 : memref<80x64xf32, #tpu.memory_space<hbm>>) target_semaphore(%arg9 : memref<!tpu.dma_semaphore, #tpu.memory_space<semaphore_mem>>)
    %add3A_407 = arith.constant 400 : i32
    %add3A_408 = arith.addi %mul3A_5, %add3A_407 : i32
    %dma_start3A_409 = arith.constant 0 : i32
    %dma_start3A_410 = tpu.memref_slice %arg5[%arg0, %add3A_408, %dma_start3A_409] : memref<2x10240x64xf32, #tpu.memory_space<hbm>> -> memref<1x80x64xf32, #tpu.memory_space<hbm>>
    %dma_start3A_411 = tpu.memref_squeeze %dma_start3A_410 : memref<1x80x64xf32, #tpu.memory_space<hbm>> -> memref<80x64xf32, #tpu.memory_space<hbm>>
    %dma_start3A_412 = arith.constant 0 : i32
    %dma_start3A_413 = tpu.memref_slice %arg12[%add3A_408, %dma_start3A_412] : memref<10240x64xf32, #tpu.memory_space<vmem_shared>> -> memref<80x64xf32, #tpu.memory_space<vmem_shared>>
    tpu.enqueue_dma source(%dma_start3A_413 : memref<80x64xf32, #tpu.memory_space<vmem_shared>>) target(%dma_start3A_411 : memref<80x64xf32, #tpu.memory_space<hbm>>) target_semaphore(%arg9 : memref<!tpu.dma_semaphore, #tpu.memory_space<semaphore_mem>>)
    %add3A_414 = arith.constant 480 : i32
    %add3A_415 = arith.addi %mul3A_5, %add3A_414 : i32
    %dma_start3A_416 = arith.constant 0 : i32
    %dma_start3A_417 = tpu.memref_slice %arg5[%arg0, %add3A_415, %dma_start3A_416] : memref<2x10240x64xf32, #tpu.memory_space<hbm>> -> memref<1x80x64xf32, #tpu.memory_space<hbm>>
    %dma_start3A_418 = tpu.memref_squeeze %dma_start3A_417 : memref<1x80x64xf32, #tpu.memory_space<hbm>> -> memref<80x64xf32, #tpu.memory_space<hbm>>
    %dma_start3A_419 = arith.constant 0 : i32
    %dma_start3A_420 = tpu.memref_slice %arg12[%add3A_415, %dma_start3A_419] : memref<10240x64xf32, #tpu.memory_space<vmem_shared>> -> memref<80x64xf32, #tpu.memory_space<vmem_shared>>
    tpu.enqueue_dma source(%dma_start3A_420 : memref<80x64xf32, #tpu.memory_space<vmem_shared>>) target(%dma_start3A_418 : memref<80x64xf32, #tpu.memory_space<hbm>>) target_semaphore(%arg9 : memref<!tpu.dma_semaphore, #tpu.memory_space<semaphore_mem>>)
    %add3A_421 = arith.constant 560 : i32
    %add3A_422 = arith.addi %mul3A_5, %add3A_421 : i32
    %dma_start3A_423 = arith.constant 0 : i32
    %dma_start3A_424 = tpu.memref_slice %arg5[%arg0, %add3A_422, %dma_start3A_423] : memref<2x10240x64xf32, #tpu.memory_space<hbm>> -> memref<1x80x64xf32, #tpu.memory_space<hbm>>
    %dma_start3A_425 = tpu.memref_squeeze %dma_start3A_424 : memref<1x80x64xf32, #tpu.memory_space<hbm>> -> memref<80x64xf32, #tpu.memory_space<hbm>>
    %dma_start3A_426 = arith.constant 0 : i32
    %dma_start3A_427 = tpu.memref_slice %arg12[%add3A_422, %dma_start3A_426] : memref<10240x64xf32, #tpu.memory_space<vmem_shared>> -> memref<80x64xf32, #tpu.memory_space<vmem_shared>>
    tpu.enqueue_dma source(%dma_start3A_427 : memref<80x64xf32, #tpu.memory_space<vmem_shared>>) target(%dma_start3A_425 : memref<80x64xf32, #tpu.memory_space<hbm>>) target_semaphore(%arg9 : memref<!tpu.dma_semaphore, #tpu.memory_space<semaphore_mem>>)
    %dma_wait3A_428 = arith.constant 0 : i32
    %dma_wait3A_429 = tpu.memref_slice %arg5[%arg0, %mul3A_5, %dma_wait3A_428] : memref<2x10240x64xf32, #tpu.memory_space<hbm>> -> memref<1x80x64xf32, #tpu.memory_space<hbm>>
    %dma_wait3A_430 = tpu.memref_squeeze %dma_wait3A_429 : memref<1x80x64xf32, #tpu.memory_space<hbm>> -> memref<80x64xf32, #tpu.memory_space<hbm>>
    %dma_wait3A_431 = arith.constant 0 : i32
    %dma_wait3A_432 = tpu.memref_slice %arg12[%mul3A_5, %dma_wait3A_431] : memref<10240x64xf32, #tpu.memory_space<vmem_shared>> -> memref<80x64xf32, #tpu.memory_space<vmem_shared>>
    tpu.wait_dma2 semaphore(%arg9 : memref<!tpu.dma_semaphore, #tpu.memory_space<semaphore_mem>>) src(%dma_wait3A_432 : memref<80x64xf32, #tpu.memory_space<vmem_shared>>) dst(%dma_wait3A_430 : memref<80x64xf32, #tpu.memory_space<hbm>>)
    %dma_wait3A_433 = arith.constant 0 : i32
    %dma_wait3A_434 = tpu.memref_slice %arg5[%arg0, %mul3A_5, %dma_wait3A_433] : memref<2x10240x64xf32, #tpu.memory_space<hbm>> -> memref<1x80x64xf32, #tpu.memory_space<hbm>>
    %dma_wait3A_435 = tpu.memref_squeeze %dma_wait3A_434 : memref<1x80x64xf32, #tpu.memory_space<hbm>> -> memref<80x64xf32, #tpu.memory_space<hbm>>
    %dma_wait3A_436 = arith.constant 0 : i32
    %dma_wait3A_437 = tpu.memref_slice %arg12[%mul3A_5, %dma_wait3A_436] : memref<10240x64xf32, #tpu.memory_space<vmem_shared>> -> memref<80x64xf32, #tpu.memory_space<vmem_shared>>
    tpu.wait_dma2 semaphore(%arg9 : memref<!tpu.dma_semaphore, #tpu.memory_space<semaphore_mem>>) src(%dma_wait3A_437 : memref<80x64xf32, #tpu.memory_space<vmem_shared>>) dst(%dma_wait3A_435 : memref<80x64xf32, #tpu.memory_space<hbm>>)
    %dma_wait3A_438 = arith.constant 0 : i32
    %dma_wait3A_439 = tpu.memref_slice %arg5[%arg0, %mul3A_5, %dma_wait3A_438] : memref<2x10240x64xf32, #tpu.memory_space<hbm>> -> memref<1x80x64xf32, #tpu.memory_space<hbm>>
    %dma_wait3A_440 = tpu.memref_squeeze %dma_wait3A_439 : memref<1x80x64xf32, #tpu.memory_space<hbm>> -> memref<80x64xf32, #tpu.memory_space<hbm>>
    %dma_wait3A_441 = arith.constant 0 : i32
    %dma_wait3A_442 = tpu.memref_slice %arg12[%mul3A_5, %dma_wait3A_441] : memref<10240x64xf32, #tpu.memory_space<vmem_shared>> -> memref<80x64xf32, #tpu.memory_space<vmem_shared>>
    tpu.wait_dma2 semaphore(%arg9 : memref<!tpu.dma_semaphore, #tpu.memory_space<semaphore_mem>>) src(%dma_wait3A_442 : memref<80x64xf32, #tpu.memory_space<vmem_shared>>) dst(%dma_wait3A_440 : memref<80x64xf32, #tpu.memory_space<hbm>>)
    %dma_wait3A_443 = arith.constant 0 : i32
    %dma_wait3A_444 = tpu.memref_slice %arg5[%arg0, %mul3A_5, %dma_wait3A_443] : memref<2x10240x64xf32, #tpu.memory_space<hbm>> -> memref<1x80x64xf32, #tpu.memory_space<hbm>>
    %dma_wait3A_445 = tpu.memref_squeeze %dma_wait3A_444 : memref<1x80x64xf32, #tpu.memory_space<hbm>> -> memref<80x64xf32, #tpu.memory_space<hbm>>
    %dma_wait3A_446 = arith.constant 0 : i32
    %dma_wait3A_447 = tpu.memref_slice %arg12[%mul3A_5, %dma_wait3A_446] : memref<10240x64xf32, #tpu.memory_space<vmem_shared>> -> memref<80x64xf32, #tpu.memory_space<vmem_shared>>
    tpu.wait_dma2 semaphore(%arg9 : memref<!tpu.dma_semaphore, #tpu.memory_space<semaphore_mem>>) src(%dma_wait3A_447 : memref<80x64xf32, #tpu.memory_space<vmem_shared>>) dst(%dma_wait3A_445 : memref<80x64xf32, #tpu.memory_space<hbm>>)
    %dma_wait3A_448 = arith.constant 0 : i32
    %dma_wait3A_449 = tpu.memref_slice %arg5[%arg0, %mul3A_5, %dma_wait3A_448] : memref<2x10240x64xf32, #tpu.memory_space<hbm>> -> memref<1x80x64xf32, #tpu.memory_space<hbm>>
    %dma_wait3A_450 = tpu.memref_squeeze %dma_wait3A_449 : memref<1x80x64xf32, #tpu.memory_space<hbm>> -> memref<80x64xf32, #tpu.memory_space<hbm>>
    %dma_wait3A_451 = arith.constant 0 : i32
    %dma_wait3A_452 = tpu.memref_slice %arg12[%mul3A_5, %dma_wait3A_451] : memref<10240x64xf32, #tpu.memory_space<vmem_shared>> -> memref<80x64xf32, #tpu.memory_space<vmem_shared>>
    tpu.wait_dma2 semaphore(%arg9 : memref<!tpu.dma_semaphore, #tpu.memory_space<semaphore_mem>>) src(%dma_wait3A_452 : memref<80x64xf32, #tpu.memory_space<vmem_shared>>) dst(%dma_wait3A_450 : memref<80x64xf32, #tpu.memory_space<hbm>>)
    %dma_wait3A_453 = arith.constant 0 : i32
    %dma_wait3A_454 = tpu.memref_slice %arg5[%arg0, %mul3A_5, %dma_wait3A_453] : memref<2x10240x64xf32, #tpu.memory_space<hbm>> -> memref<1x80x64xf32, #tpu.memory_space<hbm>>
    %dma_wait3A_455 = tpu.memref_squeeze %dma_wait3A_454 : memref<1x80x64xf32, #tpu.memory_space<hbm>> -> memref<80x64xf32, #tpu.memory_space<hbm>>
    %dma_wait3A_456 = arith.constant 0 : i32
    %dma_wait3A_457 = tpu.memref_slice %arg12[%mul3A_5, %dma_wait3A_456] : memref<10240x64xf32, #tpu.memory_space<vmem_shared>> -> memref<80x64xf32, #tpu.memory_space<vmem_shared>>
    tpu.wait_dma2 semaphore(%arg9 : memref<!tpu.dma_semaphore, #tpu.memory_space<semaphore_mem>>) src(%dma_wait3A_457 : memref<80x64xf32, #tpu.memory_space<vmem_shared>>) dst(%dma_wait3A_455 : memref<80x64xf32, #tpu.memory_space<hbm>>)
    %dma_wait3A_458 = arith.constant 0 : i32
    %dma_wait3A_459 = tpu.memref_slice %arg5[%arg0, %mul3A_5, %dma_wait3A_458] : memref<2x10240x64xf32, #tpu.memory_space<hbm>> -> memref<1x80x64xf32, #tpu.memory_space<hbm>>
    %dma_wait3A_460 = tpu.memref_squeeze %dma_wait3A_459 : memref<1x80x64xf32, #tpu.memory_space<hbm>> -> memref<80x64xf32, #tpu.memory_space<hbm>>
    %dma_wait3A_461 = arith.constant 0 : i32
    %dma_wait3A_462 = tpu.memref_slice %arg12[%mul3A_5, %dma_wait3A_461] : memref<10240x64xf32, #tpu.memory_space<vmem_shared>> -> memref<80x64xf32, #tpu.memory_space<vmem_shared>>
    tpu.wait_dma2 semaphore(%arg9 : memref<!tpu.dma_semaphore, #tpu.memory_space<semaphore_mem>>) src(%dma_wait3A_462 : memref<80x64xf32, #tpu.memory_space<vmem_shared>>) dst(%dma_wait3A_460 : memref<80x64xf32, #tpu.memory_space<hbm>>)
    %dma_wait3A_463 = arith.constant 0 : i32
    %dma_wait3A_464 = tpu.memref_slice %arg5[%arg0, %mul3A_5, %dma_wait3A_463] : memref<2x10240x64xf32, #tpu.memory_space<hbm>> -> memref<1x80x64xf32, #tpu.memory_space<hbm>>
    %dma_wait3A_465 = tpu.memref_squeeze %dma_wait3A_464 : memref<1x80x64xf32, #tpu.memory_space<hbm>> -> memref<80x64xf32, #tpu.memory_space<hbm>>
    %dma_wait3A_466 = arith.constant 0 : i32
    %dma_wait3A_467 = tpu.memref_slice %arg12[%mul3A_5, %dma_wait3A_466] : memref<10240x64xf32, #tpu.memory_space<vmem_shared>> -> memref<80x64xf32, #tpu.memory_space<vmem_shared>>
    tpu.wait_dma2 semaphore(%arg9 : memref<!tpu.dma_semaphore, #tpu.memory_space<semaphore_mem>>) src(%dma_wait3A_467 : memref<80x64xf32, #tpu.memory_space<vmem_shared>>) dst(%dma_wait3A_465 : memref<80x64xf32, #tpu.memory_space<hbm>>)
    return
  }
}

module attributes {stable_mosaic.version = 14 : i64} {
  func.func @_pre_body(%arg0: memref<10000x128xf32, #tpu.memory_space<vmem>>, %arg1: memref<128x64xf32, #tpu.memory_space<vmem>>, %arg2: memref<2x10240x16xf32, #tpu.memory_space<vmem>>, %arg3: memref<10000x64xf32, #tpu.memory_space<vmem>>, %arg4: memref<10000x64xf32, #tpu.memory_space<vmem>>, %arg5: memref<10000x1xf32, #tpu.memory_space<vmem>>) attributes {dimension_semantics = [], scalar_prefetch = 0 : i64, scratch_operands = 0 : i64, tpu.core_type = #tpu.core_type<tc>} {
    %get3A = arith.constant 0 : index
    %get3A_0 = arith.constant 0 : index
    %get3A_1 = arith.constant 0 : index
    %get3A_2 = vector.load %arg2[%get3A, %get3A_0, %get3A_1] : memref<2x10240x16xf32, #tpu.memory_space<vmem>>, vector<1x10000x1xf32>
    %get3A_3 = vector.shape_cast %get3A_2 : vector<1x10000x1xf32> to vector<10000x1xf32>
    %get3A_4 = arith.constant 1 : index
    %get3A_5 = arith.constant 0 : index
    %get3A_6 = arith.constant 0 : index
    %get3A_7 = vector.load %arg2[%get3A_4, %get3A_5, %get3A_6] : memref<2x10240x16xf32, #tpu.memory_space<vmem>>, vector<1x10000x1xf32>
    %get3A_8 = vector.shape_cast %get3A_7 : vector<1x10000x1xf32> to vector<10000x1xf32>
    %add3A = arith.addf %get3A_3, %get3A_8 : vector<10000x1xf32>
    %add3A_9 = arith.constant 1.000000e+00 : f32
    %add3A_10 = vector.broadcast %add3A_9 : f32 to vector<10000x1xf32>
    %add3A_11 = arith.addf %add3A, %add3A_10 : vector<10000x1xf32>
    %rsqrt3A = math.rsqrt %add3A_11 : vector<10000x1xf32>
    %get3A_12 = arith.constant 0 : index
    %get3A_13 = arith.constant 0 : index
    %get3A_14 = vector.load %arg0[%get3A_12, %get3A_13] : memref<10000x128xf32, #tpu.memory_space<vmem>>, vector<10000x128xf32>
    %get3A_15 = arith.constant 0 : index
    %get3A_16 = arith.constant 0 : index
    %get3A_17 = vector.load %arg1[%get3A_15, %get3A_16] : memref<128x64xf32, #tpu.memory_space<vmem>>, vector<128x64xf32>
    %dot_general3A = arith.constant dense<0.000000e+00> : vector<10000x64xf32>
    %dot_general3A_18 = tpu.matmul %get3A_14, %get3A_17, %dot_general3A {dimension_numbers = #tpu.dot_dimension_numbers<[1], [0], [0], [1], [0, 0, 1, 1], [], []>, transpose_lhs_hint = false} : vector<10000x128xf32>, vector<128x64xf32>, vector<10000x64xf32> -> vector<10000x64xf32>
    %swap3A = arith.constant 0 : index
    %swap3A_19 = arith.constant 0 : index
    %swap3A_20 = vector.load %arg3[%swap3A, %swap3A_19] : memref<10000x64xf32, #tpu.memory_space<vmem>>, vector<10000x64xf32>
    tpu.vector_store %arg3[%swap3A, %swap3A_19], %dot_general3A_18 {strides = array<i32>} : memref<10000x64xf32, #tpu.memory_space<vmem>>, vector<10000x64xf32>,
    %mul3A = vector.broadcast %rsqrt3A : vector<10000x1xf32> to vector<10000x64xf32>
    %mul3A_21 = arith.mulf %dot_general3A_18, %mul3A : vector<10000x64xf32>
    %swap3A_22 = arith.constant 0 : index
    %swap3A_23 = arith.constant 0 : index
    %swap3A_24 = vector.load %arg4[%swap3A_22, %swap3A_23] : memref<10000x64xf32, #tpu.memory_space<vmem>>, vector<10000x64xf32>
    tpu.vector_store %arg4[%swap3A_22, %swap3A_23], %mul3A_21 {strides = array<i32>} : memref<10000x64xf32, #tpu.memory_space<vmem>>, vector<10000x64xf32>,
    %swap3A_25 = arith.constant 0 : index
    %swap3A_26 = arith.constant 0 : index
    %swap3A_27 = vector.load %arg5[%swap3A_25, %swap3A_26] : memref<10000x1xf32, #tpu.memory_space<vmem>>, vector<10000x1xf32>
    tpu.vector_store %arg5[%swap3A_25, %swap3A_26], %rsqrt3A {strides = array<i32>} : memref<10000x1xf32, #tpu.memory_space<vmem>>, vector<10000x1xf32>,
    return
  }
}

module attributes {stable_mosaic.version = 14 : i64} {
  func.func @_layer_body(%arg0: memref<2x10240x64xf32, #tpu.memory_space<vmem>>, %arg1: memref<10000x64xf32, #tpu.memory_space<vmem>>, %arg2: memref<10000x1xf32, #tpu.memory_space<vmem>>, %arg3: memref<1x64xf32, #tpu.memory_space<vmem>>, %arg4: memref<64x64xf32, #tpu.memory_space<vmem>>, %arg5: memref<10000x64xf32, #tpu.memory_space<vmem>>, %arg6: memref<10000x64xf32, #tpu.memory_space<vmem>>) attributes {dimension_semantics = [], scalar_prefetch = 0 : i64, scratch_operands = 0 : i64, tpu.core_type = #tpu.core_type<tc>} {
    %get3A = arith.constant 0 : index
    %get3A_0 = arith.constant 0 : index
    %get3A_1 = vector.load %arg2[%get3A, %get3A_0] : memref<10000x1xf32, #tpu.memory_space<vmem>>, vector<10000x1xf32>
    %get3A_2 = arith.constant 0 : index
    %get3A_3 = arith.constant 0 : index
    %get3A_4 = arith.constant 0 : index
    %get3A_5 = vector.load %arg0[%get3A_2, %get3A_3, %get3A_4] : memref<2x10240x64xf32, #tpu.memory_space<vmem>>, vector<1x10000x64xf32>
    %get3A_6 = vector.shape_cast %get3A_5 : vector<1x10000x64xf32> to vector<10000x64xf32>
    %get3A_7 = arith.constant 1 : index
    %get3A_8 = arith.constant 0 : index
    %get3A_9 = arith.constant 0 : index
    %get3A_10 = vector.load %arg0[%get3A_7, %get3A_8, %get3A_9] : memref<2x10240x64xf32, #tpu.memory_space<vmem>>, vector<1x10000x64xf32>
    %get3A_11 = vector.shape_cast %get3A_10 : vector<1x10000x64xf32> to vector<10000x64xf32>
    %add3A = arith.addf %get3A_6, %get3A_11 : vector<10000x64xf32>
    %mul3A = vector.broadcast %get3A_1 : vector<10000x1xf32> to vector<10000x64xf32>
    %mul3A_12 = arith.mulf %mul3A, %add3A : vector<10000x64xf32>
    %mul3A_13 = arith.mulf %get3A_1, %get3A_1 : vector<10000x1xf32>
    %get3A_14 = arith.constant 0 : index
    %get3A_15 = arith.constant 0 : index
    %get3A_16 = vector.load %arg1[%get3A_14, %get3A_15] : memref<10000x64xf32, #tpu.memory_space<vmem>>, vector<10000x64xf32>
    %mul3A_17 = vector.broadcast %mul3A_13 : vector<10000x1xf32> to vector<10000x64xf32>
    %mul3A_18 = arith.mulf %mul3A_17, %get3A_16 : vector<10000x64xf32>
    %add3A_19 = arith.addf %mul3A_12, %mul3A_18 : vector<10000x64xf32>
    %get3A_20 = arith.constant 0 : index
    %get3A_21 = arith.constant 0 : index
    %get3A_22 = vector.load %arg3[%get3A_20, %get3A_21] : memref<1x64xf32, #tpu.memory_space<vmem>>, vector<1x64xf32>
    %add3A_23 = vector.broadcast %get3A_22 : vector<1x64xf32> to vector<10000x64xf32>
    %add3A_24 = arith.addf %add3A_19, %add3A_23 : vector<10000x64xf32>
    %max3A = arith.constant 0.000000e+00 : f32
    %max3A_25 = vector.broadcast %max3A : f32 to vector<10000x64xf32>
    %max3A_26 = arith.maximumf %add3A_24, %max3A_25 : vector<10000x64xf32>
    %get3A_27 = arith.constant 0 : index
    %get3A_28 = arith.constant 0 : index
    %get3A_29 = vector.load %arg4[%get3A_27, %get3A_28] : memref<64x64xf32, #tpu.memory_space<vmem>>, vector<64x64xf32>
    %dot_general3A = arith.constant dense<0.000000e+00> : vector<10000x64xf32>
    %dot_general3A_30 = tpu.matmul %max3A_26, %get3A_29, %dot_general3A {dimension_numbers = #tpu.dot_dimension_numbers<[1], [0], [0], [1], [0, 0, 1, 1], [], []>, transpose_lhs_hint = false} : vector<10000x64xf32>, vector<64x64xf32>, vector<10000x64xf32> -> vector<10000x64xf32>
    %swap3A = arith.constant 0 : index
    %swap3A_31 = arith.constant 0 : index
    %swap3A_32 = vector.load %arg5[%swap3A, %swap3A_31] : memref<10000x64xf32, #tpu.memory_space<vmem>>, vector<10000x64xf32>
    tpu.vector_store %arg5[%swap3A, %swap3A_31], %dot_general3A_30 {strides = array<i32>} : memref<10000x64xf32, #tpu.memory_space<vmem>>, vector<10000x64xf32>,
    %mul3A_33 = vector.broadcast %get3A_1 : vector<10000x1xf32> to vector<10000x64xf32>
    %mul3A_34 = arith.mulf %dot_general3A_30, %mul3A_33 : vector<10000x64xf32>
    %swap3A_35 = arith.constant 0 : index
    %swap3A_36 = arith.constant 0 : index
    %swap3A_37 = vector.load %arg6[%swap3A_35, %swap3A_36] : memref<10000x64xf32, #tpu.memory_space<vmem>>, vector<10000x64xf32>
    tpu.vector_store %arg6[%swap3A_35, %swap3A_36], %mul3A_34 {strides = array<i32>} : memref<10000x64xf32, #tpu.memory_space<vmem>>, vector<10000x64xf32>,
    return
  }
}

module attributes {stable_mosaic.version = 14 : i64} {
  func.func @_final_body(%arg0: memref<2x10240x64xf32, #tpu.memory_space<vmem>>, %arg1: memref<10000x64xf32, #tpu.memory_space<vmem>>, %arg2: memref<10000x1xf32, #tpu.memory_space<vmem>>, %arg3: memref<1x64xf32, #tpu.memory_space<vmem>>, %arg4: memref<64x64xf32, #tpu.memory_space<vmem>>, %arg5: memref<64x64xf32, #tpu.memory_space<vmem>>, %arg6: memref<1x64xf32, #tpu.memory_space<vmem>>, %arg7: memref<1x64xf32, #tpu.memory_space<vmem>>) attributes {dimension_semantics = [], scalar_prefetch = 0 : i64, scratch_operands = 0 : i64, tpu.core_type = #tpu.core_type<tc>} {
    %get3A = arith.constant 0 : index
    %get3A_0 = arith.constant 0 : index
    %get3A_1 = vector.load %arg2[%get3A, %get3A_0] : memref<10000x1xf32, #tpu.memory_space<vmem>>, vector<10000x1xf32>
    %get3A_2 = arith.constant 0 : index
    %get3A_3 = arith.constant 0 : index
    %get3A_4 = arith.constant 0 : index
    %get3A_5 = vector.load %arg0[%get3A_2, %get3A_3, %get3A_4] : memref<2x10240x64xf32, #tpu.memory_space<vmem>>, vector<1x10000x64xf32>
    %get3A_6 = vector.shape_cast %get3A_5 : vector<1x10000x64xf32> to vector<10000x64xf32>
    %get3A_7 = arith.constant 1 : index
    %get3A_8 = arith.constant 0 : index
    %get3A_9 = arith.constant 0 : index
    %get3A_10 = vector.load %arg0[%get3A_7, %get3A_8, %get3A_9] : memref<2x10240x64xf32, #tpu.memory_space<vmem>>, vector<1x10000x64xf32>
    %get3A_11 = vector.shape_cast %get3A_10 : vector<1x10000x64xf32> to vector<10000x64xf32>
    %add3A = arith.addf %get3A_6, %get3A_11 : vector<10000x64xf32>
    %mul3A = vector.broadcast %get3A_1 : vector<10000x1xf32> to vector<10000x64xf32>
    %mul3A_12 = arith.mulf %mul3A, %add3A : vector<10000x64xf32>
    %mul3A_13 = arith.mulf %get3A_1, %get3A_1 : vector<10000x1xf32>
    %get3A_14 = arith.constant 0 : index
    %get3A_15 = arith.constant 0 : index
    %get3A_16 = vector.load %arg1[%get3A_14, %get3A_15] : memref<10000x64xf32, #tpu.memory_space<vmem>>, vector<10000x64xf32>
    %mul3A_17 = vector.broadcast %mul3A_13 : vector<10000x1xf32> to vector<10000x64xf32>
    %mul3A_18 = arith.mulf %mul3A_17, %get3A_16 : vector<10000x64xf32>
    %add3A_19 = arith.addf %mul3A_12, %mul3A_18 : vector<10000x64xf32>
    %get3A_20 = arith.constant 0 : index
    %get3A_21 = arith.constant 0 : index
    %get3A_22 = vector.load %arg3[%get3A_20, %get3A_21] : memref<1x64xf32, #tpu.memory_space<vmem>>, vector<1x64xf32>
    %add3A_23 = vector.broadcast %get3A_22 : vector<1x64xf32> to vector<10000x64xf32>
    %add3A_24 = arith.addf %add3A_19, %add3A_23 : vector<10000x64xf32>
    %reduce_sum3A = arith.constant dense<0.000000e+00> : vector<64xf32>
    %reduce_sum3A_25 = vector.multi_reduction <add>, %add3A_24, %reduce_sum3A [0] : vector<10000x64xf32> to vector<64xf32>
    %broadcast_in_dim3A = vector.shape_cast %reduce_sum3A_25 : vector<64xf32> to vector<1x64xf32>
    %mul3A_26 = arith.constant 9.99999974E-5 : f32
    %mul3A_27 = vector.broadcast %mul3A_26 : f32 to vector<1x64xf32>
    %mul3A_28 = arith.mulf %broadcast_in_dim3A, %mul3A_27 : vector<1x64xf32>
    %reduce_max3A = arith.constant dense<0xFF800000> : vector<64xf32>
    %reduce_max3A_29 = vector.multi_reduction <maximumf>, %add3A_24, %reduce_max3A [0] : vector<10000x64xf32> to vector<64xf32>
    %broadcast_in_dim3A_30 = vector.shape_cast %reduce_max3A_29 : vector<64xf32> to vector<1x64xf32>
    %get3A_31 = arith.constant 0 : index
    %get3A_32 = arith.constant 0 : index
    %get3A_33 = vector.load %arg4[%get3A_31, %get3A_32] : memref<64x64xf32, #tpu.memory_space<vmem>>, vector<64x64xf32>
    %dot_general3A = arith.constant dense<0.000000e+00> : vector<1x64xf32>
    %dot_general3A_34 = tpu.matmul %mul3A_28, %get3A_33, %dot_general3A {dimension_numbers = #tpu.dot_dimension_numbers<[1], [0], [0], [1], [0, 0, 1, 1], [], []>, transpose_lhs_hint = false} : vector<1x64xf32>, vector<64x64xf32>, vector<1x64xf32> -> vector<1x64xf32>
    %get3A_35 = arith.constant 0 : index
    %get3A_36 = arith.constant 0 : index
    %get3A_37 = vector.load %arg5[%get3A_35, %get3A_36] : memref<64x64xf32, #tpu.memory_space<vmem>>, vector<64x64xf32>
    %dot_general3A_38 = arith.constant dense<0.000000e+00> : vector<1x64xf32>
    %dot_general3A_39 = tpu.matmul %broadcast_in_dim3A_30, %get3A_37, %dot_general3A_38 {dimension_numbers = #tpu.dot_dimension_numbers<[1], [0], [0], [1], [0, 0, 1, 1], [], []>, transpose_lhs_hint = false} : vector<1x64xf32>, vector<64x64xf32>, vector<1x64xf32> -> vector<1x64xf32>
    %add3A_40 = arith.addf %dot_general3A_34, %dot_general3A_39 : vector<1x64xf32>
    %get3A_41 = arith.constant 0 : index
    %get3A_42 = arith.constant 0 : index
    %get3A_43 = vector.load %arg6[%get3A_41, %get3A_42] : memref<1x64xf32, #tpu.memory_space<vmem>>, vector<1x64xf32>
    %add3A_44 = arith.addf %add3A_40, %get3A_43 : vector<1x64xf32>
    %swap3A = arith.constant 0 : index
    %swap3A_45 = arith.constant 0 : index
    %swap3A_46 = vector.load %arg7[%swap3A, %swap3A_45] : memref<1x64xf32, #tpu.memory_space<vmem>>, vector<1x64xf32>
    tpu.vector_store %arg7[%swap3A, %swap3A_45], %add3A_44 {strides = array<i32>} : memref<1x64xf32, #tpu.memory_space<vmem>>, vector<1x64xf32>,
    return
  }
}

</mosaic_0001>

<sc_bundles>
// kernel: kernel.10.cloned.1.call-start
scs
__scs_entry_jumppad:
0x0: {  	(pc) =	sbr.rel $0x88, $3  }
0x1: {  	(tag) =	ssettag $0x0;
	lr =	simm.s32 $0x1  }
0x2: {  	[smem:$0x3F97] =	sst lr;
	_ =	strace $0xD0000000  }
0x3: {  	_ = 	snop  }
0x4: {  	_ = 	snop  }
0x5: {  	_ = 	snop  }
0x6: {  	_ = 	snop  }
0x7: {  	_ = 	snop  }
__scs_overlays_trampoline_lowered:
0x8: {  	[smem:$0x3FA6] =	sst s0  }
0x9: {  	[smem:$0x3FA7] =	sst s1  }
0xa: {  	[smem:$0x3FA8] =	sst s2  }
0xb: {  	[smem:$0x3FA9] =	sst s3  }
0xc: {  	[smem:$0x3FAA] =	sst s4  }
0xd: {  	[smem:$0x3FAB] =	sst s5  }
0xe: {  	[smem:$0x3FAC] =	sst s6  }
0xf: {  	[smem:$0x3FAD] =	sst s7  }
0x10: {  	[smem:$0x3FAE] =	sst s8  }
0x11: {  	[smem:$0x3FAF] =	sst s9;
	s0 =	simm.s32 @!p0 $0x0  }
0x12: {  	s1 =	sld [smem:$0x3F95];
	s0 =	simm.s32 @p0 $0x1  }
0x13: {  	[smem:$0x3FB0] =	sst s0;
	s0 =	simm.s32 @!p1 $0x0  }
0x14: {  	s2 =	sld [smem:$0x3F94];
	s0 =	simm.s32 @p1 $0x1  }
0x15: {  	[smem:$0x3FB1] =	sst s0;
	s0 =	simm.s32 @!p2 $0x0  }
0x16: {  	s3 =	sld [smem:$0x3FDB];
	s0 =	simm.s32 @p2 $0x1  }
0x17: {  	s4 =	simm.s32 $0x1BF5;
	[smem:$0x3FB3] =	sst s0  }
0x18: {  	s0 =	sld [smem:$0x3F96];
	_ =	swait.ge [sflag:s4], $0x0  }
0x19: {  	s7 =	sld [smem:$0x3F97]  }
0x1a: {  	s8 =	sadd.s32 $0xFFFFE003, lr  }
0x1b: {  	s9 =	sadd.s32 $0xFFFFFEF7, lr;
	s5 =	simm.s32 $0xFFFFFFFF;
	p2 =	slt.u32 s8, $0xFFFFF086  }
0x1c: {  	p1 =	slt.u32 s9, $0xF7A;
	s5 =	simm.s32 @!p2 $0x0  }
0x1d: {  	s5 =	simm.s32 @p1 $0x1;
	p0 =	seq.s32 s7, s2  }
0x1e: {  	s7 =	smul.u32 @!p0 $0xF7A, s2;
	p2 =	seq.s32 @!p0 s5, $0x0  }
0x1f: {  	s9 =	smul.u32 $0xF7A, s1;
	s8 =	simm.s32 @!p0 $0x1BF5;
	p2 =	por !p2, p0  }
0x20: {  	[sflag:s8] =	ssyncset.s32 @!p0 $0xFFFFF086;
	s6 =	sadd.s32 @!p0 s3, s7;
	s7 =	simm.s32 @!p0 $0x108  }
0x21: {  	s3 =	sadd.s32 s3, s9;
	s6 =	sadd.s32 @!p0 $0x88, s6;
	s7 =	simm.s32 @p2 $0x1082  }
0x22: {  	[simem:s7], [sflag:s8] =	dma.local @!p0 [hbm:s6], $0xF7A  }
0x23: {  	s9 =	sor.u32 $0xD0000000, s2;
	s6 =	simm.s32 $0x108;
	_ =	swait.ge @!p0 [sflag:s8], $0x0  }
0x24: {  	s3 =	sadd.s32 $0x88, s3;
	s6 =	simm.s32 @!p1 $0x1082;
	[sflag:s4] =	ssyncset.s32 $0xFFFFF086  }
0x25: {  	[simem:s6], [sflag:s4] =	dma.local [hbm:s3], $0xF7A  }
0x26: {  	[smem:$0x3F97] =	sst s1;
	(tag) =	ssettag s2;
	_ =	strace s9  }
0x27: {  	s1 =	sld [smem:$0x3FA7]  }
0x28: {  	s2 =	sld [smem:$0x3FA8]  }
0x29: {  	s4 =	sld [smem:$0x3FAA]  }
0x2a: {  	p0 =	seq.s32 s5, $0x0;
	s5 =	sld [smem:$0x3FAB]  }
0x2b: {  	s6 =	sld [smem:$0x3FAC]  }
0x2c: {  	s7 =	sld [smem:$0x3FAD]  }
0x2d: {  	s3 =	simm.s32 $0x108;
	s8 =	sld [smem:$0x3FAE]  }
0x2e: {  	s3 =	simm.s32 @!p0 $0x1082;
	s9 =	sld [smem:$0x3FAF]  }
0x2f: {  	lr =	sadd.s32 s0, s3;
	s0 =	sld [smem:$0x3FA6]  }
0x30: {  	s3 =	sld [smem:$0x3FA9]  }
0x31: {  	[smem:$0x3FB2] =	sst s10  }
0x32: {  	s10 =	sld [smem:$0x3FB0];
	_ =	sdelay $0x3  }
0x33: {  	p0 =	seq.s32 s10, $0x1;
	s10 =	sld [smem:$0x3FB2];
	_ =	sdelay $0x3  }
0x34: {  	[smem:$0x3FB2] =	sst s10  }
0x35: {  	s10 =	sld [smem:$0x3FB1];
	_ =	sdelay $0x3  }
0x36: {  	p1 =	seq.s32 s10, $0x1;
	s10 =	sld [smem:$0x3FB2];
	_ =	sdelay $0x3  }
0x37: {  	[smem:$0x3FB2] =	sst s10  }
0x38: {  	s10 =	sld [smem:$0x3FB3]  }
0x39: {  	_ = 	snop;
	(pc) =	sbr.ind lr, $3  }
0x3a: {  	_ = 	snop  }
0x3b: {  	_ = 	snop  }
0x3c: {  	p2 =	seq.s32 s10, $0x1;
	s10 =	sld [smem:$0x3FB2]  }
0x3d: {  	_ =	shalt  }
0x3e: {  	_ =	shalt  }
0x3f: {  	_ =	shalt  }
0x40: {  	_ =	shalt  }
0x41: {  	_ =	shalt  }
0x42: {  	_ =	shalt  }
0x43: {  	_ =	shalt  }
0x44: {  	_ =	shalt  }
0x45: {  	_ =	shalt  }
0x46: {  	_ =	shalt  }
0x47: {  	_ =	shalt  }
0x48: {  	_ =	shalt  }
0x49: {  	_ =	shalt  }
0x4a: {  	_ =	shalt  }
0x4b: {  	_ =	shalt  }
0x4c: {  	_ =	shalt  }
0x4d: {  	_ =	shalt  }
0x4e: {  	_ =	shalt  }
0x4f: {  	_ =	shalt  }
0x50: {  	_ =	shalt  }
0x51: {  	_ =	shalt  }
0x52: {  	_ =	shalt  }
0x53: {  	_ =	shalt  }
0x54: {  	_ =	shalt  }
0x55: {  	_ =	shalt  }
0x56: {  	_ =	shalt  }
0x57: {  	_ =	shalt  }
0x58: {  	_ =	shalt  }
0x59: {  	_ =	shalt  }
0x5a: {  	_ =	shalt  }
0x5b: {  	_ =	shalt  }
0x5c: {  	_ =	shalt  }
0x5d: {  	_ =	shalt  }
0x5e: {  	_ =	shalt  }
0x5f: {  	_ =	shalt  }
0x60: {  	_ =	shalt  }
0x61: {  	_ =	shalt  }
0x62: {  	_ =	shalt  }
0x63: {  	_ =	shalt  }
0x64: {  	_ =	shalt  }
0x65: {  	_ =	shalt  }
0x66: {  	_ =	shalt  }
0x67: {  	_ =	shalt  }
0x68: {  	_ =	shalt  }
0x69: {  	_ =	shalt  }
0x6a: {  	_ =	shalt  }
0x6b: {  	_ =	shalt  }
0x6c: {  	_ =	shalt  }
0x6d: {  	_ =	shalt  }
0x6e: {  	_ =	shalt  }
0x6f: {  	_ =	shalt  }
0x70: {  	_ =	shalt  }
0x71: {  	_ =	shalt  }
0x72: {  	_ =	shalt  }
0x73: {  	_ =	shalt  }
0x74: {  	_ =	shalt  }
0x75: {  	_ =	shalt  }
0x76: {  	_ =	shalt  }
0x77: {  	_ =	shalt  }
0x78: {  	_ =	shalt  }
0x79: {  	_ =	shalt  }
0x7a: {  	_ =	shalt  }
0x7b: {  	_ =	shalt  }
0x7c: {  	_ =	shalt  }
0x7d: {  	_ =	shalt  }
0x7e: {  	_ =	shalt  }
0x7f: {  	_ =	shalt  }
0x80: {  	_ =	shalt  }
0x81: {  	_ =	shalt  }
0x82: {  	_ =	shalt  }
0x83: {  	_ =	shalt  }
0x84: {  	_ =	shalt  }
0x85: {  	_ =	shalt  }
0x86: {  	_ =	shalt  }
0x87: {  	_ =	shalt  }
.Lfunc_end0:
.L_simem_size_0:
called_computation_lowered:
.L_overlay_start_0:
0x88: {  	s2 =	sld [smem:$0x3FD9]  }
0x89: {  	s3 =	sld [smem:$0x3FFE];
	_ =	sdelay $0x1  }
0x8a: {  	s1 =	srdreg.scid  }
0x8b: {  	s0 =	sand.u32 $0x1, s1  }
0x8c: {  	s16 =	sshll.u32 s0, $0xA;
	s2 =	sadd.s32 s3, s2  }
0x8d: {  	s2 =	sadd.s32 s2, s16  }
0x8e: {  	[smem:$0x3FBE] =	sst s2  }
0x8f: {  	_ = 	snop  }
0x90: {  	(tm) =	ssettm $0x1  }
0x91: {  	s17 =	sld [smem:$0x3FFB];
	_ =	sdelay $0x3  }
0x92: {  	_ =	strace s17  }
0x93: {  	s2 =	sld [smem:$0x3FFC];
	_ =	sdelay $0x3  }
0x94: {  	_ =	strace s2  }
0x95: {  	s2 =	sld [smem:$0x3FFD];
	_ =	sdelay $0x3  }
0x96: {  	_ =	strace s2  }
0x97: {  	_ =	strace $0x8FFFFFFF  }
0x98: {  	s18 =	sld [smem:$0x3FDB];
	_ =	sdelay $0x1  }
0x99: {  	s19 =	simm.s32 $_scs_section_size  }
0x9a: {  	s4 =	simm.s32 $_size__tile_overlayer_lowered;
	s5 =	simm.s32 $_tile_overlayer_lowered  }
0x9b: {  	s22 =	simm.s32 $0x1BFF;
	s21 =	sshll.u32 s5, $0x1;
	s2 =	sadd.s32 s19, s18  }
0x9c: {  	s6 =	simm.s32 $0x0;
	s20 =	sshll.u32 s4, $0x1;
	s4 =	sadd.s32 s21, s2  }
0x9d: {  	[timem:s6], [sflag:s22] =	dma.local [hbm:s4], s20  }
0x9e: {  	_ =	swait.ge [sflag:s22], s20  }
0x9f: {  	s3 =	ssub.s32 $0x0, s20;
	[sflag:s22] =	ssyncset.done $0x0  }
0xa0: {  	[sflag:s22] =	ssyncadd.s32 s3;
	_ =	sdelay $0x1  }
0xa1: {  	s23 =	simm.s32 $0x1B8B  }
0xa2: {  	_ =	swait.ge [sflag:s23], $0x1  }
0xa3: {  	[sflag:s23] =	ssyncset.done $0x0  }
0xa4: {  	s25 =	simm.s32 $0x1B8E;
	s24 =	sld [smem:$0x3FFE];
	[sflag:s23] =	ssyncadd.s32 $0xFFFFFFFF  }
0xa5: {  	s26 =	simm.s32 $execute0_lowered;
	[smem:$0x3FD2] =	sst s25  }
0xa6: {  	s4 =	sshll.u32 s26, $0x1;
	_ =	strace $0x80000046;
	[dreg:$0x1] =	wrdreg $0xFFFFFFFF  }
0xa7: {  	s28 =	simm.s32 $_size_execute0_lowered;
	s2 =	sadd.s32 s2, s4;
	[dreg:$0x0] =	wrdreg $0x0  }
0xa8: {  	s4 =	sshll.u32 s28, $0x1;
	[dreg:$0x2] =	wrdreg s2  }
0xa9: {  	[dreg:$0x3] =	wrdreg s4  }
0xaa: {  	[dreg:$0x4] =	wrdreg $0xC0  }
0xab: {  	_ =	task [dreg:s6], $0x5FFFF  }
0xac: {  	[dreg:$0x1] =	wrdreg $0xFFFFFFFF  }
0xad: {  	[dreg:$0x0] =	wrdreg $0x60  }
0xae: {  	[dreg:$0x2] =	wrdreg s24  }
0xaf: {  	[dreg:$0x3] =	wrdreg $0x2C100  }
0xb0: {  	[dreg:$0x4] =	wrdreg $0x9  }
0xb1: {  	_ =	task.clear_ibuf [dreg:s6], $0x5FFFF;
	_ =	strace $0x90000046  }
0xb2: {  	s29 =	simm.s32 $0x9;
	_ =	strace $0x80000048  }
0xb3: {  	_ =	swait.ge [sflag:s29], $0x1  }
0xb4: {  	[sflag:s29] =	ssyncadd.s32 $0xFFFFFFFF  }
0xb5: {  	_ =	strace $0x90000048  }
0xb6: {  	_ =	sfence  }
0xb7: {  	s30 =	sld [smem:$0x0];
	_ =	sdelay $0x2  }
0xb8: {  	s31 =	sshll.u32 s1, $0xD;
	s1 =	sshrl.u32 s1, $0x2  }
0xb9: {  	s3 =	sand.u32 $0x4000, s31;
	s1 =	sadd.s32 s1, s30  }
0xba: {  	s0 =	sor.u32 s3, s0;
	s1 =	sshll.u32 s1, $0x11  }
0xbb: {  	s0 =	sor.u32 s1, s0  }
0xbc: {  	s0 =	sadd.s32 $0x8F2B, s0  }
0xbd: {  	[sflag:s0] =	ssyncadd.remote.s32 $0x1  }
0xbe: {  	_ =	sfence.sel $0xFFFF  }
0xbf: {  	[dreg:$0x0] =	wrdreg $0xFFFFFFFF;
	(pc) =	sbr.abs _section_cstart, $3  }
0xc0: {  	[dreg:$0x1] =	wrdreg $0xFFFFFFFF  }
0xc1: {  	_ =	task.clear_ibuf [dreg:s6], $0x2FFFF;
	_ =	strace $0x9FFFFFFF  }
0xc2: {  	(tm) =	ssettm $0x7FFFFFFF  }
0xc3: {  	_ =	shalt  }
tec
execute0_lowered:
.L_overlay_start_1:
0x0: {  	(tag) =	ssettag $0x1  }
0x1: {  	s0 =	srdreg.scid;
	s4 =	rddreg [dreg:$0x0]  }
0x2: {  	s2 =	rddreg [dreg:$0x1];
	s1 =	stileid.u32;
	s3 =	simm.s32 $0x0  }
0x3: {  	s25 =	simm.s32 $0x50;
	s9 =	sand.u32 $0x1, s0;
	s0 =	rddreg [dreg:$0x2]  }
0x4: {  	s26 =	simm.s32 $0x0;
	[smem:$0x7FF] =	sst s3;
	s12 =	smul.u32 $0x2800, s1  }
0x5: {  	s20 =	sadd.s32 $0x16400, s4;
	s5 =	sshll.u32 s9, $0x4;
	_ =	strace $0x80000047  }
0x6: {  	s6 =	ssub.s32 $0x2, s9;
	s19 =	smul.u32 $0x28000, s9;
	s5 =	sor.u32 s1, s5  }
0x7: {  	s31 =	sshrl.u32 s6, $0x1;
	s13 =	sor.u32 $0x500, s12;
	s15 =	sadd.s32 $0xA00, s12  }
0x8: {  	s16 =	sadd.s32 $0xF00, s12;
	s17 =	sadd.s32 $0x1400, s12;
	s18 =	sadd.s32 $0x1900, s12  }
0x9: {  	s22 =	sadd.s32 $0x1E00, s12;
	s23 =	sadd.s32 $0x2300, s12;
	s5 =	smul.u32 $0x4E2, s5  }
0xa: {  	s21 =	ssub.s32 s6, s31;
	s6 =	sadd.s32 s13, s2;
	s7 =	sadd.s32 s15, s2  }
0xb: {  	s8 =	sadd.s32 s16, s2;
	s9 =	sadd.s32 s17, s2;
	s10 =	sadd.s32 s18, s2  }
0xc: {  	s11 =	sadd.s32 s22, s2;
	s14 =	sadd.s32 s12, s19;
	s13 =	sadd.s32 s19, s13  }
0xd: {  	s15 =	sadd.s32 s19, s15;
	s16 =	sadd.s32 s19, s16;
	s17 =	sadd.s32 s19, s17  }
0xe: {  	s18 =	sadd.s32 s19, s18;
	s22 =	sadd.s32 s19, s22;
	s19 =	sadd.s32 s19, s23  }
0xf: {  	s14 =	sshrl.u32 s14, $0x3;
	s24 =	sshrl.u32 s13, $0x3;
	s15 =	sshrl.u32 s15, $0x3  }
0x10: {  	s16 =	sshrl.u32 s16, $0x3;
	s17 =	sshrl.u32 s17, $0x3;
	s18 =	sshrl.u32 s18, $0x3  }
0x11: {  	s22 =	sshrl.u32 s22, $0x3;
	s21 =	smax.u32 s21, $0x1;
	s5 =	sadd.s32 s5, s4  }
0x12: {  	s13 =	sadd.s32 s20, s14;
	s14 =	sadd.s32 s20, s24;
	s15 =	sadd.s32 s20, s15  }
0x13: {  	s16 =	sadd.s32 s20, s16;
	s17 =	sadd.s32 s20, s17;
	s18 =	sadd.s32 s20, s18  }
0x14: {  	s24 =	simm.s32 $0x1;
	s4 =	sadd.s32 $0xC600, s5;
	s5 =	sadd.s32 s12, s2  }
0x15: {  	s12 =	sadd.s32 s23, s2;
	s23 =	sshrl.u32 s19, $0x3;
	s19 =	sadd.s32 s20, s22  }
0x16: {  	v0 =	vimm.f32 $0.0e+00;
	v1 =	vimm.f32 $1.000000000e+00;
	s22 =	simm.s32 $0x2;
	s20 =	sadd.s32 s20, s23;
	s23 =	simm.s32 $0x2710  }
.LBB2_1:
0x17: {  	[tilespmem:s3], [sflag:$0x2] =	stream.linear.gather [hbm4b:s4+s3], $0x2710, $0x38;
	[tilespmem:$0x5410] =	vst v63  }
0x18: {  	_ =	swait.ge [sflag:s22], $0x2710  }
0x19: {  	[sflag:s22] =	ssyncset.done $0x0  }
0x1a: {  	s28 =	simm.s32 $0x40;
	s29 =	simm.s32 $0x0;
	[sflag:s22] =	ssyncadd.s32 $0xFFFFD8F0  }
.LBB2_2:
0x1b: {  	p0 =	sne.s32 s28, $0x13C0;
	[tilespmem:s29+$0x2710] =	vst v0;
	s29 =	smov.u32 s28;
	s28 =	sadd.s32 $0x40, s28  }
.Ltmp0:
0x1c: {  	(pc) =	sbr.rel @p0 .LBB2_2-.Ltmp0, $2  }
0x1d: {  	_ =	sdelay $0x2  }
0x1e: {  	s29 =	sshra.s32 s29, $0x2  }
0x1f: {  	[tilespmem:s29+$0x2710] =	vst v0  }
0x20: {  	[spmem:s5] =	stream.linear.scatter [tilespmem:s23], [sflag:$0x1], $0x500, $0x38;
	[tilespmem:$0x5410] =	vst v63  }
0x21: {  	_ = 	snop  }
0x22: {  	[spmem:s6] =	stream.linear.scatter [tilespmem:s23], [sflag:$0x1], $0x500, $0x38;
	[tilespmem:$0x5410] =	vst v63  }
0x23: {  	_ = 	snop  }
0x24: {  	[spmem:s7] =	stream.linear.scatter [tilespmem:s23], [sflag:$0x1], $0x500, $0x38;
	[tilespmem:$0x5410] =	vst v63  }
0x25: {  	_ = 	snop  }
0x26: {  	[spmem:s8] =	stream.linear.scatter [tilespmem:s23], [sflag:$0x1], $0x500, $0x38;
	[tilespmem:$0x5410] =	vst v63  }
0x27: {  	_ = 	snop  }
0x28: {  	[spmem:s9] =	stream.linear.scatter [tilespmem:s23], [sflag:$0x1], $0x500, $0x38;
	[tilespmem:$0x5410] =	vst v63  }
0x29: {  	_ = 	snop  }
0x2a: {  	[spmem:s10] =	stream.linear.scatter [tilespmem:s23], [sflag:$0x1], $0x500, $0x38;
	[tilespmem:$0x5410] =	vst v63  }
0x2b: {  	_ = 	snop  }
0x2c: {  	[spmem:s11] =	stream.linear.scatter [tilespmem:s23], [sflag:$0x1], $0x500, $0x38;
	[tilespmem:$0x5410] =	vst v63  }
0x2d: {  	_ = 	snop  }
0x2e: {  	[spmem:s12] =	stream.linear.scatter [tilespmem:s23], [sflag:$0x1], $0x500, $0x38;
	[tilespmem:$0x5410] =	vst v63  }
0x2f: {  	_ =	swait.ge [sflag:s24], $0x500  }
0x30: {  	[sflag:s24] =	ssyncset.done $0x0  }
0x31: {  	[sflag:s24] =	ssyncadd.s32 $0xFFFFFB00  }
0x32: {  	_ =	swait.ge [sflag:s24], $0x500  }
0x33: {  	[sflag:s24] =	ssyncset.done $0x0  }
0x34: {  	[sflag:s24] =	ssyncadd.s32 $0xFFFFFB00  }
0x35: {  	_ =	swait.ge [sflag:s24], $0x500  }
0x36: {  	[sflag:s24] =	ssyncset.done $0x0  }
0x37: {  	[sflag:s24] =	ssyncadd.s32 $0xFFFFFB00  }
0x38: {  	_ =	swait.ge [sflag:s24], $0x500  }
0x39: {  	[sflag:s24] =	ssyncset.done $0x0  }
0x3a: {  	[sflag:s24] =	ssyncadd.s32 $0xFFFFFB00  }
0x3b: {  	_ =	swait.ge [sflag:s24], $0x500  }
0x3c: {  	[sflag:s24] =	ssyncset.done $0x0  }
0x3d: {  	[sflag:s24] =	ssyncadd.s32 $0xFFFFFB00  }
0x3e: {  	_ =	swait.ge [sflag:s24], $0x500  }
0x3f: {  	[sflag:s24] =	ssyncset.done $0x0  }
0x40: {  	[sflag:s24] =	ssyncadd.s32 $0xFFFFFB00  }
0x41: {  	_ =	swait.ge [sflag:s24], $0x500  }
0x42: {  	[sflag:s24] =	ssyncset.done $0x0  }
0x43: {  	[sflag:s24] =	ssyncadd.s32 $0xFFFFFB00  }
0x44: {  	_ =	swait.ge [sflag:s24], $0x500  }
0x45: {  	[sflag:s24] =	ssyncset.done $0x0  }
0x46: {  	s28 =	simm.s32 $0x40;
	s29 =	simm.s32 $0x0;
	[sflag:s24] =	ssyncadd.s32 $0xFFFFFB00  }
.LBB2_4:
0x47: {  	p0 =	sne.s32 s28, $0x13C0;
	[tilespmem:s29+$0x2710] =	vst v1;
	s29 =	smov.u32 s28;
	s28 =	sadd.s32 $0x40, s28  }
.Ltmp1:
0x48: {  	(pc) =	sbr.rel @p0 .LBB2_4-.Ltmp1, $2  }
0x49: {  	_ =	sdelay $0x2  }
0x4a: {  	s29 =	sshra.s32 s29, $0x2  }
0x4b: {  	[tilespmem:s29+$0x2710] =	vst v1  }
0x4c: {  	s28 =	simm.s32 $0x0;
	[bflag:$0x0] =	sbarrier.arrive $0xFFFF  }
.LBB2_6:
0x4d: {  	p0 =	sne.s32 s28, $0x9B00  }
.Ltmp2:
0x4e: {  	_ = 	snop;
	(pc) =	sbr.rel @p0 .LBB2_6-.Ltmp2, $3  }
0x4f: {  	_ =	sdelay $0x1  }
0x50: {  	s29 =	sshra.s32 s28, $0x2;
	s28 =	sadd.s32 $0x140, s28  }
0x51: {  	[spmem:s2] =	stream.indirect.scatter.add.f32 [tilespmem:s23], [sflag:$0x1], $0x10, s29, s25, $0xb8;
	[tilespmem:$0x5410] =	vst v63  }
0x52: {  	_ =	swait.ge [sflag:s24], $0x500  }
0x53: {  	s28 =	simm.s32 $0x7C;
	[sflag:s24] =	ssyncset.done $0x0  }
.LBB2_8:
0x54: {  	p0 =	sne.s32 s28, $0x1;
	s28 =	sadd.s32 $0xFFFFFFFF, s28;
	[sflag:s24] =	ssyncadd.s32 $0xFFFFFB00  }
.Ltmp3:
0x55: {  	(pc) =	sbr.rel @p0 .LBB2_8-.Ltmp3, $3  }
0x56: {  	_ =	sdelay $0x1  }
0x57: {  	_ =	swait.ge [sflag:s24], $0x500  }
0x58: {  	[sflag:s24] =	ssyncset.done $0x0  }
0x59: {  	[sflag:s24] =	ssyncadd.s32 $0xFFFFFB00;
	s28 =	sshll.u32 s1, $0x6;
	s29 =	sshrl.u32 s5, $0x3  }
0x5a: {  	s31 =	sshrl.u32 s6, $0x3;
	[bflag:$0x0] =	sbarrier.arrive $0xFFFF;
	s28 =	sor.u32 $0x1C01, s28  }
0x5b: {  	[hbm:s13], [sflag:s28] =	dma.local [spmem:s29], $0xA0  }
0x5c: {  	[hbm:s14], [sflag:s28] =	dma.local [spmem:s31], $0xA0  }
0x5d: {  	s30 =	sshrl.u32 s7, $0x3;
	s31 =	sshrl.u32 s8, $0x3  }
0x5e: {  	[hbm:s15], [sflag:s28] =	dma.local [spmem:s30], $0xA0  }
0x5f: {  	[hbm:s16], [sflag:s28] =	dma.local [spmem:s31], $0xA0  }
0x60: {  	s30 =	sshrl.u32 s9, $0x3;
	s31 =	sshrl.u32 s10, $0x3  }
0x61: {  	[hbm:s17], [sflag:s28] =	dma.local [spmem:s30], $0xA0  }
0x62: {  	[hbm:s18], [sflag:s28] =	dma.local [spmem:s31], $0xA0  }
0x63: {  	s30 =	sshrl.u32 s11, $0x3;
	s31 =	sshrl.u32 s12, $0x3  }
0x64: {  	[hbm:s19], [sflag:s28] =	dma.local [spmem:s30], $0xA0  }
0x65: {  	[hbm:s20], [sflag:s28] =	dma.local [spmem:s31], $0xA0  }
0x66: {  	_ =	swait.ge [sflag:s24], $0xA0  }
0x67: {  	[sflag:s24] =	ssyncset.done $0x0  }
0x68: {  	[sflag:s24] =	ssyncadd.s32 $0xFFFFFF60  }
0x69: {  	_ =	swait.ge [sflag:s24], $0xA0  }
0x6a: {  	[sflag:s24] =	ssyncset.done $0x0  }
0x6b: {  	[sflag:s24] =	ssyncadd.s32 $0xFFFFFF60  }
0x6c: {  	_ =	swait.ge [sflag:s24], $0xA0  }
0x6d: {  	[sflag:s24] =	ssyncset.done $0x0  }
0x6e: {  	[sflag:s24] =	ssyncadd.s32 $0xFFFFFF60  }
0x6f: {  	_ =	swait.ge [sflag:s24], $0xA0  }
0x70: {  	[sflag:s24] =	ssyncset.done $0x0  }
0x71: {  	[sflag:s24] =	ssyncadd.s32 $0xFFFFFF60  }
0x72: {  	_ =	swait.ge [sflag:s24], $0xA0  }
0x73: {  	[sflag:s24] =	ssyncset.done $0x0  }
0x74: {  	[sflag:s24] =	ssyncadd.s32 $0xFFFFFF60  }
0x75: {  	_ =	swait.ge [sflag:s24], $0xA0  }
0x76: {  	[sflag:s24] =	ssyncset.done $0x0  }
0x77: {  	s26 =	sadd.s32 $0x1, s26;
	[sflag:s24] =	ssyncadd.s32 $0xFFFFFF60  }
0x78: {  	p0 =	sne.s32 s26, s21;
	_ =	swait.ge [sflag:s24], $0xA0  }
.Ltmp4:
0x79: {  	[sflag:s24] =	ssyncset.done $0x0;
	(pc) =	sbr.rel @p0 .LBB2_1-.Ltmp4, $4  }
0x7a: {  	[sflag:s24] =	ssyncadd.s32 $0xFFFFFF60  }
0x7b: {  	_ =	swait.ge [sflag:s24], $0xA0  }
0x7c: {  	[sflag:s24] =	ssyncset.done $0x0  }
0x7d: {  	[sflag:s24] =	ssyncadd.s32 $0xFFFFFF60  }
0x7e: {  	_ =	sfence.sel $0x180000  }
0x7f: {  	[bflag:$0x0] =	sbarrier.arrive $0xFFFF  }
0x80: {  	p0 =	sne.s32 s1, $0x0;
	_ =	strace $0x90000047  }
0x81: {  	s0 =	sadd.s32 @!p0 $0x100000, s0;
	[bflag:$0x2] =	sbarrier.arrive $0xFFFF  }
0x82: {  	[sflag:s0] =	ssyncadd.tile.s32 @!p0 $0x1;
	_ =	shalt  }
.Lfunc_end2:
_tile_overlayer_lowered:
.L_overlay_start_2:
0x83: {  	(tag) =	ssettag $0x2  }
0x84: {  	s0 =	rddreg [dreg:$0x0];
	s2 =	stileid.u32  }
0x85: {  	s1 =	rddreg [dreg:$0x1];
	p0 =	sne.s32 s2, $0x0  }
0x86: {  	s3 =	rddreg [dreg:$0x2];
	[bflag:$0x3] =	sbarrier.arrive $0xFFFF;
	s2 =	simm.s32 @!p0 $0x1C02  }
0x87: {  	[timem:s3], [sflag:s2] =	dma.local @!p0 [hbm:s0], s1  }
0x88: {  	s0 =	simm.s32 @!p0 $0x2  }
0x89: {  	_ =	swait.ge @!p0 [sflag:s0], s1  }
0x8a: {  	s1 =	ssub.s32 @!p0 $0x0, s1;
	[sflag:s0] =	ssyncset.done @!p0 $0x0  }
0x8b: {  	[sflag:s0] =	ssyncadd.s32 @!p0 s1  }
0x8c: {  	[bflag:$0x3] =	sbarrier.arrive $0xFFFF  }
0x8d: {  	_ =	shalt  }

// kernel: kernel.13.cloned.1.call-start
scs
__scs_entry_jumppad:
0x0: {  	(pc) =	sbr.rel $0x88, $3  }
0x1: {  	(tag) =	ssettag $0x0;
	lr =	simm.s32 $0x1  }
0x2: {  	[smem:$0x3F97] =	sst lr;
	_ =	strace $0xD0000000  }
0x3: {  	_ = 	snop  }
0x4: {  	_ = 	snop  }
0x5: {  	_ = 	snop  }
0x6: {  	_ = 	snop  }
0x7: {  	_ = 	snop  }
__scs_overlays_trampoline_lowered:
0x8: {  	[smem:$0x3FA6] =	sst s0  }
0x9: {  	[smem:$0x3FA7] =	sst s1  }
0xa: {  	[smem:$0x3FA8] =	sst s2  }
0xb: {  	[smem:$0x3FA9] =	sst s3  }
0xc: {  	[smem:$0x3FAA] =	sst s4  }
0xd: {  	[smem:$0x3FAB] =	sst s5  }
0xe: {  	[smem:$0x3FAC] =	sst s6  }
0xf: {  	[smem:$0x3FAD] =	sst s7  }
0x10: {  	[smem:$0x3FAE] =	sst s8  }
0x11: {  	[smem:$0x3FAF] =	sst s9;
	s0 =	simm.s32 @!p0 $0x0  }
0x12: {  	s1 =	sld [smem:$0x3F95];
	s0 =	simm.s32 @p0 $0x1  }
0x13: {  	[smem:$0x3FB0] =	sst s0;
	s0 =	simm.s32 @!p1 $0x0  }
0x14: {  	s2 =	sld [smem:$0x3F94];
	s0 =	simm.s32 @p1 $0x1  }
0x15: {  	[smem:$0x3FB1] =	sst s0;
	s0 =	simm.s32 @!p2 $0x0  }
0x16: {  	s3 =	sld [smem:$0x3FDB];
	s0 =	simm.s32 @p2 $0x1  }
0x17: {  	s4 =	simm.s32 $0x1BF5;
	[smem:$0x3FB3] =	sst s0  }
0x18: {  	s0 =	sld [smem:$0x3F96];
	_ =	swait.ge [sflag:s4], $0x0  }
0x19: {  	s7 =	sld [smem:$0x3F97]  }
0x1a: {  	s8 =	sadd.s32 $0xFFFFE003, lr  }
0x1b: {  	s9 =	sadd.s32 $0xFFFFFEF7, lr;
	s5 =	simm.s32 $0xFFFFFFFF;
	p2 =	slt.u32 s8, $0xFFFFF086  }
0x1c: {  	p1 =	slt.u32 s9, $0xF7A;
	s5 =	simm.s32 @!p2 $0x0  }
0x1d: {  	s5 =	simm.s32 @p1 $0x1;
	p0 =	seq.s32 s7, s2  }
0x1e: {  	s7 =	smul.u32 @!p0 $0xF7A, s2;
	p2 =	seq.s32 @!p0 s5, $0x0  }
0x1f: {  	s9 =	smul.u32 $0xF7A, s1;
	s8 =	simm.s32 @!p0 $0x1BF5;
	p2 =	por !p2, p0  }
0x20: {  	[sflag:s8] =	ssyncset.s32 @!p0 $0xFFFFF086;
	s6 =	sadd.s32 @!p0 s3, s7;
	s7 =	simm.s32 @!p0 $0x108  }
0x21: {  	s3 =	sadd.s32 s3, s9;
	s6 =	sadd.s32 @!p0 $0x88, s6;
	s7 =	simm.s32 @p2 $0x1082  }
0x22: {  	[simem:s7], [sflag:s8] =	dma.local @!p0 [hbm:s6], $0xF7A  }
0x23: {  	s9 =	sor.u32 $0xD0000000, s2;
	s6 =	simm.s32 $0x108;
	_ =	swait.ge @!p0 [sflag:s8], $0x0  }
0x24: {  	s3 =	sadd.s32 $0x88, s3;
	s6 =	simm.s32 @!p1 $0x1082;
	[sflag:s4] =	ssyncset.s32 $0xFFFFF086  }
0x25: {  	[simem:s6], [sflag:s4] =	dma.local [hbm:s3], $0xF7A  }
0x26: {  	[smem:$0x3F97] =	sst s1;
	(tag) =	ssettag s2;
	_ =	strace s9  }
0x27: {  	s1 =	sld [smem:$0x3FA7]  }
0x28: {  	s2 =	sld [smem:$0x3FA8]  }
0x29: {  	s4 =	sld [smem:$0x3FAA]  }
0x2a: {  	p0 =	seq.s32 s5, $0x0;
	s5 =	sld [smem:$0x3FAB]  }
0x2b: {  	s6 =	sld [smem:$0x3FAC]  }
0x2c: {  	s7 =	sld [smem:$0x3FAD]  }
0x2d: {  	s3 =	simm.s32 $0x108;
	s8 =	sld [smem:$0x3FAE]  }
0x2e: {  	s3 =	simm.s32 @!p0 $0x1082;
	s9 =	sld [smem:$0x3FAF]  }
0x2f: {  	lr =	sadd.s32 s0, s3;
	s0 =	sld [smem:$0x3FA6]  }
0x30: {  	s3 =	sld [smem:$0x3FA9]  }
0x31: {  	[smem:$0x3FB2] =	sst s10  }
0x32: {  	s10 =	sld [smem:$0x3FB0];
	_ =	sdelay $0x3  }
0x33: {  	p0 =	seq.s32 s10, $0x1;
	s10 =	sld [smem:$0x3FB2];
	_ =	sdelay $0x3  }
0x34: {  	[smem:$0x3FB2] =	sst s10  }
0x35: {  	s10 =	sld [smem:$0x3FB1];
	_ =	sdelay $0x3  }
0x36: {  	p1 =	seq.s32 s10, $0x1;
	s10 =	sld [smem:$0x3FB2];
	_ =	sdelay $0x3  }
0x37: {  	[smem:$0x3FB2] =	sst s10  }
0x38: {  	s10 =	sld [smem:$0x3FB3]  }
0x39: {  	_ = 	snop;
	(pc) =	sbr.ind lr, $3  }
0x3a: {  	_ = 	snop  }
0x3b: {  	_ = 	snop  }
0x3c: {  	p2 =	seq.s32 s10, $0x1;
	s10 =	sld [smem:$0x3FB2]  }
0x3d: {  	_ =	shalt  }
0x3e: {  	_ =	shalt  }
0x3f: {  	_ =	shalt  }
0x40: {  	_ =	shalt  }
0x41: {  	_ =	shalt  }
0x42: {  	_ =	shalt  }
0x43: {  	_ =	shalt  }
0x44: {  	_ =	shalt  }
0x45: {  	_ =	shalt  }
0x46: {  	_ =	shalt  }
0x47: {  	_ =	shalt  }
0x48: {  	_ =	shalt  }
0x49: {  	_ =	shalt  }
0x4a: {  	_ =	shalt  }
0x4b: {  	_ =	shalt  }
0x4c: {  	_ =	shalt  }
0x4d: {  	_ =	shalt  }
0x4e: {  	_ =	shalt  }
0x4f: {  	_ =	shalt  }
0x50: {  	_ =	shalt  }
0x51: {  	_ =	shalt  }
0x52: {  	_ =	shalt  }
0x53: {  	_ =	shalt  }
0x54: {  	_ =	shalt  }
0x55: {  	_ =	shalt  }
0x56: {  	_ =	shalt  }
0x57: {  	_ =	shalt  }
0x58: {  	_ =	shalt  }
0x59: {  	_ =	shalt  }
0x5a: {  	_ =	shalt  }
0x5b: {  	_ =	shalt  }
0x5c: {  	_ =	shalt  }
0x5d: {  	_ =	shalt  }
0x5e: {  	_ =	shalt  }
0x5f: {  	_ =	shalt  }
0x60: {  	_ =	shalt  }
0x61: {  	_ =	shalt  }
0x62: {  	_ =	shalt  }
0x63: {  	_ =	shalt  }
0x64: {  	_ =	shalt  }
0x65: {  	_ =	shalt  }
0x66: {  	_ =	shalt  }
0x67: {  	_ =	shalt  }
0x68: {  	_ =	shalt  }
0x69: {  	_ =	shalt  }
0x6a: {  	_ =	shalt  }
0x6b: {  	_ =	shalt  }
0x6c: {  	_ =	shalt  }
0x6d: {  	_ =	shalt  }
0x6e: {  	_ =	shalt  }
0x6f: {  	_ =	shalt  }
0x70: {  	_ =	shalt  }
0x71: {  	_ =	shalt  }
0x72: {  	_ =	shalt  }
0x73: {  	_ =	shalt  }
0x74: {  	_ =	shalt  }
0x75: {  	_ =	shalt  }
0x76: {  	_ =	shalt  }
0x77: {  	_ =	shalt  }
0x78: {  	_ =	shalt  }
0x79: {  	_ =	shalt  }
0x7a: {  	_ =	shalt  }
0x7b: {  	_ =	shalt  }
0x7c: {  	_ =	shalt  }
0x7d: {  	_ =	shalt  }
0x7e: {  	_ =	shalt  }
0x7f: {  	_ =	shalt  }
0x80: {  	_ =	shalt  }
0x81: {  	_ =	shalt  }
0x82: {  	_ =	shalt  }
0x83: {  	_ =	shalt  }
0x84: {  	_ =	shalt  }
0x85: {  	_ =	shalt  }
0x86: {  	_ =	shalt  }
0x87: {  	_ =	shalt  }
.Lfunc_end0:
.L_simem_size_0:
called_computation.1_lowered:
.L_overlay_start_0:
0x88: {  	s2 =	sld [smem:$0x3FD9]  }
0x89: {  	s3 =	sld [smem:$0x3FFE];
	_ =	sdelay $0x1  }
0x8a: {  	s1 =	srdreg.scid  }
0x8b: {  	s0 =	sand.u32 $0x1, s1  }
0x8c: {  	s16 =	sshll.u32 s0, $0xA;
	s2 =	sadd.s32 s3, s2  }
0x8d: {  	s2 =	sadd.s32 s2, s16  }
0x8e: {  	[smem:$0x3FBE] =	sst s2  }
0x8f: {  	_ = 	snop  }
0x90: {  	(tm) =	ssettm $0x1  }
0x91: {  	s17 =	sld [smem:$0x3FFB];
	_ =	sdelay $0x3  }
0x92: {  	_ =	strace s17  }
0x93: {  	s2 =	sld [smem:$0x3FFC];
	_ =	sdelay $0x3  }
0x94: {  	_ =	strace s2  }
0x95: {  	s2 =	sld [smem:$0x3FFD];
	_ =	sdelay $0x3  }
0x96: {  	_ =	strace s2  }
0x97: {  	_ =	strace $0x8FFFFFFF  }
0x98: {  	s18 =	sld [smem:$0x3FDB];
	_ =	sdelay $0x1  }
0x99: {  	s19 =	simm.s32 $_scs_section_size  }
0x9a: {  	s4 =	simm.s32 $_size__tile_overlayer_lowered;
	s5 =	simm.s32 $_tile_overlayer_lowered  }
0x9b: {  	s22 =	simm.s32 $0x1BFF;
	s21 =	sshll.u32 s5, $0x1;
	s2 =	sadd.s32 s19, s18  }
0x9c: {  	s6 =	simm.s32 $0x0;
	s20 =	sshll.u32 s4, $0x1;
	s4 =	sadd.s32 s21, s2  }
0x9d: {  	[timem:s6], [sflag:s22] =	dma.local [hbm:s4], s20  }
0x9e: {  	_ =	swait.ge [sflag:s22], s20  }
0x9f: {  	s3 =	ssub.s32 $0x0, s20;
	[sflag:s22] =	ssyncset.done $0x0  }
0xa0: {  	[sflag:s22] =	ssyncadd.s32 s3;
	_ =	sdelay $0x1  }
0xa1: {  	s23 =	simm.s32 $0x1B8B  }
0xa2: {  	_ =	swait.ge [sflag:s23], $0x1  }
0xa3: {  	[sflag:s23] =	ssyncset.done $0x0  }
0xa4: {  	s25 =	simm.s32 $0x1B8E;
	s24 =	sld [smem:$0x3FFE];
	[sflag:s23] =	ssyncadd.s32 $0xFFFFFFFF  }
0xa5: {  	s26 =	simm.s32 $execute0_lowered;
	[smem:$0x3FD2] =	sst s25  }
0xa6: {  	s4 =	sshll.u32 s26, $0x1;
	_ =	strace $0x80000049;
	[dreg:$0x1] =	wrdreg $0xFFFFFFFF  }
0xa7: {  	s28 =	simm.s32 $_size_execute0_lowered;
	s2 =	sadd.s32 s2, s4;
	[dreg:$0x0] =	wrdreg $0x0  }
0xa8: {  	s4 =	sshll.u32 s28, $0x1;
	[dreg:$0x2] =	wrdreg s2  }
0xa9: {  	[dreg:$0x3] =	wrdreg s4  }
0xaa: {  	[dreg:$0x4] =	wrdreg $0xC0  }
0xab: {  	_ =	task [dreg:s6], $0x5FFFF  }
0xac: {  	[dreg:$0x1] =	wrdreg $0xFFFFFFFF  }
0xad: {  	[dreg:$0x0] =	wrdreg $0x60  }
0xae: {  	[dreg:$0x2] =	wrdreg s24  }
0xaf: {  	[dreg:$0x3] =	wrdreg $0xA9600  }
0xb0: {  	[dreg:$0x4] =	wrdreg $0x9  }
0xb1: {  	_ =	task.clear_ibuf [dreg:s6], $0x5FFFF;
	_ =	strace $0x90000049  }
0xb2: {  	s29 =	simm.s32 $0x9;
	_ =	strace $0x8000004B  }
0xb3: {  	_ =	swait.ge [sflag:s29], $0x1  }
0xb4: {  	[sflag:s29] =	ssyncadd.s32 $0xFFFFFFFF  }
0xb5: {  	_ =	strace $0x9000004B  }
0xb6: {  	_ =	sfence  }
0xb7: {  	s30 =	sld [smem:$0x0];
	_ =	sdelay $0x2  }
0xb8: {  	s31 =	sshll.u32 s1, $0xD;
	s1 =	sshrl.u32 s1, $0x2  }
0xb9: {  	s3 =	sand.u32 $0x4000, s31;
	s1 =	sadd.s32 s1, s30  }
0xba: {  	s0 =	sor.u32 s3, s0;
	s1 =	sshll.u32 s1, $0x11  }
0xbb: {  	s0 =	sor.u32 s1, s0  }
0xbc: {  	s0 =	sadd.s32 $0x8F2B, s0  }
0xbd: {  	[sflag:s0] =	ssyncadd.remote.s32 $0x1  }
0xbe: {  	_ =	sfence.sel $0xFFFF  }
0xbf: {  	[dreg:$0x0] =	wrdreg $0xFFFFFFFF;
	(pc) =	sbr.abs _section_cstart, $3  }
0xc0: {  	[dreg:$0x1] =	wrdreg $0xFFFFFFFF  }
0xc1: {  	_ =	task.clear_ibuf [dreg:s6], $0x2FFFF;
	_ =	strace $0x9FFFFFFF  }
0xc2: {  	(tm) =	ssettm $0x7FFFFFFF  }
0xc3: {  	_ =	shalt  }
tec
execute0_lowered:
.L_overlay_start_1:
0x0: {  	(tag) =	ssettag $0x1  }
0x1: {  	s0 =	rddreg [dreg:$0x0]  }
0x2: {  	s1 =	rddreg [dreg:$0x1];
	s2 =	simm.s32 $0x0;
	s3 =	srdreg.scid  }
0x3: {  	s16 =	stileid.u32;
	s28 =	simm.s32 $0x4;
	s30 =	simm.s32 $0x960  }
0x4: {  	s31 =	simm.s32 $0x2;
	s29 =	simm.s32 $0x0;
	s7 =	smul.u32 $0xA000, s16  }
0x5: {  	[smem:$0x7FF] =	sst s2;
	s3 =	sand.u32 $0x1, s3;
	s20 =	smul.u32 $0x2710, s16  }
0x6: {  	s8 =	sadd.s32 $0x29E00, s0;
	_ =	strace $0x8000004A;
	s10 =	smul.u32 $0xA0000, s3  }
0x7: {  	s4 =	ssub.s32 $0x2, s3;
	s5 =	sshll.u32 s3, $0x4;
	s3 =	smul.u32 $0x27100, s3  }
0x8: {  	s6 =	sshrl.u32 s4, $0x1;
	s5 =	sor.u32 s16, s5;
	s9 =	sadd.s32 $0x2800, s7  }
0x9: {  	s11 =	sadd.s32 $0x3C00, s7;
	s15 =	sadd.s32 $0x5000, s7;
	s22 =	sadd.s32 $0x6400, s7  }
0xa: {  	s23 =	sadd.s32 $0x7800, s7;
	s24 =	sadd.s32 $0x8C00, s7;
	s4 =	ssub.s32 s4, s6  }
0xb: {  	s5 =	smul.u32 $0x2710, s5;
	s6 =	sor.u32 $0x1400, s7;
	s12 =	sadd.s32 s7, s10  }
0xc: {  	s25 =	sadd.s32 s10, s9;
	s26 =	sadd.s32 s10, s11;
	s14 =	sadd.s32 s10, s15  }
0xd: {  	s18 =	sadd.s32 s10, s22;
	s19 =	sadd.s32 s10, s23;
	s3 =	sadd.s32 s20, s3  }
0xe: {  	s20 =	sadd.s32 s11, s1;
	s22 =	sadd.s32 s22, s1;
	s23 =	sadd.s32 s23, s1  }
0xf: {  	s13 =	sadd.s32 s10, s6;
	s12 =	sshrl.u32 s12, $0x3;
	s14 =	sshrl.u32 s14, $0x3  }
0x10: {  	s10 =	sadd.s32 s10, s24;
	s24 =	sadd.s32 s24, s1;
	s13 =	sshrl.u32 s13, $0x3  }
0x11: {  	s12 =	sadd.s32 s8, s12;
	s17 =	sadd.s32 s8, s14;
	s10 =	sshrl.u32 s10, $0x3  }
0x12: {  	s14 =	sadd.s32 $0xC600, s0;
	[dreg:$0x3] =	wrdreg s12;
	s21 =	sadd.s32 s8, s13  }
0x13: {  	s12 =	sshrl.u32 s25, $0x3;
	s13 =	sshrl.u32 s26, $0x3;
	[dreg:$0x7] =	wrdreg s17  }
0x14: {  	s25 =	sshrl.u32 s5, $0x3;
	s26 =	smax.u32 s4, $0x1;
	[dreg:$0x4] =	wrdreg s21  }
0x15: {  	s17 =	sadd.s32 s7, s1;
	s12 =	sadd.s32 s8, s12;
	[dreg:$0xd] =	wrdreg s26  }
0x16: {  	[dreg:$0x5] =	wrdreg s12;
	s12 =	sadd.s32 s8, s13;
	s13 =	sshrl.u32 s19, $0x3  }
0x17: {  	s19 =	sadd.s32 s9, s1;
	[dreg:$0x6] =	wrdreg s12;
	s12 =	sshrl.u32 s18, $0x3  }
0x18: {  	s21 =	sadd.s32 s8, s13;
	s13 =	sadd.s32 $0x2800, s0;
	s18 =	sadd.s32 s6, s1  }
.Ltmp0:
0x19: {  	s12 =	sadd.s32 s8, s12;
	[dreg:$0x9] =	wrdreg s21;
	(pc) =	sbr.rel .LBB2_1-.Ltmp0, $4  }
0x1a: {  	s8 =	sadd.s32 s8, s10;
	s5 =	sadd.s32 s13, s25;
	[dreg:$0x8] =	wrdreg s12  }
0x1b: {  	s21 =	sadd.s32 s15, s1;
	[dreg:$0xa] =	wrdreg s8;
	s12 =	sadd.s32 $0x16400, s0  }
0x1c: {  	[dreg:$0xb] =	wrdreg s5;
	s0 =	sadd.s32 s14, s25;
	s5 =	sadd.s32 $0x190, s3  }
0x1d: {  	v0 =	vimm.f32 $0.0e+00;
	s3 =	simm.s32 $0x1;
	[dreg:$0xc] =	wrdreg s0;
	s0 =	simm.s32 $0x50  }
.LBB2_13:
0x1e: {  	_ =	swait.ge [sflag:s3], $0x1400  }
0x1f: {  	[sflag:s3] =	ssyncset.done $0x0  }
0x20: {  	s4 =	simm.s32 $0x5F0;
	s6 =	simm.s32 $0x5960;
	[sflag:s3] =	ssyncadd.s32 $0xFFFFEC00  }
0x21: {  	[spmem:s1] =	stream.indirect.scatter.add.f32 [tilespmem:s6], [sflag:$0x2], $0x40, s4, s0, $0xb8;
	[tilespmem:$0x14960] =	vst v63  }
0x22: {  	_ =	swait.ge [sflag:s31], $0x1400  }
0x23: {  	[sflag:s31] =	ssyncset.done $0x0  }
0x24: {  	[sflag:s31] =	ssyncadd.s32 $0xFFFFEC00  }
0x25: {  	_ =	swait.ge [sflag:s31], $0x1400  }
0x26: {  	[sflag:s31] =	ssyncset.done $0x0  }
0x27: {  	[sflag:s31] =	ssyncadd.s32 $0xFFFFEC00  }
0x28: {  	_ =	swait.ge [sflag:s31], $0x1400  }
0x29: {  	[sflag:s31] =	ssyncset.done $0x0  }
0x2a: {  	[sflag:s31] =	ssyncadd.s32 $0xFFFFEC00  }
0x2b: {  	_ =	swait.ge [sflag:s31], $0x1400  }
0x2c: {  	[sflag:s31] =	ssyncset.done $0x0  }
0x2d: {  	[sflag:s31] =	ssyncadd.s32 $0xFFFFEC00  }
0x2e: {  	_ =	swait.ge [sflag:s31], $0x1400  }
0x2f: {  	[sflag:s31] =	ssyncset.done $0x0  }
0x30: {  	[sflag:s31] =	ssyncadd.s32 $0xFFFFEC00  }
0x31: {  	_ =	swait.ge [sflag:s31], $0x1400  }
0x32: {  	[sflag:s31] =	ssyncset.done $0x0  }
0x33: {  	[sflag:s31] =	ssyncadd.s32 $0xFFFFEC00  }
0x34: {  	_ =	swait.ge [sflag:s31], $0x1400  }
0x35: {  	[sflag:s31] =	ssyncset.done $0x0  }
0x36: {  	[sflag:s31] =	ssyncadd.s32 $0xFFFFEC00  }
0x37: {  	_ =	swait.ge [sflag:s31], $0x1400  }
0x38: {  	[sflag:s31] =	ssyncset.done $0x0  }
0x39: {  	s25 =	stileid.u32;
	[sflag:s31] =	ssyncadd.s32 $0xFFFFEC00  }
0x3a: {  	s4 =	sshll.u32 s25, $0x6;
	[bflag:$0x0] =	sbarrier.arrive $0xFFFF  }
0x3b: {  	s26 =	sshrl.u32 s17, $0x3;
	s4 =	sor.u32 $0x1C01, s4;
	s7 =	rddreg [dreg:$0x3]  }
0x3c: {  	[hbm:s7], [sflag:s4] =	dma.local [spmem:s26], $0x280  }
0x3d: {  	s8 =	sshrl.u32 s18, $0x3;
	s7 =	rddreg [dreg:$0x4]  }
0x3e: {  	[hbm:s7], [sflag:s4] =	dma.local [spmem:s8], $0x280  }
0x3f: {  	s9 =	sshrl.u32 s19, $0x3;
	s7 =	rddreg [dreg:$0x5]  }
0x40: {  	[hbm:s7], [sflag:s4] =	dma.local [spmem:s9], $0x280  }
0x41: {  	s10 =	sshrl.u32 s20, $0x3;
	s7 =	rddreg [dreg:$0x6]  }
0x42: {  	[hbm:s7], [sflag:s4] =	dma.local [spmem:s10], $0x280  }
0x43: {  	s11 =	sshrl.u32 s21, $0x3;
	s7 =	rddreg [dreg:$0x7]  }
0x44: {  	[hbm:s7], [sflag:s4] =	dma.local [spmem:s11], $0x280  }
0x45: {  	s15 =	sshrl.u32 s22, $0x3;
	s7 =	rddreg [dreg:$0x8]  }
0x46: {  	[hbm:s7], [sflag:s4] =	dma.local [spmem:s15], $0x280  }
0x47: {  	s16 =	sshrl.u32 s23, $0x3;
	s7 =	rddreg [dreg:$0x9]  }
0x48: {  	[hbm:s7], [sflag:s4] =	dma.local [spmem:s16], $0x280  }
0x49: {  	s25 =	sshrl.u32 s24, $0x3;
	s7 =	rddreg [dreg:$0xa]  }
0x4a: {  	[hbm:s7], [sflag:s4] =	dma.local [spmem:s25], $0x280  }
0x4b: {  	_ =	swait.ge [sflag:s3], $0x280  }
0x4c: {  	[sflag:s3] =	ssyncset.done $0x0  }
0x4d: {  	[sflag:s3] =	ssyncadd.s32 $0xFFFFFD80  }
0x4e: {  	_ =	swait.ge [sflag:s3], $0x280  }
0x4f: {  	[sflag:s3] =	ssyncset.done $0x0  }
0x50: {  	[sflag:s3] =	ssyncadd.s32 $0xFFFFFD80  }
0x51: {  	_ =	swait.ge [sflag:s3], $0x280  }
0x52: {  	[sflag:s3] =	ssyncset.done $0x0  }
0x53: {  	[sflag:s3] =	ssyncadd.s32 $0xFFFFFD80  }
0x54: {  	_ =	swait.ge [sflag:s3], $0x280  }
0x55: {  	[sflag:s3] =	ssyncset.done $0x0  }
0x56: {  	[sflag:s3] =	ssyncadd.s32 $0xFFFFFD80  }
0x57: {  	_ =	swait.ge [sflag:s3], $0x280  }
0x58: {  	[sflag:s3] =	ssyncset.done $0x0  }
0x59: {  	[sflag:s3] =	ssyncadd.s32 $0xFFFFFD80  }
0x5a: {  	_ =	swait.ge [sflag:s3], $0x280  }
0x5b: {  	[sflag:s3] =	ssyncset.done $0x0  }
0x5c: {  	[sflag:s3] =	ssyncadd.s32 $0xFFFFFD80  }
0x5d: {  	_ =	swait.ge [sflag:s3], $0x280  }
0x5e: {  	[sflag:s3] =	ssyncset.done $0x0  }
0x5f: {  	[sflag:s3] =	ssyncadd.s32 $0xFFFFFD80  }
0x60: {  	_ =	swait.ge [sflag:s3], $0x280  }
0x61: {  	s29 =	sadd.s32 $0x1, s29;
	s26 =	rddreg [dreg:$0xd]  }
0x62: {  	p0 =	sne.s32 s29, s26  }
.Ltmp1:
0x63: {  	_ = 	snop;
	(pc) =	sbr.rel @!p0 .LBB2_14-.Ltmp1, $3  }
0x64: {  	_ =	sdelay $0x1  }
0x65: {  	[sflag:s3] =	ssyncset.done $0x0  }
0x66: {  	[sflag:s3] =	ssyncadd.s32 $0xFFFFFD80  }
.LBB2_1:
0x67: {  	s4 =	rddreg [dreg:$0xb]  }
0x68: {  	[tilespmem:s2], [sflag:$0x4] =	stream.linear.gather [hbm4b:s4+s2], $0x190, $0x38;
	[tilespmem:$0x14960] =	vst v63  }
0x69: {  	_ =	swait.ge [sflag:s28], $0x190  }
0x6a: {  	[sflag:s28] =	ssyncset.done $0x0  }
0x6b: {  	s6 =	simm.s32 $0x4B0;
	s26 =	rddreg [dreg:$0xc];
	[sflag:s28] =	ssyncadd.s32 $0xFFFFFE70  }
0x6c: {  	[tilespmem:s6], [sflag:$0x4] =	stream.linear.gather [hbm4b:s26+s2], $0x190, $0x38;
	[tilespmem:$0x14960] =	vst v63  }
0x6d: {  	_ =	swait.ge [sflag:s28], $0x190  }
0x6e: {  	[sflag:s28] =	ssyncset.done $0x0  }
0x6f: {  	s4 =	simm.s32 $0x0;
	s6 =	simm.s32 $0x100;
	[sflag:s28] =	ssyncadd.s32 $0xFFFFFE70  }
.LBB2_2:
0x70: {  	p0 =	sne.s32 s6, $0x4F00;
	[tilespmem:s4+$0x990] =	vst v0;
	s7 =	smov.u32 s6;
	s6 =	sadd.s32 $0x100, s6  }
.Ltmp2:
0x71: {  	[tilespmem:s4+$0x980] =	vst v0;
	(pc) =	sbr.rel @p0 .LBB2_2-.Ltmp2, $3  }
0x72: {  	[tilespmem:s4+$0x960] =	vst v0  }
0x73: {  	[tilespmem:s4+$0x970] =	vst v0;
	_ =	sdelay $0x1  }
0x74: {  	s4 =	sshra.s32 s7, $0x2  }
0x75: {  	[tilespmem:s4+$0x990] =	vst v0  }
0x76: {  	[tilespmem:s4+$0x980] =	vst v0  }
0x77: {  	[tilespmem:s4+$0x960] =	vst v0  }
0x78: {  	[tilespmem:s4+$0x970] =	vst v0  }
0x79: {  	[spmem:s17] =	stream.linear.scatter [tilespmem:s30], [sflag:$0x2], $0x1400, $0x38;
	[tilespmem:$0x14960] =	vst v63  }
0x7a: {  	_ = 	snop  }
0x7b: {  	[spmem:s18] =	stream.linear.scatter [tilespmem:s30], [sflag:$0x2], $0x1400, $0x38;
	[tilespmem:$0x14960] =	vst v63  }
0x7c: {  	_ = 	snop  }
0x7d: {  	[spmem:s19] =	stream.linear.scatter [tilespmem:s30], [sflag:$0x2], $0x1400, $0x38;
	[tilespmem:$0x14960] =	vst v63  }
0x7e: {  	_ = 	snop  }
0x7f: {  	[spmem:s20] =	stream.linear.scatter [tilespmem:s30], [sflag:$0x2], $0x1400, $0x38;
	[tilespmem:$0x14960] =	vst v63  }
0x80: {  	_ = 	snop  }
0x81: {  	[spmem:s21] =	stream.linear.scatter [tilespmem:s30], [sflag:$0x2], $0x1400, $0x38;
	[tilespmem:$0x14960] =	vst v63  }
0x82: {  	_ = 	snop  }
0x83: {  	[spmem:s22] =	stream.linear.scatter [tilespmem:s30], [sflag:$0x2], $0x1400, $0x38;
	[tilespmem:$0x14960] =	vst v63  }
0x84: {  	_ = 	snop  }
0x85: {  	[spmem:s23] =	stream.linear.scatter [tilespmem:s30], [sflag:$0x2], $0x1400, $0x38;
	[tilespmem:$0x14960] =	vst v63  }
0x86: {  	_ = 	snop  }
0x87: {  	[spmem:s24] =	stream.linear.scatter [tilespmem:s30], [sflag:$0x2], $0x1400, $0x38;
	[tilespmem:$0x14960] =	vst v63  }
0x88: {  	_ =	swait.ge [sflag:s31], $0x1400  }
0x89: {  	[sflag:s31] =	ssyncset.done $0x0  }
0x8a: {  	[sflag:s31] =	ssyncadd.s32 $0xFFFFEC00  }
0x8b: {  	_ =	swait.ge [sflag:s31], $0x1400  }
0x8c: {  	[sflag:s31] =	ssyncset.done $0x0  }
0x8d: {  	[sflag:s31] =	ssyncadd.s32 $0xFFFFEC00  }
0x8e: {  	_ =	swait.ge [sflag:s31], $0x1400  }
0x8f: {  	[sflag:s31] =	ssyncset.done $0x0  }
0x90: {  	[sflag:s31] =	ssyncadd.s32 $0xFFFFEC00  }
0x91: {  	_ =	swait.ge [sflag:s31], $0x1400  }
0x92: {  	[sflag:s31] =	ssyncset.done $0x0  }
0x93: {  	[sflag:s31] =	ssyncadd.s32 $0xFFFFEC00  }
0x94: {  	_ =	swait.ge [sflag:s31], $0x1400  }
0x95: {  	[sflag:s31] =	ssyncset.done $0x0  }
0x96: {  	[sflag:s31] =	ssyncadd.s32 $0xFFFFEC00  }
0x97: {  	_ =	swait.ge [sflag:s31], $0x1400  }
0x98: {  	[sflag:s31] =	ssyncset.done $0x0  }
0x99: {  	[sflag:s31] =	ssyncadd.s32 $0xFFFFEC00  }
0x9a: {  	_ =	swait.ge [sflag:s31], $0x1400  }
0x9b: {  	[sflag:s31] =	ssyncset.done $0x0  }
0x9c: {  	[sflag:s31] =	ssyncadd.s32 $0xFFFFEC00  }
0x9d: {  	_ =	swait.ge [sflag:s31], $0x1400  }
0x9e: {  	[sflag:s31] =	ssyncset.done $0x0  }
0x9f: {  	s9 =	simm.s32 $0x0;
	[sflag:s31] =	ssyncadd.s32 $0xFFFFEC00  }
0xa0: {  	s26 =	smov.u32 s5;
	s6 =	simm.s32 $0x0;
	[bflag:$0x0] =	sbarrier.arrive $0xFFFF  }
.LBB2_4:
0xa1: {  	s4 =	smul.u32 $0xAB, s6;
	_ =	sdelay $0x1  }
0xa2: {  	s4 =	sshrl.u32 s4, $0x9  }
0xa3: {  	s4 =	sand.u32 $0x7F, s4  }
0xa4: {  	p0 =	sne.s32 s6, $0x18;
	s4 =	smul.u32 $0x3, s4  }
.Ltmp3:
0xa5: {  	_ = 	snop;
	(pc) =	sbr.rel @p0 .LBB2_6-.Ltmp3, $4  }
0xa6: {  	_ = 	snop  }
0xa7: {  	s4 =	ssub.s32 s6, s4  }
0xa8: {  	s4 =	sand.u32 $0xFF, s4  }
0xa9: {  	s7 =	sadd.s32 $0x1, s6;
	s10 =	smul.u32 $0x640, s4  }
.Ltmp4:
0xaa: {  	(pc) =	sbr.rel .LBB2_8-.Ltmp4, $4  }
0xab: {  	_ = 	snop  }
0xac: {  	s10 =	smul.u32 $0x640, s4  }
0xad: {  	s4 =	simm.s32 $0x78  }
0xae: {  	s15 =	simm.s32 $0x0;
	s11 =	simm.s32 $0x7;
	s8 =	sshrl.u32 s10, $0x2  }
.LBB2_6:
0xaf: {  	s4 =	smul.u32 $0xAB, s7;
	_ =	sdelay $0x1  }
0xb0: {  	s4 =	sshrl.u32 s4, $0x9  }
0xb1: {  	s4 =	sand.u32 $0x7F, s4  }
0xb2: {  	s4 =	smul.u32 $0x3, s4;
	_ =	sdelay $0x1  }
0xb3: {  	s4 =	ssub.s32 s7, s4  }
0xb4: {  	s4 =	sand.u32 $0xFF, s4  }
0xb5: {  	s8 =	sshrl.u32 s26, $0x3;
	p0 =	slt.u32 s6, $0x2;
	s4 =	smul.u32 $0x190, s4  }
.Ltmp5:
0xb6: {  	s11 =	sadd.s32 s13, s8;
	(pc) =	sbr.rel @p0 .LBB2_9-.Ltmp5, $4  }
0xb7: {  	[tilespmem:s4], [sflag:$0x3] =	stream.linear.gather [hbm4b:s11+s2], $0x190, $0x38;
	[tilespmem:$0x14960] =	vst v63  }
0xb8: {  	s25 =	sadd.s32 $0xFFFFFFFF, s9;
	s8 =	sadd.s32 s14, s8;
	s4 =	sadd.s32 $0x4B0, s4  }
0xb9: {  	[tilespmem:s4], [sflag:$0x3] =	stream.linear.gather [hbm4b:s8+s2], $0x190, $0x38;
	[tilespmem:$0x14960] =	vst v63  }
0xba: {  	s15 =	sand.u32 $0x7, s9;
	s11 =	sand.u32 $0x7, s25;
	s8 =	sshrl.u32 s10, $0x2  }
0xbb: {  	s4 =	smov.u32 s9  }
.LBB2_8:
0xbc: {  	s15 =	smul.u32 $0x5000, s15  }
0xbd: {  	_ =	swait.ge [sflag:s31], $0x1400  }
0xbe: {  	[sflag:s31] =	ssyncset.done $0x0;
	s15 =	sshrl.u32 s15, $0x2  }
0xbf: {  	[sflag:s31] =	ssyncadd.s32 $0xFFFFEC00;
	s15 =	sadd.s32 $0x960, s15  }
0xc0: {  	[tilespmem:s15], [sflag:$0x1] =	stream.indirect.gather [hbm4b:s12+s0], $0x40, s8, s0, $0xb8;
	[tilespmem:$0x14960] =	vst v63  }
.LBB2_11:
0xc1: {  	s15 =	sadd.s32 $0x2, s6  }
0xc2: {  	s16 =	sand.u32 $0xFF, s15  }
0xc3: {  	s16 =	smul.u32 $0xAB, s16;
	_ =	sdelay $0x1  }
0xc4: {  	s16 =	sshrl.u32 s16, $0x9  }
0xc5: {  	s16 =	smul.u32 $0x3, s16;
	_ =	sdelay $0x1  }
0xc6: {  	s15 =	ssub.s32 s15, s16  }
0xc7: {  	s11 =	smul.u32 $0x5000, s11;
	s15 =	sand.u32 $0xFF, s15  }
0xc8: {  	_ =	swait.ge [sflag:s3], $0x1400;
	s15 =	smul.u32 $0x640, s15  }
0xc9: {  	p0 =	slt.u32 s6, $0x2;
	[sflag:s3] =	ssyncset.done $0x0  }
0xca: {  	s11 =	sshrl.u32 s11, $0x2;
	[sflag:s3] =	ssyncadd.s32 $0xFFFFEC00;
	s15 =	sshrl.u32 s15, $0x2  }
0xcb: {  	s11 =	sadd.s32 $0x960, s11;
	s16 =	simm.s32 @!p0 $0x2;
	s15 =	sadd.s32 $0x5F0, s15  }
0xcc: {  	[spmem:s1] =	stream.indirect.scatter.add.f32 [tilespmem:s11], [sflag:$0x2], $0x40, s15, s0, $0xb8;
	[tilespmem:$0x14960] =	vst v63  }
0xcd: {  	_ =	swait.ge @!p0 [sflag:s16], $0x1400  }
0xce: {  	s25 =	sadd.s32 $0x1, s4;
	[sflag:s16] =	ssyncset.done @!p0 $0x0  }
0xcf: {  	s15 =	sand.u32 $0x7, s25;
	s11 =	sand.u32 $0x7, s4;
	[sflag:s16] =	ssyncadd.s32 @!p0 $0xFFFFEC00  }
.LBB2_12:
0xd0: {  	s15 =	smul.u32 $0x5000, s15;
	_ =	sdelay $0x1  }
0xd1: {  	s15 =	sshrl.u32 s15, $0x2  }
0xd2: {  	s16 =	sadd.s32 $0x50, s8;
	s11 =	smul.u32 $0x5000, s11;
	s15 =	sadd.s32 $0x960, s15  }
0xd3: {  	[tilespmem:s15], [sflag:$0x1] =	stream.indirect.gather [hbm4b:s12+s0], $0x40, s16, s0, $0xb8;
	[tilespmem:$0x14960] =	vst v63  }
0xd4: {  	s10 =	sshrl.u32 s10, $0x2;
	_ =	swait.ge [sflag:s3], $0x1400  }
0xd5: {  	s25 =	sadd.s32 $0x4B0, s10;
	s11 =	sshrl.u32 s11, $0x2;
	[sflag:s3] =	ssyncset.done $0x0  }
0xd6: {  	s11 =	sadd.s32 $0x960, s11;
	s16 =	sadd.s32 $0x2, s4;
	[sflag:s3] =	ssyncadd.s32 $0xFFFFEC00  }
0xd7: {  	[spmem:s1] =	stream.indirect.scatter.add.f32 [tilespmem:s11], [sflag:$0x2], $0x40, s25, s0, $0xb8;
	[tilespmem:$0x14960] =	vst v63  }
0xd8: {  	p0 =	slt.u32 s6, $0x2;
	s11 =	sand.u32 $0x7, s16  }
0xd9: {  	s15 =	simm.s32 @!p0 $0x2;
	s25 =	sadd.s32 $0x1, s4;
	s11 =	smul.u32 $0x5000, s11  }
0xda: {  	_ =	swait.ge @!p0 [sflag:s15], $0x1400;
	s16 =	sand.u32 $0x7, s25  }
0xdb: {  	s25 =	sadd.s32 $0xA0, s8;
	[sflag:s15] =	ssyncset.done @!p0 $0x0;
	s11 =	sshrl.u32 s11, $0x2  }
0xdc: {  	s16 =	smul.u32 $0x5000, s16;
	[sflag:s15] =	ssyncadd.s32 @!p0 $0xFFFFEC00;
	s11 =	sadd.s32 $0x960, s11  }
0xdd: {  	[tilespmem:s11], [sflag:$0x1] =	stream.indirect.gather [hbm4b:s12+s0], $0x40, s25, s0, $0xb8;
	[tilespmem:$0x14960] =	vst v63  }
0xde: {  	_ =	swait.ge [sflag:s3], $0x1400  }
0xdf: {  	s15 =	sshrl.u32 s16, $0x2;
	[sflag:s3] =	ssyncset.done $0x0  }
0xe0: {  	s15 =	sadd.s32 $0x960, s15;
	s25 =	sadd.s32 $0x500, s10;
	[sflag:s3] =	ssyncadd.s32 $0xFFFFEC00  }
0xe1: {  	[spmem:s1] =	stream.indirect.scatter.add.f32 [tilespmem:s15], [sflag:$0x2], $0x40, s25, s0, $0xb8;
	[tilespmem:$0x14960] =	vst v63  }
0xe2: {  	s25 =	sadd.s32 $0x3, s4  }
0xe3: {  	p0 =	seq.s32 s6, $0x0;
	s15 =	sand.u32 $0x7, s25  }
0xe4: {  	s16 =	simm.s32 @!p0 $0x2;
	s15 =	smul.u32 $0x5000, s15  }
0xe5: {  	_ =	swait.ge @!p0 [sflag:s16], $0x1400  }
0xe6: {  	[sflag:s16] =	ssyncset.done @!p0 $0x0;
	s15 =	sshrl.u32 s15, $0x2  }
0xe7: {  	s25 =	sadd.s32 $0xF0, s8;
	[sflag:s16] =	ssyncadd.s32 @!p0 $0xFFFFEC00;
	s15 =	sadd.s32 $0x960, s15  }
0xe8: {  	[tilespmem:s15], [sflag:$0x1] =	stream.indirect.gather [hbm4b:s12+s0], $0x40, s25, s0, $0xb8;
	[tilespmem:$0x14960] =	vst v63  }
0xe9: {  	_ =	swait.ge [sflag:s3], $0x1400  }
0xea: {  	[sflag:s3] =	ssyncset.done $0x0  }
0xeb: {  	s25 =	sadd.s32 $0x550, s10;
	[sflag:s3] =	ssyncadd.s32 $0xFFFFEC00  }
0xec: {  	[spmem:s1] =	stream.indirect.scatter.add.f32 [tilespmem:s11], [sflag:$0x2], $0x40, s25, s0, $0xb8;
	[tilespmem:$0x14960] =	vst v63  }
0xed: {  	s11 =	sand.u32 $0x7, s4  }
0xee: {  	s4 =	sxor.u32 $0x4, s11  }
0xef: {  	s4 =	smul.u32 $0x5000, s4  }
0xf0: {  	_ =	swait.ge @!p0 [sflag:s16], $0x1400  }
0xf1: {  	[sflag:s16] =	ssyncset.done @!p0 $0x0;
	s4 =	sshrl.u32 s4, $0x2  }
0xf2: {  	[sflag:s16] =	ssyncadd.s32 @!p0 $0xFFFFEC00;
	s16 =	sadd.s32 $0x140, s8;
	s4 =	sadd.s32 $0x960, s4  }
0xf3: {  	[tilespmem:s4], [sflag:$0x1] =	stream.indirect.gather [hbm4b:s12+s0], $0x40, s16, s0, $0xb8;
	[tilespmem:$0x14960] =	vst v63  }
0xf4: {  	_ =	swait.ge [sflag:s3], $0x1400  }
0xf5: {  	s25 =	sadd.s32 $0x5A0, s10;
	p0 =	seq.s32 s6, $0x18;
	[sflag:s3] =	ssyncset.done $0x0  }
0xf6: {  	p1 =	sne.s32 @!p0 s7, $0x19;
	s4 =	simm.s32 @!p0 $0x3;
	[sflag:s3] =	ssyncadd.s32 $0xFFFFEC00  }
0xf7: {  	[spmem:s1] =	stream.indirect.scatter.add.f32 [tilespmem:s15], [sflag:$0x2], $0x40, s25, s0, $0xb8;
	[tilespmem:$0x14960] =	vst v63  }
0xf8: {  	p1 =	por p0, !p1;
	_ =	swait.ge @!p0 [sflag:s4], $0x190  }
.Ltmp6:
0xf9: {  	[sflag:s4] =	ssyncset.done @!p0 $0x0;
	(pc) =	sbr.rel @!p1 .LBB2_4-.Ltmp6, $4  }
.Ltmp7:
0xfa: {  	[sflag:s4] =	ssyncadd.s32 @!p0 $0xFFFFFE70;
	(pc) =	sbr.rel @p1 .LBB2_13-.Ltmp7, $4  }
0xfb: {  	_ =	swait.ge @!p0 [sflag:s4], $0x190  }
0xfc: {  	s6 =	smov.u32 s7;
	[sflag:s4] =	ssyncset.done @!p0 $0x0  }
0xfd: {  	s9 =	sadd.s32 @!p0 $0x5, s9;
	s26 =	sadd.s32 @!p0 $0x190, s26;
	[sflag:s4] =	ssyncadd.s32 @!p0 $0xFFFFFE70  }
0xfe: {  	_ = 	snop  }
.LBB2_9:
0xff: {  	s4 =	smul.u32 $0x5000, s15;
	p0 =	seq.s32 s6, $0x0  }
.Ltmp8:
0x100: {  	_ = 	snop;
	(pc) =	sbr.rel @p0 .LBB2_15-.Ltmp8, $4  }
0x101: {  	_ = 	snop  }
0x102: {  	s4 =	sshrl.u32 s4, $0x2  }
0x103: {  	s4 =	sadd.s32 $0x960, s4  }
0x104: {  	[tilespmem:s4], [sflag:$0x1] =	stream.indirect.gather [hbm4b:s12+s0], $0x40, s8, s0, $0xb8;
	[tilespmem:$0x14960] =	vst v63  }
.Ltmp9:
0x105: {  	(pc) =	sbr.rel .LBB2_11-.Ltmp9, $2  }
0x106: {  	_ =	sdelay $0x2  }
0x107: {  	s4 =	smov.u32 s9  }
.LBB2_15:
.Ltmp10:
0x108: {  	(pc) =	sbr.rel .LBB2_12-.Ltmp10, $2  }
0x109: {  	_ =	sdelay $0x2  }
0x10a: {  	s11 =	simm.s32 $0x0;
	s15 =	simm.s32 $0x1;
	s4 =	simm.s32 $0x0  }
.LBB2_14:
0x10b: {  	_ =	sfence.sel $0x180000  }
0x10c: {  	[bflag:$0x0] =	sbarrier.arrive $0xFFFF  }
0x10d: {  	_ =	strace $0x9000004A  }
0x10e: {  	s0 =	stileid.u32;
	[bflag:$0x2] =	sbarrier.arrive $0xFFFF  }
0x10f: {  	p0 =	sne.s32 s0, $0x0;
	s0 =	rddreg [dreg:$0x2]  }
0x110: {  	s0 =	sadd.s32 @!p0 $0x100000, s0  }
0x111: {  	[sflag:s0] =	ssyncadd.tile.s32 @!p0 $0x1;
	_ =	shalt  }
.Lfunc_end2:
_tile_overlayer_lowered:
.L_overlay_start_2:
0x112: {  	(tag) =	ssettag $0x2  }
0x113: {  	s0 =	rddreg [dreg:$0x0];
	s2 =	stileid.u32  }
0x114: {  	s1 =	rddreg [dreg:$0x1];
	p0 =	sne.s32 s2, $0x0  }
0x115: {  	s3 =	rddreg [dreg:$0x2];
	[bflag:$0x3] =	sbarrier.arrive $0xFFFF;
	s2 =	simm.s32 @!p0 $0x1C04  }
0x116: {  	[timem:s3], [sflag:s2] =	dma.local @!p0 [hbm:s0], s1  }
0x117: {  	s0 =	simm.s32 @!p0 $0x4  }
0x118: {  	_ =	swait.ge @!p0 [sflag:s0], s1  }
0x119: {  	s1 =	ssub.s32 @!p0 $0x0, s1;
	[sflag:s0] =	ssyncset.done @!p0 $0x0  }
0x11a: {  	[sflag:s0] =	ssyncadd.s32 @!p0 s1  }
0x11b: {  	[bflag:$0x3] =	sbarrier.arrive $0xFFFF  }
0x11c: {  	_ =	shalt  }

// kernel: kernel.16.cloned.1.call-start
scs
__scs_entry_jumppad:
0x0: {  	(pc) =	sbr.rel $0x88, $3  }
0x1: {  	(tag) =	ssettag $0x0;
	lr =	simm.s32 $0x1  }
0x2: {  	[smem:$0x3F97] =	sst lr;
	_ =	strace $0xD0000000  }
0x3: {  	_ = 	snop  }
0x4: {  	_ = 	snop  }
0x5: {  	_ = 	snop  }
0x6: {  	_ = 	snop  }
0x7: {  	_ = 	snop  }
__scs_overlays_trampoline_lowered:
0x8: {  	[smem:$0x3FA6] =	sst s0  }
0x9: {  	[smem:$0x3FA7] =	sst s1  }
0xa: {  	[smem:$0x3FA8] =	sst s2  }
0xb: {  	[smem:$0x3FA9] =	sst s3  }
0xc: {  	[smem:$0x3FAA] =	sst s4  }
0xd: {  	[smem:$0x3FAB] =	sst s5  }
0xe: {  	[smem:$0x3FAC] =	sst s6  }
0xf: {  	[smem:$0x3FAD] =	sst s7  }
0x10: {  	[smem:$0x3FAE] =	sst s8  }
0x11: {  	[smem:$0x3FAF] =	sst s9;
	s0 =	simm.s32 @!p0 $0x0  }
0x12: {  	s1 =	sld [smem:$0x3F95];
	s0 =	simm.s32 @p0 $0x1  }
0x13: {  	[smem:$0x3FB0] =	sst s0;
	s0 =	simm.s32 @!p1 $0x0  }
0x14: {  	s2 =	sld [smem:$0x3F94];
	s0 =	simm.s32 @p1 $0x1  }
0x15: {  	[smem:$0x3FB1] =	sst s0;
	s0 =	simm.s32 @!p2 $0x0  }
0x16: {  	s3 =	sld [smem:$0x3FDB];
	s0 =	simm.s32 @p2 $0x1  }
0x17: {  	s4 =	simm.s32 $0x1BF5;
	[smem:$0x3FB3] =	sst s0  }
0x18: {  	s0 =	sld [smem:$0x3F96];
	_ =	swait.ge [sflag:s4], $0x0  }
0x19: {  	s7 =	sld [smem:$0x3F97]  }
0x1a: {  	s8 =	sadd.s32 $0xFFFFE003, lr  }
0x1b: {  	s9 =	sadd.s32 $0xFFFFFEF7, lr;
	s5 =	simm.s32 $0xFFFFFFFF;
	p2 =	slt.u32 s8, $0xFFFFF086  }
0x1c: {  	p1 =	slt.u32 s9, $0xF7A;
	s5 =	simm.s32 @!p2 $0x0  }
0x1d: {  	s5 =	simm.s32 @p1 $0x1;
	p0 =	seq.s32 s7, s2  }
0x1e: {  	s7 =	smul.u32 @!p0 $0xF7A, s2;
	p2 =	seq.s32 @!p0 s5, $0x0  }
0x1f: {  	s9 =	smul.u32 $0xF7A, s1;
	s8 =	simm.s32 @!p0 $0x1BF5;
	p2 =	por !p2, p0  }
0x20: {  	[sflag:s8] =	ssyncset.s32 @!p0 $0xFFFFF086;
	s6 =	sadd.s32 @!p0 s3, s7;
	s7 =	simm.s32 @!p0 $0x108  }
0x21: {  	s3 =	sadd.s32 s3, s9;
	s6 =	sadd.s32 @!p0 $0x88, s6;
	s7 =	simm.s32 @p2 $0x1082  }
0x22: {  	[simem:s7], [sflag:s8] =	dma.local @!p0 [hbm:s6], $0xF7A  }
0x23: {  	s9 =	sor.u32 $0xD0000000, s2;
	s6 =	simm.s32 $0x108;
	_ =	swait.ge @!p0 [sflag:s8], $0x0  }
0x24: {  	s3 =	sadd.s32 $0x88, s3;
	s6 =	simm.s32 @!p1 $0x1082;
	[sflag:s4] =	ssyncset.s32 $0xFFFFF086  }
0x25: {  	[simem:s6], [sflag:s4] =	dma.local [hbm:s3], $0xF7A  }
0x26: {  	[smem:$0x3F97] =	sst s1;
	(tag) =	ssettag s2;
	_ =	strace s9  }
0x27: {  	s1 =	sld [smem:$0x3FA7]  }
0x28: {  	s2 =	sld [smem:$0x3FA8]  }
0x29: {  	s4 =	sld [smem:$0x3FAA]  }
0x2a: {  	p0 =	seq.s32 s5, $0x0;
	s5 =	sld [smem:$0x3FAB]  }
0x2b: {  	s6 =	sld [smem:$0x3FAC]  }
0x2c: {  	s7 =	sld [smem:$0x3FAD]  }
0x2d: {  	s3 =	simm.s32 $0x108;
	s8 =	sld [smem:$0x3FAE]  }
0x2e: {  	s3 =	simm.s32 @!p0 $0x1082;
	s9 =	sld [smem:$0x3FAF]  }
0x2f: {  	lr =	sadd.s32 s0, s3;
	s0 =	sld [smem:$0x3FA6]  }
0x30: {  	s3 =	sld [smem:$0x3FA9]  }
0x31: {  	[smem:$0x3FB2] =	sst s10  }
0x32: {  	s10 =	sld [smem:$0x3FB0];
	_ =	sdelay $0x3  }
0x33: {  	p0 =	seq.s32 s10, $0x1;
	s10 =	sld [smem:$0x3FB2];
	_ =	sdelay $0x3  }
0x34: {  	[smem:$0x3FB2] =	sst s10  }
0x35: {  	s10 =	sld [smem:$0x3FB1];
	_ =	sdelay $0x3  }
0x36: {  	p1 =	seq.s32 s10, $0x1;
	s10 =	sld [smem:$0x3FB2];
	_ =	sdelay $0x3  }
0x37: {  	[smem:$0x3FB2] =	sst s10  }
0x38: {  	s10 =	sld [smem:$0x3FB3]  }
0x39: {  	_ = 	snop;
	(pc) =	sbr.ind lr, $3  }
0x3a: {  	_ = 	snop  }
0x3b: {  	_ = 	snop  }
0x3c: {  	p2 =	seq.s32 s10, $0x1;
	s10 =	sld [smem:$0x3FB2]  }
0x3d: {  	_ =	shalt  }
0x3e: {  	_ =	shalt  }
0x3f: {  	_ =	shalt  }
0x40: {  	_ =	shalt  }
0x41: {  	_ =	shalt  }
0x42: {  	_ =	shalt  }
0x43: {  	_ =	shalt  }
0x44: {  	_ =	shalt  }
0x45: {  	_ =	shalt  }
0x46: {  	_ =	shalt  }
0x47: {  	_ =	shalt  }
0x48: {  	_ =	shalt  }
0x49: {  	_ =	shalt  }
0x4a: {  	_ =	shalt  }
0x4b: {  	_ =	shalt  }
0x4c: {  	_ =	shalt  }
0x4d: {  	_ =	shalt  }
0x4e: {  	_ =	shalt  }
0x4f: {  	_ =	shalt  }
0x50: {  	_ =	shalt  }
0x51: {  	_ =	shalt  }
0x52: {  	_ =	shalt  }
0x53: {  	_ =	shalt  }
0x54: {  	_ =	shalt  }
0x55: {  	_ =	shalt  }
0x56: {  	_ =	shalt  }
0x57: {  	_ =	shalt  }
0x58: {  	_ =	shalt  }
0x59: {  	_ =	shalt  }
0x5a: {  	_ =	shalt  }
0x5b: {  	_ =	shalt  }
0x5c: {  	_ =	shalt  }
0x5d: {  	_ =	shalt  }
0x5e: {  	_ =	shalt  }
0x5f: {  	_ =	shalt  }
0x60: {  	_ =	shalt  }
0x61: {  	_ =	shalt  }
0x62: {  	_ =	shalt  }
0x63: {  	_ =	shalt  }
0x64: {  	_ =	shalt  }
0x65: {  	_ =	shalt  }
0x66: {  	_ =	shalt  }
0x67: {  	_ =	shalt  }
0x68: {  	_ =	shalt  }
0x69: {  	_ =	shalt  }
0x6a: {  	_ =	shalt  }
0x6b: {  	_ =	shalt  }
0x6c: {  	_ =	shalt  }
0x6d: {  	_ =	shalt  }
0x6e: {  	_ =	shalt  }
0x6f: {  	_ =	shalt  }
0x70: {  	_ =	shalt  }
0x71: {  	_ =	shalt  }
0x72: {  	_ =	shalt  }
0x73: {  	_ =	shalt  }
0x74: {  	_ =	shalt  }
0x75: {  	_ =	shalt  }
0x76: {  	_ =	shalt  }
0x77: {  	_ =	shalt  }
0x78: {  	_ =	shalt  }
0x79: {  	_ =	shalt  }
0x7a: {  	_ =	shalt  }
0x7b: {  	_ =	shalt  }
0x7c: {  	_ =	shalt  }
0x7d: {  	_ =	shalt  }
0x7e: {  	_ =	shalt  }
0x7f: {  	_ =	shalt  }
0x80: {  	_ =	shalt  }
0x81: {  	_ =	shalt  }
0x82: {  	_ =	shalt  }
0x83: {  	_ =	shalt  }
0x84: {  	_ =	shalt  }
0x85: {  	_ =	shalt  }
0x86: {  	_ =	shalt  }
0x87: {  	_ =	shalt  }
.Lfunc_end0:
.L_simem_size_0:
called_computation.2_lowered:
.L_overlay_start_0:
0x88: {  	s2 =	sld [smem:$0x3FD9]  }
0x89: {  	s3 =	sld [smem:$0x3FFE];
	_ =	sdelay $0x1  }
0x8a: {  	s1 =	srdreg.scid  }
0x8b: {  	s0 =	sand.u32 $0x1, s1  }
0x8c: {  	s16 =	sshll.u32 s0, $0xA;
	s2 =	sadd.s32 s3, s2  }
0x8d: {  	s2 =	sadd.s32 s2, s16  }
0x8e: {  	[smem:$0x3FBE] =	sst s2  }
0x8f: {  	_ = 	snop  }
0x90: {  	(tm) =	ssettm $0x1  }
0x91: {  	s17 =	sld [smem:$0x3FFB];
	_ =	sdelay $0x3  }
0x92: {  	_ =	strace s17  }
0x93: {  	s2 =	sld [smem:$0x3FFC];
	_ =	sdelay $0x3  }
0x94: {  	_ =	strace s2  }
0x95: {  	s2 =	sld [smem:$0x3FFD];
	_ =	sdelay $0x3  }
0x96: {  	_ =	strace s2  }
0x97: {  	_ =	strace $0x8FFFFFFF  }
0x98: {  	s18 =	sld [smem:$0x3FDB];
	_ =	sdelay $0x1  }
0x99: {  	s19 =	simm.s32 $_scs_section_size  }
0x9a: {  	s4 =	simm.s32 $_size__tile_overlayer_lowered;
	s5 =	simm.s32 $_tile_overlayer_lowered  }
0x9b: {  	s22 =	simm.s32 $0x1BFF;
	s21 =	sshll.u32 s5, $0x1;
	s2 =	sadd.s32 s19, s18  }
0x9c: {  	s6 =	simm.s32 $0x0;
	s20 =	sshll.u32 s4, $0x1;
	s4 =	sadd.s32 s21, s2  }
0x9d: {  	[timem:s6], [sflag:s22] =	dma.local [hbm:s4], s20  }
0x9e: {  	_ =	swait.ge [sflag:s22], s20  }
0x9f: {  	s3 =	ssub.s32 $0x0, s20;
	[sflag:s22] =	ssyncset.done $0x0  }
0xa0: {  	[sflag:s22] =	ssyncadd.s32 s3;
	_ =	sdelay $0x1  }
0xa1: {  	s23 =	simm.s32 $0x1B8B  }
0xa2: {  	_ =	swait.ge [sflag:s23], $0x1  }
0xa3: {  	[sflag:s23] =	ssyncset.done $0x0  }
0xa4: {  	s25 =	simm.s32 $0x1B8E;
	s24 =	sld [smem:$0x3FFE];
	[sflag:s23] =	ssyncadd.s32 $0xFFFFFFFF  }
0xa5: {  	s26 =	simm.s32 $execute0_lowered;
	[smem:$0x3FD2] =	sst s25  }
0xa6: {  	s4 =	sshll.u32 s26, $0x1;
	_ =	strace $0x8000004C;
	[dreg:$0x1] =	wrdreg $0xFFFFFFFF  }
0xa7: {  	s28 =	simm.s32 $_size_execute0_lowered;
	s2 =	sadd.s32 s2, s4;
	[dreg:$0x0] =	wrdreg $0x0  }
0xa8: {  	s4 =	sshll.u32 s28, $0x1;
	[dreg:$0x2] =	wrdreg s2  }
0xa9: {  	[dreg:$0x3] =	wrdreg s4  }
0xaa: {  	[dreg:$0x4] =	wrdreg $0xC0  }
0xab: {  	_ =	task [dreg:s6], $0x5FFFF  }
0xac: {  	[dreg:$0x1] =	wrdreg $0xFFFFFFFF  }
0xad: {  	[dreg:$0x0] =	wrdreg $0x60  }
0xae: {  	[dreg:$0x2] =	wrdreg s24  }
0xaf: {  	[dreg:$0x3] =	wrdreg $0xA9600  }
0xb0: {  	[dreg:$0x4] =	wrdreg $0x9  }
0xb1: {  	_ =	task.clear_ibuf [dreg:s6], $0x5FFFF;
	_ =	strace $0x9000004C  }
0xb2: {  	s29 =	simm.s32 $0x9;
	_ =	strace $0x8000004E  }
0xb3: {  	_ =	swait.ge [sflag:s29], $0x1  }
0xb4: {  	[sflag:s29] =	ssyncadd.s32 $0xFFFFFFFF  }
0xb5: {  	_ =	strace $0x9000004E  }
0xb6: {  	_ =	sfence  }
0xb7: {  	s30 =	sld [smem:$0x0];
	_ =	sdelay $0x2  }
0xb8: {  	s31 =	sshll.u32 s1, $0xD;
	s1 =	sshrl.u32 s1, $0x2  }
0xb9: {  	s3 =	sand.u32 $0x4000, s31;
	s1 =	sadd.s32 s1, s30  }
0xba: {  	s0 =	sor.u32 s3, s0;
	s1 =	sshll.u32 s1, $0x11  }
0xbb: {  	s0 =	sor.u32 s1, s0  }
0xbc: {  	s0 =	sadd.s32 $0x8F2B, s0  }
0xbd: {  	[sflag:s0] =	ssyncadd.remote.s32 $0x1  }
0xbe: {  	_ =	sfence.sel $0xFFFF  }
0xbf: {  	[dreg:$0x0] =	wrdreg $0xFFFFFFFF;
	(pc) =	sbr.abs _section_cstart, $3  }
0xc0: {  	[dreg:$0x1] =	wrdreg $0xFFFFFFFF  }
0xc1: {  	_ =	task.clear_ibuf [dreg:s6], $0x2FFFF;
	_ =	strace $0x9FFFFFFF  }
0xc2: {  	(tm) =	ssettm $0x7FFFFFFF  }
0xc3: {  	_ =	shalt  }
tec
execute0_lowered:
.L_overlay_start_1:
0x0: {  	(tag) =	ssettag $0x1  }
0x1: {  	s0 =	rddreg [dreg:$0x0]  }
0x2: {  	s1 =	rddreg [dreg:$0x1];
	s2 =	simm.s32 $0x0;
	s3 =	srdreg.scid  }
0x3: {  	s16 =	stileid.u32;
	s28 =	simm.s32 $0x4;
	s30 =	simm.s32 $0x960  }
0x4: {  	s31 =	simm.s32 $0x2;
	s29 =	simm.s32 $0x0;
	s7 =	smul.u32 $0xA000, s16  }
0x5: {  	[smem:$0x7FF] =	sst s2;
	s3 =	sand.u32 $0x1, s3;
	s20 =	smul.u32 $0x2710, s16  }
0x6: {  	s8 =	sadd.s32 $0x29E00, s0;
	_ =	strace $0x8000004D;
	s10 =	smul.u32 $0xA0000, s3  }
0x7: {  	s4 =	ssub.s32 $0x2, s3;
	s5 =	sshll.u32 s3, $0x4;
	s3 =	smul.u32 $0x27100, s3  }
0x8: {  	s6 =	sshrl.u32 s4, $0x1;
	s5 =	sor.u32 s16, s5;
	s9 =	sadd.s32 $0x2800, s7  }
0x9: {  	s11 =	sadd.s32 $0x3C00, s7;
	s15 =	sadd.s32 $0x5000, s7;
	s22 =	sadd.s32 $0x6400, s7  }
0xa: {  	s23 =	sadd.s32 $0x7800, s7;
	s24 =	sadd.s32 $0x8C00, s7;
	s4 =	ssub.s32 s4, s6  }
0xb: {  	s5 =	smul.u32 $0x2710, s5;
	s6 =	sor.u32 $0x1400, s7;
	s12 =	sadd.s32 s7, s10  }
0xc: {  	s25 =	sadd.s32 s10, s9;
	s26 =	sadd.s32 s10, s11;
	s14 =	sadd.s32 s10, s15  }
0xd: {  	s18 =	sadd.s32 s10, s22;
	s19 =	sadd.s32 s10, s23;
	s3 =	sadd.s32 s20, s3  }
0xe: {  	s20 =	sadd.s32 s11, s1;
	s22 =	sadd.s32 s22, s1;
	s23 =	sadd.s32 s23, s1  }
0xf: {  	s13 =	sadd.s32 s10, s6;
	s12 =	sshrl.u32 s12, $0x3;
	s14 =	sshrl.u32 s14, $0x3  }
0x10: {  	s10 =	sadd.s32 s10, s24;
	s24 =	sadd.s32 s24, s1;
	s13 =	sshrl.u32 s13, $0x3  }
0x11: {  	s12 =	sadd.s32 s8, s12;
	s17 =	sadd.s32 s8, s14;
	s10 =	sshrl.u32 s10, $0x3  }
0x12: {  	s14 =	sadd.s32 $0xC600, s0;
	[dreg:$0x3] =	wrdreg s12;
	s21 =	sadd.s32 s8, s13  }
0x13: {  	s12 =	sshrl.u32 s25, $0x3;
	s13 =	sshrl.u32 s26, $0x3;
	[dreg:$0x7] =	wrdreg s17  }
0x14: {  	s25 =	sshrl.u32 s5, $0x3;
	s26 =	smax.u32 s4, $0x1;
	[dreg:$0x4] =	wrdreg s21  }
0x15: {  	s17 =	sadd.s32 s7, s1;
	s12 =	sadd.s32 s8, s12;
	[dreg:$0xd] =	wrdreg s26  }
0x16: {  	[dreg:$0x5] =	wrdreg s12;
	s12 =	sadd.s32 s8, s13;
	s13 =	sshrl.u32 s19, $0x3  }
0x17: {  	s19 =	sadd.s32 s9, s1;
	[dreg:$0x6] =	wrdreg s12;
	s12 =	sshrl.u32 s18, $0x3  }
0x18: {  	s21 =	sadd.s32 s8, s13;
	s13 =	sadd.s32 $0x2800, s0;
	s18 =	sadd.s32 s6, s1  }
.Ltmp0:
0x19: {  	s12 =	sadd.s32 s8, s12;
	[dreg:$0x9] =	wrdreg s21;
	(pc) =	sbr.rel .LBB2_1-.Ltmp0, $4  }
0x1a: {  	s8 =	sadd.s32 s8, s10;
	s5 =	sadd.s32 s13, s25;
	[dreg:$0x8] =	wrdreg s12  }
0x1b: {  	s21 =	sadd.s32 s15, s1;
	[dreg:$0xa] =	wrdreg s8;
	s12 =	sadd.s32 $0x16400, s0  }
0x1c: {  	[dreg:$0xb] =	wrdreg s5;
	s0 =	sadd.s32 s14, s25;
	s5 =	sadd.s32 $0x190, s3  }
0x1d: {  	v0 =	vimm.f32 $0.0e+00;
	s3 =	simm.s32 $0x1;
	[dreg:$0xc] =	wrdreg s0;
	s0 =	simm.s32 $0x50  }
.LBB2_13:
0x1e: {  	_ =	swait.ge [sflag:s3], $0x1400  }
0x1f: {  	[sflag:s3] =	ssyncset.done $0x0  }
0x20: {  	s4 =	simm.s32 $0x5F0;
	s6 =	simm.s32 $0x5960;
	[sflag:s3] =	ssyncadd.s32 $0xFFFFEC00  }
0x21: {  	[spmem:s1] =	stream.indirect.scatter.add.f32 [tilespmem:s6], [sflag:$0x2], $0x40, s4, s0, $0xb8;
	[tilespmem:$0x14960] =	vst v63  }
0x22: {  	_ =	swait.ge [sflag:s31], $0x1400  }
0x23: {  	[sflag:s31] =	ssyncset.done $0x0  }
0x24: {  	[sflag:s31] =	ssyncadd.s32 $0xFFFFEC00  }
0x25: {  	_ =	swait.ge [sflag:s31], $0x1400  }
0x26: {  	[sflag:s31] =	ssyncset.done $0x0  }
0x27: {  	[sflag:s31] =	ssyncadd.s32 $0xFFFFEC00  }
0x28: {  	_ =	swait.ge [sflag:s31], $0x1400  }
0x29: {  	[sflag:s31] =	ssyncset.done $0x0  }
0x2a: {  	[sflag:s31] =	ssyncadd.s32 $0xFFFFEC00  }
0x2b: {  	_ =	swait.ge [sflag:s31], $0x1400  }
0x2c: {  	[sflag:s31] =	ssyncset.done $0x0  }
0x2d: {  	[sflag:s31] =	ssyncadd.s32 $0xFFFFEC00  }
0x2e: {  	_ =	swait.ge [sflag:s31], $0x1400  }
0x2f: {  	[sflag:s31] =	ssyncset.done $0x0  }
0x30: {  	[sflag:s31] =	ssyncadd.s32 $0xFFFFEC00  }
0x31: {  	_ =	swait.ge [sflag:s31], $0x1400  }
0x32: {  	[sflag:s31] =	ssyncset.done $0x0  }
0x33: {  	[sflag:s31] =	ssyncadd.s32 $0xFFFFEC00  }
0x34: {  	_ =	swait.ge [sflag:s31], $0x1400  }
0x35: {  	[sflag:s31] =	ssyncset.done $0x0  }
0x36: {  	[sflag:s31] =	ssyncadd.s32 $0xFFFFEC00  }
0x37: {  	_ =	swait.ge [sflag:s31], $0x1400  }
0x38: {  	[sflag:s31] =	ssyncset.done $0x0  }
0x39: {  	s25 =	stileid.u32;
	[sflag:s31] =	ssyncadd.s32 $0xFFFFEC00  }
0x3a: {  	s4 =	sshll.u32 s25, $0x6;
	[bflag:$0x0] =	sbarrier.arrive $0xFFFF  }
0x3b: {  	s26 =	sshrl.u32 s17, $0x3;
	s4 =	sor.u32 $0x1C01, s4;
	s7 =	rddreg [dreg:$0x3]  }
0x3c: {  	[hbm:s7], [sflag:s4] =	dma.local [spmem:s26], $0x280  }
0x3d: {  	s8 =	sshrl.u32 s18, $0x3;
	s7 =	rddreg [dreg:$0x4]  }
0x3e: {  	[hbm:s7], [sflag:s4] =	dma.local [spmem:s8], $0x280  }
0x3f: {  	s9 =	sshrl.u32 s19, $0x3;
	s7 =	rddreg [dreg:$0x5]  }
0x40: {  	[hbm:s7], [sflag:s4] =	dma.local [spmem:s9], $0x280  }
0x41: {  	s10 =	sshrl.u32 s20, $0x3;
	s7 =	rddreg [dreg:$0x6]  }
0x42: {  	[hbm:s7], [sflag:s4] =	dma.local [spmem:s10], $0x280  }
0x43: {  	s11 =	sshrl.u32 s21, $0x3;
	s7 =	rddreg [dreg:$0x7]  }
0x44: {  	[hbm:s7], [sflag:s4] =	dma.local [spmem:s11], $0x280  }
0x45: {  	s15 =	sshrl.u32 s22, $0x3;
	s7 =	rddreg [dreg:$0x8]  }
0x46: {  	[hbm:s7], [sflag:s4] =	dma.local [spmem:s15], $0x280  }
0x47: {  	s16 =	sshrl.u32 s23, $0x3;
	s7 =	rddreg [dreg:$0x9]  }
0x48: {  	[hbm:s7], [sflag:s4] =	dma.local [spmem:s16], $0x280  }
0x49: {  	s25 =	sshrl.u32 s24, $0x3;
	s7 =	rddreg [dreg:$0xa]  }
0x4a: {  	[hbm:s7], [sflag:s4] =	dma.local [spmem:s25], $0x280  }
0x4b: {  	_ =	swait.ge [sflag:s3], $0x280  }
0x4c: {  	[sflag:s3] =	ssyncset.done $0x0  }
0x4d: {  	[sflag:s3] =	ssyncadd.s32 $0xFFFFFD80  }
0x4e: {  	_ =	swait.ge [sflag:s3], $0x280  }
0x4f: {  	[sflag:s3] =	ssyncset.done $0x0  }
0x50: {  	[sflag:s3] =	ssyncadd.s32 $0xFFFFFD80  }
0x51: {  	_ =	swait.ge [sflag:s3], $0x280  }
0x52: {  	[sflag:s3] =	ssyncset.done $0x0  }
0x53: {  	[sflag:s3] =	ssyncadd.s32 $0xFFFFFD80  }
0x54: {  	_ =	swait.ge [sflag:s3], $0x280  }
0x55: {  	[sflag:s3] =	ssyncset.done $0x0  }
0x56: {  	[sflag:s3] =	ssyncadd.s32 $0xFFFFFD80  }
0x57: {  	_ =	swait.ge [sflag:s3], $0x280  }
0x58: {  	[sflag:s3] =	ssyncset.done $0x0  }
0x59: {  	[sflag:s3] =	ssyncadd.s32 $0xFFFFFD80  }
0x5a: {  	_ =	swait.ge [sflag:s3], $0x280  }
0x5b: {  	[sflag:s3] =	ssyncset.done $0x0  }
0x5c: {  	[sflag:s3] =	ssyncadd.s32 $0xFFFFFD80  }
0x5d: {  	_ =	swait.ge [sflag:s3], $0x280  }
0x5e: {  	[sflag:s3] =	ssyncset.done $0x0  }
0x5f: {  	[sflag:s3] =	ssyncadd.s32 $0xFFFFFD80  }
0x60: {  	_ =	swait.ge [sflag:s3], $0x280  }
0x61: {  	s29 =	sadd.s32 $0x1, s29;
	s26 =	rddreg [dreg:$0xd]  }
0x62: {  	p0 =	sne.s32 s29, s26  }
.Ltmp1:
0x63: {  	_ = 	snop;
	(pc) =	sbr.rel @!p0 .LBB2_14-.Ltmp1, $3  }
0x64: {  	_ =	sdelay $0x1  }
0x65: {  	[sflag:s3] =	ssyncset.done $0x0  }
0x66: {  	[sflag:s3] =	ssyncadd.s32 $0xFFFFFD80  }
.LBB2_1:
0x67: {  	s4 =	rddreg [dreg:$0xb]  }
0x68: {  	[tilespmem:s2], [sflag:$0x4] =	stream.linear.gather [hbm4b:s4+s2], $0x190, $0x38;
	[tilespmem:$0x14960] =	vst v63  }
0x69: {  	_ =	swait.ge [sflag:s28], $0x190  }
0x6a: {  	[sflag:s28] =	ssyncset.done $0x0  }
0x6b: {  	s6 =	simm.s32 $0x4B0;
	s26 =	rddreg [dreg:$0xc];
	[sflag:s28] =	ssyncadd.s32 $0xFFFFFE70  }
0x6c: {  	[tilespmem:s6], [sflag:$0x4] =	stream.linear.gather [hbm4b:s26+s2], $0x190, $0x38;
	[tilespmem:$0x14960] =	vst v63  }
0x6d: {  	_ =	swait.ge [sflag:s28], $0x190  }
0x6e: {  	[sflag:s28] =	ssyncset.done $0x0  }
0x6f: {  	s4 =	simm.s32 $0x0;
	s6 =	simm.s32 $0x100;
	[sflag:s28] =	ssyncadd.s32 $0xFFFFFE70  }
.LBB2_2:
0x70: {  	p0 =	sne.s32 s6, $0x4F00;
	[tilespmem:s4+$0x990] =	vst v0;
	s7 =	smov.u32 s6;
	s6 =	sadd.s32 $0x100, s6  }
.Ltmp2:
0x71: {  	[tilespmem:s4+$0x980] =	vst v0;
	(pc) =	sbr.rel @p0 .LBB2_2-.Ltmp2, $3  }
0x72: {  	[tilespmem:s4+$0x960] =	vst v0  }
0x73: {  	[tilespmem:s4+$0x970] =	vst v0;
	_ =	sdelay $0x1  }
0x74: {  	s4 =	sshra.s32 s7, $0x2  }
0x75: {  	[tilespmem:s4+$0x990] =	vst v0  }
0x76: {  	[tilespmem:s4+$0x980] =	vst v0  }
0x77: {  	[tilespmem:s4+$0x960] =	vst v0  }
0x78: {  	[tilespmem:s4+$0x970] =	vst v0  }
0x79: {  	[spmem:s17] =	stream.linear.scatter [tilespmem:s30], [sflag:$0x2], $0x1400, $0x38;
	[tilespmem:$0x14960] =	vst v63  }
0x7a: {  	_ = 	snop  }
0x7b: {  	[spmem:s18] =	stream.linear.scatter [tilespmem:s30], [sflag:$0x2], $0x1400, $0x38;
	[tilespmem:$0x14960] =	vst v63  }
0x7c: {  	_ = 	snop  }
0x7d: {  	[spmem:s19] =	stream.linear.scatter [tilespmem:s30], [sflag:$0x2], $0x1400, $0x38;
	[tilespmem:$0x14960] =	vst v63  }
0x7e: {  	_ = 	snop  }
0x7f: {  	[spmem:s20] =	stream.linear.scatter [tilespmem:s30], [sflag:$0x2], $0x1400, $0x38;
	[tilespmem:$0x14960] =	vst v63  }
0x80: {  	_ = 	snop  }
0x81: {  	[spmem:s21] =	stream.linear.scatter [tilespmem:s30], [sflag:$0x2], $0x1400, $0x38;
	[tilespmem:$0x14960] =	vst v63  }
0x82: {  	_ = 	snop  }
0x83: {  	[spmem:s22] =	stream.linear.scatter [tilespmem:s30], [sflag:$0x2], $0x1400, $0x38;
	[tilespmem:$0x14960] =	vst v63  }
0x84: {  	_ = 	snop  }
0x85: {  	[spmem:s23] =	stream.linear.scatter [tilespmem:s30], [sflag:$0x2], $0x1400, $0x38;
	[tilespmem:$0x14960] =	vst v63  }
0x86: {  	_ = 	snop  }
0x87: {  	[spmem:s24] =	stream.linear.scatter [tilespmem:s30], [sflag:$0x2], $0x1400, $0x38;
	[tilespmem:$0x14960] =	vst v63  }
0x88: {  	_ =	swait.ge [sflag:s31], $0x1400  }
0x89: {  	[sflag:s31] =	ssyncset.done $0x0  }
0x8a: {  	[sflag:s31] =	ssyncadd.s32 $0xFFFFEC00  }
0x8b: {  	_ =	swait.ge [sflag:s31], $0x1400  }
0x8c: {  	[sflag:s31] =	ssyncset.done $0x0  }
0x8d: {  	[sflag:s31] =	ssyncadd.s32 $0xFFFFEC00  }
0x8e: {  	_ =	swait.ge [sflag:s31], $0x1400  }
0x8f: {  	[sflag:s31] =	ssyncset.done $0x0  }
0x90: {  	[sflag:s31] =	ssyncadd.s32 $0xFFFFEC00  }
0x91: {  	_ =	swait.ge [sflag:s31], $0x1400  }
0x92: {  	[sflag:s31] =	ssyncset.done $0x0  }
0x93: {  	[sflag:s31] =	ssyncadd.s32 $0xFFFFEC00  }
0x94: {  	_ =	swait.ge [sflag:s31], $0x1400  }
0x95: {  	[sflag:s31] =	ssyncset.done $0x0  }
0x96: {  	[sflag:s31] =	ssyncadd.s32 $0xFFFFEC00  }
0x97: {  	_ =	swait.ge [sflag:s31], $0x1400  }
0x98: {  	[sflag:s31] =	ssyncset.done $0x0  }
0x99: {  	[sflag:s31] =	ssyncadd.s32 $0xFFFFEC00  }
0x9a: {  	_ =	swait.ge [sflag:s31], $0x1400  }
0x9b: {  	[sflag:s31] =	ssyncset.done $0x0  }
0x9c: {  	[sflag:s31] =	ssyncadd.s32 $0xFFFFEC00  }
0x9d: {  	_ =	swait.ge [sflag:s31], $0x1400  }
0x9e: {  	[sflag:s31] =	ssyncset.done $0x0  }
0x9f: {  	s9 =	simm.s32 $0x0;
	[sflag:s31] =	ssyncadd.s32 $0xFFFFEC00  }
0xa0: {  	s26 =	smov.u32 s5;
	s6 =	simm.s32 $0x0;
	[bflag:$0x0] =	sbarrier.arrive $0xFFFF  }
.LBB2_4:
0xa1: {  	s4 =	smul.u32 $0xAB, s6;
	_ =	sdelay $0x1  }
0xa2: {  	s4 =	sshrl.u32 s4, $0x9  }
0xa3: {  	s4 =	sand.u32 $0x7F, s4  }
0xa4: {  	p0 =	sne.s32 s6, $0x18;
	s4 =	smul.u32 $0x3, s4  }
.Ltmp3:
0xa5: {  	_ = 	snop;
	(pc) =	sbr.rel @p0 .LBB2_6-.Ltmp3, $4  }
0xa6: {  	_ = 	snop  }
0xa7: {  	s4 =	ssub.s32 s6, s4  }
0xa8: {  	s4 =	sand.u32 $0xFF, s4  }
0xa9: {  	s7 =	sadd.s32 $0x1, s6;
	s10 =	smul.u32 $0x640, s4  }
.Ltmp4:
0xaa: {  	(pc) =	sbr.rel .LBB2_8-.Ltmp4, $4  }
0xab: {  	_ = 	snop  }
0xac: {  	s10 =	smul.u32 $0x640, s4  }
0xad: {  	s4 =	simm.s32 $0x78  }
0xae: {  	s15 =	simm.s32 $0x0;
	s11 =	simm.s32 $0x7;
	s8 =	sshrl.u32 s10, $0x2  }
.LBB2_6:
0xaf: {  	s4 =	smul.u32 $0xAB, s7;
	_ =	sdelay $0x1  }
0xb0: {  	s4 =	sshrl.u32 s4, $0x9  }
0xb1: {  	s4 =	sand.u32 $0x7F, s4  }
0xb2: {  	s4 =	smul.u32 $0x3, s4;
	_ =	sdelay $0x1  }
0xb3: {  	s4 =	ssub.s32 s7, s4  }
0xb4: {  	s4 =	sand.u32 $0xFF, s4  }
0xb5: {  	s8 =	sshrl.u32 s26, $0x3;
	p0 =	slt.u32 s6, $0x2;
	s4 =	smul.u32 $0x190, s4  }
.Ltmp5:
0xb6: {  	s11 =	sadd.s32 s13, s8;
	(pc) =	sbr.rel @p0 .LBB2_9-.Ltmp5, $4  }
0xb7: {  	[tilespmem:s4], [sflag:$0x3] =	stream.linear.gather [hbm4b:s11+s2], $0x190, $0x38;
	[tilespmem:$0x14960] =	vst v63  }
0xb8: {  	s25 =	sadd.s32 $0xFFFFFFFF, s9;
	s8 =	sadd.s32 s14, s8;
	s4 =	sadd.s32 $0x4B0, s4  }
0xb9: {  	[tilespmem:s4], [sflag:$0x3] =	stream.linear.gather [hbm4b:s8+s2], $0x190, $0x38;
	[tilespmem:$0x14960] =	vst v63  }
0xba: {  	s15 =	sand.u32 $0x7, s9;
	s11 =	sand.u32 $0x7, s25;
	s8 =	sshrl.u32 s10, $0x2  }
0xbb: {  	s4 =	smov.u32 s9  }
.LBB2_8:
0xbc: {  	s15 =	smul.u32 $0x5000, s15  }
0xbd: {  	_ =	swait.ge [sflag:s31], $0x1400  }
0xbe: {  	[sflag:s31] =	ssyncset.done $0x0;
	s15 =	sshrl.u32 s15, $0x2  }
0xbf: {  	[sflag:s31] =	ssyncadd.s32 $0xFFFFEC00;
	s15 =	sadd.s32 $0x960, s15  }
0xc0: {  	[tilespmem:s15], [sflag:$0x1] =	stream.indirect.gather [hbm4b:s12+s0], $0x40, s8, s0, $0xb8;
	[tilespmem:$0x14960] =	vst v63  }
.LBB2_11:
0xc1: {  	s15 =	sadd.s32 $0x2, s6  }
0xc2: {  	s16 =	sand.u32 $0xFF, s15  }
0xc3: {  	s16 =	smul.u32 $0xAB, s16;
	_ =	sdelay $0x1  }
0xc4: {  	s16 =	sshrl.u32 s16, $0x9  }
0xc5: {  	s16 =	smul.u32 $0x3, s16;
	_ =	sdelay $0x1  }
0xc6: {  	s15 =	ssub.s32 s15, s16  }
0xc7: {  	s11 =	smul.u32 $0x5000, s11;
	s15 =	sand.u32 $0xFF, s15  }
0xc8: {  	_ =	swait.ge [sflag:s3], $0x1400;
	s15 =	smul.u32 $0x640, s15  }
0xc9: {  	p0 =	slt.u32 s6, $0x2;
	[sflag:s3] =	ssyncset.done $0x0  }
0xca: {  	s11 =	sshrl.u32 s11, $0x2;
	[sflag:s3] =	ssyncadd.s32 $0xFFFFEC00;
	s15 =	sshrl.u32 s15, $0x2  }
0xcb: {  	s11 =	sadd.s32 $0x960, s11;
	s16 =	simm.s32 @!p0 $0x2;
	s15 =	sadd.s32 $0x5F0, s15  }
0xcc: {  	[spmem:s1] =	stream.indirect.scatter.add.f32 [tilespmem:s11], [sflag:$0x2], $0x40, s15, s0, $0xb8;
	[tilespmem:$0x14960] =	vst v63  }
0xcd: {  	_ =	swait.ge @!p0 [sflag:s16], $0x1400  }
0xce: {  	s25 =	sadd.s32 $0x1, s4;
	[sflag:s16] =	ssyncset.done @!p0 $0x0  }
0xcf: {  	s15 =	sand.u32 $0x7, s25;
	s11 =	sand.u32 $0x7, s4;
	[sflag:s16] =	ssyncadd.s32 @!p0 $0xFFFFEC00  }
.LBB2_12:
0xd0: {  	s15 =	smul.u32 $0x5000, s15;
	_ =	sdelay $0x1  }
0xd1: {  	s15 =	sshrl.u32 s15, $0x2  }
0xd2: {  	s16 =	sadd.s32 $0x50, s8;
	s11 =	smul.u32 $0x5000, s11;
	s15 =	sadd.s32 $0x960, s15  }
0xd3: {  	[tilespmem:s15], [sflag:$0x1] =	stream.indirect.gather [hbm4b:s12+s0], $0x40, s16, s0, $0xb8;
	[tilespmem:$0x14960] =	vst v63  }
0xd4: {  	s10 =	sshrl.u32 s10, $0x2;
	_ =	swait.ge [sflag:s3], $0x1400  }
0xd5: {  	s25 =	sadd.s32 $0x4B0, s10;
	s11 =	sshrl.u32 s11, $0x2;
	[sflag:s3] =	ssyncset.done $0x0  }
0xd6: {  	s11 =	sadd.s32 $0x960, s11;
	s16 =	sadd.s32 $0x2, s4;
	[sflag:s3] =	ssyncadd.s32 $0xFFFFEC00  }
0xd7: {  	[spmem:s1] =	stream.indirect.scatter.add.f32 [tilespmem:s11], [sflag:$0x2], $0x40, s25, s0, $0xb8;
	[tilespmem:$0x14960] =	vst v63  }
0xd8: {  	p0 =	slt.u32 s6, $0x2;
	s11 =	sand.u32 $0x7, s16  }
0xd9: {  	s15 =	simm.s32 @!p0 $0x2;
	s25 =	sadd.s32 $0x1, s4;
	s11 =	smul.u32 $0x5000, s11  }
0xda: {  	_ =	swait.ge @!p0 [sflag:s15], $0x1400;
	s16 =	sand.u32 $0x7, s25  }
0xdb: {  	s25 =	sadd.s32 $0xA0, s8;
	[sflag:s15] =	ssyncset.done @!p0 $0x0;
	s11 =	sshrl.u32 s11, $0x2  }
0xdc: {  	s16 =	smul.u32 $0x5000, s16;
	[sflag:s15] =	ssyncadd.s32 @!p0 $0xFFFFEC00;
	s11 =	sadd.s32 $0x960, s11  }
0xdd: {  	[tilespmem:s11], [sflag:$0x1] =	stream.indirect.gather [hbm4b:s12+s0], $0x40, s25, s0, $0xb8;
	[tilespmem:$0x14960] =	vst v63  }
0xde: {  	_ =	swait.ge [sflag:s3], $0x1400  }
0xdf: {  	s15 =	sshrl.u32 s16, $0x2;
	[sflag:s3] =	ssyncset.done $0x0  }
0xe0: {  	s15 =	sadd.s32 $0x960, s15;
	s25 =	sadd.s32 $0x500, s10;
	[sflag:s3] =	ssyncadd.s32 $0xFFFFEC00  }
0xe1: {  	[spmem:s1] =	stream.indirect.scatter.add.f32 [tilespmem:s15], [sflag:$0x2], $0x40, s25, s0, $0xb8;
	[tilespmem:$0x14960] =	vst v63  }
0xe2: {  	s25 =	sadd.s32 $0x3, s4  }
0xe3: {  	p0 =	seq.s32 s6, $0x0;
	s15 =	sand.u32 $0x7, s25  }
0xe4: {  	s16 =	simm.s32 @!p0 $0x2;
	s15 =	smul.u32 $0x5000, s15  }
0xe5: {  	_ =	swait.ge @!p0 [sflag:s16], $0x1400  }
0xe6: {  	[sflag:s16] =	ssyncset.done @!p0 $0x0;
	s15 =	sshrl.u32 s15, $0x2  }
0xe7: {  	s25 =	sadd.s32 $0xF0, s8;
	[sflag:s16] =	ssyncadd.s32 @!p0 $0xFFFFEC00;
	s15 =	sadd.s32 $0x960, s15  }
0xe8: {  	[tilespmem:s15], [sflag:$0x1] =	stream.indirect.gather [hbm4b:s12+s0], $0x40, s25, s0, $0xb8;
	[tilespmem:$0x14960] =	vst v63  }
0xe9: {  	_ =	swait.ge [sflag:s3], $0x1400  }
0xea: {  	[sflag:s3] =	ssyncset.done $0x0  }
0xeb: {  	s25 =	sadd.s32 $0x550, s10;
	[sflag:s3] =	ssyncadd.s32 $0xFFFFEC00  }
0xec: {  	[spmem:s1] =	stream.indirect.scatter.add.f32 [tilespmem:s11], [sflag:$0x2], $0x40, s25, s0, $0xb8;
	[tilespmem:$0x14960] =	vst v63  }
0xed: {  	s11 =	sand.u32 $0x7, s4  }
0xee: {  	s4 =	sxor.u32 $0x4, s11  }
0xef: {  	s4 =	smul.u32 $0x5000, s4  }
0xf0: {  	_ =	swait.ge @!p0 [sflag:s16], $0x1400  }
0xf1: {  	[sflag:s16] =	ssyncset.done @!p0 $0x0;
	s4 =	sshrl.u32 s4, $0x2  }
0xf2: {  	[sflag:s16] =	ssyncadd.s32 @!p0 $0xFFFFEC00;
	s16 =	sadd.s32 $0x140, s8;
	s4 =	sadd.s32 $0x960, s4  }
0xf3: {  	[tilespmem:s4], [sflag:$0x1] =	stream.indirect.gather [hbm4b:s12+s0], $0x40, s16, s0, $0xb8;
	[tilespmem:$0x14960] =	vst v63  }
0xf4: {  	_ =	swait.ge [sflag:s3], $0x1400  }
0xf5: {  	s25 =	sadd.s32 $0x5A0, s10;
	p0 =	seq.s32 s6, $0x18;
	[sflag:s3] =	ssyncset.done $0x0  }
0xf6: {  	p1 =	sne.s32 @!p0 s7, $0x19;
	s4 =	simm.s32 @!p0 $0x3;
	[sflag:s3] =	ssyncadd.s32 $0xFFFFEC00  }
0xf7: {  	[spmem:s1] =	stream.indirect.scatter.add.f32 [tilespmem:s15], [sflag:$0x2], $0x40, s25, s0, $0xb8;
	[tilespmem:$0x14960] =	vst v63  }
0xf8: {  	p1 =	por p0, !p1;
	_ =	swait.ge @!p0 [sflag:s4], $0x190  }
.Ltmp6:
0xf9: {  	[sflag:s4] =	ssyncset.done @!p0 $0x0;
	(pc) =	sbr.rel @!p1 .LBB2_4-.Ltmp6, $4  }
.Ltmp7:
0xfa: {  	[sflag:s4] =	ssyncadd.s32 @!p0 $0xFFFFFE70;
	(pc) =	sbr.rel @p1 .LBB2_13-.Ltmp7, $4  }
0xfb: {  	_ =	swait.ge @!p0 [sflag:s4], $0x190  }
0xfc: {  	s6 =	smov.u32 s7;
	[sflag:s4] =	ssyncset.done @!p0 $0x0  }
0xfd: {  	s9 =	sadd.s32 @!p0 $0x5, s9;
	s26 =	sadd.s32 @!p0 $0x190, s26;
	[sflag:s4] =	ssyncadd.s32 @!p0 $0xFFFFFE70  }
0xfe: {  	_ = 	snop  }
.LBB2_9:
0xff: {  	s4 =	smul.u32 $0x5000, s15;
	p0 =	seq.s32 s6, $0x0  }
.Ltmp8:
0x100: {  	_ = 	snop;
	(pc) =	sbr.rel @p0 .LBB2_15-.Ltmp8, $4  }
0x101: {  	_ = 	snop  }
0x102: {  	s4 =	sshrl.u32 s4, $0x2  }
0x103: {  	s4 =	sadd.s32 $0x960, s4  }
0x104: {  	[tilespmem:s4], [sflag:$0x1] =	stream.indirect.gather [hbm4b:s12+s0], $0x40, s8, s0, $0xb8;
	[tilespmem:$0x14960] =	vst v63  }
.Ltmp9:
0x105: {  	(pc) =	sbr.rel .LBB2_11-.Ltmp9, $2  }
0x106: {  	_ =	sdelay $0x2  }
0x107: {  	s4 =	smov.u32 s9  }
.LBB2_15:
.Ltmp10:
0x108: {  	(pc) =	sbr.rel .LBB2_12-.Ltmp10, $2  }
0x109: {  	_ =	sdelay $0x2  }
0x10a: {  	s11 =	simm.s32 $0x0;
	s15 =	simm.s32 $0x1;
	s4 =	simm.s32 $0x0  }
.LBB2_14:
0x10b: {  	_ =	sfence.sel $0x180000  }
0x10c: {  	[bflag:$0x0] =	sbarrier.arrive $0xFFFF  }
0x10d: {  	_ =	strace $0x9000004D  }
0x10e: {  	s0 =	stileid.u32;
	[bflag:$0x2] =	sbarrier.arrive $0xFFFF  }
0x10f: {  	p0 =	sne.s32 s0, $0x0;
	s0 =	rddreg [dreg:$0x2]  }
0x110: {  	s0 =	sadd.s32 @!p0 $0x100000, s0  }
0x111: {  	[sflag:s0] =	ssyncadd.tile.s32 @!p0 $0x1;
	_ =	shalt  }
.Lfunc_end2:
_tile_overlayer_lowered:
.L_overlay_start_2:
0x112: {  	(tag) =	ssettag $0x2  }
0x113: {  	s0 =	rddreg [dreg:$0x0];
	s2 =	stileid.u32  }
0x114: {  	s1 =	rddreg [dreg:$0x1];
	p0 =	sne.s32 s2, $0x0  }
0x115: {  	s3 =	rddreg [dreg:$0x2];
	[bflag:$0x3] =	sbarrier.arrive $0xFFFF;
	s2 =	simm.s32 @!p0 $0x1C04  }
0x116: {  	[timem:s3], [sflag:s2] =	dma.local @!p0 [hbm:s0], s1  }
0x117: {  	s0 =	simm.s32 @!p0 $0x4  }
0x118: {  	_ =	swait.ge @!p0 [sflag:s0], s1  }
0x119: {  	s1 =	ssub.s32 @!p0 $0x0, s1;
	[sflag:s0] =	ssyncset.done @!p0 $0x0  }
0x11a: {  	[sflag:s0] =	ssyncadd.s32 @!p0 s1  }
0x11b: {  	[bflag:$0x3] =	sbarrier.arrive $0xFFFF  }
0x11c: {  	_ =	shalt  }

// kernel: kernel.19.cloned.1.call-start
scs
__scs_entry_jumppad:
0x0: {  	(pc) =	sbr.rel $0x88, $3  }
0x1: {  	(tag) =	ssettag $0x0;
	lr =	simm.s32 $0x1  }
0x2: {  	[smem:$0x3F97] =	sst lr;
	_ =	strace $0xD0000000  }
0x3: {  	_ = 	snop  }
0x4: {  	_ = 	snop  }
0x5: {  	_ = 	snop  }
0x6: {  	_ = 	snop  }
0x7: {  	_ = 	snop  }
__scs_overlays_trampoline_lowered:
0x8: {  	[smem:$0x3FA6] =	sst s0  }
0x9: {  	[smem:$0x3FA7] =	sst s1  }
0xa: {  	[smem:$0x3FA8] =	sst s2  }
0xb: {  	[smem:$0x3FA9] =	sst s3  }
0xc: {  	[smem:$0x3FAA] =	sst s4  }
0xd: {  	[smem:$0x3FAB] =	sst s5  }
0xe: {  	[smem:$0x3FAC] =	sst s6  }
0xf: {  	[smem:$0x3FAD] =	sst s7  }
0x10: {  	[smem:$0x3FAE] =	sst s8  }
0x11: {  	[smem:$0x3FAF] =	sst s9;
	s0 =	simm.s32 @!p0 $0x0  }
0x12: {  	s1 =	sld [smem:$0x3F95];
	s0 =	simm.s32 @p0 $0x1  }
0x13: {  	[smem:$0x3FB0] =	sst s0;
	s0 =	simm.s32 @!p1 $0x0  }
0x14: {  	s2 =	sld [smem:$0x3F94];
	s0 =	simm.s32 @p1 $0x1  }
0x15: {  	[smem:$0x3FB1] =	sst s0;
	s0 =	simm.s32 @!p2 $0x0  }
0x16: {  	s3 =	sld [smem:$0x3FDB];
	s0 =	simm.s32 @p2 $0x1  }
0x17: {  	s4 =	simm.s32 $0x1BF5;
	[smem:$0x3FB3] =	sst s0  }
0x18: {  	s0 =	sld [smem:$0x3F96];
	_ =	swait.ge [sflag:s4], $0x0  }
0x19: {  	s7 =	sld [smem:$0x3F97]  }
0x1a: {  	s8 =	sadd.s32 $0xFFFFE003, lr  }
0x1b: {  	s9 =	sadd.s32 $0xFFFFFEF7, lr;
	s5 =	simm.s32 $0xFFFFFFFF;
	p2 =	slt.u32 s8, $0xFFFFF086  }
0x1c: {  	p1 =	slt.u32 s9, $0xF7A;
	s5 =	simm.s32 @!p2 $0x0  }
0x1d: {  	s5 =	simm.s32 @p1 $0x1;
	p0 =	seq.s32 s7, s2  }
0x1e: {  	s7 =	smul.u32 @!p0 $0xF7A, s2;
	p2 =	seq.s32 @!p0 s5, $0x0  }
0x1f: {  	s9 =	smul.u32 $0xF7A, s1;
	s8 =	simm.s32 @!p0 $0x1BF5;
	p2 =	por !p2, p0  }
0x20: {  	[sflag:s8] =	ssyncset.s32 @!p0 $0xFFFFF086;
	s6 =	sadd.s32 @!p0 s3, s7;
	s7 =	simm.s32 @!p0 $0x108  }
0x21: {  	s3 =	sadd.s32 s3, s9;
	s6 =	sadd.s32 @!p0 $0x88, s6;
	s7 =	simm.s32 @p2 $0x1082  }
0x22: {  	[simem:s7], [sflag:s8] =	dma.local @!p0 [hbm:s6], $0xF7A  }
0x23: {  	s9 =	sor.u32 $0xD0000000, s2;
	s6 =	simm.s32 $0x108;
	_ =	swait.ge @!p0 [sflag:s8], $0x0  }
0x24: {  	s3 =	sadd.s32 $0x88, s3;
	s6 =	simm.s32 @!p1 $0x1082;
	[sflag:s4] =	ssyncset.s32 $0xFFFFF086  }
0x25: {  	[simem:s6], [sflag:s4] =	dma.local [hbm:s3], $0xF7A  }
0x26: {  	[smem:$0x3F97] =	sst s1;
	(tag) =	ssettag s2;
	_ =	strace s9  }
0x27: {  	s1 =	sld [smem:$0x3FA7]  }
0x28: {  	s2 =	sld [smem:$0x3FA8]  }
0x29: {  	s4 =	sld [smem:$0x3FAA]  }
0x2a: {  	p0 =	seq.s32 s5, $0x0;
	s5 =	sld [smem:$0x3FAB]  }
0x2b: {  	s6 =	sld [smem:$0x3FAC]  }
0x2c: {  	s7 =	sld [smem:$0x3FAD]  }
0x2d: {  	s3 =	simm.s32 $0x108;
	s8 =	sld [smem:$0x3FAE]  }
0x2e: {  	s3 =	simm.s32 @!p0 $0x1082;
	s9 =	sld [smem:$0x3FAF]  }
0x2f: {  	lr =	sadd.s32 s0, s3;
	s0 =	sld [smem:$0x3FA6]  }
0x30: {  	s3 =	sld [smem:$0x3FA9]  }
0x31: {  	[smem:$0x3FB2] =	sst s10  }
0x32: {  	s10 =	sld [smem:$0x3FB0];
	_ =	sdelay $0x3  }
0x33: {  	p0 =	seq.s32 s10, $0x1;
	s10 =	sld [smem:$0x3FB2];
	_ =	sdelay $0x3  }
0x34: {  	[smem:$0x3FB2] =	sst s10  }
0x35: {  	s10 =	sld [smem:$0x3FB1];
	_ =	sdelay $0x3  }
0x36: {  	p1 =	seq.s32 s10, $0x1;
	s10 =	sld [smem:$0x3FB2];
	_ =	sdelay $0x3  }
0x37: {  	[smem:$0x3FB2] =	sst s10  }
0x38: {  	s10 =	sld [smem:$0x3FB3]  }
0x39: {  	_ = 	snop;
	(pc) =	sbr.ind lr, $3  }
0x3a: {  	_ = 	snop  }
0x3b: {  	_ = 	snop  }
0x3c: {  	p2 =	seq.s32 s10, $0x1;
	s10 =	sld [smem:$0x3FB2]  }
0x3d: {  	_ =	shalt  }
0x3e: {  	_ =	shalt  }
0x3f: {  	_ =	shalt  }
0x40: {  	_ =	shalt  }
0x41: {  	_ =	shalt  }
0x42: {  	_ =	shalt  }
0x43: {  	_ =	shalt  }
0x44: {  	_ =	shalt  }
0x45: {  	_ =	shalt  }
0x46: {  	_ =	shalt  }
0x47: {  	_ =	shalt  }
0x48: {  	_ =	shalt  }
0x49: {  	_ =	shalt  }
0x4a: {  	_ =	shalt  }
0x4b: {  	_ =	shalt  }
0x4c: {  	_ =	shalt  }
0x4d: {  	_ =	shalt  }
0x4e: {  	_ =	shalt  }
0x4f: {  	_ =	shalt  }
0x50: {  	_ =	shalt  }
0x51: {  	_ =	shalt  }
0x52: {  	_ =	shalt  }
0x53: {  	_ =	shalt  }
0x54: {  	_ =	shalt  }
0x55: {  	_ =	shalt  }
0x56: {  	_ =	shalt  }
0x57: {  	_ =	shalt  }
0x58: {  	_ =	shalt  }
0x59: {  	_ =	shalt  }
0x5a: {  	_ =	shalt  }
0x5b: {  	_ =	shalt  }
0x5c: {  	_ =	shalt  }
0x5d: {  	_ =	shalt  }
0x5e: {  	_ =	shalt  }
0x5f: {  	_ =	shalt  }
0x60: {  	_ =	shalt  }
0x61: {  	_ =	shalt  }
0x62: {  	_ =	shalt  }
0x63: {  	_ =	shalt  }
0x64: {  	_ =	shalt  }
0x65: {  	_ =	shalt  }
0x66: {  	_ =	shalt  }
0x67: {  	_ =	shalt  }
0x68: {  	_ =	shalt  }
0x69: {  	_ =	shalt  }
0x6a: {  	_ =	shalt  }
0x6b: {  	_ =	shalt  }
0x6c: {  	_ =	shalt  }
0x6d: {  	_ =	shalt  }
0x6e: {  	_ =	shalt  }
0x6f: {  	_ =	shalt  }
0x70: {  	_ =	shalt  }
0x71: {  	_ =	shalt  }
0x72: {  	_ =	shalt  }
0x73: {  	_ =	shalt  }
0x74: {  	_ =	shalt  }
0x75: {  	_ =	shalt  }
0x76: {  	_ =	shalt  }
0x77: {  	_ =	shalt  }
0x78: {  	_ =	shalt  }
0x79: {  	_ =	shalt  }
0x7a: {  	_ =	shalt  }
0x7b: {  	_ =	shalt  }
0x7c: {  	_ =	shalt  }
0x7d: {  	_ =	shalt  }
0x7e: {  	_ =	shalt  }
0x7f: {  	_ =	shalt  }
0x80: {  	_ =	shalt  }
0x81: {  	_ =	shalt  }
0x82: {  	_ =	shalt  }
0x83: {  	_ =	shalt  }
0x84: {  	_ =	shalt  }
0x85: {  	_ =	shalt  }
0x86: {  	_ =	shalt  }
0x87: {  	_ =	shalt  }
.Lfunc_end0:
.L_simem_size_0:
called_computation.3_lowered:
.L_overlay_start_0:
0x88: {  	s2 =	sld [smem:$0x3FD9]  }
0x89: {  	s3 =	sld [smem:$0x3FFE];
	_ =	sdelay $0x1  }
0x8a: {  	s1 =	srdreg.scid  }
0x8b: {  	s0 =	sand.u32 $0x1, s1  }
0x8c: {  	s16 =	sshll.u32 s0, $0xA;
	s2 =	sadd.s32 s3, s2  }
0x8d: {  	s2 =	sadd.s32 s2, s16  }
0x8e: {  	[smem:$0x3FBE] =	sst s2  }
0x8f: {  	_ = 	snop  }
0x90: {  	(tm) =	ssettm $0x1  }
0x91: {  	s17 =	sld [smem:$0x3FFB];
	_ =	sdelay $0x3  }
0x92: {  	_ =	strace s17  }
0x93: {  	s2 =	sld [smem:$0x3FFC];
	_ =	sdelay $0x3  }
0x94: {  	_ =	strace s2  }
0x95: {  	s2 =	sld [smem:$0x3FFD];
	_ =	sdelay $0x3  }
0x96: {  	_ =	strace s2  }
0x97: {  	_ =	strace $0x8FFFFFFF  }
0x98: {  	s18 =	sld [smem:$0x3FDB];
	_ =	sdelay $0x1  }
0x99: {  	s19 =	simm.s32 $_scs_section_size  }
0x9a: {  	s4 =	simm.s32 $_size__tile_overlayer_lowered;
	s5 =	simm.s32 $_tile_overlayer_lowered  }
0x9b: {  	s22 =	simm.s32 $0x1BFF;
	s21 =	sshll.u32 s5, $0x1;
	s2 =	sadd.s32 s19, s18  }
0x9c: {  	s6 =	simm.s32 $0x0;
	s20 =	sshll.u32 s4, $0x1;
	s4 =	sadd.s32 s21, s2  }
0x9d: {  	[timem:s6], [sflag:s22] =	dma.local [hbm:s4], s20  }
0x9e: {  	_ =	swait.ge [sflag:s22], s20  }
0x9f: {  	s3 =	ssub.s32 $0x0, s20;
	[sflag:s22] =	ssyncset.done $0x0  }
0xa0: {  	[sflag:s22] =	ssyncadd.s32 s3;
	_ =	sdelay $0x1  }
0xa1: {  	s23 =	simm.s32 $0x1B8B  }
0xa2: {  	_ =	swait.ge [sflag:s23], $0x1  }
0xa3: {  	[sflag:s23] =	ssyncset.done $0x0  }
0xa4: {  	s25 =	simm.s32 $0x1B8E;
	s24 =	sld [smem:$0x3FFE];
	[sflag:s23] =	ssyncadd.s32 $0xFFFFFFFF  }
0xa5: {  	s26 =	simm.s32 $execute0_lowered;
	[smem:$0x3FD2] =	sst s25  }
0xa6: {  	s4 =	sshll.u32 s26, $0x1;
	_ =	strace $0x8000004F;
	[dreg:$0x1] =	wrdreg $0xFFFFFFFF  }
0xa7: {  	s28 =	simm.s32 $_size_execute0_lowered;
	s2 =	sadd.s32 s2, s4;
	[dreg:$0x0] =	wrdreg $0x0  }
0xa8: {  	s4 =	sshll.u32 s28, $0x1;
	[dreg:$0x2] =	wrdreg s2  }
0xa9: {  	[dreg:$0x3] =	wrdreg s4  }
0xaa: {  	[dreg:$0x4] =	wrdreg $0xC0  }
0xab: {  	_ =	task [dreg:s6], $0x5FFFF  }
0xac: {  	[dreg:$0x1] =	wrdreg $0xFFFFFFFF  }
0xad: {  	[dreg:$0x0] =	wrdreg $0x60  }
0xae: {  	[dreg:$0x2] =	wrdreg s24  }
0xaf: {  	[dreg:$0x3] =	wrdreg $0xA9600  }
0xb0: {  	[dreg:$0x4] =	wrdreg $0x9  }
0xb1: {  	_ =	task.clear_ibuf [dreg:s6], $0x5FFFF;
	_ =	strace $0x9000004F  }
0xb2: {  	s29 =	simm.s32 $0x9;
	_ =	strace $0x80000051  }
0xb3: {  	_ =	swait.ge [sflag:s29], $0x1  }
0xb4: {  	[sflag:s29] =	ssyncadd.s32 $0xFFFFFFFF  }
0xb5: {  	_ =	strace $0x90000051  }
0xb6: {  	_ =	sfence  }
0xb7: {  	s30 =	sld [smem:$0x0];
	_ =	sdelay $0x2  }
0xb8: {  	s31 =	sshll.u32 s1, $0xD;
	s1 =	sshrl.u32 s1, $0x2  }
0xb9: {  	s3 =	sand.u32 $0x4000, s31;
	s1 =	sadd.s32 s1, s30  }
0xba: {  	s0 =	sor.u32 s3, s0;
	s1 =	sshll.u32 s1, $0x11  }
0xbb: {  	s0 =	sor.u32 s1, s0  }
0xbc: {  	s0 =	sadd.s32 $0x8F2B, s0  }
0xbd: {  	[sflag:s0] =	ssyncadd.remote.s32 $0x1  }
0xbe: {  	_ =	sfence.sel $0xFFFF  }
0xbf: {  	[dreg:$0x0] =	wrdreg $0xFFFFFFFF;
	(pc) =	sbr.abs _section_cstart, $3  }
0xc0: {  	[dreg:$0x1] =	wrdreg $0xFFFFFFFF  }
0xc1: {  	_ =	task.clear_ibuf [dreg:s6], $0x2FFFF;
	_ =	strace $0x9FFFFFFF  }
0xc2: {  	(tm) =	ssettm $0x7FFFFFFF  }
0xc3: {  	_ =	shalt  }
tec
execute0_lowered:
.L_overlay_start_1:
0x0: {  	(tag) =	ssettag $0x1  }
0x1: {  	s0 =	rddreg [dreg:$0x0]  }
0x2: {  	s1 =	rddreg [dreg:$0x1];
	s2 =	simm.s32 $0x0;
	s3 =	srdreg.scid  }
0x3: {  	s16 =	stileid.u32;
	s28 =	simm.s32 $0x4;
	s30 =	simm.s32 $0x960  }
0x4: {  	s31 =	simm.s32 $0x2;
	s29 =	simm.s32 $0x0;
	s7 =	smul.u32 $0xA000, s16  }
0x5: {  	[smem:$0x7FF] =	sst s2;
	s3 =	sand.u32 $0x1, s3;
	s20 =	smul.u32 $0x2710, s16  }
0x6: {  	s8 =	sadd.s32 $0x29E00, s0;
	_ =	strace $0x80000050;
	s10 =	smul.u32 $0xA0000, s3  }
0x7: {  	s4 =	ssub.s32 $0x2, s3;
	s5 =	sshll.u32 s3, $0x4;
	s3 =	smul.u32 $0x27100, s3  }
0x8: {  	s6 =	sshrl.u32 s4, $0x1;
	s5 =	sor.u32 s16, s5;
	s9 =	sadd.s32 $0x2800, s7  }
0x9: {  	s11 =	sadd.s32 $0x3C00, s7;
	s15 =	sadd.s32 $0x5000, s7;
	s22 =	sadd.s32 $0x6400, s7  }
0xa: {  	s23 =	sadd.s32 $0x7800, s7;
	s24 =	sadd.s32 $0x8C00, s7;
	s4 =	ssub.s32 s4, s6  }
0xb: {  	s5 =	smul.u32 $0x2710, s5;
	s6 =	sor.u32 $0x1400, s7;
	s12 =	sadd.s32 s7, s10  }
0xc: {  	s25 =	sadd.s32 s10, s9;
	s26 =	sadd.s32 s10, s11;
	s14 =	sadd.s32 s10, s15  }
0xd: {  	s18 =	sadd.s32 s10, s22;
	s19 =	sadd.s32 s10, s23;
	s3 =	sadd.s32 s20, s3  }
0xe: {  	s20 =	sadd.s32 s11, s1;
	s22 =	sadd.s32 s22, s1;
	s23 =	sadd.s32 s23, s1  }
0xf: {  	s13 =	sadd.s32 s10, s6;
	s12 =	sshrl.u32 s12, $0x3;
	s14 =	sshrl.u32 s14, $0x3  }
0x10: {  	s10 =	sadd.s32 s10, s24;
	s24 =	sadd.s32 s24, s1;
	s13 =	sshrl.u32 s13, $0x3  }
0x11: {  	s12 =	sadd.s32 s8, s12;
	s17 =	sadd.s32 s8, s14;
	s10 =	sshrl.u32 s10, $0x3  }
0x12: {  	s14 =	sadd.s32 $0xC600, s0;
	[dreg:$0x3] =	wrdreg s12;
	s21 =	sadd.s32 s8, s13  }
0x13: {  	s12 =	sshrl.u32 s25, $0x3;
	s13 =	sshrl.u32 s26, $0x3;
	[dreg:$0x7] =	wrdreg s17  }
0x14: {  	s25 =	sshrl.u32 s5, $0x3;
	s26 =	smax.u32 s4, $0x1;
	[dreg:$0x4] =	wrdreg s21  }
0x15: {  	s17 =	sadd.s32 s7, s1;
	s12 =	sadd.s32 s8, s12;
	[dreg:$0xd] =	wrdreg s26  }
0x16: {  	[dreg:$0x5] =	wrdreg s12;
	s12 =	sadd.s32 s8, s13;
	s13 =	sshrl.u32 s19, $0x3  }
0x17: {  	s19 =	sadd.s32 s9, s1;
	[dreg:$0x6] =	wrdreg s12;
	s12 =	sshrl.u32 s18, $0x3  }
0x18: {  	s21 =	sadd.s32 s8, s13;
	s13 =	sadd.s32 $0x2800, s0;
	s18 =	sadd.s32 s6, s1  }
.Ltmp0:
0x19: {  	s12 =	sadd.s32 s8, s12;
	[dreg:$0x9] =	wrdreg s21;
	(pc) =	sbr.rel .LBB2_1-.Ltmp0, $4  }
0x1a: {  	s8 =	sadd.s32 s8, s10;
	s5 =	sadd.s32 s13, s25;
	[dreg:$0x8] =	wrdreg s12  }
0x1b: {  	s21 =	sadd.s32 s15, s1;
	[dreg:$0xa] =	wrdreg s8;
	s12 =	sadd.s32 $0x16400, s0  }
0x1c: {  	[dreg:$0xb] =	wrdreg s5;
	s0 =	sadd.s32 s14, s25;
	s5 =	sadd.s32 $0x190, s3  }
0x1d: {  	v0 =	vimm.f32 $0.0e+00;
	s3 =	simm.s32 $0x1;
	[dreg:$0xc] =	wrdreg s0;
	s0 =	simm.s32 $0x50  }
.LBB2_13:
0x1e: {  	_ =	swait.ge [sflag:s3], $0x1400  }
0x1f: {  	[sflag:s3] =	ssyncset.done $0x0  }
0x20: {  	s4 =	simm.s32 $0x5F0;
	s6 =	simm.s32 $0x5960;
	[sflag:s3] =	ssyncadd.s32 $0xFFFFEC00  }
0x21: {  	[spmem:s1] =	stream.indirect.scatter.add.f32 [tilespmem:s6], [sflag:$0x2], $0x40, s4, s0, $0xb8;
	[tilespmem:$0x14960] =	vst v63  }
0x22: {  	_ =	swait.ge [sflag:s31], $0x1400  }
0x23: {  	[sflag:s31] =	ssyncset.done $0x0  }
0x24: {  	[sflag:s31] =	ssyncadd.s32 $0xFFFFEC00  }
0x25: {  	_ =	swait.ge [sflag:s31], $0x1400  }
0x26: {  	[sflag:s31] =	ssyncset.done $0x0  }
0x27: {  	[sflag:s31] =	ssyncadd.s32 $0xFFFFEC00  }
0x28: {  	_ =	swait.ge [sflag:s31], $0x1400  }
0x29: {  	[sflag:s31] =	ssyncset.done $0x0  }
0x2a: {  	[sflag:s31] =	ssyncadd.s32 $0xFFFFEC00  }
0x2b: {  	_ =	swait.ge [sflag:s31], $0x1400  }
0x2c: {  	[sflag:s31] =	ssyncset.done $0x0  }
0x2d: {  	[sflag:s31] =	ssyncadd.s32 $0xFFFFEC00  }
0x2e: {  	_ =	swait.ge [sflag:s31], $0x1400  }
0x2f: {  	[sflag:s31] =	ssyncset.done $0x0  }
0x30: {  	[sflag:s31] =	ssyncadd.s32 $0xFFFFEC00  }
0x31: {  	_ =	swait.ge [sflag:s31], $0x1400  }
0x32: {  	[sflag:s31] =	ssyncset.done $0x0  }
0x33: {  	[sflag:s31] =	ssyncadd.s32 $0xFFFFEC00  }
0x34: {  	_ =	swait.ge [sflag:s31], $0x1400  }
0x35: {  	[sflag:s31] =	ssyncset.done $0x0  }
0x36: {  	[sflag:s31] =	ssyncadd.s32 $0xFFFFEC00  }
0x37: {  	_ =	swait.ge [sflag:s31], $0x1400  }
0x38: {  	[sflag:s31] =	ssyncset.done $0x0  }
0x39: {  	s25 =	stileid.u32;
	[sflag:s31] =	ssyncadd.s32 $0xFFFFEC00  }
0x3a: {  	s4 =	sshll.u32 s25, $0x6;
	[bflag:$0x0] =	sbarrier.arrive $0xFFFF  }
0x3b: {  	s26 =	sshrl.u32 s17, $0x3;
	s4 =	sor.u32 $0x1C01, s4;
	s7 =	rddreg [dreg:$0x3]  }
0x3c: {  	[hbm:s7], [sflag:s4] =	dma.local [spmem:s26], $0x280  }
0x3d: {  	s8 =	sshrl.u32 s18, $0x3;
	s7 =	rddreg [dreg:$0x4]  }
0x3e: {  	[hbm:s7], [sflag:s4] =	dma.local [spmem:s8], $0x280  }
0x3f: {  	s9 =	sshrl.u32 s19, $0x3;
	s7 =	rddreg [dreg:$0x5]  }
0x40: {  	[hbm:s7], [sflag:s4] =	dma.local [spmem:s9], $0x280  }
0x41: {  	s10 =	sshrl.u32 s20, $0x3;
	s7 =	rddreg [dreg:$0x6]  }
0x42: {  	[hbm:s7], [sflag:s4] =	dma.local [spmem:s10], $0x280  }
0x43: {  	s11 =	sshrl.u32 s21, $0x3;
	s7 =	rddreg [dreg:$0x7]  }
0x44: {  	[hbm:s7], [sflag:s4] =	dma.local [spmem:s11], $0x280  }
0x45: {  	s15 =	sshrl.u32 s22, $0x3;
	s7 =	rddreg [dreg:$0x8]  }
0x46: {  	[hbm:s7], [sflag:s4] =	dma.local [spmem:s15], $0x280  }
0x47: {  	s16 =	sshrl.u32 s23, $0x3;
	s7 =	rddreg [dreg:$0x9]  }
0x48: {  	[hbm:s7], [sflag:s4] =	dma.local [spmem:s16], $0x280  }
0x49: {  	s25 =	sshrl.u32 s24, $0x3;
	s7 =	rddreg [dreg:$0xa]  }
0x4a: {  	[hbm:s7], [sflag:s4] =	dma.local [spmem:s25], $0x280  }
0x4b: {  	_ =	swait.ge [sflag:s3], $0x280  }
0x4c: {  	[sflag:s3] =	ssyncset.done $0x0  }
0x4d: {  	[sflag:s3] =	ssyncadd.s32 $0xFFFFFD80  }
0x4e: {  	_ =	swait.ge [sflag:s3], $0x280  }
0x4f: {  	[sflag:s3] =	ssyncset.done $0x0  }
0x50: {  	[sflag:s3] =	ssyncadd.s32 $0xFFFFFD80  }
0x51: {  	_ =	swait.ge [sflag:s3], $0x280  }
0x52: {  	[sflag:s3] =	ssyncset.done $0x0  }
0x53: {  	[sflag:s3] =	ssyncadd.s32 $0xFFFFFD80  }
0x54: {  	_ =	swait.ge [sflag:s3], $0x280  }
0x55: {  	[sflag:s3] =	ssyncset.done $0x0  }
0x56: {  	[sflag:s3] =	ssyncadd.s32 $0xFFFFFD80  }
0x57: {  	_ =	swait.ge [sflag:s3], $0x280  }
0x58: {  	[sflag:s3] =	ssyncset.done $0x0  }
0x59: {  	[sflag:s3] =	ssyncadd.s32 $0xFFFFFD80  }
0x5a: {  	_ =	swait.ge [sflag:s3], $0x280  }
0x5b: {  	[sflag:s3] =	ssyncset.done $0x0  }
0x5c: {  	[sflag:s3] =	ssyncadd.s32 $0xFFFFFD80  }
0x5d: {  	_ =	swait.ge [sflag:s3], $0x280  }
0x5e: {  	[sflag:s3] =	ssyncset.done $0x0  }
0x5f: {  	[sflag:s3] =	ssyncadd.s32 $0xFFFFFD80  }
0x60: {  	_ =	swait.ge [sflag:s3], $0x280  }
0x61: {  	s29 =	sadd.s32 $0x1, s29;
	s26 =	rddreg [dreg:$0xd]  }
0x62: {  	p0 =	sne.s32 s29, s26  }
.Ltmp1:
0x63: {  	_ = 	snop;
	(pc) =	sbr.rel @!p0 .LBB2_14-.Ltmp1, $3  }
0x64: {  	_ =	sdelay $0x1  }
0x65: {  	[sflag:s3] =	ssyncset.done $0x0  }
0x66: {  	[sflag:s3] =	ssyncadd.s32 $0xFFFFFD80  }
.LBB2_1:
0x67: {  	s4 =	rddreg [dreg:$0xb]  }
0x68: {  	[tilespmem:s2], [sflag:$0x4] =	stream.linear.gather [hbm4b:s4+s2], $0x190, $0x38;
	[tilespmem:$0x14960] =	vst v63  }
0x69: {  	_ =	swait.ge [sflag:s28], $0x190  }
0x6a: {  	[sflag:s28] =	ssyncset.done $0x0  }
0x6b: {  	s6 =	simm.s32 $0x4B0;
	s26 =	rddreg [dreg:$0xc];
	[sflag:s28] =	ssyncadd.s32 $0xFFFFFE70  }
0x6c: {  	[tilespmem:s6], [sflag:$0x4] =	stream.linear.gather [hbm4b:s26+s2], $0x190, $0x38;
	[tilespmem:$0x14960] =	vst v63  }
0x6d: {  	_ =	swait.ge [sflag:s28], $0x190  }
0x6e: {  	[sflag:s28] =	ssyncset.done $0x0  }
0x6f: {  	s4 =	simm.s32 $0x0;
	s6 =	simm.s32 $0x100;
	[sflag:s28] =	ssyncadd.s32 $0xFFFFFE70  }
.LBB2_2:
0x70: {  	p0 =	sne.s32 s6, $0x4F00;
	[tilespmem:s4+$0x990] =	vst v0;
	s7 =	smov.u32 s6;
	s6 =	sadd.s32 $0x100, s6  }
.Ltmp2:
0x71: {  	[tilespmem:s4+$0x980] =	vst v0;
	(pc) =	sbr.rel @p0 .LBB2_2-.Ltmp2, $3  }
0x72: {  	[tilespmem:s4+$0x960] =	vst v0  }
0x73: {  	[tilespmem:s4+$0x970] =	vst v0;
	_ =	sdelay $0x1  }
0x74: {  	s4 =	sshra.s32 s7, $0x2  }
0x75: {  	[tilespmem:s4+$0x990] =	vst v0  }
0x76: {  	[tilespmem:s4+$0x980] =	vst v0  }
0x77: {  	[tilespmem:s4+$0x960] =	vst v0  }
0x78: {  	[tilespmem:s4+$0x970] =	vst v0  }
0x79: {  	[spmem:s17] =	stream.linear.scatter [tilespmem:s30], [sflag:$0x2], $0x1400, $0x38;
	[tilespmem:$0x14960] =	vst v63  }
0x7a: {  	_ = 	snop  }
0x7b: {  	[spmem:s18] =	stream.linear.scatter [tilespmem:s30], [sflag:$0x2], $0x1400, $0x38;
	[tilespmem:$0x14960] =	vst v63  }
0x7c: {  	_ = 	snop  }
0x7d: {  	[spmem:s19] =	stream.linear.scatter [tilespmem:s30], [sflag:$0x2], $0x1400, $0x38;
	[tilespmem:$0x14960] =	vst v63  }
0x7e: {  	_ = 	snop  }
0x7f: {  	[spmem:s20] =	stream.linear.scatter [tilespmem:s30], [sflag:$0x2], $0x1400, $0x38;
	[tilespmem:$0x14960] =	vst v63  }
0x80: {  	_ = 	snop  }
0x81: {  	[spmem:s21] =	stream.linear.scatter [tilespmem:s30], [sflag:$0x2], $0x1400, $0x38;
	[tilespmem:$0x14960] =	vst v63  }
0x82: {  	_ = 	snop  }
0x83: {  	[spmem:s22] =	stream.linear.scatter [tilespmem:s30], [sflag:$0x2], $0x1400, $0x38;
	[tilespmem:$0x14960] =	vst v63  }
0x84: {  	_ = 	snop  }
0x85: {  	[spmem:s23] =	stream.linear.scatter [tilespmem:s30], [sflag:$0x2], $0x1400, $0x38;
	[tilespmem:$0x14960] =	vst v63  }
0x86: {  	_ = 	snop  }
0x87: {  	[spmem:s24] =	stream.linear.scatter [tilespmem:s30], [sflag:$0x2], $0x1400, $0x38;
	[tilespmem:$0x14960] =	vst v63  }
0x88: {  	_ =	swait.ge [sflag:s31], $0x1400  }
0x89: {  	[sflag:s31] =	ssyncset.done $0x0  }
0x8a: {  	[sflag:s31] =	ssyncadd.s32 $0xFFFFEC00  }
0x8b: {  	_ =	swait.ge [sflag:s31], $0x1400  }
0x8c: {  	[sflag:s31] =	ssyncset.done $0x0  }
0x8d: {  	[sflag:s31] =	ssyncadd.s32 $0xFFFFEC00  }
0x8e: {  	_ =	swait.ge [sflag:s31], $0x1400  }
0x8f: {  	[sflag:s31] =	ssyncset.done $0x0  }
0x90: {  	[sflag:s31] =	ssyncadd.s32 $0xFFFFEC00  }
0x91: {  	_ =	swait.ge [sflag:s31], $0x1400  }
0x92: {  	[sflag:s31] =	ssyncset.done $0x0  }
0x93: {  	[sflag:s31] =	ssyncadd.s32 $0xFFFFEC00  }
0x94: {  	_ =	swait.ge [sflag:s31], $0x1400  }
0x95: {  	[sflag:s31] =	ssyncset.done $0x0  }
0x96: {  	[sflag:s31] =	ssyncadd.s32 $0xFFFFEC00  }
0x97: {  	_ =	swait.ge [sflag:s31], $0x1400  }
0x98: {  	[sflag:s31] =	ssyncset.done $0x0  }
0x99: {  	[sflag:s31] =	ssyncadd.s32 $0xFFFFEC00  }
0x9a: {  	_ =	swait.ge [sflag:s31], $0x1400  }
0x9b: {  	[sflag:s31] =	ssyncset.done $0x0  }
0x9c: {  	[sflag:s31] =	ssyncadd.s32 $0xFFFFEC00  }
0x9d: {  	_ =	swait.ge [sflag:s31], $0x1400  }
0x9e: {  	[sflag:s31] =	ssyncset.done $0x0  }
0x9f: {  	s9 =	simm.s32 $0x0;
	[sflag:s31] =	ssyncadd.s32 $0xFFFFEC00  }
0xa0: {  	s26 =	smov.u32 s5;
	s6 =	simm.s32 $0x0;
	[bflag:$0x0] =	sbarrier.arrive $0xFFFF  }
.LBB2_4:
0xa1: {  	s4 =	smul.u32 $0xAB, s6;
	_ =	sdelay $0x1  }
0xa2: {  	s4 =	sshrl.u32 s4, $0x9  }
0xa3: {  	s4 =	sand.u32 $0x7F, s4  }
0xa4: {  	p0 =	sne.s32 s6, $0x18;
	s4 =	smul.u32 $0x3, s4  }
.Ltmp3:
0xa5: {  	_ = 	snop;
	(pc) =	sbr.rel @p0 .LBB2_6-.Ltmp3, $4  }
0xa6: {  	_ = 	snop  }
0xa7: {  	s4 =	ssub.s32 s6, s4  }
0xa8: {  	s4 =	sand.u32 $0xFF, s4  }
0xa9: {  	s7 =	sadd.s32 $0x1, s6;
	s10 =	smul.u32 $0x640, s4  }
.Ltmp4:
0xaa: {  	(pc) =	sbr.rel .LBB2_8-.Ltmp4, $4  }
0xab: {  	_ = 	snop  }
0xac: {  	s10 =	smul.u32 $0x640, s4  }
0xad: {  	s4 =	simm.s32 $0x78  }
0xae: {  	s15 =	simm.s32 $0x0;
	s11 =	simm.s32 $0x7;
	s8 =	sshrl.u32 s10, $0x2  }
.LBB2_6:
0xaf: {  	s4 =	smul.u32 $0xAB, s7;
	_ =	sdelay $0x1  }
0xb0: {  	s4 =	sshrl.u32 s4, $0x9  }
0xb1: {  	s4 =	sand.u32 $0x7F, s4  }
0xb2: {  	s4 =	smul.u32 $0x3, s4;
	_ =	sdelay $0x1  }
0xb3: {  	s4 =	ssub.s32 s7, s4  }
0xb4: {  	s4 =	sand.u32 $0xFF, s4  }
0xb5: {  	s8 =	sshrl.u32 s26, $0x3;
	p0 =	slt.u32 s6, $0x2;
	s4 =	smul.u32 $0x190, s4  }
.Ltmp5:
0xb6: {  	s11 =	sadd.s32 s13, s8;
	(pc) =	sbr.rel @p0 .LBB2_9-.Ltmp5, $4  }
0xb7: {  	[tilespmem:s4], [sflag:$0x3] =	stream.linear.gather [hbm4b:s11+s2], $0x190, $0x38;
	[tilespmem:$0x14960] =	vst v63  }
0xb8: {  	s25 =	sadd.s32 $0xFFFFFFFF, s9;
	s8 =	sadd.s32 s14, s8;
	s4 =	sadd.s32 $0x4B0, s4  }
0xb9: {  	[tilespmem:s4], [sflag:$0x3] =	stream.linear.gather [hbm4b:s8+s2], $0x190, $0x38;
	[tilespmem:$0x14960] =	vst v63  }
0xba: {  	s15 =	sand.u32 $0x7, s9;
	s11 =	sand.u32 $0x7, s25;
	s8 =	sshrl.u32 s10, $0x2  }
0xbb: {  	s4 =	smov.u32 s9  }
.LBB2_8:
0xbc: {  	s15 =	smul.u32 $0x5000, s15  }
0xbd: {  	_ =	swait.ge [sflag:s31], $0x1400  }
0xbe: {  	[sflag:s31] =	ssyncset.done $0x0;
	s15 =	sshrl.u32 s15, $0x2  }
0xbf: {  	[sflag:s31] =	ssyncadd.s32 $0xFFFFEC00;
	s15 =	sadd.s32 $0x960, s15  }
0xc0: {  	[tilespmem:s15], [sflag:$0x1] =	stream.indirect.gather [hbm4b:s12+s0], $0x40, s8, s0, $0xb8;
	[tilespmem:$0x14960] =	vst v63  }
.LBB2_11:
0xc1: {  	s15 =	sadd.s32 $0x2, s6  }
0xc2: {  	s16 =	sand.u32 $0xFF, s15  }
0xc3: {  	s16 =	smul.u32 $0xAB, s16;
	_ =	sdelay $0x1  }
0xc4: {  	s16 =	sshrl.u32 s16, $0x9  }
0xc5: {  	s16 =	smul.u32 $0x3, s16;
	_ =	sdelay $0x1  }
0xc6: {  	s15 =	ssub.s32 s15, s16  }
0xc7: {  	s11 =	smul.u32 $0x5000, s11;
	s15 =	sand.u32 $0xFF, s15  }
0xc8: {  	_ =	swait.ge [sflag:s3], $0x1400;
	s15 =	smul.u32 $0x640, s15  }
0xc9: {  	p0 =	slt.u32 s6, $0x2;
	[sflag:s3] =	ssyncset.done $0x0  }
0xca: {  	s11 =	sshrl.u32 s11, $0x2;
	[sflag:s3] =	ssyncadd.s32 $0xFFFFEC00;
	s15 =	sshrl.u32 s15, $0x2  }
0xcb: {  	s11 =	sadd.s32 $0x960, s11;
	s16 =	simm.s32 @!p0 $0x2;
	s15 =	sadd.s32 $0x5F0, s15  }
0xcc: {  	[spmem:s1] =	stream.indirect.scatter.add.f32 [tilespmem:s11], [sflag:$0x2], $0x40, s15, s0, $0xb8;
	[tilespmem:$0x14960] =	vst v63  }
0xcd: {  	_ =	swait.ge @!p0 [sflag:s16], $0x1400  }
0xce: {  	s25 =	sadd.s32 $0x1, s4;
	[sflag:s16] =	ssyncset.done @!p0 $0x0  }
0xcf: {  	s15 =	sand.u32 $0x7, s25;
	s11 =	sand.u32 $0x7, s4;
	[sflag:s16] =	ssyncadd.s32 @!p0 $0xFFFFEC00  }
.LBB2_12:
0xd0: {  	s15 =	smul.u32 $0x5000, s15;
	_ =	sdelay $0x1  }
0xd1: {  	s15 =	sshrl.u32 s15, $0x2  }
0xd2: {  	s16 =	sadd.s32 $0x50, s8;
	s11 =	smul.u32 $0x5000, s11;
	s15 =	sadd.s32 $0x960, s15  }
0xd3: {  	[tilespmem:s15], [sflag:$0x1] =	stream.indirect.gather [hbm4b:s12+s0], $0x40, s16, s0, $0xb8;
	[tilespmem:$0x14960] =	vst v63  }
0xd4: {  	s10 =	sshrl.u32 s10, $0x2;
	_ =	swait.ge [sflag:s3], $0x1400  }
0xd5: {  	s25 =	sadd.s32 $0x4B0, s10;
	s11 =	sshrl.u32 s11, $0x2;
	[sflag:s3] =	ssyncset.done $0x0  }
0xd6: {  	s11 =	sadd.s32 $0x960, s11;
	s16 =	sadd.s32 $0x2, s4;
	[sflag:s3] =	ssyncadd.s32 $0xFFFFEC00  }
0xd7: {  	[spmem:s1] =	stream.indirect.scatter.add.f32 [tilespmem:s11], [sflag:$0x2], $0x40, s25, s0, $0xb8;
	[tilespmem:$0x14960] =	vst v63  }
0xd8: {  	p0 =	slt.u32 s6, $0x2;
	s11 =	sand.u32 $0x7, s16  }
0xd9: {  	s15 =	simm.s32 @!p0 $0x2;
	s25 =	sadd.s32 $0x1, s4;
	s11 =	smul.u32 $0x5000, s11  }
0xda: {  	_ =	swait.ge @!p0 [sflag:s15], $0x1400;
	s16 =	sand.u32 $0x7, s25  }
0xdb: {  	s25 =	sadd.s32 $0xA0, s8;
	[sflag:s15] =	ssyncset.done @!p0 $0x0;
	s11 =	sshrl.u32 s11, $0x2  }
0xdc: {  	s16 =	smul.u32 $0x5000, s16;
	[sflag:s15] =	ssyncadd.s32 @!p0 $0xFFFFEC00;
	s11 =	sadd.s32 $0x960, s11  }
0xdd: {  	[tilespmem:s11], [sflag:$0x1] =	stream.indirect.gather [hbm4b:s12+s0], $0x40, s25, s0, $0xb8;
	[tilespmem:$0x14960] =	vst v63  }
0xde: {  	_ =	swait.ge [sflag:s3], $0x1400  }
0xdf: {  	s15 =	sshrl.u32 s16, $0x2;
	[sflag:s3] =	ssyncset.done $0x0  }
0xe0: {  	s15 =	sadd.s32 $0x960, s15;
	s25 =	sadd.s32 $0x500, s10;
	[sflag:s3] =	ssyncadd.s32 $0xFFFFEC00  }
0xe1: {  	[spmem:s1] =	stream.indirect.scatter.add.f32 [tilespmem:s15], [sflag:$0x2], $0x40, s25, s0, $0xb8;
	[tilespmem:$0x14960] =	vst v63  }
0xe2: {  	s25 =	sadd.s32 $0x3, s4  }
0xe3: {  	p0 =	seq.s32 s6, $0x0;
	s15 =	sand.u32 $0x7, s25  }
0xe4: {  	s16 =	simm.s32 @!p0 $0x2;
	s15 =	smul.u32 $0x5000, s15  }
0xe5: {  	_ =	swait.ge @!p0 [sflag:s16], $0x1400  }
0xe6: {  	[sflag:s16] =	ssyncset.done @!p0 $0x0;
	s15 =	sshrl.u32 s15, $0x2  }
0xe7: {  	s25 =	sadd.s32 $0xF0, s8;
	[sflag:s16] =	ssyncadd.s32 @!p0 $0xFFFFEC00;
	s15 =	sadd.s32 $0x960, s15  }
0xe8: {  	[tilespmem:s15], [sflag:$0x1] =	stream.indirect.gather [hbm4b:s12+s0], $0x40, s25, s0, $0xb8;
	[tilespmem:$0x14960] =	vst v63  }
0xe9: {  	_ =	swait.ge [sflag:s3], $0x1400  }
0xea: {  	[sflag:s3] =	ssyncset.done $0x0  }
0xeb: {  	s25 =	sadd.s32 $0x550, s10;
	[sflag:s3] =	ssyncadd.s32 $0xFFFFEC00  }
0xec: {  	[spmem:s1] =	stream.indirect.scatter.add.f32 [tilespmem:s11], [sflag:$0x2], $0x40, s25, s0, $0xb8;
	[tilespmem:$0x14960] =	vst v63  }
0xed: {  	s11 =	sand.u32 $0x7, s4  }
0xee: {  	s4 =	sxor.u32 $0x4, s11  }
0xef: {  	s4 =	smul.u32 $0x5000, s4  }
0xf0: {  	_ =	swait.ge @!p0 [sflag:s16], $0x1400  }
0xf1: {  	[sflag:s16] =	ssyncset.done @!p0 $0x0;
	s4 =	sshrl.u32 s4, $0x2  }
0xf2: {  	[sflag:s16] =	ssyncadd.s32 @!p0 $0xFFFFEC00;
	s16 =	sadd.s32 $0x140, s8;
	s4 =	sadd.s32 $0x960, s4  }
0xf3: {  	[tilespmem:s4], [sflag:$0x1] =	stream.indirect.gather [hbm4b:s12+s0], $0x40, s16, s0, $0xb8;
	[tilespmem:$0x14960] =	vst v63  }
0xf4: {  	_ =	swait.ge [sflag:s3], $0x1400  }
0xf5: {  	s25 =	sadd.s32 $0x5A0, s10;
	p0 =	seq.s32 s6, $0x18;
	[sflag:s3] =	ssyncset.done $0x0  }
0xf6: {  	p1 =	sne.s32 @!p0 s7, $0x19;
	s4 =	simm.s32 @!p0 $0x3;
	[sflag:s3] =	ssyncadd.s32 $0xFFFFEC00  }
0xf7: {  	[spmem:s1] =	stream.indirect.scatter.add.f32 [tilespmem:s15], [sflag:$0x2], $0x40, s25, s0, $0xb8;
	[tilespmem:$0x14960] =	vst v63  }
0xf8: {  	p1 =	por p0, !p1;
	_ =	swait.ge @!p0 [sflag:s4], $0x190  }
.Ltmp6:
0xf9: {  	[sflag:s4] =	ssyncset.done @!p0 $0x0;
	(pc) =	sbr.rel @!p1 .LBB2_4-.Ltmp6, $4  }
.Ltmp7:
0xfa: {  	[sflag:s4] =	ssyncadd.s32 @!p0 $0xFFFFFE70;
	(pc) =	sbr.rel @p1 .LBB2_13-.Ltmp7, $4  }
0xfb: {  	_ =	swait.ge @!p0 [sflag:s4], $0x190  }
0xfc: {  	s6 =	smov.u32 s7;
	[sflag:s4] =	ssyncset.done @!p0 $0x0  }
0xfd: {  	s9 =	sadd.s32 @!p0 $0x5, s9;
	s26 =	sadd.s32 @!p0 $0x190, s26;
	[sflag:s4] =	ssyncadd.s32 @!p0 $0xFFFFFE70  }
0xfe: {  	_ = 	snop  }
.LBB2_9:
0xff: {  	s4 =	smul.u32 $0x5000, s15;
	p0 =	seq.s32 s6, $0x0  }
.Ltmp8:
0x100: {  	_ = 	snop;
	(pc) =	sbr.rel @p0 .LBB2_15-.Ltmp8, $4  }
0x101: {  	_ = 	snop  }
0x102: {  	s4 =	sshrl.u32 s4, $0x2  }
0x103: {  	s4 =	sadd.s32 $0x960, s4  }
0x104: {  	[tilespmem:s4], [sflag:$0x1] =	stream.indirect.gather [hbm4b:s12+s0], $0x40, s8, s0, $0xb8;
	[tilespmem:$0x14960] =	vst v63  }
.Ltmp9:
0x105: {  	(pc) =	sbr.rel .LBB2_11-.Ltmp9, $2  }
0x106: {  	_ =	sdelay $0x2  }
0x107: {  	s4 =	smov.u32 s9  }
.LBB2_15:
.Ltmp10:
0x108: {  	(pc) =	sbr.rel .LBB2_12-.Ltmp10, $2  }
0x109: {  	_ =	sdelay $0x2  }
0x10a: {  	s11 =	simm.s32 $0x0;
	s15 =	simm.s32 $0x1;
	s4 =	simm.s32 $0x0  }
.LBB2_14:
0x10b: {  	_ =	sfence.sel $0x180000  }
0x10c: {  	[bflag:$0x0] =	sbarrier.arrive $0xFFFF  }
0x10d: {  	_ =	strace $0x90000050  }
0x10e: {  	s0 =	stileid.u32;
	[bflag:$0x2] =	sbarrier.arrive $0xFFFF  }
0x10f: {  	p0 =	sne.s32 s0, $0x0;
	s0 =	rddreg [dreg:$0x2]  }
0x110: {  	s0 =	sadd.s32 @!p0 $0x100000, s0  }
0x111: {  	[sflag:s0] =	ssyncadd.tile.s32 @!p0 $0x1;
	_ =	shalt  }
.Lfunc_end2:
_tile_overlayer_lowered:
.L_overlay_start_2:
0x112: {  	(tag) =	ssettag $0x2  }
0x113: {  	s0 =	rddreg [dreg:$0x0];
	s2 =	stileid.u32  }
0x114: {  	s1 =	rddreg [dreg:$0x1];
	p0 =	sne.s32 s2, $0x0  }
0x115: {  	s3 =	rddreg [dreg:$0x2];
	[bflag:$0x3] =	sbarrier.arrive $0xFFFF;
	s2 =	simm.s32 @!p0 $0x1C04  }
0x116: {  	[timem:s3], [sflag:s2] =	dma.local @!p0 [hbm:s0], s1  }
0x117: {  	s0 =	simm.s32 @!p0 $0x4  }
0x118: {  	_ =	swait.ge @!p0 [sflag:s0], s1  }
0x119: {  	s1 =	ssub.s32 @!p0 $0x0, s1;
	[sflag:s0] =	ssyncset.done @!p0 $0x0  }
0x11a: {  	[sflag:s0] =	ssyncadd.s32 @!p0 s1  }
0x11b: {  	[bflag:$0x3] =	sbarrier.arrive $0xFFFF  }
0x11c: {  	_ =	shalt  }

</sc_bundles>
